<compile_context>
chip_gen: v7x
topology: tpu7x:2x2x1
jax: 0.10.2.dev20260603
libtpu: 0.0.44.dev20260713+nightly
codegen_flags: <defaults>
</compile_context>

<pallas_src>
import functools

import jax
import jax.numpy as jnp
import numpy as np
from jax import lax
from jax.experimental import pallas as pl
from jax.experimental.pallas import tpu as pltpu
from jax.experimental.pallas import tpu_sc as plsc

_N = 10000
_E = 160000
_D = 128
_GW = 5 * _D
_TW = _GW + _D
_TWI = _TW // 2
_NC = 2
_NS = 16
_NW = _NC * _NS
_C = 16
_G = 8
_SC_E = _G * _C
_NSUPER = _E // _SC_E
_RPT = 624
_TAIL = _N - _NS * _RPT


def _pack16(v):
    return lax.bitcast_convert_type(
        v.astype(jnp.bfloat16), jnp.uint16).astype(jnp.int32)


def _proj_body(x_ref, c0p_ref, wfl_ref, wsl_ref, wfr_ref, wsr_ref,
               bf_ref, bs_ref, s_ref, outl_ref, outr_ref):
    xb = x_ref[...]
    sc = s_ref[...]
    c0p = c0p_ref[...]

    pf = (jnp.dot(xb, wfl_ref[...], preferred_element_type=jnp.float32)
          + bf_ref[...]) * sc
    ps = (jnp.dot(xb, wsl_ref[...], preferred_element_type=jnp.float32)
          + bs_ref[...]) * sc
    outl_ref[...] = jnp.concatenate(
        [_pack16(pf) | (_pack16(ps) << 16), c0p], axis=1)

    pf = jnp.dot(xb, wfr_ref[...], preferred_element_type=jnp.float32) * sc
    ps = jnp.dot(xb, wsr_ref[...], preferred_element_type=jnp.float32) * sc
    outr_ref[...] = jnp.concatenate(
        [_pack16(pf) | (_pack16(ps) << 16), c0p], axis=1)


_HW = _GW // 2


def _make_tables(x, c0p, wfl, wsl, wfr, wsr, b_f, b_s, s_h):
    blk = 1000
    return pl.pallas_call(
        _proj_body,
        grid=(_N // blk,),
        in_specs=[
            pl.BlockSpec((blk, _D), lambda i: (i, 0)),
            pl.BlockSpec((blk, _D // 2), lambda i: (i, 0)),
            pl.BlockSpec((_D, _HW), lambda i: (0, 0)),
            pl.BlockSpec((_D, _HW), lambda i: (0, 0)),
            pl.BlockSpec((_D, _HW), lambda i: (0, 0)),
            pl.BlockSpec((_D, _HW), lambda i: (0, 0)),
            pl.BlockSpec((1, _HW), lambda i: (0, 0)),
            pl.BlockSpec((1, _HW), lambda i: (0, 0)),
            pl.BlockSpec((1, _HW), lambda i: (0, 0)),
        ],
        out_specs=[
            pl.BlockSpec((blk, _TWI), lambda i: (i, 0)),
            pl.BlockSpec((blk, _TWI), lambda i: (i, 0)),
        ],
        out_shape=[
            jax.ShapeDtypeStruct((_N, _TWI), jnp.int32),
            jax.ShapeDtypeStruct((_N, _TWI), jnp.int32),
        ],
    )(x, c0p, wfl, wsl, wfr, wsr, b_f, b_s, s_h)


_mesh = plsc.VectorSubcoreMesh(core_axis_name="c", subcore_axis_name="s")


@functools.partial(
    pl.kernel,
    out_type=jax.ShapeDtypeStruct((_NC, _N, _D), jnp.float32),
    mesh=_mesh,
    scratch_types=[
        pltpu.VMEM((2, _SC_E), jnp.int32),
        pltpu.VMEM((2, _SC_E // 2), jnp.int32),
        pltpu.VMEM((2, _SC_E // 2), jnp.int32),
        pltpu.VMEM((_C, _TWI), jnp.int32),
        pltpu.VMEM((_C, _TWI), jnp.int32),
        pltpu.VMEM((_C, _TWI), jnp.int32),
        pltpu.VMEM((_C, _TWI), jnp.int32),
        pltpu.VMEM((_SC_E, _D), jnp.float32),
        pltpu.VMEM_SHARED((_N, _D), jnp.float32),
        pltpu.SemaphoreType.DMA,
        pltpu.SemaphoreType.DMA,
        pltpu.SemaphoreType.DMA,
        pltpu.SemaphoreType.DMA,
        pltpu.SemaphoreType.DMA,
        pltpu.SemaphoreType.DMA,
    ],
)
def _edge_kernel(tl, tr, src, dst, out, sidx, didxa, didxb, gl0, gl1, gr0,
                 gr1, hbuf, accum, sl0, sl1, sr0, sr1, ssa, ssb):
    cid = lax.axis_index("c")
    sid = lax.axis_index("s")
    wid = sid * _NC + cid

    def zrow(r, _):
        def zlane(k, _):
            hbuf[r, pl.ds(k * 16, 16)] = jnp.zeros((16,), jnp.float32)
            return 0
        return lax.fori_loop(0, _D // 16, zlane, 0)
    lax.fori_loop(0, 16, zrow, 0)

    def zcp(j, _):
        pltpu.sync_copy(hbuf.at[pl.ds(0, 16)],
                        accum.at[pl.ds(sid * _RPT + j * 16, 16)])
        return 0
    lax.fori_loop(0, _RPT // 16, zcp, 0)

    @pl.when(sid == 0)
    def _():
        pltpu.sync_copy(hbuf.at[pl.ds(0, _TAIL)],
                        accum.at[pl.ds(_NS * _RPT, _TAIL)])
    plsc.subcore_barrier()

    def fire(p, g, gl, gr, s_l, s_r):
        si = sidx.at[p, pl.ds(g * _C, _C)]
        pltpu.async_copy(tl.at[si], gl, s_l)

        @pl.when(g < _G // 2)
        def _():
            di = didxa.at[p, pl.ds(g * _C, _C)]
            pltpu.async_copy(tr.at[di], gr, s_r)

        @pl.when(g >= _G // 2)
        def _():
            di = didxb.at[p, pl.ds((g - _G // 2) * _C, _C)]
            pltpu.async_copy(tr.at[di], gr, s_r)

    def drain(gl, gr, s_l, s_r):
        si = sidx.at[0, pl.ds(0, _C)]
        pltpu.make_async_copy(tl.at[si], gl, s_l).wait()
        pltpu.make_async_copy(tr.at[si], gr, s_r).wait()

    def load_idx(p, u):
        off = (wid + u * _NW) * _SC_E
        pltpu.sync_copy(src.at[pl.ds(off, _SC_E)], sidx.at[p])
        pltpu.sync_copy(dst.at[pl.ds(off, _SC_E // 2)], didxa.at[p])
        pltpu.sync_copy(dst.at[pl.ds(off + _SC_E // 2, _SC_E // 2)],
                        didxb.at[p])

    _HROWS = _SC_E // 2

    def fire_sc(h, p):
        idx = (didxa if h == 0 else didxb).at[p]
        sem = ssa if h == 0 else ssb
        pltpu.async_copy(hbuf.at[pl.ds(h * _HROWS, _HROWS)],
                         accum.at[idx], sem, add=True)

    def drain_sc(h):
        idx = (didxa if h == 0 else didxb).at[0]
        sem = ssa if h == 0 else ssb
        pltpu.make_async_copy(hbuf.at[pl.ds(h * _HROWS, _HROWS)],
                              accum.at[idx], sem).wait()

    def compute(g, gl, gr):
        @plsc.parallel_loop(0, _C * 4, 1, unroll=2)
        def _(j):
            e = lax.shift_right_logical(j, 2)
            m = jnp.bitwise_and(j, 3)
            o2 = m * 16

            def unp(buf, blk):
                w = buf[e, pl.ds(blk * (_D // 2) + o2, 16)]
                lo = lax.bitcast_convert_type(
                    lax.shift_left(w, 16), jnp.float32)
                hi = lax.bitcast_convert_type(w, jnp.float32)
                return lo, hi

            def pre(gate):
                la, lb = unp(gl, gate)
                ra, rb = unp(gr, gate)
                return la + ra, lb + rb

            pi = pre(0)
            po = pre(1)
            pu = pre(2)
            pfl = pre(3)
            pfr = pre(4)
            cls = unp(gl, 5)
            crs = unp(gr, 5)
            for h in range(2):
                oh = m * 16 + 64 * h
                i_ = 1.0 / (1.0 + jnp.exp(pi[h]))
                o_ = 1.0 / (1.0 + jnp.exp(po[h]))
                u2_ = 2.0 - 4.0 / (1.0 + jnp.exp(pu[h]))
                fl_ = 1.0 / (1.0 + jnp.exp(pfl[h]))
                fr_ = 1.0 / (1.0 + jnp.exp(pfr[h]))
                cm2 = i_ * u2_ + fl_ * cls[h] + fr_ * crs[h]
                t_ = 2.0 / (1.0 + jnp.exp(cm2)) - 1.0
                hbuf[g * _C + e, pl.ds(oh, 16)] = o_ * t_

    nsuper = jnp.where(wid < _NSUPER % _NW,
                       _NSUPER // _NW + 1, _NSUPER // _NW)

    load_idx(0, 0)
    fire(0, 0, gl0, gr0, sl0, sr0)

    def superchunk(u, _):
        p = jnp.bitwise_and(u, 1)

        def pair(j, _):
            g0 = 2 * j

            @pl.when(jnp.logical_and(j == 0, u > 0))
            def _():
                drain_sc(0)

            @pl.when(jnp.logical_and(j == _G // 4, u > 0))
            def _():
                drain_sc(1)

            fire(p, g0 + 1, gl1, gr1, sl1, sr1)
            drain(gl0, gr0, sl0, sr0)
            compute(g0, gl0, gr0)

            @pl.when(j < _G // 2 - 1)
            def _():
                fire(p, g0 + 2, gl0, gr0, sl0, sr0)
            drain(gl1, gr1, sl1, sr1)
            compute(g0 + 1, gl1, gr1)

            @pl.when(j == _G // 4 - 1)
            def _():
                fire_sc(0, p)
            return 0
        lax.fori_loop(0, _G // 2, pair, 0)

        @pl.when(u + 1 < nsuper)
        def _():
            load_idx(1 - p, u + 1)
            fire(1 - p, 0, gl0, gr0, sl0, sr0)

        fire_sc(1, p)
        return 0
    lax.fori_loop(0, nsuper, superchunk, 0)

    drain_sc(0)
    drain_sc(1)
    plsc.subcore_barrier()
    pltpu.sync_copy(accum.at[pl.ds(sid * _RPT, _RPT)],
                    out.at[cid, pl.ds(sid * _RPT, _RPT)])

    @pl.when(sid == 0)
    def _():
        pltpu.sync_copy(accum.at[pl.ds(_NS * _RPT, _TAIL)],
                        out.at[cid, pl.ds(_NS * _RPT, _TAIL)])


def _add_body(a_ref, b_ref, o_ref):
    o_ref[...] = a_ref[...] + b_ref[...]


def _add_partials(pa, pb):
    blk = 2000
    return pl.pallas_call(
        _add_body,
        grid=(_N // blk,),
        in_specs=[
            pl.BlockSpec((blk, _D), lambda i: (i, 0)),
            pl.BlockSpec((blk, _D), lambda i: (i, 0)),
        ],
        out_specs=pl.BlockSpec((blk, _D), lambda i: (i, 0)),
        out_shape=jax.ShapeDtypeStruct((_N, _D), jnp.float32),
    )(pa, pb)


def _halves(w):
    lo = jnp.concatenate([w[:, g * _D: g * _D + 64] for g in range(5)], axis=1)
    hi = jnp.concatenate([w[:, g * _D + 64: (g + 1) * _D] for g in range(5)],
                         axis=1)
    return lo, hi


def kernel(x, c0, edge_index, W_i, W_o, W_u, W_fl, W_fr, b_i, b_o, b_u, b_f):
    w_l = jnp.concatenate(
        [W_i[:_D], W_o[:_D], W_u[:_D], W_fl[:_D], W_fr[:_D]], axis=1)
    w_r = jnp.concatenate(
        [W_i[_D:], W_o[_D:], W_u[_D:], W_fl[_D:], W_fr[_D:]], axis=1)
    b_cat = jnp.concatenate([b_i, b_o, b_u, b_f, b_f]).reshape(1, _GW)
    wfl, wsl = _halves(w_l)
    wfr, wsr = _halves(w_r)
    b_f_, b_s_ = _halves(b_cat)
    s_h = jnp.concatenate([
        jnp.full((64,), -1.0, jnp.float32),
        jnp.full((64,), -1.0, jnp.float32),
        jnp.full((64,), -2.0, jnp.float32),
        jnp.full((64,), -1.0, jnp.float32),
        jnp.full((64,), -1.0, jnp.float32),
    ]).reshape(1, _HW)
    c0b = (-2.0 * c0).astype(jnp.bfloat16)
    c0lo = lax.bitcast_convert_type(c0b[:, :64], jnp.uint16).astype(jnp.int32)
    c0hi = lax.bitcast_convert_type(c0b[:, 64:], jnp.uint16).astype(jnp.int32)
    c0p = c0lo | (c0hi << 16)
    tbl_l, tbl_r = _make_tables(x, c0p, wfl, wsl, wfr, wsr, b_f_, b_s_, s_h)
    partials = _edge_kernel(tbl_l, tbl_r, edge_index[0], edge_index[1])
    return _add_partials(partials[0], partials[1])

# --- scband reference (transcript-rebuilt; emitter-appended) ---
"""Pipeline reference for scband-recur-tree-gen-19533511262867 (READ-ONLY COPY).

The authoritative reference and input builder live on the scoring server;
editing this copy changes nothing except your own understanding.
"""

import jax, jax.numpy as jnp
import numpy as np

N, E, D = 10000, 160000, 128

def setup_inputs(seed: int = 0) -> dict:
    key = jax.random.key(seed)
    ks = jax.random.split(key, 16)
    x = jax.random.normal(ks[0], (N, D), dtype=jnp.float32)
    c0 = jax.random.normal(ks[1], (N, D), dtype=jnp.float32)
    edge_index = jax.random.randint(ks[2], (2, E), 0, N, dtype=jnp.int32)
    s = 1.0 / np.sqrt(2 * D)
    W_i = jax.random.normal(ks[3], (2 * D, D), dtype=jnp.float32) * s
    W_o = jax.random.normal(ks[4], (2 * D, D), dtype=jnp.float32) * s
    W_u = jax.random.normal(ks[5], (2 * D, D), dtype=jnp.float32) * s
    W_fl = jax.random.normal(ks[6], (2 * D, D), dtype=jnp.float32) * s
    W_fr = jax.random.normal(ks[7], (2 * D, D), dtype=jnp.float32) * s
    b_i = jnp.zeros((D,), dtype=jnp.float32)
    b_o = jnp.zeros((D,), dtype=jnp.float32)
    b_u = jnp.zeros((D,), dtype=jnp.float32)
    b_f = jnp.ones((D,), dtype=jnp.float32)
    return {"x": x, "c0": c0, "edge_index": edge_index,
            "W_i": W_i, "W_o": W_o, "W_u": W_u, "W_fl": W_fl, "W_fr": W_fr,
            "b_i": b_i, "b_o": b_o, "b_u": b_u, "b_f": b_f}

def reference(x, c0, edge_index, W_i, W_o, W_u, W_fl, W_fr, b_i, b_o, b_u, b_f):
    # Core of RecurTreeGen's batched binary tree-LSTM merge (BinaryTreeLSTMCell):
    # gather child (h, c) states via multi_index_select (index gather),
    # apply the binary tree-LSTM gating to merge left/right children,
    # and scatter the merged states back to parent node slots (segment sum).
    src = edge_index[0]
    dst = edge_index[1]
    h_l = jnp.take(x, src, axis=0)
    h_r = jnp.take(x, dst, axis=0)
    c_l = jnp.take(c0, src, axis=0)
    c_r = jnp.take(c0, dst, axis=0)
    hcat = jnp.concatenate([h_l, h_r], axis=1)
    i = jax.nn.sigmoid(hcat @ W_i + b_i)
    o = jax.nn.sigmoid(hcat @ W_o + b_o)
    u = jnp.tanh(hcat @ W_u + b_u)
    f_l = jax.nn.sigmoid(hcat @ W_fl + b_f)
    f_r = jax.nn.sigmoid(hcat @ W_fr + b_f)
    c_new = i * u + f_l * c_l + f_r * c_r
    h_new = o * jnp.tanh(c_new)
    h_agg = jax.ops.segment_sum(h_new, dst, num_segments=x.shape[0])
    return h_agg

if __name__ == "__main__":
    import jax
    _d = setup_inputs()
    print(jax.jit(kernel)(*tuple(_d.values())))

</pallas_src>

<mosaic_0001>
#map = affine_map<(d0, d1) -> (0, 0)>
#map1 = affine_map<(d0, d1) -> (0)>
#map2 = affine_map<(d0, d1) -> (0, 0, 0)>
module attributes {stable_mosaic.version = 14 : i64} {
  func.func @_edge_kernel(%arg0: i32, %arg1: i32, %arg2: memref<10000x384xi32, #tpu.memory_space<hbm>>, %arg3: memref<10000x384xi32, #tpu.memory_space<hbm>>, %arg4: memref<160000xi32, #tpu.memory_space<hbm>>, %arg5: memref<160000xi32, #tpu.memory_space<hbm>>, %arg6: memref<2x10000x128xf32, #tpu.memory_space<hbm>>, %arg7: memref<2x128xi32, #tpu.memory_space<vmem>>, %arg8: memref<2x64xi32, #tpu.memory_space<vmem>>, %arg9: memref<2x64xi32, #tpu.memory_space<vmem>>, %arg10: memref<16x384xi32, #tpu.memory_space<vmem>>, %arg11: memref<16x384xi32, #tpu.memory_space<vmem>>, %arg12: memref<16x384xi32, #tpu.memory_space<vmem>>, %arg13: memref<16x384xi32, #tpu.memory_space<vmem>>, %arg14: memref<128x128xf32, #tpu.memory_space<vmem>>, %arg15: memref<10000x128xf32, #tpu.memory_space<vmem_shared>>, %arg16: memref<!tpu.dma_semaphore, #tpu.memory_space<semaphore_mem>>, %arg17: memref<!tpu.dma_semaphore, #tpu.memory_space<semaphore_mem>>, %arg18: memref<!tpu.dma_semaphore, #tpu.memory_space<semaphore_mem>>, %arg19: memref<!tpu.dma_semaphore, #tpu.memory_space<semaphore_mem>>, %arg20: memref<!tpu.dma_semaphore, #tpu.memory_space<semaphore_mem>>, %arg21: memref<!tpu.dma_semaphore, #tpu.memory_space<semaphore_mem>>) attributes {dimension_semantics = [#tpu.dimension_semantics<core_parallel>, #tpu.dimension_semantics<subcore_parallel>], iteration_bounds = array<i64: 2, 16>, scalar_prefetch = 0 : i64, scratch_operands = 15 : i64, tpu.core_type = #tpu.core_type<sc_vector_subcore>, window_params = [{transform_indices = #map}, {transform_indices = #map}, {transform_indices = #map1}, {transform_indices = #map1}, {transform_indices = #map2}]} {
    %mul3A = arith.constant 2 : i32
    %mul3A_0 = arith.muli %arg1, %mul3A : i32
    %add3A = arith.addi %mul3A_0, %arg0 : i32
    %scan3A = arith.constant 0 : i32
    %scan3A_1 = arith.constant 0 : i32
    %scan3A_2 = arith.constant 16 : i32
    %scan3A_3 = arith.addi %scan3A_1, %scan3A_2 : i32
    %scan3A_4 = arith.constant 1 : i32
    %scan3A_5 = scf.for %scan3A_79 = %scan3A_1 to %scan3A_3 step %scan3A_4 iter_args(%scan3A_80 = %scan3A) -> (i32)  : i32 {
      %scan3A_81 = arith.constant 0 : i32
      %scan3A_82 = arith.constant 0 : i32
      %scan3A_83 = arith.constant 8 : i32
      %scan3A_84 = arith.addi %scan3A_82, %scan3A_83 : i32
      %scan3A_85 = arith.constant 1 : i32
      %scan3A_86 = scf.for %scan3A_88 = %scan3A_82 to %scan3A_84 step %scan3A_85 iter_args(%scan3A_89 = %scan3A_81) -> (i32)  : i32 {
        %broadcast_in_dim3A = arith.constant 0.000000e+00 : f32
        %broadcast_in_dim3A_90 = vector.broadcast %broadcast_in_dim3A : f32 to vector<16xf32>
        %mul3A_91 = arith.constant 16 : i32
        %mul3A_92 = arith.muli %scan3A_88, %mul3A_91 : i32
        %swap3A = arith.index_cast %scan3A_79 : i32 to index
        %swap3A_93 = arith.index_cast %mul3A_92 : i32 to index
        %swap3A_94 = tpu.vector_load %arg14[%swap3A, %swap3A_93] {strides = array<i32>} : memref<128x128xf32, #tpu.memory_space<vmem>>, vector<1x16xf32>,
        %swap3A_95 = vector.shape_cast %swap3A_94 : vector<1x16xf32> to vector<16xf32>
        %swap3A_96 = vector.shape_cast %broadcast_in_dim3A_90 : vector<16xf32> to vector<1x16xf32>
        tpu.vector_store %arg14[%swap3A, %swap3A_93], %swap3A_96 {strides = array<i32>} : memref<128x128xf32, #tpu.memory_space<vmem>>, vector<1x16xf32>,
        %scan3A_97 = arith.constant 0 : i32
        scf.yield %scan3A_97 : i32
      }
      %scan3A_87 = arith.constant 8 : i32
      scf.yield %scan3A_86 : i32
    }
    %scan3A_6 = arith.constant 16 : i32
    %scan3A_7 = arith.constant 0 : i32
    %scan3A_8 = arith.constant 0 : i32
    %scan3A_9 = arith.constant 39 : i32
    %scan3A_10 = arith.addi %scan3A_8, %scan3A_9 : i32
    %scan3A_11 = arith.constant 1 : i32
    %scan3A_12 = scf.for %scan3A_79 = %scan3A_8 to %scan3A_10 step %scan3A_11 iter_args(%scan3A_80 = %scan3A_7) -> (i32)  : i32 {
      %mul3A_81 = arith.constant 624 : i32
      %mul3A_82 = arith.muli %arg1, %mul3A_81 : i32
      %mul3A_83 = arith.constant 16 : i32
      %mul3A_84 = arith.muli %scan3A_79, %mul3A_83 : i32
      %add3A_85 = arith.addi %mul3A_82, %mul3A_84 : i32
      "tpu.region"() ({
        %run_scoped3A_87 = tpu.sem_alloc : memref<!tpu.dma_semaphore, #tpu.memory_space<semaphore_mem>>
        %dma_start3A_88 = arith.constant 0 : i32
        %dma_start3A_89 = arith.constant 0 : i32
        %dma_start3A_90 = tpu.memref_slice %arg14[%dma_start3A_88, %dma_start3A_89] : memref<128x128xf32, #tpu.memory_space<vmem>> -> memref<16x128xf32, #tpu.memory_space<vmem>>
        %dma_start3A_91 = arith.constant 0 : i32
        %dma_start3A_92 = tpu.memref_slice %arg15[%add3A_85, %dma_start3A_91] : memref<10000x128xf32, #tpu.memory_space<vmem_shared>> -> memref<16x128xf32, #tpu.memory_space<vmem_shared>>
        %dma_start3A_93 = arith.constant 0 : i32
        %dma_start3A_94 = tpu.memref_slice %arg15[%add3A_85, %dma_start3A_93] : memref<10000x128xf32, #tpu.memory_space<vmem_shared>> -> memref<16x128xf32, #tpu.memory_space<vmem_shared>>
        %dma_start3A_95 = arith.constant 0 : i32
        %dma_start3A_96 = arith.constant 0 : i32
        %dma_start3A_97 = tpu.memref_slice %arg14[%dma_start3A_95, %dma_start3A_96] : memref<128x128xf32, #tpu.memory_space<vmem>> -> memref<16x128xf32, #tpu.memory_space<vmem>>
        tpu.enqueue_dma source(%dma_start3A_97 : memref<16x128xf32, #tpu.memory_space<vmem>>) target(%dma_start3A_94 : memref<16x128xf32, #tpu.memory_space<vmem_shared>>) target_semaphore(%run_scoped3A_87 : memref<!tpu.dma_semaphore, #tpu.memory_space<semaphore_mem>>)
        %dma_wait3A_98 = arith.constant 0 : i32
        %dma_wait3A_99 = arith.constant 0 : i32
        %dma_wait3A_100 = tpu.memref_slice %arg14[%dma_wait3A_98, %dma_wait3A_99] : memref<128x128xf32, #tpu.memory_space<vmem>> -> memref<16x128xf32, #tpu.memory_space<vmem>>
        %dma_wait3A_101 = arith.constant 0 : i32
        %dma_wait3A_102 = tpu.memref_slice %arg15[%add3A_85, %dma_wait3A_101] : memref<10000x128xf32, #tpu.memory_space<vmem_shared>> -> memref<16x128xf32, #tpu.memory_space<vmem_shared>>
        %dma_wait3A_103 = arith.constant 0 : i32
        %dma_wait3A_104 = tpu.memref_slice %arg15[%add3A_85, %dma_wait3A_103] : memref<10000x128xf32, #tpu.memory_space<vmem_shared>> -> memref<16x128xf32, #tpu.memory_space<vmem_shared>>
        %dma_wait3A_105 = arith.constant 0 : i32
        %dma_wait3A_106 = arith.constant 0 : i32
        %dma_wait3A_107 = tpu.memref_slice %arg14[%dma_wait3A_105, %dma_wait3A_106] : memref<128x128xf32, #tpu.memory_space<vmem>> -> memref<16x128xf32, #tpu.memory_space<vmem>>
        tpu.wait_dma2 semaphore(%run_scoped3A_87 : memref<!tpu.dma_semaphore, #tpu.memory_space<semaphore_mem>>) src(%dma_wait3A_107 : memref<16x128xf32, #tpu.memory_space<vmem>>) dst(%dma_wait3A_104 : memref<16x128xf32, #tpu.memory_space<vmem_shared>>)
        tpu.yield
      }) : () -> ()
      %scan3A_86 = arith.constant 0 : i32
      scf.yield %scan3A_86 : i32
    }
    %scan3A_13 = arith.constant 39 : i32
    %eq3A = arith.constant 0 : i32
    %eq3A_14 = arith.cmpi eq, %arg1, %eq3A : i32
    %convert_element_type3A = arith.extui %eq3A_14 : i1 to i32
    %cond3A = arith.constant 0 : i32
    %cond3A_15 = arith.cmpi ne, %convert_element_type3A, %cond3A : i32
    scf.if %cond3A_15 {
      "tpu.region"() ({
        %run_scoped3A_79 = tpu.sem_alloc : memref<!tpu.dma_semaphore, #tpu.memory_space<semaphore_mem>>
        %dma_start3A_80 = arith.constant 0 : i32
        %dma_start3A_81 = arith.constant 0 : i32
        %dma_start3A_82 = tpu.memref_slice %arg14[%dma_start3A_80, %dma_start3A_81] : memref<128x128xf32, #tpu.memory_space<vmem>> -> memref<16x128xf32, #tpu.memory_space<vmem>>
        %dma_start3A_83 = arith.constant 9984 : i32
        %dma_start3A_84 = arith.constant 0 : i32
        %dma_start3A_85 = tpu.memref_slice %arg15[%dma_start3A_83, %dma_start3A_84] : memref<10000x128xf32, #tpu.memory_space<vmem_shared>> -> memref<16x128xf32, #tpu.memory_space<vmem_shared>>
        %dma_start3A_86 = arith.constant 9984 : i32
        %dma_start3A_87 = arith.constant 0 : i32
        %dma_start3A_88 = tpu.memref_slice %arg15[%dma_start3A_86, %dma_start3A_87] : memref<10000x128xf32, #tpu.memory_space<vmem_shared>> -> memref<16x128xf32, #tpu.memory_space<vmem_shared>>
        %dma_start3A_89 = arith.constant 0 : i32
        %dma_start3A_90 = arith.constant 0 : i32
        %dma_start3A_91 = tpu.memref_slice %arg14[%dma_start3A_89, %dma_start3A_90] : memref<128x128xf32, #tpu.memory_space<vmem>> -> memref<16x128xf32, #tpu.memory_space<vmem>>
        tpu.enqueue_dma source(%dma_start3A_91 : memref<16x128xf32, #tpu.memory_space<vmem>>) target(%dma_start3A_88 : memref<16x128xf32, #tpu.memory_space<vmem_shared>>) target_semaphore(%run_scoped3A_79 : memref<!tpu.dma_semaphore, #tpu.memory_space<semaphore_mem>>)
        %dma_wait3A_92 = arith.constant 0 : i32
        %dma_wait3A_93 = arith.constant 0 : i32
        %dma_wait3A_94 = tpu.memref_slice %arg14[%dma_wait3A_92, %dma_wait3A_93] : memref<128x128xf32, #tpu.memory_space<vmem>> -> memref<16x128xf32, #tpu.memory_space<vmem>>
        %dma_wait3A_95 = arith.constant 9984 : i32
        %dma_wait3A_96 = arith.constant 0 : i32
        %dma_wait3A_97 = tpu.memref_slice %arg15[%dma_wait3A_95, %dma_wait3A_96] : memref<10000x128xf32, #tpu.memory_space<vmem_shared>> -> memref<16x128xf32, #tpu.memory_space<vmem_shared>>
        %dma_wait3A_98 = arith.constant 9984 : i32
        %dma_wait3A_99 = arith.constant 0 : i32
        %dma_wait3A_100 = tpu.memref_slice %arg15[%dma_wait3A_98, %dma_wait3A_99] : memref<10000x128xf32, #tpu.memory_space<vmem_shared>> -> memref<16x128xf32, #tpu.memory_space<vmem_shared>>
        %dma_wait3A_101 = arith.constant 0 : i32
        %dma_wait3A_102 = arith.constant 0 : i32
        %dma_wait3A_103 = tpu.memref_slice %arg14[%dma_wait3A_101, %dma_wait3A_102] : memref<128x128xf32, #tpu.memory_space<vmem>> -> memref<16x128xf32, #tpu.memory_space<vmem>>
        tpu.wait_dma2 semaphore(%run_scoped3A_79 : memref<!tpu.dma_semaphore, #tpu.memory_space<semaphore_mem>>) src(%dma_wait3A_103 : memref<16x128xf32, #tpu.memory_space<vmem>>) dst(%dma_wait3A_100 : memref<16x128xf32, #tpu.memory_space<vmem_shared>>)
        tpu.yield
      }) : () -> ()
    } else {
    }
    %barrier3A = arith.constant 0 : index
    tpu.barrier barrier_id(%barrier3A)
    %lt3A = arith.constant 2 : i32
    %lt3A_16 = arith.cmpi slt, %add3A, %lt3A : i32
    %jit3A = arith.constant 40 : i32
    %jit3A_17 = arith.constant 39 : i32
    %select_n3A = arith.select %lt3A_16, %jit3A, %jit3A_17 : i32
    %add3A_18 = arith.constant 0 : i32
    %add3A_19 = arith.addi %add3A, %add3A_18 : i32
    %mul3A_20 = arith.constant 128 : i32
    %mul3A_21 = arith.muli %add3A_19, %mul3A_20 : i32
    %run_scoped3A = arith.constant 0 : i32
    "tpu.region"() ({
      %run_scoped3A_79 = tpu.sem_alloc : memref<!tpu.dma_semaphore, #tpu.memory_space<semaphore_mem>>
      %dma_start3A_80 = arith.constant 0 : i32
      %dma_start3A_81 = tpu.memref_slice %arg7[%run_scoped3A, %dma_start3A_80] : memref<2x128xi32, #tpu.memory_space<vmem>> -> memref<1x128xi32, #tpu.memory_space<vmem>>
      %dma_start3A_82 = tpu.memref_squeeze %dma_start3A_81 : memref<1x128xi32, #tpu.memory_space<vmem>> -> memref<128xi32, #tpu.memory_space<vmem>>
      %dma_start3A_83 = tpu.memref_slice %arg4[%mul3A_21] : memref<160000xi32, #tpu.memory_space<hbm>> -> memref<128xi32, #tpu.memory_space<hbm>>
      %dma_start3A_84 = arith.constant 0 : i32
      %dma_start3A_85 = tpu.memref_slice %arg7[%run_scoped3A, %dma_start3A_84] : memref<2x128xi32, #tpu.memory_space<vmem>> -> memref<1x128xi32, #tpu.memory_space<vmem>>
      %dma_start3A_86 = tpu.memref_squeeze %dma_start3A_85 : memref<1x128xi32, #tpu.memory_space<vmem>> -> memref<128xi32, #tpu.memory_space<vmem>>
      %dma_start3A_87 = tpu.memref_slice %arg4[%mul3A_21] : memref<160000xi32, #tpu.memory_space<hbm>> -> memref<128xi32, #tpu.memory_space<hbm>>
      tpu.enqueue_dma source(%dma_start3A_87 : memref<128xi32, #tpu.memory_space<hbm>>) target(%dma_start3A_86 : memref<128xi32, #tpu.memory_space<vmem>>) target_semaphore(%run_scoped3A_79 : memref<!tpu.dma_semaphore, #tpu.memory_space<semaphore_mem>>)
      %dma_wait3A_88 = arith.constant 0 : i32
      %dma_wait3A_89 = tpu.memref_slice %arg7[%run_scoped3A, %dma_wait3A_88] : memref<2x128xi32, #tpu.memory_space<vmem>> -> memref<1x128xi32, #tpu.memory_space<vmem>>
      %dma_wait3A_90 = tpu.memref_squeeze %dma_wait3A_89 : memref<1x128xi32, #tpu.memory_space<vmem>> -> memref<128xi32, #tpu.memory_space<vmem>>
      %dma_wait3A_91 = tpu.memref_slice %arg4[%mul3A_21] : memref<160000xi32, #tpu.memory_space<hbm>> -> memref<128xi32, #tpu.memory_space<hbm>>
      %dma_wait3A_92 = arith.constant 0 : i32
      %dma_wait3A_93 = tpu.memref_slice %arg7[%run_scoped3A, %dma_wait3A_92] : memref<2x128xi32, #tpu.memory_space<vmem>> -> memref<1x128xi32, #tpu.memory_space<vmem>>
      %dma_wait3A_94 = tpu.memref_squeeze %dma_wait3A_93 : memref<1x128xi32, #tpu.memory_space<vmem>> -> memref<128xi32, #tpu.memory_space<vmem>>
      %dma_wait3A_95 = tpu.memref_slice %arg4[%mul3A_21] : memref<160000xi32, #tpu.memory_space<hbm>> -> memref<128xi32, #tpu.memory_space<hbm>>
      tpu.wait_dma2 semaphore(%run_scoped3A_79 : memref<!tpu.dma_semaphore, #tpu.memory_space<semaphore_mem>>) src(%dma_wait3A_95 : memref<128xi32, #tpu.memory_space<hbm>>) dst(%dma_wait3A_94 : memref<128xi32, #tpu.memory_space<vmem>>)
      tpu.yield
    }) : () -> ()
    %run_scoped3A_22 = arith.constant 0 : i32
    "tpu.region"() ({
      %run_scoped3A_79 = tpu.sem_alloc : memref<!tpu.dma_semaphore, #tpu.memory_space<semaphore_mem>>
      %dma_start3A_80 = arith.constant 0 : i32
      %dma_start3A_81 = tpu.memref_slice %arg8[%run_scoped3A_22, %dma_start3A_80] : memref<2x64xi32, #tpu.memory_space<vmem>> -> memref<1x64xi32, #tpu.memory_space<vmem>>
      %dma_start3A_82 = tpu.memref_squeeze %dma_start3A_81 : memref<1x64xi32, #tpu.memory_space<vmem>> -> memref<64xi32, #tpu.memory_space<vmem>>
      %dma_start3A_83 = tpu.memref_slice %arg5[%mul3A_21] : memref<160000xi32, #tpu.memory_space<hbm>> -> memref<64xi32, #tpu.memory_space<hbm>>
      %dma_start3A_84 = arith.constant 0 : i32
      %dma_start3A_85 = tpu.memref_slice %arg8[%run_scoped3A_22, %dma_start3A_84] : memref<2x64xi32, #tpu.memory_space<vmem>> -> memref<1x64xi32, #tpu.memory_space<vmem>>
      %dma_start3A_86 = tpu.memref_squeeze %dma_start3A_85 : memref<1x64xi32, #tpu.memory_space<vmem>> -> memref<64xi32, #tpu.memory_space<vmem>>
      %dma_start3A_87 = tpu.memref_slice %arg5[%mul3A_21] : memref<160000xi32, #tpu.memory_space<hbm>> -> memref<64xi32, #tpu.memory_space<hbm>>
      tpu.enqueue_dma source(%dma_start3A_87 : memref<64xi32, #tpu.memory_space<hbm>>) target(%dma_start3A_86 : memref<64xi32, #tpu.memory_space<vmem>>) target_semaphore(%run_scoped3A_79 : memref<!tpu.dma_semaphore, #tpu.memory_space<semaphore_mem>>)
      %dma_wait3A_88 = arith.constant 0 : i32
      %dma_wait3A_89 = tpu.memref_slice %arg8[%run_scoped3A_22, %dma_wait3A_88] : memref<2x64xi32, #tpu.memory_space<vmem>> -> memref<1x64xi32, #tpu.memory_space<vmem>>
      %dma_wait3A_90 = tpu.memref_squeeze %dma_wait3A_89 : memref<1x64xi32, #tpu.memory_space<vmem>> -> memref<64xi32, #tpu.memory_space<vmem>>
      %dma_wait3A_91 = tpu.memref_slice %arg5[%mul3A_21] : memref<160000xi32, #tpu.memory_space<hbm>> -> memref<64xi32, #tpu.memory_space<hbm>>
      %dma_wait3A_92 = arith.constant 0 : i32
      %dma_wait3A_93 = tpu.memref_slice %arg8[%run_scoped3A_22, %dma_wait3A_92] : memref<2x64xi32, #tpu.memory_space<vmem>> -> memref<1x64xi32, #tpu.memory_space<vmem>>
      %dma_wait3A_94 = tpu.memref_squeeze %dma_wait3A_93 : memref<1x64xi32, #tpu.memory_space<vmem>> -> memref<64xi32, #tpu.memory_space<vmem>>
      %dma_wait3A_95 = tpu.memref_slice %arg5[%mul3A_21] : memref<160000xi32, #tpu.memory_space<hbm>> -> memref<64xi32, #tpu.memory_space<hbm>>
      tpu.wait_dma2 semaphore(%run_scoped3A_79 : memref<!tpu.dma_semaphore, #tpu.memory_space<semaphore_mem>>) src(%dma_wait3A_95 : memref<64xi32, #tpu.memory_space<hbm>>) dst(%dma_wait3A_94 : memref<64xi32, #tpu.memory_space<vmem>>)
      tpu.yield
    }) : () -> ()
    %add3A_23 = arith.constant 64 : i32
    %add3A_24 = arith.addi %mul3A_21, %add3A_23 : i32
    %run_scoped3A_25 = arith.constant 0 : i32
    "tpu.region"() ({
      %run_scoped3A_79 = tpu.sem_alloc : memref<!tpu.dma_semaphore, #tpu.memory_space<semaphore_mem>>
      %dma_start3A_80 = arith.constant 0 : i32
      %dma_start3A_81 = tpu.memref_slice %arg9[%run_scoped3A_25, %dma_start3A_80] : memref<2x64xi32, #tpu.memory_space<vmem>> -> memref<1x64xi32, #tpu.memory_space<vmem>>
      %dma_start3A_82 = tpu.memref_squeeze %dma_start3A_81 : memref<1x64xi32, #tpu.memory_space<vmem>> -> memref<64xi32, #tpu.memory_space<vmem>>
      %dma_start3A_83 = tpu.memref_slice %arg5[%add3A_24] : memref<160000xi32, #tpu.memory_space<hbm>> -> memref<64xi32, #tpu.memory_space<hbm>>
      %dma_start3A_84 = arith.constant 0 : i32
      %dma_start3A_85 = tpu.memref_slice %arg9[%run_scoped3A_25, %dma_start3A_84] : memref<2x64xi32, #tpu.memory_space<vmem>> -> memref<1x64xi32, #tpu.memory_space<vmem>>
      %dma_start3A_86 = tpu.memref_squeeze %dma_start3A_85 : memref<1x64xi32, #tpu.memory_space<vmem>> -> memref<64xi32, #tpu.memory_space<vmem>>
      %dma_start3A_87 = tpu.memref_slice %arg5[%add3A_24] : memref<160000xi32, #tpu.memory_space<hbm>> -> memref<64xi32, #tpu.memory_space<hbm>>
      tpu.enqueue_dma source(%dma_start3A_87 : memref<64xi32, #tpu.memory_space<hbm>>) target(%dma_start3A_86 : memref<64xi32, #tpu.memory_space<vmem>>) target_semaphore(%run_scoped3A_79 : memref<!tpu.dma_semaphore, #tpu.memory_space<semaphore_mem>>)
      %dma_wait3A_88 = arith.constant 0 : i32
      %dma_wait3A_89 = tpu.memref_slice %arg9[%run_scoped3A_25, %dma_wait3A_88] : memref<2x64xi32, #tpu.memory_space<vmem>> -> memref<1x64xi32, #tpu.memory_space<vmem>>
      %dma_wait3A_90 = tpu.memref_squeeze %dma_wait3A_89 : memref<1x64xi32, #tpu.memory_space<vmem>> -> memref<64xi32, #tpu.memory_space<vmem>>
      %dma_wait3A_91 = tpu.memref_slice %arg5[%add3A_24] : memref<160000xi32, #tpu.memory_space<hbm>> -> memref<64xi32, #tpu.memory_space<hbm>>
      %dma_wait3A_92 = arith.constant 0 : i32
      %dma_wait3A_93 = tpu.memref_slice %arg9[%run_scoped3A_25, %dma_wait3A_92] : memref<2x64xi32, #tpu.memory_space<vmem>> -> memref<1x64xi32, #tpu.memory_space<vmem>>
      %dma_wait3A_94 = tpu.memref_squeeze %dma_wait3A_93 : memref<1x64xi32, #tpu.memory_space<vmem>> -> memref<64xi32, #tpu.memory_space<vmem>>
      %dma_wait3A_95 = tpu.memref_slice %arg5[%add3A_24] : memref<160000xi32, #tpu.memory_space<hbm>> -> memref<64xi32, #tpu.memory_space<hbm>>
      tpu.wait_dma2 semaphore(%run_scoped3A_79 : memref<!tpu.dma_semaphore, #tpu.memory_space<semaphore_mem>>) src(%dma_wait3A_95 : memref<64xi32, #tpu.memory_space<hbm>>) dst(%dma_wait3A_94 : memref<64xi32, #tpu.memory_space<vmem>>)
      tpu.yield
    }) : () -> ()
    %dma_start3A = arith.constant 0 : i32
    %dma_start3A_26 = arith.constant 0 : i32
    %dma_start3A_27 = tpu.memref_slice %arg7[%dma_start3A, %dma_start3A_26] : memref<2x128xi32, #tpu.memory_space<vmem>> -> memref<1x16xi32, #tpu.memory_space<vmem>>
    %dma_start3A_28 = tpu.memref_squeeze %dma_start3A_27 : memref<1x16xi32, #tpu.memory_space<vmem>> -> memref<16xi32, #tpu.memory_space<vmem>>
    %dma_start3A_29 = arith.constant 0 : i32
    %dma_start3A_30 = arith.constant 0 : i32
    %dma_start3A_31 = tpu.memref_slice %arg2[%dma_start3A_29, %dma_start3A_30] : memref<10000x384xi32, #tpu.memory_space<hbm>> -> memref<10000x384xi32, #tpu.memory_space<hbm>>
    tpu.enqueue_indirect_dma source(%dma_start3A_31 : memref<10000x384xi32, #tpu.memory_space<hbm>>) target(%arg10 : memref<16x384xi32, #tpu.memory_space<vmem>>) offsets(%dma_start3A_28 : memref<16xi32, #tpu.memory_space<vmem>>) semaphore(%arg16 : memref<!tpu.dma_semaphore, #tpu.memory_space<semaphore_mem>>)
    %dma_start3A_32 = arith.constant 0 : i32
    %dma_start3A_33 = arith.constant 0 : i32
    %dma_start3A_34 = tpu.memref_slice %arg8[%dma_start3A_32, %dma_start3A_33] : memref<2x64xi32, #tpu.memory_space<vmem>> -> memref<1x16xi32, #tpu.memory_space<vmem>>
    %dma_start3A_35 = tpu.memref_squeeze %dma_start3A_34 : memref<1x16xi32, #tpu.memory_space<vmem>> -> memref<16xi32, #tpu.memory_space<vmem>>
    %dma_start3A_36 = arith.constant 0 : i32
    %dma_start3A_37 = arith.constant 0 : i32
    %dma_start3A_38 = tpu.memref_slice %arg3[%dma_start3A_36, %dma_start3A_37] : memref<10000x384xi32, #tpu.memory_space<hbm>> -> memref<10000x384xi32, #tpu.memory_space<hbm>>
    tpu.enqueue_indirect_dma source(%dma_start3A_38 : memref<10000x384xi32, #tpu.memory_space<hbm>>) target(%arg12 : memref<16x384xi32, #tpu.memory_space<vmem>>) offsets(%dma_start3A_35 : memref<16xi32, #tpu.memory_space<vmem>>) semaphore(%arg18 : memref<!tpu.dma_semaphore, #tpu.memory_space<semaphore_mem>>)
    %while3A = arith.constant 0 : i32
    %while3A_39 = arith.constant 0 : i32
    %while3A_40 = arith.subi %select_n3A, %while3A : i32
    %while3A_41 = arith.addi %while3A, %while3A_40 : i32
    %while3A_42 = arith.constant 1 : i32
    %while3A_43 = arith.divsi %while3A_40, %while3A_42 : i32
    %while3A_44 = arith.muli %while3A_43, %while3A_42 : i32
    %while3A_45 = arith.addi %while3A, %while3A_44 : i32
    %while3A_46 = arith.constant 1 : i32
    %while3A_47 = scf.for %while3A_79 = %while3A to %while3A_45 step %while3A_46 iter_args(%while3A_80 = %while3A_39) -> (i32)  : i32 {
      %and3A = arith.constant 1 : i32
      %and3A_81 = arith.andi %while3A_79, %and3A : i32
      %scan3A_82 = arith.constant 0 : i32
      %scan3A_83 = arith.constant 0 : i32
      %scan3A_84 = arith.constant 4 : i32
      %scan3A_85 = arith.addi %scan3A_83, %scan3A_84 : i32
      %scan3A_86 = arith.constant 1 : i32
      %scan3A_87 = scf.for %scan3A_105 = %scan3A_83 to %scan3A_85 step %scan3A_86 iter_args(%scan3A_106 = %scan3A_82) -> (i32)  : i32 {
        %mul3A_107 = arith.constant 2 : i32
        %mul3A_108 = arith.muli %mul3A_107, %scan3A_105 : i32
        %eq3A_109 = arith.constant 0 : i32
        %eq3A_110 = arith.cmpi eq, %scan3A_105, %eq3A_109 : i32
        %gt3A = arith.constant 0 : i32
        %gt3A_111 = arith.cmpi sgt, %while3A_79, %gt3A : i32
        %and3A_112 = arith.andi %eq3A_110, %gt3A_111 : i1
        %convert_element_type3A_113 = arith.extui %and3A_112 : i1 to i32
        %cond3A_114 = arith.constant 0 : i32
        %cond3A_115 = arith.cmpi ne, %convert_element_type3A_113, %cond3A_114 : i32
        scf.if %cond3A_115 {
          %dma_wait3A_188 = arith.constant 0 : i32
          %dma_wait3A_189 = arith.constant 0 : i32
          %dma_wait3A_190 = arith.constant 0 : i32
          %dma_wait3A_191 = tpu.memref_slice %arg14[%dma_wait3A_189, %dma_wait3A_190] : memref<128x128xf32, #tpu.memory_space<vmem>> -> memref<64x128xf32, #tpu.memory_space<vmem>>
          %dma_wait3A_192 = arith.constant 0 : i32
          %dma_wait3A_193 = tpu.memref_slice %arg8[%dma_wait3A_188, %dma_wait3A_192] : memref<2x64xi32, #tpu.memory_space<vmem>> -> memref<1x64xi32, #tpu.memory_space<vmem>>
          %dma_wait3A_194 = tpu.memref_squeeze %dma_wait3A_193 : memref<1x64xi32, #tpu.memory_space<vmem>> -> memref<64xi32, #tpu.memory_space<vmem>>
          %dma_wait3A_195 = arith.constant 0 : i32
          %dma_wait3A_196 = arith.constant 0 : i32
          %dma_wait3A_197 = tpu.memref_slice %arg15[%dma_wait3A_195, %dma_wait3A_196] : memref<10000x128xf32, #tpu.memory_space<vmem_shared>> -> memref<10000x128xf32, #tpu.memory_space<vmem_shared>>
          tpu.wait_indirect_dma semaphore(%arg20 : memref<!tpu.dma_semaphore, #tpu.memory_space<semaphore_mem>>) src(%dma_wait3A_191 : memref<64x128xf32, #tpu.memory_space<vmem>>) dst(%dma_wait3A_197 : memref<10000x128xf32, #tpu.memory_space<vmem_shared>>)
        } else {
        }
        %eq3A_116 = arith.constant 2 : i32
        %eq3A_117 = arith.cmpi eq, %scan3A_105, %eq3A_116 : i32
        %gt3A_118 = arith.constant 0 : i32
        %gt3A_119 = arith.cmpi sgt, %while3A_79, %gt3A_118 : i32
        %and3A_120 = arith.andi %eq3A_117, %gt3A_119 : i1
        %convert_element_type3A_121 = arith.extui %and3A_120 : i1 to i32
        %cond3A_122 = arith.constant 0 : i32
        %cond3A_123 = arith.cmpi ne, %convert_element_type3A_121, %cond3A_122 : i32
        scf.if %cond3A_123 {
          %dma_wait3A_188 = arith.constant 0 : i32
          %dma_wait3A_189 = arith.constant 64 : i32
          %dma_wait3A_190 = arith.constant 0 : i32
          %dma_wait3A_191 = tpu.memref_slice %arg14[%dma_wait3A_189, %dma_wait3A_190] : memref<128x128xf32, #tpu.memory_space<vmem>> -> memref<64x128xf32, #tpu.memory_space<vmem>>
          %dma_wait3A_192 = arith.constant 0 : i32
          %dma_wait3A_193 = tpu.memref_slice %arg9[%dma_wait3A_188, %dma_wait3A_192] : memref<2x64xi32, #tpu.memory_space<vmem>> -> memref<1x64xi32, #tpu.memory_space<vmem>>
          %dma_wait3A_194 = tpu.memref_squeeze %dma_wait3A_193 : memref<1x64xi32, #tpu.memory_space<vmem>> -> memref<64xi32, #tpu.memory_space<vmem>>
          %dma_wait3A_195 = arith.constant 0 : i32
          %dma_wait3A_196 = arith.constant 0 : i32
          %dma_wait3A_197 = tpu.memref_slice %arg15[%dma_wait3A_195, %dma_wait3A_196] : memref<10000x128xf32, #tpu.memory_space<vmem_shared>> -> memref<10000x128xf32, #tpu.memory_space<vmem_shared>>
          tpu.wait_indirect_dma semaphore(%arg21 : memref<!tpu.dma_semaphore, #tpu.memory_space<semaphore_mem>>) src(%dma_wait3A_191 : memref<64x128xf32, #tpu.memory_space<vmem>>) dst(%dma_wait3A_197 : memref<10000x128xf32, #tpu.memory_space<vmem_shared>>)
        } else {
        }
        %add3A_124 = arith.constant 1 : i32
        %add3A_125 = arith.addi %mul3A_108, %add3A_124 : i32
        %mul3A_126 = arith.constant 16 : i32
        %mul3A_127 = arith.muli %add3A_125, %mul3A_126 : i32
        %dma_start3A_128 = tpu.memref_slice %arg7[%and3A_81, %mul3A_127] : memref<2x128xi32, #tpu.memory_space<vmem>> -> memref<1x16xi32, #tpu.memory_space<vmem>>
        %dma_start3A_129 = tpu.memref_squeeze %dma_start3A_128 : memref<1x16xi32, #tpu.memory_space<vmem>> -> memref<16xi32, #tpu.memory_space<vmem>>
        %dma_start3A_130 = arith.constant 0 : i32
        %dma_start3A_131 = arith.constant 0 : i32
        %dma_start3A_132 = tpu.memref_slice %arg2[%dma_start3A_130, %dma_start3A_131] : memref<10000x384xi32, #tpu.memory_space<hbm>> -> memref<10000x384xi32, #tpu.memory_space<hbm>>
        tpu.enqueue_indirect_dma source(%dma_start3A_132 : memref<10000x384xi32, #tpu.memory_space<hbm>>) target(%arg11 : memref<16x384xi32, #tpu.memory_space<vmem>>) offsets(%dma_start3A_129 : memref<16xi32, #tpu.memory_space<vmem>>) semaphore(%arg17 : memref<!tpu.dma_semaphore, #tpu.memory_space<semaphore_mem>>)
        %lt3A_133 = arith.constant 4 : i32
        %lt3A_134 = arith.cmpi slt, %add3A_125, %lt3A_133 : i32
        %convert_element_type3A_135 = arith.extui %lt3A_134 : i1 to i32
        %cond3A_136 = arith.constant 0 : i32
        %cond3A_137 = arith.cmpi ne, %convert_element_type3A_135, %cond3A_136 : i32
        scf.if %cond3A_137 {
          %mul3A_188 = arith.constant 16 : i32
          %mul3A_189 = arith.muli %add3A_125, %mul3A_188 : i32
          %dma_start3A_190 = tpu.memref_slice %arg8[%and3A_81, %mul3A_189] : memref<2x64xi32, #tpu.memory_space<vmem>> -> memref<1x16xi32, #tpu.memory_space<vmem>>
          %dma_start3A_191 = tpu.memref_squeeze %dma_start3A_190 : memref<1x16xi32, #tpu.memory_space<vmem>> -> memref<16xi32, #tpu.memory_space<vmem>>
          %dma_start3A_192 = arith.constant 0 : i32
          %dma_start3A_193 = arith.constant 0 : i32
          %dma_start3A_194 = tpu.memref_slice %arg3[%dma_start3A_192, %dma_start3A_193] : memref<10000x384xi32, #tpu.memory_space<hbm>> -> memref<10000x384xi32, #tpu.memory_space<hbm>>
          tpu.enqueue_indirect_dma source(%dma_start3A_194 : memref<10000x384xi32, #tpu.memory_space<hbm>>) target(%arg13 : memref<16x384xi32, #tpu.memory_space<vmem>>) offsets(%dma_start3A_191 : memref<16xi32, #tpu.memory_space<vmem>>) semaphore(%arg19 : memref<!tpu.dma_semaphore, #tpu.memory_space<semaphore_mem>>)
        } else {
        }
        %ge3A = arith.constant 4 : i32
        %ge3A_138 = arith.cmpi sge, %add3A_125, %ge3A : i32
        %convert_element_type3A_139 = arith.extui %ge3A_138 : i1 to i32
        %cond3A_140 = arith.constant 0 : i32
        %cond3A_141 = arith.cmpi ne, %convert_element_type3A_139, %cond3A_140 : i32
        scf.if %cond3A_141 {
          %sub3A = arith.constant 4 : i32
          %sub3A_188 = arith.subi %add3A_125, %sub3A : i32
          %mul3A_189 = arith.constant 16 : i32
          %mul3A_190 = arith.muli %sub3A_188, %mul3A_189 : i32
          %dma_start3A_191 = tpu.memref_slice %arg9[%and3A_81, %mul3A_190] : memref<2x64xi32, #tpu.memory_space<vmem>> -> memref<1x16xi32, #tpu.memory_space<vmem>>
          %dma_start3A_192 = tpu.memref_squeeze %dma_start3A_191 : memref<1x16xi32, #tpu.memory_space<vmem>> -> memref<16xi32, #tpu.memory_space<vmem>>
          %dma_start3A_193 = arith.constant 0 : i32
          %dma_start3A_194 = arith.constant 0 : i32
          %dma_start3A_195 = tpu.memref_slice %arg3[%dma_start3A_193, %dma_start3A_194] : memref<10000x384xi32, #tpu.memory_space<hbm>> -> memref<10000x384xi32, #tpu.memory_space<hbm>>
          tpu.enqueue_indirect_dma source(%dma_start3A_195 : memref<10000x384xi32, #tpu.memory_space<hbm>>) target(%arg13 : memref<16x384xi32, #tpu.memory_space<vmem>>) offsets(%dma_start3A_192 : memref<16xi32, #tpu.memory_space<vmem>>) semaphore(%arg19 : memref<!tpu.dma_semaphore, #tpu.memory_space<semaphore_mem>>)
        } else {
        }
        %dma_wait3A_142 = arith.constant 0 : i32
        %dma_wait3A_143 = arith.constant 0 : i32
        %dma_wait3A_144 = tpu.memref_slice %arg7[%dma_wait3A_142, %dma_wait3A_143] : memref<2x128xi32, #tpu.memory_space<vmem>> -> memref<1x16xi32, #tpu.memory_space<vmem>>
        %dma_wait3A_145 = tpu.memref_squeeze %dma_wait3A_144 : memref<1x16xi32, #tpu.memory_space<vmem>> -> memref<16xi32, #tpu.memory_space<vmem>>
        %dma_wait3A_146 = arith.constant 0 : i32
        %dma_wait3A_147 = arith.constant 0 : i32
        %dma_wait3A_148 = tpu.memref_slice %arg2[%dma_wait3A_146, %dma_wait3A_147] : memref<10000x384xi32, #tpu.memory_space<hbm>> -> memref<10000x384xi32, #tpu.memory_space<hbm>>
        tpu.wait_indirect_dma semaphore(%arg16 : memref<!tpu.dma_semaphore, #tpu.memory_space<semaphore_mem>>) src(%dma_wait3A_148 : memref<10000x384xi32, #tpu.memory_space<hbm>>) dst(%arg10 : memref<16x384xi32, #tpu.memory_space<vmem>>)
        %dma_wait3A_149 = arith.constant 0 : i32
        %dma_wait3A_150 = arith.constant 0 : i32
        %dma_wait3A_151 = tpu.memref_slice %arg7[%dma_wait3A_149, %dma_wait3A_150] : memref<2x128xi32, #tpu.memory_space<vmem>> -> memref<1x16xi32, #tpu.memory_space<vmem>>
        %dma_wait3A_152 = tpu.memref_squeeze %dma_wait3A_151 : memref<1x16xi32, #tpu.memory_space<vmem>> -> memref<16xi32, #tpu.memory_space<vmem>>
        %dma_wait3A_153 = arith.constant 0 : i32
        %dma_wait3A_154 = arith.constant 0 : i32
        %dma_wait3A_155 = tpu.memref_slice %arg3[%dma_wait3A_153, %dma_wait3A_154] : memref<10000x384xi32, #tpu.memory_space<hbm>> -> memref<10000x384xi32, #tpu.memory_space<hbm>>
        tpu.wait_indirect_dma semaphore(%arg18 : memref<!tpu.dma_semaphore, #tpu.memory_space<semaphore_mem>>) src(%dma_wait3A_155 : memref<10000x384xi32, #tpu.memory_space<hbm>>) dst(%arg12 : memref<16x384xi32, #tpu.memory_space<vmem>>)
        %parallel_loop3A = arith.constant 0 : i32
        %parallel_loop3A_156 = arith.constant 64 : i32
        %parallel_loop3A_157 = arith.constant 1 : i32
        scf.for %parallel_loop3A_188 = %parallel_loop3A to %parallel_loop3A_156 step %parallel_loop3A_157  : i32 {
          %parallel_loop3A_189 = arith.constant 2 : i32
          %parallel_loop3A_190 = arith.shrui %parallel_loop3A_188, %parallel_loop3A_189 : i32
          %parallel_loop3A_191 = arith.constant 3 : i32
          %parallel_loop3A_192 = arith.andi %parallel_loop3A_188, %parallel_loop3A_191 : i32
          %parallel_loop3A_193 = arith.constant 16 : i32
          %parallel_loop3A_194 = arith.muli %parallel_loop3A_192, %parallel_loop3A_193 : i32
          %parallel_loop3A_195 = arith.constant 0 : i32
          %parallel_loop3A_196 = arith.addi %parallel_loop3A_195, %parallel_loop3A_194 : i32
          %parallel_loop3A_197 = arith.index_cast %parallel_loop3A_190 : i32 to index
          %parallel_loop3A_198 = arith.index_cast %parallel_loop3A_196 : i32 to index
          %parallel_loop3A_199 = tpu.vector_load %arg10[%parallel_loop3A_197, %parallel_loop3A_198] {strides = array<i32>} : memref<16x384xi32, #tpu.memory_space<vmem>>, vector<1x16xi32>,
          %parallel_loop3A_200 = vector.shape_cast %parallel_loop3A_199 : vector<1x16xi32> to vector<16xi32>
          %parallel_loop3A_201 = arith.constant 16 : i32
          %parallel_loop3A_202 = vector.broadcast %parallel_loop3A_201 : i32 to vector<16xi32>
          %parallel_loop3A_203 = arith.shli %parallel_loop3A_200, %parallel_loop3A_202 : vector<16xi32>
          %parallel_loop3A_204 = tpu.bitcast %parallel_loop3A_203 : vector<16xi32> -> vector<16xf32>
          %parallel_loop3A_205 = tpu.bitcast %parallel_loop3A_200 : vector<16xi32> -> vector<16xf32>
          %parallel_loop3A_206 = arith.constant 0 : i32
          %parallel_loop3A_207 = arith.addi %parallel_loop3A_206, %parallel_loop3A_194 : i32
          %parallel_loop3A_208 = arith.index_cast %parallel_loop3A_190 : i32 to index
          %parallel_loop3A_209 = arith.index_cast %parallel_loop3A_207 : i32 to index
          %parallel_loop3A_210 = tpu.vector_load %arg12[%parallel_loop3A_208, %parallel_loop3A_209] {strides = array<i32>} : memref<16x384xi32, #tpu.memory_space<vmem>>, vector<1x16xi32>,
          %parallel_loop3A_211 = vector.shape_cast %parallel_loop3A_210 : vector<1x16xi32> to vector<16xi32>
          %parallel_loop3A_212 = arith.constant 16 : i32
          %parallel_loop3A_213 = vector.broadcast %parallel_loop3A_212 : i32 to vector<16xi32>
          %parallel_loop3A_214 = arith.shli %parallel_loop3A_211, %parallel_loop3A_213 : vector<16xi32>
          %parallel_loop3A_215 = tpu.bitcast %parallel_loop3A_214 : vector<16xi32> -> vector<16xf32>
          %parallel_loop3A_216 = tpu.bitcast %parallel_loop3A_211 : vector<16xi32> -> vector<16xf32>
          %parallel_loop3A_217 = arith.addf %parallel_loop3A_204, %parallel_loop3A_215 : vector<16xf32>
          %parallel_loop3A_218 = arith.addf %parallel_loop3A_205, %parallel_loop3A_216 : vector<16xf32>
          %parallel_loop3A_219 = arith.constant 64 : i32
          %parallel_loop3A_220 = arith.addi %parallel_loop3A_219, %parallel_loop3A_194 : i32
          %parallel_loop3A_221 = arith.index_cast %parallel_loop3A_190 : i32 to index
          %parallel_loop3A_222 = arith.index_cast %parallel_loop3A_220 : i32 to index
          %parallel_loop3A_223 = tpu.vector_load %arg10[%parallel_loop3A_221, %parallel_loop3A_222] {strides = array<i32>} : memref<16x384xi32, #tpu.memory_space<vmem>>, vector<1x16xi32>,
          %parallel_loop3A_224 = vector.shape_cast %parallel_loop3A_223 : vector<1x16xi32> to vector<16xi32>
          %parallel_loop3A_225 = arith.constant 16 : i32
          %parallel_loop3A_226 = vector.broadcast %parallel_loop3A_225 : i32 to vector<16xi32>
          %parallel_loop3A_227 = arith.shli %parallel_loop3A_224, %parallel_loop3A_226 : vector<16xi32>
          %parallel_loop3A_228 = tpu.bitcast %parallel_loop3A_227 : vector<16xi32> -> vector<16xf32>
          %parallel_loop3A_229 = tpu.bitcast %parallel_loop3A_224 : vector<16xi32> -> vector<16xf32>
          %parallel_loop3A_230 = arith.constant 64 : i32
          %parallel_loop3A_231 = arith.addi %parallel_loop3A_230, %parallel_loop3A_194 : i32
          %parallel_loop3A_232 = arith.index_cast %parallel_loop3A_190 : i32 to index
          %parallel_loop3A_233 = arith.index_cast %parallel_loop3A_231 : i32 to index
          %parallel_loop3A_234 = tpu.vector_load %arg12[%parallel_loop3A_232, %parallel_loop3A_233] {strides = array<i32>} : memref<16x384xi32, #tpu.memory_space<vmem>>, vector<1x16xi32>,
          %parallel_loop3A_235 = vector.shape_cast %parallel_loop3A_234 : vector<1x16xi32> to vector<16xi32>
          %parallel_loop3A_236 = arith.constant 16 : i32
          %parallel_loop3A_237 = vector.broadcast %parallel_loop3A_236 : i32 to vector<16xi32>
          %parallel_loop3A_238 = arith.shli %parallel_loop3A_235, %parallel_loop3A_237 : vector<16xi32>
          %parallel_loop3A_239 = tpu.bitcast %parallel_loop3A_238 : vector<16xi32> -> vector<16xf32>
          %parallel_loop3A_240 = tpu.bitcast %parallel_loop3A_235 : vector<16xi32> -> vector<16xf32>
          %parallel_loop3A_241 = arith.addf %parallel_loop3A_228, %parallel_loop3A_239 : vector<16xf32>
          %parallel_loop3A_242 = arith.addf %parallel_loop3A_229, %parallel_loop3A_240 : vector<16xf32>
          %parallel_loop3A_243 = arith.constant 128 : i32
          %parallel_loop3A_244 = arith.addi %parallel_loop3A_243, %parallel_loop3A_194 : i32
          %parallel_loop3A_245 = arith.index_cast %parallel_loop3A_190 : i32 to index
          %parallel_loop3A_246 = arith.index_cast %parallel_loop3A_244 : i32 to index
          %parallel_loop3A_247 = tpu.vector_load %arg10[%parallel_loop3A_245, %parallel_loop3A_246] {strides = array<i32>} : memref<16x384xi32, #tpu.memory_space<vmem>>, vector<1x16xi32>,
          %parallel_loop3A_248 = vector.shape_cast %parallel_loop3A_247 : vector<1x16xi32> to vector<16xi32>
          %parallel_loop3A_249 = arith.constant 16 : i32
          %parallel_loop3A_250 = vector.broadcast %parallel_loop3A_249 : i32 to vector<16xi32>
          %parallel_loop3A_251 = arith.shli %parallel_loop3A_248, %parallel_loop3A_250 : vector<16xi32>
          %parallel_loop3A_252 = tpu.bitcast %parallel_loop3A_251 : vector<16xi32> -> vector<16xf32>
          %parallel_loop3A_253 = tpu.bitcast %parallel_loop3A_248 : vector<16xi32> -> vector<16xf32>
          %parallel_loop3A_254 = arith.constant 128 : i32
          %parallel_loop3A_255 = arith.addi %parallel_loop3A_254, %parallel_loop3A_194 : i32
          %parallel_loop3A_256 = arith.index_cast %parallel_loop3A_190 : i32 to index
          %parallel_loop3A_257 = arith.index_cast %parallel_loop3A_255 : i32 to index
          %parallel_loop3A_258 = tpu.vector_load %arg12[%parallel_loop3A_256, %parallel_loop3A_257] {strides = array<i32>} : memref<16x384xi32, #tpu.memory_space<vmem>>, vector<1x16xi32>,
          %parallel_loop3A_259 = vector.shape_cast %parallel_loop3A_258 : vector<1x16xi32> to vector<16xi32>
          %parallel_loop3A_260 = arith.constant 16 : i32
          %parallel_loop3A_261 = vector.broadcast %parallel_loop3A_260 : i32 to vector<16xi32>
          %parallel_loop3A_262 = arith.shli %parallel_loop3A_259, %parallel_loop3A_261 : vector<16xi32>
          %parallel_loop3A_263 = tpu.bitcast %parallel_loop3A_262 : vector<16xi32> -> vector<16xf32>
          %parallel_loop3A_264 = tpu.bitcast %parallel_loop3A_259 : vector<16xi32> -> vector<16xf32>
          %parallel_loop3A_265 = arith.addf %parallel_loop3A_252, %parallel_loop3A_263 : vector<16xf32>
          %parallel_loop3A_266 = arith.addf %parallel_loop3A_253, %parallel_loop3A_264 : vector<16xf32>
          %parallel_loop3A_267 = arith.constant 192 : i32
          %parallel_loop3A_268 = arith.addi %parallel_loop3A_267, %parallel_loop3A_194 : i32
          %parallel_loop3A_269 = arith.index_cast %parallel_loop3A_190 : i32 to index
          %parallel_loop3A_270 = arith.index_cast %parallel_loop3A_268 : i32 to index
          %parallel_loop3A_271 = tpu.vector_load %arg10[%parallel_loop3A_269, %parallel_loop3A_270] {strides = array<i32>} : memref<16x384xi32, #tpu.memory_space<vmem>>, vector<1x16xi32>,
          %parallel_loop3A_272 = vector.shape_cast %parallel_loop3A_271 : vector<1x16xi32> to vector<16xi32>
          %parallel_loop3A_273 = arith.constant 16 : i32
          %parallel_loop3A_274 = vector.broadcast %parallel_loop3A_273 : i32 to vector<16xi32>
          %parallel_loop3A_275 = arith.shli %parallel_loop3A_272, %parallel_loop3A_274 : vector<16xi32>
          %parallel_loop3A_276 = tpu.bitcast %parallel_loop3A_275 : vector<16xi32> -> vector<16xf32>
          %parallel_loop3A_277 = tpu.bitcast %parallel_loop3A_272 : vector<16xi32> -> vector<16xf32>
          %parallel_loop3A_278 = arith.constant 192 : i32
          %parallel_loop3A_279 = arith.addi %parallel_loop3A_278, %parallel_loop3A_194 : i32
          %parallel_loop3A_280 = arith.index_cast %parallel_loop3A_190 : i32 to index
          %parallel_loop3A_281 = arith.index_cast %parallel_loop3A_279 : i32 to index
          %parallel_loop3A_282 = tpu.vector_load %arg12[%parallel_loop3A_280, %parallel_loop3A_281] {strides = array<i32>} : memref<16x384xi32, #tpu.memory_space<vmem>>, vector<1x16xi32>,
          %parallel_loop3A_283 = vector.shape_cast %parallel_loop3A_282 : vector<1x16xi32> to vector<16xi32>
          %parallel_loop3A_284 = arith.constant 16 : i32
          %parallel_loop3A_285 = vector.broadcast %parallel_loop3A_284 : i32 to vector<16xi32>
          %parallel_loop3A_286 = arith.shli %parallel_loop3A_283, %parallel_loop3A_285 : vector<16xi32>
          %parallel_loop3A_287 = tpu.bitcast %parallel_loop3A_286 : vector<16xi32> -> vector<16xf32>
          %parallel_loop3A_288 = tpu.bitcast %parallel_loop3A_283 : vector<16xi32> -> vector<16xf32>
          %parallel_loop3A_289 = arith.addf %parallel_loop3A_276, %parallel_loop3A_287 : vector<16xf32>
          %parallel_loop3A_290 = arith.addf %parallel_loop3A_277, %parallel_loop3A_288 : vector<16xf32>
          %parallel_loop3A_291 = arith.constant 256 : i32
          %parallel_loop3A_292 = arith.addi %parallel_loop3A_291, %parallel_loop3A_194 : i32
          %parallel_loop3A_293 = arith.index_cast %parallel_loop3A_190 : i32 to index
          %parallel_loop3A_294 = arith.index_cast %parallel_loop3A_292 : i32 to index
          %parallel_loop3A_295 = tpu.vector_load %arg10[%parallel_loop3A_293, %parallel_loop3A_294] {strides = array<i32>} : memref<16x384xi32, #tpu.memory_space<vmem>>, vector<1x16xi32>,
          %parallel_loop3A_296 = vector.shape_cast %parallel_loop3A_295 : vector<1x16xi32> to vector<16xi32>
          %parallel_loop3A_297 = arith.constant 16 : i32
          %parallel_loop3A_298 = vector.broadcast %parallel_loop3A_297 : i32 to vector<16xi32>
          %parallel_loop3A_299 = arith.shli %parallel_loop3A_296, %parallel_loop3A_298 : vector<16xi32>
          %parallel_loop3A_300 = tpu.bitcast %parallel_loop3A_299 : vector<16xi32> -> vector<16xf32>
          %parallel_loop3A_301 = tpu.bitcast %parallel_loop3A_296 : vector<16xi32> -> vector<16xf32>
          %parallel_loop3A_302 = arith.constant 256 : i32
          %parallel_loop3A_303 = arith.addi %parallel_loop3A_302, %parallel_loop3A_194 : i32
          %parallel_loop3A_304 = arith.index_cast %parallel_loop3A_190 : i32 to index
          %parallel_loop3A_305 = arith.index_cast %parallel_loop3A_303 : i32 to index
          %parallel_loop3A_306 = tpu.vector_load %arg12[%parallel_loop3A_304, %parallel_loop3A_305] {strides = array<i32>} : memref<16x384xi32, #tpu.memory_space<vmem>>, vector<1x16xi32>,
          %parallel_loop3A_307 = vector.shape_cast %parallel_loop3A_306 : vector<1x16xi32> to vector<16xi32>
          %parallel_loop3A_308 = arith.constant 16 : i32
          %parallel_loop3A_309 = vector.broadcast %parallel_loop3A_308 : i32 to vector<16xi32>
          %parallel_loop3A_310 = arith.shli %parallel_loop3A_307, %parallel_loop3A_309 : vector<16xi32>
          %parallel_loop3A_311 = tpu.bitcast %parallel_loop3A_310 : vector<16xi32> -> vector<16xf32>
          %parallel_loop3A_312 = tpu.bitcast %parallel_loop3A_307 : vector<16xi32> -> vector<16xf32>
          %parallel_loop3A_313 = arith.addf %parallel_loop3A_300, %parallel_loop3A_311 : vector<16xf32>
          %parallel_loop3A_314 = arith.addf %parallel_loop3A_301, %parallel_loop3A_312 : vector<16xf32>
          %parallel_loop3A_315 = arith.constant 320 : i32
          %parallel_loop3A_316 = arith.addi %parallel_loop3A_315, %parallel_loop3A_194 : i32
          %parallel_loop3A_317 = arith.index_cast %parallel_loop3A_190 : i32 to index
          %parallel_loop3A_318 = arith.index_cast %parallel_loop3A_316 : i32 to index
          %parallel_loop3A_319 = tpu.vector_load %arg10[%parallel_loop3A_317, %parallel_loop3A_318] {strides = array<i32>} : memref<16x384xi32, #tpu.memory_space<vmem>>, vector<1x16xi32>,
          %parallel_loop3A_320 = vector.shape_cast %parallel_loop3A_319 : vector<1x16xi32> to vector<16xi32>
          %parallel_loop3A_321 = arith.constant 16 : i32
          %parallel_loop3A_322 = vector.broadcast %parallel_loop3A_321 : i32 to vector<16xi32>
          %parallel_loop3A_323 = arith.shli %parallel_loop3A_320, %parallel_loop3A_322 : vector<16xi32>
          %parallel_loop3A_324 = tpu.bitcast %parallel_loop3A_323 : vector<16xi32> -> vector<16xf32>
          %parallel_loop3A_325 = tpu.bitcast %parallel_loop3A_320 : vector<16xi32> -> vector<16xf32>
          %parallel_loop3A_326 = arith.constant 320 : i32
          %parallel_loop3A_327 = arith.addi %parallel_loop3A_326, %parallel_loop3A_194 : i32
          %parallel_loop3A_328 = arith.index_cast %parallel_loop3A_190 : i32 to index
          %parallel_loop3A_329 = arith.index_cast %parallel_loop3A_327 : i32 to index
          %parallel_loop3A_330 = tpu.vector_load %arg12[%parallel_loop3A_328, %parallel_loop3A_329] {strides = array<i32>} : memref<16x384xi32, #tpu.memory_space<vmem>>, vector<1x16xi32>,
          %parallel_loop3A_331 = vector.shape_cast %parallel_loop3A_330 : vector<1x16xi32> to vector<16xi32>
          %parallel_loop3A_332 = arith.constant 16 : i32
          %parallel_loop3A_333 = vector.broadcast %parallel_loop3A_332 : i32 to vector<16xi32>
          %parallel_loop3A_334 = arith.shli %parallel_loop3A_331, %parallel_loop3A_333 : vector<16xi32>
          %parallel_loop3A_335 = tpu.bitcast %parallel_loop3A_334 : vector<16xi32> -> vector<16xf32>
          %parallel_loop3A_336 = tpu.bitcast %parallel_loop3A_331 : vector<16xi32> -> vector<16xf32>
          %parallel_loop3A_337 = arith.constant 16 : i32
          %parallel_loop3A_338 = arith.muli %parallel_loop3A_192, %parallel_loop3A_337 : i32
          %parallel_loop3A_339 = arith.constant 0 : i32
          %parallel_loop3A_340 = arith.addi %parallel_loop3A_338, %parallel_loop3A_339 : i32
          %parallel_loop3A_341 = math.exp %parallel_loop3A_217 : vector<16xf32>
          %parallel_loop3A_342 = arith.constant 1.000000e+00 : f32
          %parallel_loop3A_343 = vector.broadcast %parallel_loop3A_342 : f32 to vector<16xf32>
          %parallel_loop3A_344 = arith.addf %parallel_loop3A_343, %parallel_loop3A_341 : vector<16xf32>
          %parallel_loop3A_345 = arith.constant 1.000000e+00 : f32
          %parallel_loop3A_346 = vector.broadcast %parallel_loop3A_345 : f32 to vector<16xf32>
          %parallel_loop3A_347 = arith.divf %parallel_loop3A_346, %parallel_loop3A_344 : vector<16xf32>
          %parallel_loop3A_348 = math.exp %parallel_loop3A_241 : vector<16xf32>
          %parallel_loop3A_349 = arith.constant 1.000000e+00 : f32
          %parallel_loop3A_350 = vector.broadcast %parallel_loop3A_349 : f32 to vector<16xf32>
          %parallel_loop3A_351 = arith.addf %parallel_loop3A_350, %parallel_loop3A_348 : vector<16xf32>
          %parallel_loop3A_352 = arith.constant 1.000000e+00 : f32
          %parallel_loop3A_353 = vector.broadcast %parallel_loop3A_352 : f32 to vector<16xf32>
          %parallel_loop3A_354 = arith.divf %parallel_loop3A_353, %parallel_loop3A_351 : vector<16xf32>
          %parallel_loop3A_355 = math.exp %parallel_loop3A_265 : vector<16xf32>
          %parallel_loop3A_356 = arith.constant 1.000000e+00 : f32
          %parallel_loop3A_357 = vector.broadcast %parallel_loop3A_356 : f32 to vector<16xf32>
          %parallel_loop3A_358 = arith.addf %parallel_loop3A_357, %parallel_loop3A_355 : vector<16xf32>
          %parallel_loop3A_359 = arith.constant 4.000000e+00 : f32
          %parallel_loop3A_360 = vector.broadcast %parallel_loop3A_359 : f32 to vector<16xf32>
          %parallel_loop3A_361 = arith.divf %parallel_loop3A_360, %parallel_loop3A_358 : vector<16xf32>
          %parallel_loop3A_362 = arith.constant 2.000000e+00 : f32
          %parallel_loop3A_363 = vector.broadcast %parallel_loop3A_362 : f32 to vector<16xf32>
          %parallel_loop3A_364 = arith.subf %parallel_loop3A_363, %parallel_loop3A_361 : vector<16xf32>
          %parallel_loop3A_365 = math.exp %parallel_loop3A_289 : vector<16xf32>
          %parallel_loop3A_366 = arith.constant 1.000000e+00 : f32
          %parallel_loop3A_367 = vector.broadcast %parallel_loop3A_366 : f32 to vector<16xf32>
          %parallel_loop3A_368 = arith.addf %parallel_loop3A_367, %parallel_loop3A_365 : vector<16xf32>
          %parallel_loop3A_369 = arith.constant 1.000000e+00 : f32
          %parallel_loop3A_370 = vector.broadcast %parallel_loop3A_369 : f32 to vector<16xf32>
          %parallel_loop3A_371 = arith.divf %parallel_loop3A_370, %parallel_loop3A_368 : vector<16xf32>
          %parallel_loop3A_372 = math.exp %parallel_loop3A_313 : vector<16xf32>
          %parallel_loop3A_373 = arith.constant 1.000000e+00 : f32
          %parallel_loop3A_374 = vector.broadcast %parallel_loop3A_373 : f32 to vector<16xf32>
          %parallel_loop3A_375 = arith.addf %parallel_loop3A_374, %parallel_loop3A_372 : vector<16xf32>
          %parallel_loop3A_376 = arith.constant 1.000000e+00 : f32
          %parallel_loop3A_377 = vector.broadcast %parallel_loop3A_376 : f32 to vector<16xf32>
          %parallel_loop3A_378 = arith.divf %parallel_loop3A_377, %parallel_loop3A_375 : vector<16xf32>
          %parallel_loop3A_379 = arith.mulf %parallel_loop3A_347, %parallel_loop3A_364 : vector<16xf32>
          %parallel_loop3A_380 = arith.mulf %parallel_loop3A_371, %parallel_loop3A_324 : vector<16xf32>
          %parallel_loop3A_381 = arith.addf %parallel_loop3A_379, %parallel_loop3A_380 : vector<16xf32>
          %parallel_loop3A_382 = arith.mulf %parallel_loop3A_378, %parallel_loop3A_335 : vector<16xf32>
          %parallel_loop3A_383 = arith.addf %parallel_loop3A_381, %parallel_loop3A_382 : vector<16xf32>
          %parallel_loop3A_384 = math.exp %parallel_loop3A_383 : vector<16xf32>
          %parallel_loop3A_385 = arith.constant 1.000000e+00 : f32
          %parallel_loop3A_386 = vector.broadcast %parallel_loop3A_385 : f32 to vector<16xf32>
          %parallel_loop3A_387 = arith.addf %parallel_loop3A_386, %parallel_loop3A_384 : vector<16xf32>
          %parallel_loop3A_388 = arith.constant 2.000000e+00 : f32
          %parallel_loop3A_389 = vector.broadcast %parallel_loop3A_388 : f32 to vector<16xf32>
          %parallel_loop3A_390 = arith.divf %parallel_loop3A_389, %parallel_loop3A_387 : vector<16xf32>
          %parallel_loop3A_391 = arith.constant 1.000000e+00 : f32
          %parallel_loop3A_392 = vector.broadcast %parallel_loop3A_391 : f32 to vector<16xf32>
          %parallel_loop3A_393 = arith.subf %parallel_loop3A_390, %parallel_loop3A_392 : vector<16xf32>
          %parallel_loop3A_394 = arith.mulf %parallel_loop3A_354, %parallel_loop3A_393 : vector<16xf32>
          %parallel_loop3A_395 = arith.constant 16 : i32
          %parallel_loop3A_396 = arith.muli %mul3A_108, %parallel_loop3A_395 : i32
          %parallel_loop3A_397 = arith.addi %parallel_loop3A_396, %parallel_loop3A_190 : i32
          %parallel_loop3A_398 = arith.index_cast %parallel_loop3A_397 : i32 to index
          %parallel_loop3A_399 = arith.index_cast %parallel_loop3A_340 : i32 to index
          %parallel_loop3A_400 = tpu.vector_load %arg14[%parallel_loop3A_398, %parallel_loop3A_399] {strides = array<i32>} : memref<128x128xf32, #tpu.memory_space<vmem>>, vector<1x16xf32>,
          %parallel_loop3A_401 = vector.shape_cast %parallel_loop3A_400 : vector<1x16xf32> to vector<16xf32>
          %parallel_loop3A_402 = vector.shape_cast %parallel_loop3A_394 : vector<16xf32> to vector<1x16xf32>
          tpu.vector_store %arg14[%parallel_loop3A_398, %parallel_loop3A_399], %parallel_loop3A_402 {strides = array<i32>} : memref<128x128xf32, #tpu.memory_space<vmem>>, vector<1x16xf32>,
          %parallel_loop3A_403 = arith.constant 16 : i32
          %parallel_loop3A_404 = arith.muli %parallel_loop3A_192, %parallel_loop3A_403 : i32
          %parallel_loop3A_405 = arith.constant 64 : i32
          %parallel_loop3A_406 = arith.addi %parallel_loop3A_404, %parallel_loop3A_405 : i32
          %parallel_loop3A_407 = math.exp %parallel_loop3A_218 : vector<16xf32>
          %parallel_loop3A_408 = arith.constant 1.000000e+00 : f32
          %parallel_loop3A_409 = vector.broadcast %parallel_loop3A_408 : f32 to vector<16xf32>
          %parallel_loop3A_410 = arith.addf %parallel_loop3A_409, %parallel_loop3A_407 : vector<16xf32>
          %parallel_loop3A_411 = arith.constant 1.000000e+00 : f32
          %parallel_loop3A_412 = vector.broadcast %parallel_loop3A_411 : f32 to vector<16xf32>
          %parallel_loop3A_413 = arith.divf %parallel_loop3A_412, %parallel_loop3A_410 : vector<16xf32>
          %parallel_loop3A_414 = math.exp %parallel_loop3A_242 : vector<16xf32>
          %parallel_loop3A_415 = arith.constant 1.000000e+00 : f32
          %parallel_loop3A_416 = vector.broadcast %parallel_loop3A_415 : f32 to vector<16xf32>
          %parallel_loop3A_417 = arith.addf %parallel_loop3A_416, %parallel_loop3A_414 : vector<16xf32>
          %parallel_loop3A_418 = arith.constant 1.000000e+00 : f32
          %parallel_loop3A_419 = vector.broadcast %parallel_loop3A_418 : f32 to vector<16xf32>
          %parallel_loop3A_420 = arith.divf %parallel_loop3A_419, %parallel_loop3A_417 : vector<16xf32>
          %parallel_loop3A_421 = math.exp %parallel_loop3A_266 : vector<16xf32>
          %parallel_loop3A_422 = arith.constant 1.000000e+00 : f32
          %parallel_loop3A_423 = vector.broadcast %parallel_loop3A_422 : f32 to vector<16xf32>
          %parallel_loop3A_424 = arith.addf %parallel_loop3A_423, %parallel_loop3A_421 : vector<16xf32>
          %parallel_loop3A_425 = arith.constant 4.000000e+00 : f32
          %parallel_loop3A_426 = vector.broadcast %parallel_loop3A_425 : f32 to vector<16xf32>
          %parallel_loop3A_427 = arith.divf %parallel_loop3A_426, %parallel_loop3A_424 : vector<16xf32>
          %parallel_loop3A_428 = arith.constant 2.000000e+00 : f32
          %parallel_loop3A_429 = vector.broadcast %parallel_loop3A_428 : f32 to vector<16xf32>
          %parallel_loop3A_430 = arith.subf %parallel_loop3A_429, %parallel_loop3A_427 : vector<16xf32>
          %parallel_loop3A_431 = math.exp %parallel_loop3A_290 : vector<16xf32>
          %parallel_loop3A_432 = arith.constant 1.000000e+00 : f32
          %parallel_loop3A_433 = vector.broadcast %parallel_loop3A_432 : f32 to vector<16xf32>
          %parallel_loop3A_434 = arith.addf %parallel_loop3A_433, %parallel_loop3A_431 : vector<16xf32>
          %parallel_loop3A_435 = arith.constant 1.000000e+00 : f32
          %parallel_loop3A_436 = vector.broadcast %parallel_loop3A_435 : f32 to vector<16xf32>
          %parallel_loop3A_437 = arith.divf %parallel_loop3A_436, %parallel_loop3A_434 : vector<16xf32>
          %parallel_loop3A_438 = math.exp %parallel_loop3A_314 : vector<16xf32>
          %parallel_loop3A_439 = arith.constant 1.000000e+00 : f32
          %parallel_loop3A_440 = vector.broadcast %parallel_loop3A_439 : f32 to vector<16xf32>
          %parallel_loop3A_441 = arith.addf %parallel_loop3A_440, %parallel_loop3A_438 : vector<16xf32>
          %parallel_loop3A_442 = arith.constant 1.000000e+00 : f32
          %parallel_loop3A_443 = vector.broadcast %parallel_loop3A_442 : f32 to vector<16xf32>
          %parallel_loop3A_444 = arith.divf %parallel_loop3A_443, %parallel_loop3A_441 : vector<16xf32>
          %parallel_loop3A_445 = arith.mulf %parallel_loop3A_413, %parallel_loop3A_430 : vector<16xf32>
          %parallel_loop3A_446 = arith.mulf %parallel_loop3A_437, %parallel_loop3A_325 : vector<16xf32>
          %parallel_loop3A_447 = arith.addf %parallel_loop3A_445, %parallel_loop3A_446 : vector<16xf32>
          %parallel_loop3A_448 = arith.mulf %parallel_loop3A_444, %parallel_loop3A_336 : vector<16xf32>
          %parallel_loop3A_449 = arith.addf %parallel_loop3A_447, %parallel_loop3A_448 : vector<16xf32>
          %parallel_loop3A_450 = math.exp %parallel_loop3A_449 : vector<16xf32>
          %parallel_loop3A_451 = arith.constant 1.000000e+00 : f32
          %parallel_loop3A_452 = vector.broadcast %parallel_loop3A_451 : f32 to vector<16xf32>
          %parallel_loop3A_453 = arith.addf %parallel_loop3A_452, %parallel_loop3A_450 : vector<16xf32>
          %parallel_loop3A_454 = arith.constant 2.000000e+00 : f32
          %parallel_loop3A_455 = vector.broadcast %parallel_loop3A_454 : f32 to vector<16xf32>
          %parallel_loop3A_456 = arith.divf %parallel_loop3A_455, %parallel_loop3A_453 : vector<16xf32>
          %parallel_loop3A_457 = arith.constant 1.000000e+00 : f32
          %parallel_loop3A_458 = vector.broadcast %parallel_loop3A_457 : f32 to vector<16xf32>
          %parallel_loop3A_459 = arith.subf %parallel_loop3A_456, %parallel_loop3A_458 : vector<16xf32>
          %parallel_loop3A_460 = arith.mulf %parallel_loop3A_420, %parallel_loop3A_459 : vector<16xf32>
          %parallel_loop3A_461 = arith.constant 16 : i32
          %parallel_loop3A_462 = arith.muli %mul3A_108, %parallel_loop3A_461 : i32
          %parallel_loop3A_463 = arith.addi %parallel_loop3A_462, %parallel_loop3A_190 : i32
          %parallel_loop3A_464 = arith.index_cast %parallel_loop3A_463 : i32 to index
          %parallel_loop3A_465 = arith.index_cast %parallel_loop3A_406 : i32 to index
          %parallel_loop3A_466 = tpu.vector_load %arg14[%parallel_loop3A_464, %parallel_loop3A_465] {strides = array<i32>} : memref<128x128xf32, #tpu.memory_space<vmem>>, vector<1x16xf32>,
          %parallel_loop3A_467 = vector.shape_cast %parallel_loop3A_466 : vector<1x16xf32> to vector<16xf32>
          %parallel_loop3A_468 = vector.shape_cast %parallel_loop3A_460 : vector<16xf32> to vector<1x16xf32>
          tpu.vector_store %arg14[%parallel_loop3A_464, %parallel_loop3A_465], %parallel_loop3A_468 {strides = array<i32>} : memref<128x128xf32, #tpu.memory_space<vmem>>, vector<1x16xf32>,
        } {sc.loop_unroll_factor = 2 : i64, sc.parallel_access}
        %lt3A_158 = arith.constant 3 : i32
        %lt3A_159 = arith.cmpi slt, %scan3A_105, %lt3A_158 : i32
        %convert_element_type3A_160 = arith.extui %lt3A_159 : i1 to i32
        %cond3A_161 = arith.constant 0 : i32
        %cond3A_162 = arith.cmpi ne, %convert_element_type3A_160, %cond3A_161 : i32
        scf.if %cond3A_162 {
          %add3A_188 = arith.constant 2 : i32
          %add3A_189 = arith.addi %mul3A_108, %add3A_188 : i32
          %mul3A_190 = arith.constant 16 : i32
          %mul3A_191 = arith.muli %add3A_189, %mul3A_190 : i32
          %dma_start3A_192 = tpu.memref_slice %arg7[%and3A_81, %mul3A_191] : memref<2x128xi32, #tpu.memory_space<vmem>> -> memref<1x16xi32, #tpu.memory_space<vmem>>
          %dma_start3A_193 = tpu.memref_squeeze %dma_start3A_192 : memref<1x16xi32, #tpu.memory_space<vmem>> -> memref<16xi32, #tpu.memory_space<vmem>>
          %dma_start3A_194 = arith.constant 0 : i32
          %dma_start3A_195 = arith.constant 0 : i32
          %dma_start3A_196 = tpu.memref_slice %arg2[%dma_start3A_194, %dma_start3A_195] : memref<10000x384xi32, #tpu.memory_space<hbm>> -> memref<10000x384xi32, #tpu.memory_space<hbm>>
          tpu.enqueue_indirect_dma source(%dma_start3A_196 : memref<10000x384xi32, #tpu.memory_space<hbm>>) target(%arg10 : memref<16x384xi32, #tpu.memory_space<vmem>>) offsets(%dma_start3A_193 : memref<16xi32, #tpu.memory_space<vmem>>) semaphore(%arg16 : memref<!tpu.dma_semaphore, #tpu.memory_space<semaphore_mem>>)
          %lt3A_197 = arith.constant 4 : i32
          %lt3A_198 = arith.cmpi slt, %add3A_189, %lt3A_197 : i32
          %convert_element_type3A_199 = arith.extui %lt3A_198 : i1 to i32
          %cond3A_200 = arith.constant 0 : i32
          %cond3A_201 = arith.cmpi ne, %convert_element_type3A_199, %cond3A_200 : i32
          scf.if %cond3A_201 {
            %mul3A_207 = arith.constant 16 : i32
            %mul3A_208 = arith.muli %add3A_189, %mul3A_207 : i32
            %dma_start3A_209 = tpu.memref_slice %arg8[%and3A_81, %mul3A_208] : memref<2x64xi32, #tpu.memory_space<vmem>> -> memref<1x16xi32, #tpu.memory_space<vmem>>
            %dma_start3A_210 = tpu.memref_squeeze %dma_start3A_209 : memref<1x16xi32, #tpu.memory_space<vmem>> -> memref<16xi32, #tpu.memory_space<vmem>>
            %dma_start3A_211 = arith.constant 0 : i32
            %dma_start3A_212 = arith.constant 0 : i32
            %dma_start3A_213 = tpu.memref_slice %arg3[%dma_start3A_211, %dma_start3A_212] : memref<10000x384xi32, #tpu.memory_space<hbm>> -> memref<10000x384xi32, #tpu.memory_space<hbm>>
            tpu.enqueue_indirect_dma source(%dma_start3A_213 : memref<10000x384xi32, #tpu.memory_space<hbm>>) target(%arg12 : memref<16x384xi32, #tpu.memory_space<vmem>>) offsets(%dma_start3A_210 : memref<16xi32, #tpu.memory_space<vmem>>) semaphore(%arg18 : memref<!tpu.dma_semaphore, #tpu.memory_space<semaphore_mem>>)
          } else {
          }
          %ge3A_202 = arith.constant 4 : i32
          %ge3A_203 = arith.cmpi sge, %add3A_189, %ge3A_202 : i32
          %convert_element_type3A_204 = arith.extui %ge3A_203 : i1 to i32
          %cond3A_205 = arith.constant 0 : i32
          %cond3A_206 = arith.cmpi ne, %convert_element_type3A_204, %cond3A_205 : i32
          scf.if %cond3A_206 {
            %sub3A = arith.constant 4 : i32
            %sub3A_207 = arith.subi %add3A_189, %sub3A : i32
            %mul3A_208 = arith.constant 16 : i32
            %mul3A_209 = arith.muli %sub3A_207, %mul3A_208 : i32
            %dma_start3A_210 = tpu.memref_slice %arg9[%and3A_81, %mul3A_209] : memref<2x64xi32, #tpu.memory_space<vmem>> -> memref<1x16xi32, #tpu.memory_space<vmem>>
            %dma_start3A_211 = tpu.memref_squeeze %dma_start3A_210 : memref<1x16xi32, #tpu.memory_space<vmem>> -> memref<16xi32, #tpu.memory_space<vmem>>
            %dma_start3A_212 = arith.constant 0 : i32
            %dma_start3A_213 = arith.constant 0 : i32
            %dma_start3A_214 = tpu.memref_slice %arg3[%dma_start3A_212, %dma_start3A_213] : memref<10000x384xi32, #tpu.memory_space<hbm>> -> memref<10000x384xi32, #tpu.memory_space<hbm>>
            tpu.enqueue_indirect_dma source(%dma_start3A_214 : memref<10000x384xi32, #tpu.memory_space<hbm>>) target(%arg12 : memref<16x384xi32, #tpu.memory_space<vmem>>) offsets(%dma_start3A_211 : memref<16xi32, #tpu.memory_space<vmem>>) semaphore(%arg18 : memref<!tpu.dma_semaphore, #tpu.memory_space<semaphore_mem>>)
          } else {
          }
        } else {
        }
        %dma_wait3A_163 = arith.constant 0 : i32
        %dma_wait3A_164 = arith.constant 0 : i32
        %dma_wait3A_165 = tpu.memref_slice %arg7[%dma_wait3A_163, %dma_wait3A_164] : memref<2x128xi32, #tpu.memory_space<vmem>> -> memref<1x16xi32, #tpu.memory_space<vmem>>
        %dma_wait3A_166 = tpu.memref_squeeze %dma_wait3A_165 : memref<1x16xi32, #tpu.memory_space<vmem>> -> memref<16xi32, #tpu.memory_space<vmem>>
        %dma_wait3A_167 = arith.constant 0 : i32
        %dma_wait3A_168 = arith.constant 0 : i32
        %dma_wait3A_169 = tpu.memref_slice %arg2[%dma_wait3A_167, %dma_wait3A_168] : memref<10000x384xi32, #tpu.memory_space<hbm>> -> memref<10000x384xi32, #tpu.memory_space<hbm>>
        tpu.wait_indirect_dma semaphore(%arg17 : memref<!tpu.dma_semaphore, #tpu.memory_space<semaphore_mem>>) src(%dma_wait3A_169 : memref<10000x384xi32, #tpu.memory_space<hbm>>) dst(%arg11 : memref<16x384xi32, #tpu.memory_space<vmem>>)
        %dma_wait3A_170 = arith.constant 0 : i32
        %dma_wait3A_171 = arith.constant 0 : i32
        %dma_wait3A_172 = tpu.memref_slice %arg7[%dma_wait3A_170, %dma_wait3A_171] : memref<2x128xi32, #tpu.memory_space<vmem>> -> memref<1x16xi32, #tpu.memory_space<vmem>>
        %dma_wait3A_173 = tpu.memref_squeeze %dma_wait3A_172 : memref<1x16xi32, #tpu.memory_space<vmem>> -> memref<16xi32, #tpu.memory_space<vmem>>
        %dma_wait3A_174 = arith.constant 0 : i32
        %dma_wait3A_175 = arith.constant 0 : i32
        %dma_wait3A_176 = tpu.memref_slice %arg3[%dma_wait3A_174, %dma_wait3A_175] : memref<10000x384xi32, #tpu.memory_space<hbm>> -> memref<10000x384xi32, #tpu.memory_space<hbm>>
        tpu.wait_indirect_dma semaphore(%arg19 : memref<!tpu.dma_semaphore, #tpu.memory_space<semaphore_mem>>) src(%dma_wait3A_176 : memref<10000x384xi32, #tpu.memory_space<hbm>>) dst(%arg13 : memref<16x384xi32, #tpu.memory_space<vmem>>)
        %add3A_177 = arith.constant 1 : i32
        %add3A_178 = arith.addi %mul3A_108, %add3A_177 : i32
        %parallel_loop3A_179 = arith.constant 0 : i32
        %parallel_loop3A_180 = arith.constant 64 : i32
        %parallel_loop3A_181 = arith.constant 1 : i32
        scf.for %parallel_loop3A_188 = %parallel_loop3A_179 to %parallel_loop3A_180 step %parallel_loop3A_181  : i32 {
          %parallel_loop3A_189 = arith.constant 2 : i32
          %parallel_loop3A_190 = arith.shrui %parallel_loop3A_188, %parallel_loop3A_189 : i32
          %parallel_loop3A_191 = arith.constant 3 : i32
          %parallel_loop3A_192 = arith.andi %parallel_loop3A_188, %parallel_loop3A_191 : i32
          %parallel_loop3A_193 = arith.constant 16 : i32
          %parallel_loop3A_194 = arith.muli %parallel_loop3A_192, %parallel_loop3A_193 : i32
          %parallel_loop3A_195 = arith.constant 0 : i32
          %parallel_loop3A_196 = arith.addi %parallel_loop3A_195, %parallel_loop3A_194 : i32
          %parallel_loop3A_197 = arith.index_cast %parallel_loop3A_190 : i32 to index
          %parallel_loop3A_198 = arith.index_cast %parallel_loop3A_196 : i32 to index
          %parallel_loop3A_199 = tpu.vector_load %arg11[%parallel_loop3A_197, %parallel_loop3A_198] {strides = array<i32>} : memref<16x384xi32, #tpu.memory_space<vmem>>, vector<1x16xi32>,
          %parallel_loop3A_200 = vector.shape_cast %parallel_loop3A_199 : vector<1x16xi32> to vector<16xi32>
          %parallel_loop3A_201 = arith.constant 16 : i32
          %parallel_loop3A_202 = vector.broadcast %parallel_loop3A_201 : i32 to vector<16xi32>
          %parallel_loop3A_203 = arith.shli %parallel_loop3A_200, %parallel_loop3A_202 : vector<16xi32>
          %parallel_loop3A_204 = tpu.bitcast %parallel_loop3A_203 : vector<16xi32> -> vector<16xf32>
          %parallel_loop3A_205 = tpu.bitcast %parallel_loop3A_200 : vector<16xi32> -> vector<16xf32>
          %parallel_loop3A_206 = arith.constant 0 : i32
          %parallel_loop3A_207 = arith.addi %parallel_loop3A_206, %parallel_loop3A_194 : i32
          %parallel_loop3A_208 = arith.index_cast %parallel_loop3A_190 : i32 to index
          %parallel_loop3A_209 = arith.index_cast %parallel_loop3A_207 : i32 to index
          %parallel_loop3A_210 = tpu.vector_load %arg13[%parallel_loop3A_208, %parallel_loop3A_209] {strides = array<i32>} : memref<16x384xi32, #tpu.memory_space<vmem>>, vector<1x16xi32>,
          %parallel_loop3A_211 = vector.shape_cast %parallel_loop3A_210 : vector<1x16xi32> to vector<16xi32>
          %parallel_loop3A_212 = arith.constant 16 : i32
          %parallel_loop3A_213 = vector.broadcast %parallel_loop3A_212 : i32 to vector<16xi32>
          %parallel_loop3A_214 = arith.shli %parallel_loop3A_211, %parallel_loop3A_213 : vector<16xi32>
          %parallel_loop3A_215 = tpu.bitcast %parallel_loop3A_214 : vector<16xi32> -> vector<16xf32>
          %parallel_loop3A_216 = tpu.bitcast %parallel_loop3A_211 : vector<16xi32> -> vector<16xf32>
          %parallel_loop3A_217 = arith.addf %parallel_loop3A_204, %parallel_loop3A_215 : vector<16xf32>
          %parallel_loop3A_218 = arith.addf %parallel_loop3A_205, %parallel_loop3A_216 : vector<16xf32>
          %parallel_loop3A_219 = arith.constant 64 : i32
          %parallel_loop3A_220 = arith.addi %parallel_loop3A_219, %parallel_loop3A_194 : i32
          %parallel_loop3A_221 = arith.index_cast %parallel_loop3A_190 : i32 to index
          %parallel_loop3A_222 = arith.index_cast %parallel_loop3A_220 : i32 to index
          %parallel_loop3A_223 = tpu.vector_load %arg11[%parallel_loop3A_221, %parallel_loop3A_222] {strides = array<i32>} : memref<16x384xi32, #tpu.memory_space<vmem>>, vector<1x16xi32>,
          %parallel_loop3A_224 = vector.shape_cast %parallel_loop3A_223 : vector<1x16xi32> to vector<16xi32>
          %parallel_loop3A_225 = arith.constant 16 : i32
          %parallel_loop3A_226 = vector.broadcast %parallel_loop3A_225 : i32 to vector<16xi32>
          %parallel_loop3A_227 = arith.shli %parallel_loop3A_224, %parallel_loop3A_226 : vector<16xi32>
          %parallel_loop3A_228 = tpu.bitcast %parallel_loop3A_227 : vector<16xi32> -> vector<16xf32>
          %parallel_loop3A_229 = tpu.bitcast %parallel_loop3A_224 : vector<16xi32> -> vector<16xf32>
          %parallel_loop3A_230 = arith.constant 64 : i32
          %parallel_loop3A_231 = arith.addi %parallel_loop3A_230, %parallel_loop3A_194 : i32
          %parallel_loop3A_232 = arith.index_cast %parallel_loop3A_190 : i32 to index
          %parallel_loop3A_233 = arith.index_cast %parallel_loop3A_231 : i32 to index
          %parallel_loop3A_234 = tpu.vector_load %arg13[%parallel_loop3A_232, %parallel_loop3A_233] {strides = array<i32>} : memref<16x384xi32, #tpu.memory_space<vmem>>, vector<1x16xi32>,
          %parallel_loop3A_235 = vector.shape_cast %parallel_loop3A_234 : vector<1x16xi32> to vector<16xi32>
          %parallel_loop3A_236 = arith.constant 16 : i32
          %parallel_loop3A_237 = vector.broadcast %parallel_loop3A_236 : i32 to vector<16xi32>
          %parallel_loop3A_238 = arith.shli %parallel_loop3A_235, %parallel_loop3A_237 : vector<16xi32>
          %parallel_loop3A_239 = tpu.bitcast %parallel_loop3A_238 : vector<16xi32> -> vector<16xf32>
          %parallel_loop3A_240 = tpu.bitcast %parallel_loop3A_235 : vector<16xi32> -> vector<16xf32>
          %parallel_loop3A_241 = arith.addf %parallel_loop3A_228, %parallel_loop3A_239 : vector<16xf32>
          %parallel_loop3A_242 = arith.addf %parallel_loop3A_229, %parallel_loop3A_240 : vector<16xf32>
          %parallel_loop3A_243 = arith.constant 128 : i32
          %parallel_loop3A_244 = arith.addi %parallel_loop3A_243, %parallel_loop3A_194 : i32
          %parallel_loop3A_245 = arith.index_cast %parallel_loop3A_190 : i32 to index
          %parallel_loop3A_246 = arith.index_cast %parallel_loop3A_244 : i32 to index
          %parallel_loop3A_247 = tpu.vector_load %arg11[%parallel_loop3A_245, %parallel_loop3A_246] {strides = array<i32>} : memref<16x384xi32, #tpu.memory_space<vmem>>, vector<1x16xi32>,
          %parallel_loop3A_248 = vector.shape_cast %parallel_loop3A_247 : vector<1x16xi32> to vector<16xi32>
          %parallel_loop3A_249 = arith.constant 16 : i32
          %parallel_loop3A_250 = vector.broadcast %parallel_loop3A_249 : i32 to vector<16xi32>
          %parallel_loop3A_251 = arith.shli %parallel_loop3A_248, %parallel_loop3A_250 : vector<16xi32>
          %parallel_loop3A_252 = tpu.bitcast %parallel_loop3A_251 : vector<16xi32> -> vector<16xf32>
          %parallel_loop3A_253 = tpu.bitcast %parallel_loop3A_248 : vector<16xi32> -> vector<16xf32>
          %parallel_loop3A_254 = arith.constant 128 : i32
          %parallel_loop3A_255 = arith.addi %parallel_loop3A_254, %parallel_loop3A_194 : i32
          %parallel_loop3A_256 = arith.index_cast %parallel_loop3A_190 : i32 to index
          %parallel_loop3A_257 = arith.index_cast %parallel_loop3A_255 : i32 to index
          %parallel_loop3A_258 = tpu.vector_load %arg13[%parallel_loop3A_256, %parallel_loop3A_257] {strides = array<i32>} : memref<16x384xi32, #tpu.memory_space<vmem>>, vector<1x16xi32>,
          %parallel_loop3A_259 = vector.shape_cast %parallel_loop3A_258 : vector<1x16xi32> to vector<16xi32>
          %parallel_loop3A_260 = arith.constant 16 : i32
          %parallel_loop3A_261 = vector.broadcast %parallel_loop3A_260 : i32 to vector<16xi32>
          %parallel_loop3A_262 = arith.shli %parallel_loop3A_259, %parallel_loop3A_261 : vector<16xi32>
          %parallel_loop3A_263 = tpu.bitcast %parallel_loop3A_262 : vector<16xi32> -> vector<16xf32>
          %parallel_loop3A_264 = tpu.bitcast %parallel_loop3A_259 : vector<16xi32> -> vector<16xf32>
          %parallel_loop3A_265 = arith.addf %parallel_loop3A_252, %parallel_loop3A_263 : vector<16xf32>
          %parallel_loop3A_266 = arith.addf %parallel_loop3A_253, %parallel_loop3A_264 : vector<16xf32>
          %parallel_loop3A_267 = arith.constant 192 : i32
          %parallel_loop3A_268 = arith.addi %parallel_loop3A_267, %parallel_loop3A_194 : i32
          %parallel_loop3A_269 = arith.index_cast %parallel_loop3A_190 : i32 to index
          %parallel_loop3A_270 = arith.index_cast %parallel_loop3A_268 : i32 to index
          %parallel_loop3A_271 = tpu.vector_load %arg11[%parallel_loop3A_269, %parallel_loop3A_270] {strides = array<i32>} : memref<16x384xi32, #tpu.memory_space<vmem>>, vector<1x16xi32>,
          %parallel_loop3A_272 = vector.shape_cast %parallel_loop3A_271 : vector<1x16xi32> to vector<16xi32>
          %parallel_loop3A_273 = arith.constant 16 : i32
          %parallel_loop3A_274 = vector.broadcast %parallel_loop3A_273 : i32 to vector<16xi32>
          %parallel_loop3A_275 = arith.shli %parallel_loop3A_272, %parallel_loop3A_274 : vector<16xi32>
          %parallel_loop3A_276 = tpu.bitcast %parallel_loop3A_275 : vector<16xi32> -> vector<16xf32>
          %parallel_loop3A_277 = tpu.bitcast %parallel_loop3A_272 : vector<16xi32> -> vector<16xf32>
          %parallel_loop3A_278 = arith.constant 192 : i32
          %parallel_loop3A_279 = arith.addi %parallel_loop3A_278, %parallel_loop3A_194 : i32
          %parallel_loop3A_280 = arith.index_cast %parallel_loop3A_190 : i32 to index
          %parallel_loop3A_281 = arith.index_cast %parallel_loop3A_279 : i32 to index
          %parallel_loop3A_282 = tpu.vector_load %arg13[%parallel_loop3A_280, %parallel_loop3A_281] {strides = array<i32>} : memref<16x384xi32, #tpu.memory_space<vmem>>, vector<1x16xi32>,
          %parallel_loop3A_283 = vector.shape_cast %parallel_loop3A_282 : vector<1x16xi32> to vector<16xi32>
          %parallel_loop3A_284 = arith.constant 16 : i32
          %parallel_loop3A_285 = vector.broadcast %parallel_loop3A_284 : i32 to vector<16xi32>
          %parallel_loop3A_286 = arith.shli %parallel_loop3A_283, %parallel_loop3A_285 : vector<16xi32>
          %parallel_loop3A_287 = tpu.bitcast %parallel_loop3A_286 : vector<16xi32> -> vector<16xf32>
          %parallel_loop3A_288 = tpu.bitcast %parallel_loop3A_283 : vector<16xi32> -> vector<16xf32>
          %parallel_loop3A_289 = arith.addf %parallel_loop3A_276, %parallel_loop3A_287 : vector<16xf32>
          %parallel_loop3A_290 = arith.addf %parallel_loop3A_277, %parallel_loop3A_288 : vector<16xf32>
          %parallel_loop3A_291 = arith.constant 256 : i32
          %parallel_loop3A_292 = arith.addi %parallel_loop3A_291, %parallel_loop3A_194 : i32
          %parallel_loop3A_293 = arith.index_cast %parallel_loop3A_190 : i32 to index
          %parallel_loop3A_294 = arith.index_cast %parallel_loop3A_292 : i32 to index
          %parallel_loop3A_295 = tpu.vector_load %arg11[%parallel_loop3A_293, %parallel_loop3A_294] {strides = array<i32>} : memref<16x384xi32, #tpu.memory_space<vmem>>, vector<1x16xi32>,
          %parallel_loop3A_296 = vector.shape_cast %parallel_loop3A_295 : vector<1x16xi32> to vector<16xi32>
          %parallel_loop3A_297 = arith.constant 16 : i32
          %parallel_loop3A_298 = vector.broadcast %parallel_loop3A_297 : i32 to vector<16xi32>
          %parallel_loop3A_299 = arith.shli %parallel_loop3A_296, %parallel_loop3A_298 : vector<16xi32>
          %parallel_loop3A_300 = tpu.bitcast %parallel_loop3A_299 : vector<16xi32> -> vector<16xf32>
          %parallel_loop3A_301 = tpu.bitcast %parallel_loop3A_296 : vector<16xi32> -> vector<16xf32>
          %parallel_loop3A_302 = arith.constant 256 : i32
          %parallel_loop3A_303 = arith.addi %parallel_loop3A_302, %parallel_loop3A_194 : i32
          %parallel_loop3A_304 = arith.index_cast %parallel_loop3A_190 : i32 to index
          %parallel_loop3A_305 = arith.index_cast %parallel_loop3A_303 : i32 to index
          %parallel_loop3A_306 = tpu.vector_load %arg13[%parallel_loop3A_304, %parallel_loop3A_305] {strides = array<i32>} : memref<16x384xi32, #tpu.memory_space<vmem>>, vector<1x16xi32>,
          %parallel_loop3A_307 = vector.shape_cast %parallel_loop3A_306 : vector<1x16xi32> to vector<16xi32>
          %parallel_loop3A_308 = arith.constant 16 : i32
          %parallel_loop3A_309 = vector.broadcast %parallel_loop3A_308 : i32 to vector<16xi32>
          %parallel_loop3A_310 = arith.shli %parallel_loop3A_307, %parallel_loop3A_309 : vector<16xi32>
          %parallel_loop3A_311 = tpu.bitcast %parallel_loop3A_310 : vector<16xi32> -> vector<16xf32>
          %parallel_loop3A_312 = tpu.bitcast %parallel_loop3A_307 : vector<16xi32> -> vector<16xf32>
          %parallel_loop3A_313 = arith.addf %parallel_loop3A_300, %parallel_loop3A_311 : vector<16xf32>
          %parallel_loop3A_314 = arith.addf %parallel_loop3A_301, %parallel_loop3A_312 : vector<16xf32>
          %parallel_loop3A_315 = arith.constant 320 : i32
          %parallel_loop3A_316 = arith.addi %parallel_loop3A_315, %parallel_loop3A_194 : i32
          %parallel_loop3A_317 = arith.index_cast %parallel_loop3A_190 : i32 to index
          %parallel_loop3A_318 = arith.index_cast %parallel_loop3A_316 : i32 to index
          %parallel_loop3A_319 = tpu.vector_load %arg11[%parallel_loop3A_317, %parallel_loop3A_318] {strides = array<i32>} : memref<16x384xi32, #tpu.memory_space<vmem>>, vector<1x16xi32>,
          %parallel_loop3A_320 = vector.shape_cast %parallel_loop3A_319 : vector<1x16xi32> to vector<16xi32>
          %parallel_loop3A_321 = arith.constant 16 : i32
          %parallel_loop3A_322 = vector.broadcast %parallel_loop3A_321 : i32 to vector<16xi32>
          %parallel_loop3A_323 = arith.shli %parallel_loop3A_320, %parallel_loop3A_322 : vector<16xi32>
          %parallel_loop3A_324 = tpu.bitcast %parallel_loop3A_323 : vector<16xi32> -> vector<16xf32>
          %parallel_loop3A_325 = tpu.bitcast %parallel_loop3A_320 : vector<16xi32> -> vector<16xf32>
          %parallel_loop3A_326 = arith.constant 320 : i32
          %parallel_loop3A_327 = arith.addi %parallel_loop3A_326, %parallel_loop3A_194 : i32
          %parallel_loop3A_328 = arith.index_cast %parallel_loop3A_190 : i32 to index
          %parallel_loop3A_329 = arith.index_cast %parallel_loop3A_327 : i32 to index
          %parallel_loop3A_330 = tpu.vector_load %arg13[%parallel_loop3A_328, %parallel_loop3A_329] {strides = array<i32>} : memref<16x384xi32, #tpu.memory_space<vmem>>, vector<1x16xi32>,
          %parallel_loop3A_331 = vector.shape_cast %parallel_loop3A_330 : vector<1x16xi32> to vector<16xi32>
          %parallel_loop3A_332 = arith.constant 16 : i32
          %parallel_loop3A_333 = vector.broadcast %parallel_loop3A_332 : i32 to vector<16xi32>
          %parallel_loop3A_334 = arith.shli %parallel_loop3A_331, %parallel_loop3A_333 : vector<16xi32>
          %parallel_loop3A_335 = tpu.bitcast %parallel_loop3A_334 : vector<16xi32> -> vector<16xf32>
          %parallel_loop3A_336 = tpu.bitcast %parallel_loop3A_331 : vector<16xi32> -> vector<16xf32>
          %parallel_loop3A_337 = arith.constant 16 : i32
          %parallel_loop3A_338 = arith.muli %parallel_loop3A_192, %parallel_loop3A_337 : i32
          %parallel_loop3A_339 = arith.constant 0 : i32
          %parallel_loop3A_340 = arith.addi %parallel_loop3A_338, %parallel_loop3A_339 : i32
          %parallel_loop3A_341 = math.exp %parallel_loop3A_217 : vector<16xf32>
          %parallel_loop3A_342 = arith.constant 1.000000e+00 : f32
          %parallel_loop3A_343 = vector.broadcast %parallel_loop3A_342 : f32 to vector<16xf32>
          %parallel_loop3A_344 = arith.addf %parallel_loop3A_343, %parallel_loop3A_341 : vector<16xf32>
          %parallel_loop3A_345 = arith.constant 1.000000e+00 : f32
          %parallel_loop3A_346 = vector.broadcast %parallel_loop3A_345 : f32 to vector<16xf32>
          %parallel_loop3A_347 = arith.divf %parallel_loop3A_346, %parallel_loop3A_344 : vector<16xf32>
          %parallel_loop3A_348 = math.exp %parallel_loop3A_241 : vector<16xf32>
          %parallel_loop3A_349 = arith.constant 1.000000e+00 : f32
          %parallel_loop3A_350 = vector.broadcast %parallel_loop3A_349 : f32 to vector<16xf32>
          %parallel_loop3A_351 = arith.addf %parallel_loop3A_350, %parallel_loop3A_348 : vector<16xf32>
          %parallel_loop3A_352 = arith.constant 1.000000e+00 : f32
          %parallel_loop3A_353 = vector.broadcast %parallel_loop3A_352 : f32 to vector<16xf32>
          %parallel_loop3A_354 = arith.divf %parallel_loop3A_353, %parallel_loop3A_351 : vector<16xf32>
          %parallel_loop3A_355 = math.exp %parallel_loop3A_265 : vector<16xf32>
          %parallel_loop3A_356 = arith.constant 1.000000e+00 : f32
          %parallel_loop3A_357 = vector.broadcast %parallel_loop3A_356 : f32 to vector<16xf32>
          %parallel_loop3A_358 = arith.addf %parallel_loop3A_357, %parallel_loop3A_355 : vector<16xf32>
          %parallel_loop3A_359 = arith.constant 4.000000e+00 : f32
          %parallel_loop3A_360 = vector.broadcast %parallel_loop3A_359 : f32 to vector<16xf32>
          %parallel_loop3A_361 = arith.divf %parallel_loop3A_360, %parallel_loop3A_358 : vector<16xf32>
          %parallel_loop3A_362 = arith.constant 2.000000e+00 : f32
          %parallel_loop3A_363 = vector.broadcast %parallel_loop3A_362 : f32 to vector<16xf32>
          %parallel_loop3A_364 = arith.subf %parallel_loop3A_363, %parallel_loop3A_361 : vector<16xf32>
          %parallel_loop3A_365 = math.exp %parallel_loop3A_289 : vector<16xf32>
          %parallel_loop3A_366 = arith.constant 1.000000e+00 : f32
          %parallel_loop3A_367 = vector.broadcast %parallel_loop3A_366 : f32 to vector<16xf32>
          %parallel_loop3A_368 = arith.addf %parallel_loop3A_367, %parallel_loop3A_365 : vector<16xf32>
          %parallel_loop3A_369 = arith.constant 1.000000e+00 : f32
          %parallel_loop3A_370 = vector.broadcast %parallel_loop3A_369 : f32 to vector<16xf32>
          %parallel_loop3A_371 = arith.divf %parallel_loop3A_370, %parallel_loop3A_368 : vector<16xf32>
          %parallel_loop3A_372 = math.exp %parallel_loop3A_313 : vector<16xf32>
          %parallel_loop3A_373 = arith.constant 1.000000e+00 : f32
          %parallel_loop3A_374 = vector.broadcast %parallel_loop3A_373 : f32 to vector<16xf32>
          %parallel_loop3A_375 = arith.addf %parallel_loop3A_374, %parallel_loop3A_372 : vector<16xf32>
          %parallel_loop3A_376 = arith.constant 1.000000e+00 : f32
          %parallel_loop3A_377 = vector.broadcast %parallel_loop3A_376 : f32 to vector<16xf32>
          %parallel_loop3A_378 = arith.divf %parallel_loop3A_377, %parallel_loop3A_375 : vector<16xf32>
          %parallel_loop3A_379 = arith.mulf %parallel_loop3A_347, %parallel_loop3A_364 : vector<16xf32>
          %parallel_loop3A_380 = arith.mulf %parallel_loop3A_371, %parallel_loop3A_324 : vector<16xf32>
          %parallel_loop3A_381 = arith.addf %parallel_loop3A_379, %parallel_loop3A_380 : vector<16xf32>
          %parallel_loop3A_382 = arith.mulf %parallel_loop3A_378, %parallel_loop3A_335 : vector<16xf32>
          %parallel_loop3A_383 = arith.addf %parallel_loop3A_381, %parallel_loop3A_382 : vector<16xf32>
          %parallel_loop3A_384 = math.exp %parallel_loop3A_383 : vector<16xf32>
          %parallel_loop3A_385 = arith.constant 1.000000e+00 : f32
          %parallel_loop3A_386 = vector.broadcast %parallel_loop3A_385 : f32 to vector<16xf32>
          %parallel_loop3A_387 = arith.addf %parallel_loop3A_386, %parallel_loop3A_384 : vector<16xf32>
          %parallel_loop3A_388 = arith.constant 2.000000e+00 : f32
          %parallel_loop3A_389 = vector.broadcast %parallel_loop3A_388 : f32 to vector<16xf32>
          %parallel_loop3A_390 = arith.divf %parallel_loop3A_389, %parallel_loop3A_387 : vector<16xf32>
          %parallel_loop3A_391 = arith.constant 1.000000e+00 : f32
          %parallel_loop3A_392 = vector.broadcast %parallel_loop3A_391 : f32 to vector<16xf32>
          %parallel_loop3A_393 = arith.subf %parallel_loop3A_390, %parallel_loop3A_392 : vector<16xf32>
          %parallel_loop3A_394 = arith.mulf %parallel_loop3A_354, %parallel_loop3A_393 : vector<16xf32>
          %parallel_loop3A_395 = arith.constant 16 : i32
          %parallel_loop3A_396 = arith.muli %add3A_178, %parallel_loop3A_395 : i32
          %parallel_loop3A_397 = arith.addi %parallel_loop3A_396, %parallel_loop3A_190 : i32
          %parallel_loop3A_398 = arith.index_cast %parallel_loop3A_397 : i32 to index
          %parallel_loop3A_399 = arith.index_cast %parallel_loop3A_340 : i32 to index
          %parallel_loop3A_400 = tpu.vector_load %arg14[%parallel_loop3A_398, %parallel_loop3A_399] {strides = array<i32>} : memref<128x128xf32, #tpu.memory_space<vmem>>, vector<1x16xf32>,
          %parallel_loop3A_401 = vector.shape_cast %parallel_loop3A_400 : vector<1x16xf32> to vector<16xf32>
          %parallel_loop3A_402 = vector.shape_cast %parallel_loop3A_394 : vector<16xf32> to vector<1x16xf32>
          tpu.vector_store %arg14[%parallel_loop3A_398, %parallel_loop3A_399], %parallel_loop3A_402 {strides = array<i32>} : memref<128x128xf32, #tpu.memory_space<vmem>>, vector<1x16xf32>,
          %parallel_loop3A_403 = arith.constant 16 : i32
          %parallel_loop3A_404 = arith.muli %parallel_loop3A_192, %parallel_loop3A_403 : i32
          %parallel_loop3A_405 = arith.constant 64 : i32
          %parallel_loop3A_406 = arith.addi %parallel_loop3A_404, %parallel_loop3A_405 : i32
          %parallel_loop3A_407 = math.exp %parallel_loop3A_218 : vector<16xf32>
          %parallel_loop3A_408 = arith.constant 1.000000e+00 : f32
          %parallel_loop3A_409 = vector.broadcast %parallel_loop3A_408 : f32 to vector<16xf32>
          %parallel_loop3A_410 = arith.addf %parallel_loop3A_409, %parallel_loop3A_407 : vector<16xf32>
          %parallel_loop3A_411 = arith.constant 1.000000e+00 : f32
          %parallel_loop3A_412 = vector.broadcast %parallel_loop3A_411 : f32 to vector<16xf32>
          %parallel_loop3A_413 = arith.divf %parallel_loop3A_412, %parallel_loop3A_410 : vector<16xf32>
          %parallel_loop3A_414 = math.exp %parallel_loop3A_242 : vector<16xf32>
          %parallel_loop3A_415 = arith.constant 1.000000e+00 : f32
          %parallel_loop3A_416 = vector.broadcast %parallel_loop3A_415 : f32 to vector<16xf32>
          %parallel_loop3A_417 = arith.addf %parallel_loop3A_416, %parallel_loop3A_414 : vector<16xf32>
          %parallel_loop3A_418 = arith.constant 1.000000e+00 : f32
          %parallel_loop3A_419 = vector.broadcast %parallel_loop3A_418 : f32 to vector<16xf32>
          %parallel_loop3A_420 = arith.divf %parallel_loop3A_419, %parallel_loop3A_417 : vector<16xf32>
          %parallel_loop3A_421 = math.exp %parallel_loop3A_266 : vector<16xf32>
          %parallel_loop3A_422 = arith.constant 1.000000e+00 : f32
          %parallel_loop3A_423 = vector.broadcast %parallel_loop3A_422 : f32 to vector<16xf32>
          %parallel_loop3A_424 = arith.addf %parallel_loop3A_423, %parallel_loop3A_421 : vector<16xf32>
          %parallel_loop3A_425 = arith.constant 4.000000e+00 : f32
          %parallel_loop3A_426 = vector.broadcast %parallel_loop3A_425 : f32 to vector<16xf32>
          %parallel_loop3A_427 = arith.divf %parallel_loop3A_426, %parallel_loop3A_424 : vector<16xf32>
          %parallel_loop3A_428 = arith.constant 2.000000e+00 : f32
          %parallel_loop3A_429 = vector.broadcast %parallel_loop3A_428 : f32 to vector<16xf32>
          %parallel_loop3A_430 = arith.subf %parallel_loop3A_429, %parallel_loop3A_427 : vector<16xf32>
          %parallel_loop3A_431 = math.exp %parallel_loop3A_290 : vector<16xf32>
          %parallel_loop3A_432 = arith.constant 1.000000e+00 : f32
          %parallel_loop3A_433 = vector.broadcast %parallel_loop3A_432 : f32 to vector<16xf32>
          %parallel_loop3A_434 = arith.addf %parallel_loop3A_433, %parallel_loop3A_431 : vector<16xf32>
          %parallel_loop3A_435 = arith.constant 1.000000e+00 : f32
          %parallel_loop3A_436 = vector.broadcast %parallel_loop3A_435 : f32 to vector<16xf32>
          %parallel_loop3A_437 = arith.divf %parallel_loop3A_436, %parallel_loop3A_434 : vector<16xf32>
          %parallel_loop3A_438 = math.exp %parallel_loop3A_314 : vector<16xf32>
          %parallel_loop3A_439 = arith.constant 1.000000e+00 : f32
          %parallel_loop3A_440 = vector.broadcast %parallel_loop3A_439 : f32 to vector<16xf32>
          %parallel_loop3A_441 = arith.addf %parallel_loop3A_440, %parallel_loop3A_438 : vector<16xf32>
          %parallel_loop3A_442 = arith.constant 1.000000e+00 : f32
          %parallel_loop3A_443 = vector.broadcast %parallel_loop3A_442 : f32 to vector<16xf32>
          %parallel_loop3A_444 = arith.divf %parallel_loop3A_443, %parallel_loop3A_441 : vector<16xf32>
          %parallel_loop3A_445 = arith.mulf %parallel_loop3A_413, %parallel_loop3A_430 : vector<16xf32>
          %parallel_loop3A_446 = arith.mulf %parallel_loop3A_437, %parallel_loop3A_325 : vector<16xf32>
          %parallel_loop3A_447 = arith.addf %parallel_loop3A_445, %parallel_loop3A_446 : vector<16xf32>
          %parallel_loop3A_448 = arith.mulf %parallel_loop3A_444, %parallel_loop3A_336 : vector<16xf32>
          %parallel_loop3A_449 = arith.addf %parallel_loop3A_447, %parallel_loop3A_448 : vector<16xf32>
          %parallel_loop3A_450 = math.exp %parallel_loop3A_449 : vector<16xf32>
          %parallel_loop3A_451 = arith.constant 1.000000e+00 : f32
          %parallel_loop3A_452 = vector.broadcast %parallel_loop3A_451 : f32 to vector<16xf32>
          %parallel_loop3A_453 = arith.addf %parallel_loop3A_452, %parallel_loop3A_450 : vector<16xf32>
          %parallel_loop3A_454 = arith.constant 2.000000e+00 : f32
          %parallel_loop3A_455 = vector.broadcast %parallel_loop3A_454 : f32 to vector<16xf32>
          %parallel_loop3A_456 = arith.divf %parallel_loop3A_455, %parallel_loop3A_453 : vector<16xf32>
          %parallel_loop3A_457 = arith.constant 1.000000e+00 : f32
          %parallel_loop3A_458 = vector.broadcast %parallel_loop3A_457 : f32 to vector<16xf32>
          %parallel_loop3A_459 = arith.subf %parallel_loop3A_456, %parallel_loop3A_458 : vector<16xf32>
          %parallel_loop3A_460 = arith.mulf %parallel_loop3A_420, %parallel_loop3A_459 : vector<16xf32>
          %parallel_loop3A_461 = arith.constant 16 : i32
          %parallel_loop3A_462 = arith.muli %add3A_178, %parallel_loop3A_461 : i32
          %parallel_loop3A_463 = arith.addi %parallel_loop3A_462, %parallel_loop3A_190 : i32
          %parallel_loop3A_464 = arith.index_cast %parallel_loop3A_463 : i32 to index
          %parallel_loop3A_465 = arith.index_cast %parallel_loop3A_406 : i32 to index
          %parallel_loop3A_466 = tpu.vector_load %arg14[%parallel_loop3A_464, %parallel_loop3A_465] {strides = array<i32>} : memref<128x128xf32, #tpu.memory_space<vmem>>, vector<1x16xf32>,
          %parallel_loop3A_467 = vector.shape_cast %parallel_loop3A_466 : vector<1x16xf32> to vector<16xf32>
          %parallel_loop3A_468 = vector.shape_cast %parallel_loop3A_460 : vector<16xf32> to vector<1x16xf32>
          tpu.vector_store %arg14[%parallel_loop3A_464, %parallel_loop3A_465], %parallel_loop3A_468 {strides = array<i32>} : memref<128x128xf32, #tpu.memory_space<vmem>>, vector<1x16xf32>,
        } {sc.loop_unroll_factor = 2 : i64, sc.parallel_access}
        %eq3A_182 = arith.constant 1 : i32
        %eq3A_183 = arith.cmpi eq, %scan3A_105, %eq3A_182 : i32
        %convert_element_type3A_184 = arith.extui %eq3A_183 : i1 to i32
        %cond3A_185 = arith.constant 0 : i32
        %cond3A_186 = arith.cmpi ne, %convert_element_type3A_184, %cond3A_185 : i32
        scf.if %cond3A_186 {
          %dma_start3A_188 = arith.constant 0 : i32
          %dma_start3A_189 = arith.constant 0 : i32
          %dma_start3A_190 = tpu.memref_slice %arg14[%dma_start3A_188, %dma_start3A_189] : memref<128x128xf32, #tpu.memory_space<vmem>> -> memref<64x128xf32, #tpu.memory_space<vmem>>
          %dma_start3A_191 = arith.constant 0 : i32
          %dma_start3A_192 = tpu.memref_slice %arg8[%and3A_81, %dma_start3A_191] : memref<2x64xi32, #tpu.memory_space<vmem>> -> memref<1x64xi32, #tpu.memory_space<vmem>>
          %dma_start3A_193 = tpu.memref_squeeze %dma_start3A_192 : memref<1x64xi32, #tpu.memory_space<vmem>> -> memref<64xi32, #tpu.memory_space<vmem>>
          %dma_start3A_194 = arith.constant 0 : i32
          %dma_start3A_195 = arith.constant 0 : i32
          %dma_start3A_196 = tpu.memref_slice %arg15[%dma_start3A_194, %dma_start3A_195] : memref<10000x128xf32, #tpu.memory_space<vmem_shared>> -> memref<10000x128xf32, #tpu.memory_space<vmem_shared>>
          tpu.enqueue_indirect_dma source(%dma_start3A_190 : memref<64x128xf32, #tpu.memory_space<vmem>>) target(%dma_start3A_196 : memref<10000x128xf32, #tpu.memory_space<vmem_shared>>) offsets(%dma_start3A_193 : memref<64xi32, #tpu.memory_space<vmem>>) semaphore(%arg20 : memref<!tpu.dma_semaphore, #tpu.memory_space<semaphore_mem>>) {add = true}
        } else {
        }
        %scan3A_187 = arith.constant 0 : i32
        scf.yield %scan3A_187 : i32
      }
      %scan3A_88 = arith.constant 4 : i32
      %add3A_89 = arith.constant 1 : i32
      %add3A_90 = arith.addi %while3A_79, %add3A_89 : i32
      %lt3A_91 = arith.cmpi slt, %add3A_90, %select_n3A : i32
      %convert_element_type3A_92 = arith.extui %lt3A_91 : i1 to i32
      %cond3A_93 = arith.constant 0 : i32
      %cond3A_94 = arith.cmpi ne, %convert_element_type3A_92, %cond3A_93 : i32
      scf.if %cond3A_94 {
        %sub3A = arith.constant 1 : i32
        %sub3A_105 = arith.subi %sub3A, %and3A_81 : i32
        %add3A_106 = arith.constant 1 : i32
        %add3A_107 = arith.addi %while3A_79, %add3A_106 : i32
        %mul3A_108 = arith.constant 32 : i32
        %mul3A_109 = arith.muli %add3A_107, %mul3A_108 : i32
        %add3A_110 = arith.addi %add3A, %mul3A_109 : i32
        %mul3A_111 = arith.constant 128 : i32
        %mul3A_112 = arith.muli %add3A_110, %mul3A_111 : i32
        "tpu.region"() ({
          %run_scoped3A_129 = tpu.sem_alloc : memref<!tpu.dma_semaphore, #tpu.memory_space<semaphore_mem>>
          %dma_start3A_130 = arith.constant 0 : i32
          %dma_start3A_131 = tpu.memref_slice %arg7[%sub3A_105, %dma_start3A_130] : memref<2x128xi32, #tpu.memory_space<vmem>> -> memref<1x128xi32, #tpu.memory_space<vmem>>
          %dma_start3A_132 = tpu.memref_squeeze %dma_start3A_131 : memref<1x128xi32, #tpu.memory_space<vmem>> -> memref<128xi32, #tpu.memory_space<vmem>>
          %dma_start3A_133 = tpu.memref_slice %arg4[%mul3A_112] : memref<160000xi32, #tpu.memory_space<hbm>> -> memref<128xi32, #tpu.memory_space<hbm>>
          %dma_start3A_134 = arith.constant 0 : i32
          %dma_start3A_135 = tpu.memref_slice %arg7[%sub3A_105, %dma_start3A_134] : memref<2x128xi32, #tpu.memory_space<vmem>> -> memref<1x128xi32, #tpu.memory_space<vmem>>
          %dma_start3A_136 = tpu.memref_squeeze %dma_start3A_135 : memref<1x128xi32, #tpu.memory_space<vmem>> -> memref<128xi32, #tpu.memory_space<vmem>>
          %dma_start3A_137 = tpu.memref_slice %arg4[%mul3A_112] : memref<160000xi32, #tpu.memory_space<hbm>> -> memref<128xi32, #tpu.memory_space<hbm>>
          tpu.enqueue_dma source(%dma_start3A_137 : memref<128xi32, #tpu.memory_space<hbm>>) target(%dma_start3A_136 : memref<128xi32, #tpu.memory_space<vmem>>) target_semaphore(%run_scoped3A_129 : memref<!tpu.dma_semaphore, #tpu.memory_space<semaphore_mem>>)
          %dma_wait3A_138 = arith.constant 0 : i32
          %dma_wait3A_139 = tpu.memref_slice %arg7[%sub3A_105, %dma_wait3A_138] : memref<2x128xi32, #tpu.memory_space<vmem>> -> memref<1x128xi32, #tpu.memory_space<vmem>>
          %dma_wait3A_140 = tpu.memref_squeeze %dma_wait3A_139 : memref<1x128xi32, #tpu.memory_space<vmem>> -> memref<128xi32, #tpu.memory_space<vmem>>
          %dma_wait3A_141 = tpu.memref_slice %arg4[%mul3A_112] : memref<160000xi32, #tpu.memory_space<hbm>> -> memref<128xi32, #tpu.memory_space<hbm>>
          %dma_wait3A_142 = arith.constant 0 : i32
          %dma_wait3A_143 = tpu.memref_slice %arg7[%sub3A_105, %dma_wait3A_142] : memref<2x128xi32, #tpu.memory_space<vmem>> -> memref<1x128xi32, #tpu.memory_space<vmem>>
          %dma_wait3A_144 = tpu.memref_squeeze %dma_wait3A_143 : memref<1x128xi32, #tpu.memory_space<vmem>> -> memref<128xi32, #tpu.memory_space<vmem>>
          %dma_wait3A_145 = tpu.memref_slice %arg4[%mul3A_112] : memref<160000xi32, #tpu.memory_space<hbm>> -> memref<128xi32, #tpu.memory_space<hbm>>
          tpu.wait_dma2 semaphore(%run_scoped3A_129 : memref<!tpu.dma_semaphore, #tpu.memory_space<semaphore_mem>>) src(%dma_wait3A_145 : memref<128xi32, #tpu.memory_space<hbm>>) dst(%dma_wait3A_144 : memref<128xi32, #tpu.memory_space<vmem>>)
          tpu.yield
        }) : () -> ()
        "tpu.region"() ({
          %run_scoped3A_129 = tpu.sem_alloc : memref<!tpu.dma_semaphore, #tpu.memory_space<semaphore_mem>>
          %dma_start3A_130 = arith.constant 0 : i32
          %dma_start3A_131 = tpu.memref_slice %arg8[%sub3A_105, %dma_start3A_130] : memref<2x64xi32, #tpu.memory_space<vmem>> -> memref<1x64xi32, #tpu.memory_space<vmem>>
          %dma_start3A_132 = tpu.memref_squeeze %dma_start3A_131 : memref<1x64xi32, #tpu.memory_space<vmem>> -> memref<64xi32, #tpu.memory_space<vmem>>
          %dma_start3A_133 = tpu.memref_slice %arg5[%mul3A_112] : memref<160000xi32, #tpu.memory_space<hbm>> -> memref<64xi32, #tpu.memory_space<hbm>>
          %dma_start3A_134 = arith.constant 0 : i32
          %dma_start3A_135 = tpu.memref_slice %arg8[%sub3A_105, %dma_start3A_134] : memref<2x64xi32, #tpu.memory_space<vmem>> -> memref<1x64xi32, #tpu.memory_space<vmem>>
          %dma_start3A_136 = tpu.memref_squeeze %dma_start3A_135 : memref<1x64xi32, #tpu.memory_space<vmem>> -> memref<64xi32, #tpu.memory_space<vmem>>
          %dma_start3A_137 = tpu.memref_slice %arg5[%mul3A_112] : memref<160000xi32, #tpu.memory_space<hbm>> -> memref<64xi32, #tpu.memory_space<hbm>>
          tpu.enqueue_dma source(%dma_start3A_137 : memref<64xi32, #tpu.memory_space<hbm>>) target(%dma_start3A_136 : memref<64xi32, #tpu.memory_space<vmem>>) target_semaphore(%run_scoped3A_129 : memref<!tpu.dma_semaphore, #tpu.memory_space<semaphore_mem>>)
          %dma_wait3A_138 = arith.constant 0 : i32
          %dma_wait3A_139 = tpu.memref_slice %arg8[%sub3A_105, %dma_wait3A_138] : memref<2x64xi32, #tpu.memory_space<vmem>> -> memref<1x64xi32, #tpu.memory_space<vmem>>
          %dma_wait3A_140 = tpu.memref_squeeze %dma_wait3A_139 : memref<1x64xi32, #tpu.memory_space<vmem>> -> memref<64xi32, #tpu.memory_space<vmem>>
          %dma_wait3A_141 = tpu.memref_slice %arg5[%mul3A_112] : memref<160000xi32, #tpu.memory_space<hbm>> -> memref<64xi32, #tpu.memory_space<hbm>>
          %dma_wait3A_142 = arith.constant 0 : i32
          %dma_wait3A_143 = tpu.memref_slice %arg8[%sub3A_105, %dma_wait3A_142] : memref<2x64xi32, #tpu.memory_space<vmem>> -> memref<1x64xi32, #tpu.memory_space<vmem>>
          %dma_wait3A_144 = tpu.memref_squeeze %dma_wait3A_143 : memref<1x64xi32, #tpu.memory_space<vmem>> -> memref<64xi32, #tpu.memory_space<vmem>>
          %dma_wait3A_145 = tpu.memref_slice %arg5[%mul3A_112] : memref<160000xi32, #tpu.memory_space<hbm>> -> memref<64xi32, #tpu.memory_space<hbm>>
          tpu.wait_dma2 semaphore(%run_scoped3A_129 : memref<!tpu.dma_semaphore, #tpu.memory_space<semaphore_mem>>) src(%dma_wait3A_145 : memref<64xi32, #tpu.memory_space<hbm>>) dst(%dma_wait3A_144 : memref<64xi32, #tpu.memory_space<vmem>>)
          tpu.yield
        }) : () -> ()
        %add3A_113 = arith.constant 64 : i32
        %add3A_114 = arith.addi %mul3A_112, %add3A_113 : i32
        "tpu.region"() ({
          %run_scoped3A_129 = tpu.sem_alloc : memref<!tpu.dma_semaphore, #tpu.memory_space<semaphore_mem>>
          %dma_start3A_130 = arith.constant 0 : i32
          %dma_start3A_131 = tpu.memref_slice %arg9[%sub3A_105, %dma_start3A_130] : memref<2x64xi32, #tpu.memory_space<vmem>> -> memref<1x64xi32, #tpu.memory_space<vmem>>
          %dma_start3A_132 = tpu.memref_squeeze %dma_start3A_131 : memref<1x64xi32, #tpu.memory_space<vmem>> -> memref<64xi32, #tpu.memory_space<vmem>>
          %dma_start3A_133 = tpu.memref_slice %arg5[%add3A_114] : memref<160000xi32, #tpu.memory_space<hbm>> -> memref<64xi32, #tpu.memory_space<hbm>>
          %dma_start3A_134 = arith.constant 0 : i32
          %dma_start3A_135 = tpu.memref_slice %arg9[%sub3A_105, %dma_start3A_134] : memref<2x64xi32, #tpu.memory_space<vmem>> -> memref<1x64xi32, #tpu.memory_space<vmem>>
          %dma_start3A_136 = tpu.memref_squeeze %dma_start3A_135 : memref<1x64xi32, #tpu.memory_space<vmem>> -> memref<64xi32, #tpu.memory_space<vmem>>
          %dma_start3A_137 = tpu.memref_slice %arg5[%add3A_114] : memref<160000xi32, #tpu.memory_space<hbm>> -> memref<64xi32, #tpu.memory_space<hbm>>
          tpu.enqueue_dma source(%dma_start3A_137 : memref<64xi32, #tpu.memory_space<hbm>>) target(%dma_start3A_136 : memref<64xi32, #tpu.memory_space<vmem>>) target_semaphore(%run_scoped3A_129 : memref<!tpu.dma_semaphore, #tpu.memory_space<semaphore_mem>>)
          %dma_wait3A_138 = arith.constant 0 : i32
          %dma_wait3A_139 = tpu.memref_slice %arg9[%sub3A_105, %dma_wait3A_138] : memref<2x64xi32, #tpu.memory_space<vmem>> -> memref<1x64xi32, #tpu.memory_space<vmem>>
          %dma_wait3A_140 = tpu.memref_squeeze %dma_wait3A_139 : memref<1x64xi32, #tpu.memory_space<vmem>> -> memref<64xi32, #tpu.memory_space<vmem>>
          %dma_wait3A_141 = tpu.memref_slice %arg5[%add3A_114] : memref<160000xi32, #tpu.memory_space<hbm>> -> memref<64xi32, #tpu.memory_space<hbm>>
          %dma_wait3A_142 = arith.constant 0 : i32
          %dma_wait3A_143 = tpu.memref_slice %arg9[%sub3A_105, %dma_wait3A_142] : memref<2x64xi32, #tpu.memory_space<vmem>> -> memref<1x64xi32, #tpu.memory_space<vmem>>
          %dma_wait3A_144 = tpu.memref_squeeze %dma_wait3A_143 : memref<1x64xi32, #tpu.memory_space<vmem>> -> memref<64xi32, #tpu.memory_space<vmem>>
          %dma_wait3A_145 = tpu.memref_slice %arg5[%add3A_114] : memref<160000xi32, #tpu.memory_space<hbm>> -> memref<64xi32, #tpu.memory_space<hbm>>
          tpu.wait_dma2 semaphore(%run_scoped3A_129 : memref<!tpu.dma_semaphore, #tpu.memory_space<semaphore_mem>>) src(%dma_wait3A_145 : memref<64xi32, #tpu.memory_space<hbm>>) dst(%dma_wait3A_144 : memref<64xi32, #tpu.memory_space<vmem>>)
          tpu.yield
        }) : () -> ()
        %sub3A_115 = arith.constant 1 : i32
        %sub3A_116 = arith.subi %sub3A_115, %and3A_81 : i32
        %dma_start3A_117 = arith.constant 0 : i32
        %dma_start3A_118 = tpu.memref_slice %arg7[%sub3A_116, %dma_start3A_117] : memref<2x128xi32, #tpu.memory_space<vmem>> -> memref<1x16xi32, #tpu.memory_space<vmem>>
        %dma_start3A_119 = tpu.memref_squeeze %dma_start3A_118 : memref<1x16xi32, #tpu.memory_space<vmem>> -> memref<16xi32, #tpu.memory_space<vmem>>
        %dma_start3A_120 = arith.constant 0 : i32
        %dma_start3A_121 = arith.constant 0 : i32
        %dma_start3A_122 = tpu.memref_slice %arg2[%dma_start3A_120, %dma_start3A_121] : memref<10000x384xi32, #tpu.memory_space<hbm>> -> memref<10000x384xi32, #tpu.memory_space<hbm>>
        tpu.enqueue_indirect_dma source(%dma_start3A_122 : memref<10000x384xi32, #tpu.memory_space<hbm>>) target(%arg10 : memref<16x384xi32, #tpu.memory_space<vmem>>) offsets(%dma_start3A_119 : memref<16xi32, #tpu.memory_space<vmem>>) semaphore(%arg16 : memref<!tpu.dma_semaphore, #tpu.memory_space<semaphore_mem>>)
        %dma_start3A_123 = arith.constant 0 : i32
        %dma_start3A_124 = tpu.memref_slice %arg8[%sub3A_116, %dma_start3A_123] : memref<2x64xi32, #tpu.memory_space<vmem>> -> memref<1x16xi32, #tpu.memory_space<vmem>>
        %dma_start3A_125 = tpu.memref_squeeze %dma_start3A_124 : memref<1x16xi32, #tpu.memory_space<vmem>> -> memref<16xi32, #tpu.memory_space<vmem>>
        %dma_start3A_126 = arith.constant 0 : i32
        %dma_start3A_127 = arith.constant 0 : i32
        %dma_start3A_128 = tpu.memref_slice %arg3[%dma_start3A_126, %dma_start3A_127] : memref<10000x384xi32, #tpu.memory_space<hbm>> -> memref<10000x384xi32, #tpu.memory_space<hbm>>
        tpu.enqueue_indirect_dma source(%dma_start3A_128 : memref<10000x384xi32, #tpu.memory_space<hbm>>) target(%arg12 : memref<16x384xi32, #tpu.memory_space<vmem>>) offsets(%dma_start3A_125 : memref<16xi32, #tpu.memory_space<vmem>>) semaphore(%arg18 : memref<!tpu.dma_semaphore, #tpu.memory_space<semaphore_mem>>)
      } else {
      }
      %dma_start3A_95 = arith.constant 64 : i32
      %dma_start3A_96 = arith.constant 0 : i32
      %dma_start3A_97 = tpu.memref_slice %arg14[%dma_start3A_95, %dma_start3A_96] : memref<128x128xf32, #tpu.memory_space<vmem>> -> memref<64x128xf32, #tpu.memory_space<vmem>>
      %dma_start3A_98 = arith.constant 0 : i32
      %dma_start3A_99 = tpu.memref_slice %arg9[%and3A_81, %dma_start3A_98] : memref<2x64xi32, #tpu.memory_space<vmem>> -> memref<1x64xi32, #tpu.memory_space<vmem>>
      %dma_start3A_100 = tpu.memref_squeeze %dma_start3A_99 : memref<1x64xi32, #tpu.memory_space<vmem>> -> memref<64xi32, #tpu.memory_space<vmem>>
      %dma_start3A_101 = arith.constant 0 : i32
      %dma_start3A_102 = arith.constant 0 : i32
      %dma_start3A_103 = tpu.memref_slice %arg15[%dma_start3A_101, %dma_start3A_102] : memref<10000x128xf32, #tpu.memory_space<vmem_shared>> -> memref<10000x128xf32, #tpu.memory_space<vmem_shared>>
      tpu.enqueue_indirect_dma source(%dma_start3A_97 : memref<64x128xf32, #tpu.memory_space<vmem>>) target(%dma_start3A_103 : memref<10000x128xf32, #tpu.memory_space<vmem_shared>>) offsets(%dma_start3A_100 : memref<64xi32, #tpu.memory_space<vmem>>) semaphore(%arg21 : memref<!tpu.dma_semaphore, #tpu.memory_space<semaphore_mem>>) {add = true}
      %while3A_104 = arith.constant 0 : i32
      scf.yield %while3A_104 : i32
    }
    %while3A_48 = arith.constant 1 : i32
    %while3A_49 = scf.for %while3A_79 = %while3A_45 to %while3A_41 step %while3A_48 iter_args(%while3A_80 = %while3A_47) -> (i32)  : i32 {
      %and3A = arith.constant 1 : i32
      %and3A_81 = arith.andi %while3A_79, %and3A : i32
      %scan3A_82 = arith.constant 0 : i32
      %scan3A_83 = arith.constant 0 : i32
      %scan3A_84 = arith.constant 4 : i32
      %scan3A_85 = arith.addi %scan3A_83, %scan3A_84 : i32
      %scan3A_86 = arith.constant 1 : i32
      %scan3A_87 = scf.for %scan3A_105 = %scan3A_83 to %scan3A_85 step %scan3A_86 iter_args(%scan3A_106 = %scan3A_82) -> (i32)  : i32 {
        %mul3A_107 = arith.constant 2 : i32
        %mul3A_108 = arith.muli %mul3A_107, %scan3A_105 : i32
        %eq3A_109 = arith.constant 0 : i32
        %eq3A_110 = arith.cmpi eq, %scan3A_105, %eq3A_109 : i32
        %gt3A = arith.constant 0 : i32
        %gt3A_111 = arith.cmpi sgt, %while3A_79, %gt3A : i32
        %and3A_112 = arith.andi %eq3A_110, %gt3A_111 : i1
        %convert_element_type3A_113 = arith.extui %and3A_112 : i1 to i32
        %cond3A_114 = arith.constant 0 : i32
        %cond3A_115 = arith.cmpi ne, %convert_element_type3A_113, %cond3A_114 : i32
        scf.if %cond3A_115 {
          %dma_wait3A_188 = arith.constant 0 : i32
          %dma_wait3A_189 = arith.constant 0 : i32
          %dma_wait3A_190 = arith.constant 0 : i32
          %dma_wait3A_191 = tpu.memref_slice %arg14[%dma_wait3A_189, %dma_wait3A_190] : memref<128x128xf32, #tpu.memory_space<vmem>> -> memref<64x128xf32, #tpu.memory_space<vmem>>
          %dma_wait3A_192 = arith.constant 0 : i32
          %dma_wait3A_193 = tpu.memref_slice %arg8[%dma_wait3A_188, %dma_wait3A_192] : memref<2x64xi32, #tpu.memory_space<vmem>> -> memref<1x64xi32, #tpu.memory_space<vmem>>
          %dma_wait3A_194 = tpu.memref_squeeze %dma_wait3A_193 : memref<1x64xi32, #tpu.memory_space<vmem>> -> memref<64xi32, #tpu.memory_space<vmem>>
          %dma_wait3A_195 = arith.constant 0 : i32
          %dma_wait3A_196 = arith.constant 0 : i32
          %dma_wait3A_197 = tpu.memref_slice %arg15[%dma_wait3A_195, %dma_wait3A_196] : memref<10000x128xf32, #tpu.memory_space<vmem_shared>> -> memref<10000x128xf32, #tpu.memory_space<vmem_shared>>
          tpu.wait_indirect_dma semaphore(%arg20 : memref<!tpu.dma_semaphore, #tpu.memory_space<semaphore_mem>>) src(%dma_wait3A_191 : memref<64x128xf32, #tpu.memory_space<vmem>>) dst(%dma_wait3A_197 : memref<10000x128xf32, #tpu.memory_space<vmem_shared>>)
        } else {
        }
        %eq3A_116 = arith.constant 2 : i32
        %eq3A_117 = arith.cmpi eq, %scan3A_105, %eq3A_116 : i32
        %gt3A_118 = arith.constant 0 : i32
        %gt3A_119 = arith.cmpi sgt, %while3A_79, %gt3A_118 : i32
        %and3A_120 = arith.andi %eq3A_117, %gt3A_119 : i1
        %convert_element_type3A_121 = arith.extui %and3A_120 : i1 to i32
        %cond3A_122 = arith.constant 0 : i32
        %cond3A_123 = arith.cmpi ne, %convert_element_type3A_121, %cond3A_122 : i32
        scf.if %cond3A_123 {
          %dma_wait3A_188 = arith.constant 0 : i32
          %dma_wait3A_189 = arith.constant 64 : i32
          %dma_wait3A_190 = arith.constant 0 : i32
          %dma_wait3A_191 = tpu.memref_slice %arg14[%dma_wait3A_189, %dma_wait3A_190] : memref<128x128xf32, #tpu.memory_space<vmem>> -> memref<64x128xf32, #tpu.memory_space<vmem>>
          %dma_wait3A_192 = arith.constant 0 : i32
          %dma_wait3A_193 = tpu.memref_slice %arg9[%dma_wait3A_188, %dma_wait3A_192] : memref<2x64xi32, #tpu.memory_space<vmem>> -> memref<1x64xi32, #tpu.memory_space<vmem>>
          %dma_wait3A_194 = tpu.memref_squeeze %dma_wait3A_193 : memref<1x64xi32, #tpu.memory_space<vmem>> -> memref<64xi32, #tpu.memory_space<vmem>>
          %dma_wait3A_195 = arith.constant 0 : i32
          %dma_wait3A_196 = arith.constant 0 : i32
          %dma_wait3A_197 = tpu.memref_slice %arg15[%dma_wait3A_195, %dma_wait3A_196] : memref<10000x128xf32, #tpu.memory_space<vmem_shared>> -> memref<10000x128xf32, #tpu.memory_space<vmem_shared>>
          tpu.wait_indirect_dma semaphore(%arg21 : memref<!tpu.dma_semaphore, #tpu.memory_space<semaphore_mem>>) src(%dma_wait3A_191 : memref<64x128xf32, #tpu.memory_space<vmem>>) dst(%dma_wait3A_197 : memref<10000x128xf32, #tpu.memory_space<vmem_shared>>)
        } else {
        }
        %add3A_124 = arith.constant 1 : i32
        %add3A_125 = arith.addi %mul3A_108, %add3A_124 : i32
        %mul3A_126 = arith.constant 16 : i32
        %mul3A_127 = arith.muli %add3A_125, %mul3A_126 : i32
        %dma_start3A_128 = tpu.memref_slice %arg7[%and3A_81, %mul3A_127] : memref<2x128xi32, #tpu.memory_space<vmem>> -> memref<1x16xi32, #tpu.memory_space<vmem>>
        %dma_start3A_129 = tpu.memref_squeeze %dma_start3A_128 : memref<1x16xi32, #tpu.memory_space<vmem>> -> memref<16xi32, #tpu.memory_space<vmem>>
        %dma_start3A_130 = arith.constant 0 : i32
        %dma_start3A_131 = arith.constant 0 : i32
        %dma_start3A_132 = tpu.memref_slice %arg2[%dma_start3A_130, %dma_start3A_131] : memref<10000x384xi32, #tpu.memory_space<hbm>> -> memref<10000x384xi32, #tpu.memory_space<hbm>>
        tpu.enqueue_indirect_dma source(%dma_start3A_132 : memref<10000x384xi32, #tpu.memory_space<hbm>>) target(%arg11 : memref<16x384xi32, #tpu.memory_space<vmem>>) offsets(%dma_start3A_129 : memref<16xi32, #tpu.memory_space<vmem>>) semaphore(%arg17 : memref<!tpu.dma_semaphore, #tpu.memory_space<semaphore_mem>>)
        %lt3A_133 = arith.constant 4 : i32
        %lt3A_134 = arith.cmpi slt, %add3A_125, %lt3A_133 : i32
        %convert_element_type3A_135 = arith.extui %lt3A_134 : i1 to i32
        %cond3A_136 = arith.constant 0 : i32
        %cond3A_137 = arith.cmpi ne, %convert_element_type3A_135, %cond3A_136 : i32
        scf.if %cond3A_137 {
          %mul3A_188 = arith.constant 16 : i32
          %mul3A_189 = arith.muli %add3A_125, %mul3A_188 : i32
          %dma_start3A_190 = tpu.memref_slice %arg8[%and3A_81, %mul3A_189] : memref<2x64xi32, #tpu.memory_space<vmem>> -> memref<1x16xi32, #tpu.memory_space<vmem>>
          %dma_start3A_191 = tpu.memref_squeeze %dma_start3A_190 : memref<1x16xi32, #tpu.memory_space<vmem>> -> memref<16xi32, #tpu.memory_space<vmem>>
          %dma_start3A_192 = arith.constant 0 : i32
          %dma_start3A_193 = arith.constant 0 : i32
          %dma_start3A_194 = tpu.memref_slice %arg3[%dma_start3A_192, %dma_start3A_193] : memref<10000x384xi32, #tpu.memory_space<hbm>> -> memref<10000x384xi32, #tpu.memory_space<hbm>>
          tpu.enqueue_indirect_dma source(%dma_start3A_194 : memref<10000x384xi32, #tpu.memory_space<hbm>>) target(%arg13 : memref<16x384xi32, #tpu.memory_space<vmem>>) offsets(%dma_start3A_191 : memref<16xi32, #tpu.memory_space<vmem>>) semaphore(%arg19 : memref<!tpu.dma_semaphore, #tpu.memory_space<semaphore_mem>>)
        } else {
        }
        %ge3A = arith.constant 4 : i32
        %ge3A_138 = arith.cmpi sge, %add3A_125, %ge3A : i32
        %convert_element_type3A_139 = arith.extui %ge3A_138 : i1 to i32
        %cond3A_140 = arith.constant 0 : i32
        %cond3A_141 = arith.cmpi ne, %convert_element_type3A_139, %cond3A_140 : i32
        scf.if %cond3A_141 {
          %sub3A = arith.constant 4 : i32
          %sub3A_188 = arith.subi %add3A_125, %sub3A : i32
          %mul3A_189 = arith.constant 16 : i32
          %mul3A_190 = arith.muli %sub3A_188, %mul3A_189 : i32
          %dma_start3A_191 = tpu.memref_slice %arg9[%and3A_81, %mul3A_190] : memref<2x64xi32, #tpu.memory_space<vmem>> -> memref<1x16xi32, #tpu.memory_space<vmem>>
          %dma_start3A_192 = tpu.memref_squeeze %dma_start3A_191 : memref<1x16xi32, #tpu.memory_space<vmem>> -> memref<16xi32, #tpu.memory_space<vmem>>
          %dma_start3A_193 = arith.constant 0 : i32
          %dma_start3A_194 = arith.constant 0 : i32
          %dma_start3A_195 = tpu.memref_slice %arg3[%dma_start3A_193, %dma_start3A_194] : memref<10000x384xi32, #tpu.memory_space<hbm>> -> memref<10000x384xi32, #tpu.memory_space<hbm>>
          tpu.enqueue_indirect_dma source(%dma_start3A_195 : memref<10000x384xi32, #tpu.memory_space<hbm>>) target(%arg13 : memref<16x384xi32, #tpu.memory_space<vmem>>) offsets(%dma_start3A_192 : memref<16xi32, #tpu.memory_space<vmem>>) semaphore(%arg19 : memref<!tpu.dma_semaphore, #tpu.memory_space<semaphore_mem>>)
        } else {
        }
        %dma_wait3A_142 = arith.constant 0 : i32
        %dma_wait3A_143 = arith.constant 0 : i32
        %dma_wait3A_144 = tpu.memref_slice %arg7[%dma_wait3A_142, %dma_wait3A_143] : memref<2x128xi32, #tpu.memory_space<vmem>> -> memref<1x16xi32, #tpu.memory_space<vmem>>
        %dma_wait3A_145 = tpu.memref_squeeze %dma_wait3A_144 : memref<1x16xi32, #tpu.memory_space<vmem>> -> memref<16xi32, #tpu.memory_space<vmem>>
        %dma_wait3A_146 = arith.constant 0 : i32
        %dma_wait3A_147 = arith.constant 0 : i32
        %dma_wait3A_148 = tpu.memref_slice %arg2[%dma_wait3A_146, %dma_wait3A_147] : memref<10000x384xi32, #tpu.memory_space<hbm>> -> memref<10000x384xi32, #tpu.memory_space<hbm>>
        tpu.wait_indirect_dma semaphore(%arg16 : memref<!tpu.dma_semaphore, #tpu.memory_space<semaphore_mem>>) src(%dma_wait3A_148 : memref<10000x384xi32, #tpu.memory_space<hbm>>) dst(%arg10 : memref<16x384xi32, #tpu.memory_space<vmem>>)
        %dma_wait3A_149 = arith.constant 0 : i32
        %dma_wait3A_150 = arith.constant 0 : i32
        %dma_wait3A_151 = tpu.memref_slice %arg7[%dma_wait3A_149, %dma_wait3A_150] : memref<2x128xi32, #tpu.memory_space<vmem>> -> memref<1x16xi32, #tpu.memory_space<vmem>>
        %dma_wait3A_152 = tpu.memref_squeeze %dma_wait3A_151 : memref<1x16xi32, #tpu.memory_space<vmem>> -> memref<16xi32, #tpu.memory_space<vmem>>
        %dma_wait3A_153 = arith.constant 0 : i32
        %dma_wait3A_154 = arith.constant 0 : i32
        %dma_wait3A_155 = tpu.memref_slice %arg3[%dma_wait3A_153, %dma_wait3A_154] : memref<10000x384xi32, #tpu.memory_space<hbm>> -> memref<10000x384xi32, #tpu.memory_space<hbm>>
        tpu.wait_indirect_dma semaphore(%arg18 : memref<!tpu.dma_semaphore, #tpu.memory_space<semaphore_mem>>) src(%dma_wait3A_155 : memref<10000x384xi32, #tpu.memory_space<hbm>>) dst(%arg12 : memref<16x384xi32, #tpu.memory_space<vmem>>)
        %parallel_loop3A = arith.constant 0 : i32
        %parallel_loop3A_156 = arith.constant 64 : i32
        %parallel_loop3A_157 = arith.constant 1 : i32
        scf.for %parallel_loop3A_188 = %parallel_loop3A to %parallel_loop3A_156 step %parallel_loop3A_157  : i32 {
          %parallel_loop3A_189 = arith.constant 2 : i32
          %parallel_loop3A_190 = arith.shrui %parallel_loop3A_188, %parallel_loop3A_189 : i32
          %parallel_loop3A_191 = arith.constant 3 : i32
          %parallel_loop3A_192 = arith.andi %parallel_loop3A_188, %parallel_loop3A_191 : i32
          %parallel_loop3A_193 = arith.constant 16 : i32
          %parallel_loop3A_194 = arith.muli %parallel_loop3A_192, %parallel_loop3A_193 : i32
          %parallel_loop3A_195 = arith.constant 0 : i32
          %parallel_loop3A_196 = arith.addi %parallel_loop3A_195, %parallel_loop3A_194 : i32
          %parallel_loop3A_197 = arith.index_cast %parallel_loop3A_190 : i32 to index
          %parallel_loop3A_198 = arith.index_cast %parallel_loop3A_196 : i32 to index
          %parallel_loop3A_199 = tpu.vector_load %arg10[%parallel_loop3A_197, %parallel_loop3A_198] {strides = array<i32>} : memref<16x384xi32, #tpu.memory_space<vmem>>, vector<1x16xi32>,
          %parallel_loop3A_200 = vector.shape_cast %parallel_loop3A_199 : vector<1x16xi32> to vector<16xi32>
          %parallel_loop3A_201 = arith.constant 16 : i32
          %parallel_loop3A_202 = vector.broadcast %parallel_loop3A_201 : i32 to vector<16xi32>
          %parallel_loop3A_203 = arith.shli %parallel_loop3A_200, %parallel_loop3A_202 : vector<16xi32>
          %parallel_loop3A_204 = tpu.bitcast %parallel_loop3A_203 : vector<16xi32> -> vector<16xf32>
          %parallel_loop3A_205 = tpu.bitcast %parallel_loop3A_200 : vector<16xi32> -> vector<16xf32>
          %parallel_loop3A_206 = arith.constant 0 : i32
          %parallel_loop3A_207 = arith.addi %parallel_loop3A_206, %parallel_loop3A_194 : i32
          %parallel_loop3A_208 = arith.index_cast %parallel_loop3A_190 : i32 to index
          %parallel_loop3A_209 = arith.index_cast %parallel_loop3A_207 : i32 to index
          %parallel_loop3A_210 = tpu.vector_load %arg12[%parallel_loop3A_208, %parallel_loop3A_209] {strides = array<i32>} : memref<16x384xi32, #tpu.memory_space<vmem>>, vector<1x16xi32>,
          %parallel_loop3A_211 = vector.shape_cast %parallel_loop3A_210 : vector<1x16xi32> to vector<16xi32>
          %parallel_loop3A_212 = arith.constant 16 : i32
          %parallel_loop3A_213 = vector.broadcast %parallel_loop3A_212 : i32 to vector<16xi32>
          %parallel_loop3A_214 = arith.shli %parallel_loop3A_211, %parallel_loop3A_213 : vector<16xi32>
          %parallel_loop3A_215 = tpu.bitcast %parallel_loop3A_214 : vector<16xi32> -> vector<16xf32>
          %parallel_loop3A_216 = tpu.bitcast %parallel_loop3A_211 : vector<16xi32> -> vector<16xf32>
          %parallel_loop3A_217 = arith.addf %parallel_loop3A_204, %parallel_loop3A_215 : vector<16xf32>
          %parallel_loop3A_218 = arith.addf %parallel_loop3A_205, %parallel_loop3A_216 : vector<16xf32>
          %parallel_loop3A_219 = arith.constant 64 : i32
          %parallel_loop3A_220 = arith.addi %parallel_loop3A_219, %parallel_loop3A_194 : i32
          %parallel_loop3A_221 = arith.index_cast %parallel_loop3A_190 : i32 to index
          %parallel_loop3A_222 = arith.index_cast %parallel_loop3A_220 : i32 to index
          %parallel_loop3A_223 = tpu.vector_load %arg10[%parallel_loop3A_221, %parallel_loop3A_222] {strides = array<i32>} : memref<16x384xi32, #tpu.memory_space<vmem>>, vector<1x16xi32>,
          %parallel_loop3A_224 = vector.shape_cast %parallel_loop3A_223 : vector<1x16xi32> to vector<16xi32>
          %parallel_loop3A_225 = arith.constant 16 : i32
          %parallel_loop3A_226 = vector.broadcast %parallel_loop3A_225 : i32 to vector<16xi32>
          %parallel_loop3A_227 = arith.shli %parallel_loop3A_224, %parallel_loop3A_226 : vector<16xi32>
          %parallel_loop3A_228 = tpu.bitcast %parallel_loop3A_227 : vector<16xi32> -> vector<16xf32>
          %parallel_loop3A_229 = tpu.bitcast %parallel_loop3A_224 : vector<16xi32> -> vector<16xf32>
          %parallel_loop3A_230 = arith.constant 64 : i32
          %parallel_loop3A_231 = arith.addi %parallel_loop3A_230, %parallel_loop3A_194 : i32
          %parallel_loop3A_232 = arith.index_cast %parallel_loop3A_190 : i32 to index
          %parallel_loop3A_233 = arith.index_cast %parallel_loop3A_231 : i32 to index
          %parallel_loop3A_234 = tpu.vector_load %arg12[%parallel_loop3A_232, %parallel_loop3A_233] {strides = array<i32>} : memref<16x384xi32, #tpu.memory_space<vmem>>, vector<1x16xi32>,
          %parallel_loop3A_235 = vector.shape_cast %parallel_loop3A_234 : vector<1x16xi32> to vector<16xi32>
          %parallel_loop3A_236 = arith.constant 16 : i32
          %parallel_loop3A_237 = vector.broadcast %parallel_loop3A_236 : i32 to vector<16xi32>
          %parallel_loop3A_238 = arith.shli %parallel_loop3A_235, %parallel_loop3A_237 : vector<16xi32>
          %parallel_loop3A_239 = tpu.bitcast %parallel_loop3A_238 : vector<16xi32> -> vector<16xf32>
          %parallel_loop3A_240 = tpu.bitcast %parallel_loop3A_235 : vector<16xi32> -> vector<16xf32>
          %parallel_loop3A_241 = arith.addf %parallel_loop3A_228, %parallel_loop3A_239 : vector<16xf32>
          %parallel_loop3A_242 = arith.addf %parallel_loop3A_229, %parallel_loop3A_240 : vector<16xf32>
          %parallel_loop3A_243 = arith.constant 128 : i32
          %parallel_loop3A_244 = arith.addi %parallel_loop3A_243, %parallel_loop3A_194 : i32
          %parallel_loop3A_245 = arith.index_cast %parallel_loop3A_190 : i32 to index
          %parallel_loop3A_246 = arith.index_cast %parallel_loop3A_244 : i32 to index
          %parallel_loop3A_247 = tpu.vector_load %arg10[%parallel_loop3A_245, %parallel_loop3A_246] {strides = array<i32>} : memref<16x384xi32, #tpu.memory_space<vmem>>, vector<1x16xi32>,
          %parallel_loop3A_248 = vector.shape_cast %parallel_loop3A_247 : vector<1x16xi32> to vector<16xi32>
          %parallel_loop3A_249 = arith.constant 16 : i32
          %parallel_loop3A_250 = vector.broadcast %parallel_loop3A_249 : i32 to vector<16xi32>
          %parallel_loop3A_251 = arith.shli %parallel_loop3A_248, %parallel_loop3A_250 : vector<16xi32>
          %parallel_loop3A_252 = tpu.bitcast %parallel_loop3A_251 : vector<16xi32> -> vector<16xf32>
          %parallel_loop3A_253 = tpu.bitcast %parallel_loop3A_248 : vector<16xi32> -> vector<16xf32>
          %parallel_loop3A_254 = arith.constant 128 : i32
          %parallel_loop3A_255 = arith.addi %parallel_loop3A_254, %parallel_loop3A_194 : i32
          %parallel_loop3A_256 = arith.index_cast %parallel_loop3A_190 : i32 to index
          %parallel_loop3A_257 = arith.index_cast %parallel_loop3A_255 : i32 to index
          %parallel_loop3A_258 = tpu.vector_load %arg12[%parallel_loop3A_256, %parallel_loop3A_257] {strides = array<i32>} : memref<16x384xi32, #tpu.memory_space<vmem>>, vector<1x16xi32>,
          %parallel_loop3A_259 = vector.shape_cast %parallel_loop3A_258 : vector<1x16xi32> to vector<16xi32>
          %parallel_loop3A_260 = arith.constant 16 : i32
          %parallel_loop3A_261 = vector.broadcast %parallel_loop3A_260 : i32 to vector<16xi32>
          %parallel_loop3A_262 = arith.shli %parallel_loop3A_259, %parallel_loop3A_261 : vector<16xi32>
          %parallel_loop3A_263 = tpu.bitcast %parallel_loop3A_262 : vector<16xi32> -> vector<16xf32>
          %parallel_loop3A_264 = tpu.bitcast %parallel_loop3A_259 : vector<16xi32> -> vector<16xf32>
          %parallel_loop3A_265 = arith.addf %parallel_loop3A_252, %parallel_loop3A_263 : vector<16xf32>
          %parallel_loop3A_266 = arith.addf %parallel_loop3A_253, %parallel_loop3A_264 : vector<16xf32>
          %parallel_loop3A_267 = arith.constant 192 : i32
          %parallel_loop3A_268 = arith.addi %parallel_loop3A_267, %parallel_loop3A_194 : i32
          %parallel_loop3A_269 = arith.index_cast %parallel_loop3A_190 : i32 to index
          %parallel_loop3A_270 = arith.index_cast %parallel_loop3A_268 : i32 to index
          %parallel_loop3A_271 = tpu.vector_load %arg10[%parallel_loop3A_269, %parallel_loop3A_270] {strides = array<i32>} : memref<16x384xi32, #tpu.memory_space<vmem>>, vector<1x16xi32>,
          %parallel_loop3A_272 = vector.shape_cast %parallel_loop3A_271 : vector<1x16xi32> to vector<16xi32>
          %parallel_loop3A_273 = arith.constant 16 : i32
          %parallel_loop3A_274 = vector.broadcast %parallel_loop3A_273 : i32 to vector<16xi32>
          %parallel_loop3A_275 = arith.shli %parallel_loop3A_272, %parallel_loop3A_274 : vector<16xi32>
          %parallel_loop3A_276 = tpu.bitcast %parallel_loop3A_275 : vector<16xi32> -> vector<16xf32>
          %parallel_loop3A_277 = tpu.bitcast %parallel_loop3A_272 : vector<16xi32> -> vector<16xf32>
          %parallel_loop3A_278 = arith.constant 192 : i32
          %parallel_loop3A_279 = arith.addi %parallel_loop3A_278, %parallel_loop3A_194 : i32
          %parallel_loop3A_280 = arith.index_cast %parallel_loop3A_190 : i32 to index
          %parallel_loop3A_281 = arith.index_cast %parallel_loop3A_279 : i32 to index
          %parallel_loop3A_282 = tpu.vector_load %arg12[%parallel_loop3A_280, %parallel_loop3A_281] {strides = array<i32>} : memref<16x384xi32, #tpu.memory_space<vmem>>, vector<1x16xi32>,
          %parallel_loop3A_283 = vector.shape_cast %parallel_loop3A_282 : vector<1x16xi32> to vector<16xi32>
          %parallel_loop3A_284 = arith.constant 16 : i32
          %parallel_loop3A_285 = vector.broadcast %parallel_loop3A_284 : i32 to vector<16xi32>
          %parallel_loop3A_286 = arith.shli %parallel_loop3A_283, %parallel_loop3A_285 : vector<16xi32>
          %parallel_loop3A_287 = tpu.bitcast %parallel_loop3A_286 : vector<16xi32> -> vector<16xf32>
          %parallel_loop3A_288 = tpu.bitcast %parallel_loop3A_283 : vector<16xi32> -> vector<16xf32>
          %parallel_loop3A_289 = arith.addf %parallel_loop3A_276, %parallel_loop3A_287 : vector<16xf32>
          %parallel_loop3A_290 = arith.addf %parallel_loop3A_277, %parallel_loop3A_288 : vector<16xf32>
          %parallel_loop3A_291 = arith.constant 256 : i32
          %parallel_loop3A_292 = arith.addi %parallel_loop3A_291, %parallel_loop3A_194 : i32
          %parallel_loop3A_293 = arith.index_cast %parallel_loop3A_190 : i32 to index
          %parallel_loop3A_294 = arith.index_cast %parallel_loop3A_292 : i32 to index
          %parallel_loop3A_295 = tpu.vector_load %arg10[%parallel_loop3A_293, %parallel_loop3A_294] {strides = array<i32>} : memref<16x384xi32, #tpu.memory_space<vmem>>, vector<1x16xi32>,
          %parallel_loop3A_296 = vector.shape_cast %parallel_loop3A_295 : vector<1x16xi32> to vector<16xi32>
          %parallel_loop3A_297 = arith.constant 16 : i32
          %parallel_loop3A_298 = vector.broadcast %parallel_loop3A_297 : i32 to vector<16xi32>
          %parallel_loop3A_299 = arith.shli %parallel_loop3A_296, %parallel_loop3A_298 : vector<16xi32>
          %parallel_loop3A_300 = tpu.bitcast %parallel_loop3A_299 : vector<16xi32> -> vector<16xf32>
          %parallel_loop3A_301 = tpu.bitcast %parallel_loop3A_296 : vector<16xi32> -> vector<16xf32>
          %parallel_loop3A_302 = arith.constant 256 : i32
          %parallel_loop3A_303 = arith.addi %parallel_loop3A_302, %parallel_loop3A_194 : i32
          %parallel_loop3A_304 = arith.index_cast %parallel_loop3A_190 : i32 to index
          %parallel_loop3A_305 = arith.index_cast %parallel_loop3A_303 : i32 to index
          %parallel_loop3A_306 = tpu.vector_load %arg12[%parallel_loop3A_304, %parallel_loop3A_305] {strides = array<i32>} : memref<16x384xi32, #tpu.memory_space<vmem>>, vector<1x16xi32>,
          %parallel_loop3A_307 = vector.shape_cast %parallel_loop3A_306 : vector<1x16xi32> to vector<16xi32>
          %parallel_loop3A_308 = arith.constant 16 : i32
          %parallel_loop3A_309 = vector.broadcast %parallel_loop3A_308 : i32 to vector<16xi32>
          %parallel_loop3A_310 = arith.shli %parallel_loop3A_307, %parallel_loop3A_309 : vector<16xi32>
          %parallel_loop3A_311 = tpu.bitcast %parallel_loop3A_310 : vector<16xi32> -> vector<16xf32>
          %parallel_loop3A_312 = tpu.bitcast %parallel_loop3A_307 : vector<16xi32> -> vector<16xf32>
          %parallel_loop3A_313 = arith.addf %parallel_loop3A_300, %parallel_loop3A_311 : vector<16xf32>
          %parallel_loop3A_314 = arith.addf %parallel_loop3A_301, %parallel_loop3A_312 : vector<16xf32>
          %parallel_loop3A_315 = arith.constant 320 : i32
          %parallel_loop3A_316 = arith.addi %parallel_loop3A_315, %parallel_loop3A_194 : i32
          %parallel_loop3A_317 = arith.index_cast %parallel_loop3A_190 : i32 to index
          %parallel_loop3A_318 = arith.index_cast %parallel_loop3A_316 : i32 to index
          %parallel_loop3A_319 = tpu.vector_load %arg10[%parallel_loop3A_317, %parallel_loop3A_318] {strides = array<i32>} : memref<16x384xi32, #tpu.memory_space<vmem>>, vector<1x16xi32>,
          %parallel_loop3A_320 = vector.shape_cast %parallel_loop3A_319 : vector<1x16xi32> to vector<16xi32>
          %parallel_loop3A_321 = arith.constant 16 : i32
          %parallel_loop3A_322 = vector.broadcast %parallel_loop3A_321 : i32 to vector<16xi32>
          %parallel_loop3A_323 = arith.shli %parallel_loop3A_320, %parallel_loop3A_322 : vector<16xi32>
          %parallel_loop3A_324 = tpu.bitcast %parallel_loop3A_323 : vector<16xi32> -> vector<16xf32>
          %parallel_loop3A_325 = tpu.bitcast %parallel_loop3A_320 : vector<16xi32> -> vector<16xf32>
          %parallel_loop3A_326 = arith.constant 320 : i32
          %parallel_loop3A_327 = arith.addi %parallel_loop3A_326, %parallel_loop3A_194 : i32
          %parallel_loop3A_328 = arith.index_cast %parallel_loop3A_190 : i32 to index
          %parallel_loop3A_329 = arith.index_cast %parallel_loop3A_327 : i32 to index
          %parallel_loop3A_330 = tpu.vector_load %arg12[%parallel_loop3A_328, %parallel_loop3A_329] {strides = array<i32>} : memref<16x384xi32, #tpu.memory_space<vmem>>, vector<1x16xi32>,
          %parallel_loop3A_331 = vector.shape_cast %parallel_loop3A_330 : vector<1x16xi32> to vector<16xi32>
          %parallel_loop3A_332 = arith.constant 16 : i32
          %parallel_loop3A_333 = vector.broadcast %parallel_loop3A_332 : i32 to vector<16xi32>
          %parallel_loop3A_334 = arith.shli %parallel_loop3A_331, %parallel_loop3A_333 : vector<16xi32>
          %parallel_loop3A_335 = tpu.bitcast %parallel_loop3A_334 : vector<16xi32> -> vector<16xf32>
          %parallel_loop3A_336 = tpu.bitcast %parallel_loop3A_331 : vector<16xi32> -> vector<16xf32>
          %parallel_loop3A_337 = arith.constant 16 : i32
          %parallel_loop3A_338 = arith.muli %parallel_loop3A_192, %parallel_loop3A_337 : i32
          %parallel_loop3A_339 = arith.constant 0 : i32
          %parallel_loop3A_340 = arith.addi %parallel_loop3A_338, %parallel_loop3A_339 : i32
          %parallel_loop3A_341 = math.exp %parallel_loop3A_217 : vector<16xf32>
          %parallel_loop3A_342 = arith.constant 1.000000e+00 : f32
          %parallel_loop3A_343 = vector.broadcast %parallel_loop3A_342 : f32 to vector<16xf32>
          %parallel_loop3A_344 = arith.addf %parallel_loop3A_343, %parallel_loop3A_341 : vector<16xf32>
          %parallel_loop3A_345 = arith.constant 1.000000e+00 : f32
          %parallel_loop3A_346 = vector.broadcast %parallel_loop3A_345 : f32 to vector<16xf32>
          %parallel_loop3A_347 = arith.divf %parallel_loop3A_346, %parallel_loop3A_344 : vector<16xf32>
          %parallel_loop3A_348 = math.exp %parallel_loop3A_241 : vector<16xf32>
          %parallel_loop3A_349 = arith.constant 1.000000e+00 : f32
          %parallel_loop3A_350 = vector.broadcast %parallel_loop3A_349 : f32 to vector<16xf32>
          %parallel_loop3A_351 = arith.addf %parallel_loop3A_350, %parallel_loop3A_348 : vector<16xf32>
          %parallel_loop3A_352 = arith.constant 1.000000e+00 : f32
          %parallel_loop3A_353 = vector.broadcast %parallel_loop3A_352 : f32 to vector<16xf32>
          %parallel_loop3A_354 = arith.divf %parallel_loop3A_353, %parallel_loop3A_351 : vector<16xf32>
          %parallel_loop3A_355 = math.exp %parallel_loop3A_265 : vector<16xf32>
          %parallel_loop3A_356 = arith.constant 1.000000e+00 : f32
          %parallel_loop3A_357 = vector.broadcast %parallel_loop3A_356 : f32 to vector<16xf32>
          %parallel_loop3A_358 = arith.addf %parallel_loop3A_357, %parallel_loop3A_355 : vector<16xf32>
          %parallel_loop3A_359 = arith.constant 4.000000e+00 : f32
          %parallel_loop3A_360 = vector.broadcast %parallel_loop3A_359 : f32 to vector<16xf32>
          %parallel_loop3A_361 = arith.divf %parallel_loop3A_360, %parallel_loop3A_358 : vector<16xf32>
          %parallel_loop3A_362 = arith.constant 2.000000e+00 : f32
          %parallel_loop3A_363 = vector.broadcast %parallel_loop3A_362 : f32 to vector<16xf32>
          %parallel_loop3A_364 = arith.subf %parallel_loop3A_363, %parallel_loop3A_361 : vector<16xf32>
          %parallel_loop3A_365 = math.exp %parallel_loop3A_289 : vector<16xf32>
          %parallel_loop3A_366 = arith.constant 1.000000e+00 : f32
          %parallel_loop3A_367 = vector.broadcast %parallel_loop3A_366 : f32 to vector<16xf32>
          %parallel_loop3A_368 = arith.addf %parallel_loop3A_367, %parallel_loop3A_365 : vector<16xf32>
          %parallel_loop3A_369 = arith.constant 1.000000e+00 : f32
          %parallel_loop3A_370 = vector.broadcast %parallel_loop3A_369 : f32 to vector<16xf32>
          %parallel_loop3A_371 = arith.divf %parallel_loop3A_370, %parallel_loop3A_368 : vector<16xf32>
          %parallel_loop3A_372 = math.exp %parallel_loop3A_313 : vector<16xf32>
          %parallel_loop3A_373 = arith.constant 1.000000e+00 : f32
          %parallel_loop3A_374 = vector.broadcast %parallel_loop3A_373 : f32 to vector<16xf32>
          %parallel_loop3A_375 = arith.addf %parallel_loop3A_374, %parallel_loop3A_372 : vector<16xf32>
          %parallel_loop3A_376 = arith.constant 1.000000e+00 : f32
          %parallel_loop3A_377 = vector.broadcast %parallel_loop3A_376 : f32 to vector<16xf32>
          %parallel_loop3A_378 = arith.divf %parallel_loop3A_377, %parallel_loop3A_375 : vector<16xf32>
          %parallel_loop3A_379 = arith.mulf %parallel_loop3A_347, %parallel_loop3A_364 : vector<16xf32>
          %parallel_loop3A_380 = arith.mulf %parallel_loop3A_371, %parallel_loop3A_324 : vector<16xf32>
          %parallel_loop3A_381 = arith.addf %parallel_loop3A_379, %parallel_loop3A_380 : vector<16xf32>
          %parallel_loop3A_382 = arith.mulf %parallel_loop3A_378, %parallel_loop3A_335 : vector<16xf32>
          %parallel_loop3A_383 = arith.addf %parallel_loop3A_381, %parallel_loop3A_382 : vector<16xf32>
          %parallel_loop3A_384 = math.exp %parallel_loop3A_383 : vector<16xf32>
          %parallel_loop3A_385 = arith.constant 1.000000e+00 : f32
          %parallel_loop3A_386 = vector.broadcast %parallel_loop3A_385 : f32 to vector<16xf32>
          %parallel_loop3A_387 = arith.addf %parallel_loop3A_386, %parallel_loop3A_384 : vector<16xf32>
          %parallel_loop3A_388 = arith.constant 2.000000e+00 : f32
          %parallel_loop3A_389 = vector.broadcast %parallel_loop3A_388 : f32 to vector<16xf32>
          %parallel_loop3A_390 = arith.divf %parallel_loop3A_389, %parallel_loop3A_387 : vector<16xf32>
          %parallel_loop3A_391 = arith.constant 1.000000e+00 : f32
          %parallel_loop3A_392 = vector.broadcast %parallel_loop3A_391 : f32 to vector<16xf32>
          %parallel_loop3A_393 = arith.subf %parallel_loop3A_390, %parallel_loop3A_392 : vector<16xf32>
          %parallel_loop3A_394 = arith.mulf %parallel_loop3A_354, %parallel_loop3A_393 : vector<16xf32>
          %parallel_loop3A_395 = arith.constant 16 : i32
          %parallel_loop3A_396 = arith.muli %mul3A_108, %parallel_loop3A_395 : i32
          %parallel_loop3A_397 = arith.addi %parallel_loop3A_396, %parallel_loop3A_190 : i32
          %parallel_loop3A_398 = arith.index_cast %parallel_loop3A_397 : i32 to index
          %parallel_loop3A_399 = arith.index_cast %parallel_loop3A_340 : i32 to index
          %parallel_loop3A_400 = tpu.vector_load %arg14[%parallel_loop3A_398, %parallel_loop3A_399] {strides = array<i32>} : memref<128x128xf32, #tpu.memory_space<vmem>>, vector<1x16xf32>,
          %parallel_loop3A_401 = vector.shape_cast %parallel_loop3A_400 : vector<1x16xf32> to vector<16xf32>
          %parallel_loop3A_402 = vector.shape_cast %parallel_loop3A_394 : vector<16xf32> to vector<1x16xf32>
          tpu.vector_store %arg14[%parallel_loop3A_398, %parallel_loop3A_399], %parallel_loop3A_402 {strides = array<i32>} : memref<128x128xf32, #tpu.memory_space<vmem>>, vector<1x16xf32>,
          %parallel_loop3A_403 = arith.constant 16 : i32
          %parallel_loop3A_404 = arith.muli %parallel_loop3A_192, %parallel_loop3A_403 : i32
          %parallel_loop3A_405 = arith.constant 64 : i32
          %parallel_loop3A_406 = arith.addi %parallel_loop3A_404, %parallel_loop3A_405 : i32
          %parallel_loop3A_407 = math.exp %parallel_loop3A_218 : vector<16xf32>
          %parallel_loop3A_408 = arith.constant 1.000000e+00 : f32
          %parallel_loop3A_409 = vector.broadcast %parallel_loop3A_408 : f32 to vector<16xf32>
          %parallel_loop3A_410 = arith.addf %parallel_loop3A_409, %parallel_loop3A_407 : vector<16xf32>
          %parallel_loop3A_411 = arith.constant 1.000000e+00 : f32
          %parallel_loop3A_412 = vector.broadcast %parallel_loop3A_411 : f32 to vector<16xf32>
          %parallel_loop3A_413 = arith.divf %parallel_loop3A_412, %parallel_loop3A_410 : vector<16xf32>
          %parallel_loop3A_414 = math.exp %parallel_loop3A_242 : vector<16xf32>
          %parallel_loop3A_415 = arith.constant 1.000000e+00 : f32
          %parallel_loop3A_416 = vector.broadcast %parallel_loop3A_415 : f32 to vector<16xf32>
          %parallel_loop3A_417 = arith.addf %parallel_loop3A_416, %parallel_loop3A_414 : vector<16xf32>
          %parallel_loop3A_418 = arith.constant 1.000000e+00 : f32
          %parallel_loop3A_419 = vector.broadcast %parallel_loop3A_418 : f32 to vector<16xf32>
          %parallel_loop3A_420 = arith.divf %parallel_loop3A_419, %parallel_loop3A_417 : vector<16xf32>
          %parallel_loop3A_421 = math.exp %parallel_loop3A_266 : vector<16xf32>
          %parallel_loop3A_422 = arith.constant 1.000000e+00 : f32
          %parallel_loop3A_423 = vector.broadcast %parallel_loop3A_422 : f32 to vector<16xf32>
          %parallel_loop3A_424 = arith.addf %parallel_loop3A_423, %parallel_loop3A_421 : vector<16xf32>
          %parallel_loop3A_425 = arith.constant 4.000000e+00 : f32
          %parallel_loop3A_426 = vector.broadcast %parallel_loop3A_425 : f32 to vector<16xf32>
          %parallel_loop3A_427 = arith.divf %parallel_loop3A_426, %parallel_loop3A_424 : vector<16xf32>
          %parallel_loop3A_428 = arith.constant 2.000000e+00 : f32
          %parallel_loop3A_429 = vector.broadcast %parallel_loop3A_428 : f32 to vector<16xf32>
          %parallel_loop3A_430 = arith.subf %parallel_loop3A_429, %parallel_loop3A_427 : vector<16xf32>
          %parallel_loop3A_431 = math.exp %parallel_loop3A_290 : vector<16xf32>
          %parallel_loop3A_432 = arith.constant 1.000000e+00 : f32
          %parallel_loop3A_433 = vector.broadcast %parallel_loop3A_432 : f32 to vector<16xf32>
          %parallel_loop3A_434 = arith.addf %parallel_loop3A_433, %parallel_loop3A_431 : vector<16xf32>
          %parallel_loop3A_435 = arith.constant 1.000000e+00 : f32
          %parallel_loop3A_436 = vector.broadcast %parallel_loop3A_435 : f32 to vector<16xf32>
          %parallel_loop3A_437 = arith.divf %parallel_loop3A_436, %parallel_loop3A_434 : vector<16xf32>
          %parallel_loop3A_438 = math.exp %parallel_loop3A_314 : vector<16xf32>
          %parallel_loop3A_439 = arith.constant 1.000000e+00 : f32
          %parallel_loop3A_440 = vector.broadcast %parallel_loop3A_439 : f32 to vector<16xf32>
          %parallel_loop3A_441 = arith.addf %parallel_loop3A_440, %parallel_loop3A_438 : vector<16xf32>
          %parallel_loop3A_442 = arith.constant 1.000000e+00 : f32
          %parallel_loop3A_443 = vector.broadcast %parallel_loop3A_442 : f32 to vector<16xf32>
          %parallel_loop3A_444 = arith.divf %parallel_loop3A_443, %parallel_loop3A_441 : vector<16xf32>
          %parallel_loop3A_445 = arith.mulf %parallel_loop3A_413, %parallel_loop3A_430 : vector<16xf32>
          %parallel_loop3A_446 = arith.mulf %parallel_loop3A_437, %parallel_loop3A_325 : vector<16xf32>
          %parallel_loop3A_447 = arith.addf %parallel_loop3A_445, %parallel_loop3A_446 : vector<16xf32>
          %parallel_loop3A_448 = arith.mulf %parallel_loop3A_444, %parallel_loop3A_336 : vector<16xf32>
          %parallel_loop3A_449 = arith.addf %parallel_loop3A_447, %parallel_loop3A_448 : vector<16xf32>
          %parallel_loop3A_450 = math.exp %parallel_loop3A_449 : vector<16xf32>
          %parallel_loop3A_451 = arith.constant 1.000000e+00 : f32
          %parallel_loop3A_452 = vector.broadcast %parallel_loop3A_451 : f32 to vector<16xf32>
          %parallel_loop3A_453 = arith.addf %parallel_loop3A_452, %parallel_loop3A_450 : vector<16xf32>
          %parallel_loop3A_454 = arith.constant 2.000000e+00 : f32
          %parallel_loop3A_455 = vector.broadcast %parallel_loop3A_454 : f32 to vector<16xf32>
          %parallel_loop3A_456 = arith.divf %parallel_loop3A_455, %parallel_loop3A_453 : vector<16xf32>
          %parallel_loop3A_457 = arith.constant 1.000000e+00 : f32
          %parallel_loop3A_458 = vector.broadcast %parallel_loop3A_457 : f32 to vector<16xf32>
          %parallel_loop3A_459 = arith.subf %parallel_loop3A_456, %parallel_loop3A_458 : vector<16xf32>
          %parallel_loop3A_460 = arith.mulf %parallel_loop3A_420, %parallel_loop3A_459 : vector<16xf32>
          %parallel_loop3A_461 = arith.constant 16 : i32
          %parallel_loop3A_462 = arith.muli %mul3A_108, %parallel_loop3A_461 : i32
          %parallel_loop3A_463 = arith.addi %parallel_loop3A_462, %parallel_loop3A_190 : i32
          %parallel_loop3A_464 = arith.index_cast %parallel_loop3A_463 : i32 to index
          %parallel_loop3A_465 = arith.index_cast %parallel_loop3A_406 : i32 to index
          %parallel_loop3A_466 = tpu.vector_load %arg14[%parallel_loop3A_464, %parallel_loop3A_465] {strides = array<i32>} : memref<128x128xf32, #tpu.memory_space<vmem>>, vector<1x16xf32>,
          %parallel_loop3A_467 = vector.shape_cast %parallel_loop3A_466 : vector<1x16xf32> to vector<16xf32>
          %parallel_loop3A_468 = vector.shape_cast %parallel_loop3A_460 : vector<16xf32> to vector<1x16xf32>
          tpu.vector_store %arg14[%parallel_loop3A_464, %parallel_loop3A_465], %parallel_loop3A_468 {strides = array<i32>} : memref<128x128xf32, #tpu.memory_space<vmem>>, vector<1x16xf32>,
        } {sc.loop_unroll_factor = 2 : i64, sc.parallel_access}
        %lt3A_158 = arith.constant 3 : i32
        %lt3A_159 = arith.cmpi slt, %scan3A_105, %lt3A_158 : i32
        %convert_element_type3A_160 = arith.extui %lt3A_159 : i1 to i32
        %cond3A_161 = arith.constant 0 : i32
        %cond3A_162 = arith.cmpi ne, %convert_element_type3A_160, %cond3A_161 : i32
        scf.if %cond3A_162 {
          %add3A_188 = arith.constant 2 : i32
          %add3A_189 = arith.addi %mul3A_108, %add3A_188 : i32
          %mul3A_190 = arith.constant 16 : i32
          %mul3A_191 = arith.muli %add3A_189, %mul3A_190 : i32
          %dma_start3A_192 = tpu.memref_slice %arg7[%and3A_81, %mul3A_191] : memref<2x128xi32, #tpu.memory_space<vmem>> -> memref<1x16xi32, #tpu.memory_space<vmem>>
          %dma_start3A_193 = tpu.memref_squeeze %dma_start3A_192 : memref<1x16xi32, #tpu.memory_space<vmem>> -> memref<16xi32, #tpu.memory_space<vmem>>
          %dma_start3A_194 = arith.constant 0 : i32
          %dma_start3A_195 = arith.constant 0 : i32
          %dma_start3A_196 = tpu.memref_slice %arg2[%dma_start3A_194, %dma_start3A_195] : memref<10000x384xi32, #tpu.memory_space<hbm>> -> memref<10000x384xi32, #tpu.memory_space<hbm>>
          tpu.enqueue_indirect_dma source(%dma_start3A_196 : memref<10000x384xi32, #tpu.memory_space<hbm>>) target(%arg10 : memref<16x384xi32, #tpu.memory_space<vmem>>) offsets(%dma_start3A_193 : memref<16xi32, #tpu.memory_space<vmem>>) semaphore(%arg16 : memref<!tpu.dma_semaphore, #tpu.memory_space<semaphore_mem>>)
          %lt3A_197 = arith.constant 4 : i32
          %lt3A_198 = arith.cmpi slt, %add3A_189, %lt3A_197 : i32
          %convert_element_type3A_199 = arith.extui %lt3A_198 : i1 to i32
          %cond3A_200 = arith.constant 0 : i32
          %cond3A_201 = arith.cmpi ne, %convert_element_type3A_199, %cond3A_200 : i32
          scf.if %cond3A_201 {
            %mul3A_207 = arith.constant 16 : i32
            %mul3A_208 = arith.muli %add3A_189, %mul3A_207 : i32
            %dma_start3A_209 = tpu.memref_slice %arg8[%and3A_81, %mul3A_208] : memref<2x64xi32, #tpu.memory_space<vmem>> -> memref<1x16xi32, #tpu.memory_space<vmem>>
            %dma_start3A_210 = tpu.memref_squeeze %dma_start3A_209 : memref<1x16xi32, #tpu.memory_space<vmem>> -> memref<16xi32, #tpu.memory_space<vmem>>
            %dma_start3A_211 = arith.constant 0 : i32
            %dma_start3A_212 = arith.constant 0 : i32
            %dma_start3A_213 = tpu.memref_slice %arg3[%dma_start3A_211, %dma_start3A_212] : memref<10000x384xi32, #tpu.memory_space<hbm>> -> memref<10000x384xi32, #tpu.memory_space<hbm>>
            tpu.enqueue_indirect_dma source(%dma_start3A_213 : memref<10000x384xi32, #tpu.memory_space<hbm>>) target(%arg12 : memref<16x384xi32, #tpu.memory_space<vmem>>) offsets(%dma_start3A_210 : memref<16xi32, #tpu.memory_space<vmem>>) semaphore(%arg18 : memref<!tpu.dma_semaphore, #tpu.memory_space<semaphore_mem>>)
          } else {
          }
          %ge3A_202 = arith.constant 4 : i32
          %ge3A_203 = arith.cmpi sge, %add3A_189, %ge3A_202 : i32
          %convert_element_type3A_204 = arith.extui %ge3A_203 : i1 to i32
          %cond3A_205 = arith.constant 0 : i32
          %cond3A_206 = arith.cmpi ne, %convert_element_type3A_204, %cond3A_205 : i32
          scf.if %cond3A_206 {
            %sub3A = arith.constant 4 : i32
            %sub3A_207 = arith.subi %add3A_189, %sub3A : i32
            %mul3A_208 = arith.constant 16 : i32
            %mul3A_209 = arith.muli %sub3A_207, %mul3A_208 : i32
            %dma_start3A_210 = tpu.memref_slice %arg9[%and3A_81, %mul3A_209] : memref<2x64xi32, #tpu.memory_space<vmem>> -> memref<1x16xi32, #tpu.memory_space<vmem>>
            %dma_start3A_211 = tpu.memref_squeeze %dma_start3A_210 : memref<1x16xi32, #tpu.memory_space<vmem>> -> memref<16xi32, #tpu.memory_space<vmem>>
            %dma_start3A_212 = arith.constant 0 : i32
            %dma_start3A_213 = arith.constant 0 : i32
            %dma_start3A_214 = tpu.memref_slice %arg3[%dma_start3A_212, %dma_start3A_213] : memref<10000x384xi32, #tpu.memory_space<hbm>> -> memref<10000x384xi32, #tpu.memory_space<hbm>>
            tpu.enqueue_indirect_dma source(%dma_start3A_214 : memref<10000x384xi32, #tpu.memory_space<hbm>>) target(%arg12 : memref<16x384xi32, #tpu.memory_space<vmem>>) offsets(%dma_start3A_211 : memref<16xi32, #tpu.memory_space<vmem>>) semaphore(%arg18 : memref<!tpu.dma_semaphore, #tpu.memory_space<semaphore_mem>>)
          } else {
          }
        } else {
        }
        %dma_wait3A_163 = arith.constant 0 : i32
        %dma_wait3A_164 = arith.constant 0 : i32
        %dma_wait3A_165 = tpu.memref_slice %arg7[%dma_wait3A_163, %dma_wait3A_164] : memref<2x128xi32, #tpu.memory_space<vmem>> -> memref<1x16xi32, #tpu.memory_space<vmem>>
        %dma_wait3A_166 = tpu.memref_squeeze %dma_wait3A_165 : memref<1x16xi32, #tpu.memory_space<vmem>> -> memref<16xi32, #tpu.memory_space<vmem>>
        %dma_wait3A_167 = arith.constant 0 : i32
        %dma_wait3A_168 = arith.constant 0 : i32
        %dma_wait3A_169 = tpu.memref_slice %arg2[%dma_wait3A_167, %dma_wait3A_168] : memref<10000x384xi32, #tpu.memory_space<hbm>> -> memref<10000x384xi32, #tpu.memory_space<hbm>>
        tpu.wait_indirect_dma semaphore(%arg17 : memref<!tpu.dma_semaphore, #tpu.memory_space<semaphore_mem>>) src(%dma_wait3A_169 : memref<10000x384xi32, #tpu.memory_space<hbm>>) dst(%arg11 : memref<16x384xi32, #tpu.memory_space<vmem>>)
        %dma_wait3A_170 = arith.constant 0 : i32
        %dma_wait3A_171 = arith.constant 0 : i32
        %dma_wait3A_172 = tpu.memref_slice %arg7[%dma_wait3A_170, %dma_wait3A_171] : memref<2x128xi32, #tpu.memory_space<vmem>> -> memref<1x16xi32, #tpu.memory_space<vmem>>
        %dma_wait3A_173 = tpu.memref_squeeze %dma_wait3A_172 : memref<1x16xi32, #tpu.memory_space<vmem>> -> memref<16xi32, #tpu.memory_space<vmem>>
        %dma_wait3A_174 = arith.constant 0 : i32
        %dma_wait3A_175 = arith.constant 0 : i32
        %dma_wait3A_176 = tpu.memref_slice %arg3[%dma_wait3A_174, %dma_wait3A_175] : memref<10000x384xi32, #tpu.memory_space<hbm>> -> memref<10000x384xi32, #tpu.memory_space<hbm>>
        tpu.wait_indirect_dma semaphore(%arg19 : memref<!tpu.dma_semaphore, #tpu.memory_space<semaphore_mem>>) src(%dma_wait3A_176 : memref<10000x384xi32, #tpu.memory_space<hbm>>) dst(%arg13 : memref<16x384xi32, #tpu.memory_space<vmem>>)
        %add3A_177 = arith.constant 1 : i32
        %add3A_178 = arith.addi %mul3A_108, %add3A_177 : i32
        %parallel_loop3A_179 = arith.constant 0 : i32
        %parallel_loop3A_180 = arith.constant 64 : i32
        %parallel_loop3A_181 = arith.constant 1 : i32
        scf.for %parallel_loop3A_188 = %parallel_loop3A_179 to %parallel_loop3A_180 step %parallel_loop3A_181  : i32 {
          %parallel_loop3A_189 = arith.constant 2 : i32
          %parallel_loop3A_190 = arith.shrui %parallel_loop3A_188, %parallel_loop3A_189 : i32
          %parallel_loop3A_191 = arith.constant 3 : i32
          %parallel_loop3A_192 = arith.andi %parallel_loop3A_188, %parallel_loop3A_191 : i32
          %parallel_loop3A_193 = arith.constant 16 : i32
          %parallel_loop3A_194 = arith.muli %parallel_loop3A_192, %parallel_loop3A_193 : i32
          %parallel_loop3A_195 = arith.constant 0 : i32
          %parallel_loop3A_196 = arith.addi %parallel_loop3A_195, %parallel_loop3A_194 : i32
          %parallel_loop3A_197 = arith.index_cast %parallel_loop3A_190 : i32 to index
          %parallel_loop3A_198 = arith.index_cast %parallel_loop3A_196 : i32 to index
          %parallel_loop3A_199 = tpu.vector_load %arg11[%parallel_loop3A_197, %parallel_loop3A_198] {strides = array<i32>} : memref<16x384xi32, #tpu.memory_space<vmem>>, vector<1x16xi32>,
          %parallel_loop3A_200 = vector.shape_cast %parallel_loop3A_199 : vector<1x16xi32> to vector<16xi32>
          %parallel_loop3A_201 = arith.constant 16 : i32
          %parallel_loop3A_202 = vector.broadcast %parallel_loop3A_201 : i32 to vector<16xi32>
          %parallel_loop3A_203 = arith.shli %parallel_loop3A_200, %parallel_loop3A_202 : vector<16xi32>
          %parallel_loop3A_204 = tpu.bitcast %parallel_loop3A_203 : vector<16xi32> -> vector<16xf32>
          %parallel_loop3A_205 = tpu.bitcast %parallel_loop3A_200 : vector<16xi32> -> vector<16xf32>
          %parallel_loop3A_206 = arith.constant 0 : i32
          %parallel_loop3A_207 = arith.addi %parallel_loop3A_206, %parallel_loop3A_194 : i32
          %parallel_loop3A_208 = arith.index_cast %parallel_loop3A_190 : i32 to index
          %parallel_loop3A_209 = arith.index_cast %parallel_loop3A_207 : i32 to index
          %parallel_loop3A_210 = tpu.vector_load %arg13[%parallel_loop3A_208, %parallel_loop3A_209] {strides = array<i32>} : memref<16x384xi32, #tpu.memory_space<vmem>>, vector<1x16xi32>,
          %parallel_loop3A_211 = vector.shape_cast %parallel_loop3A_210 : vector<1x16xi32> to vector<16xi32>
          %parallel_loop3A_212 = arith.constant 16 : i32
          %parallel_loop3A_213 = vector.broadcast %parallel_loop3A_212 : i32 to vector<16xi32>
          %parallel_loop3A_214 = arith.shli %parallel_loop3A_211, %parallel_loop3A_213 : vector<16xi32>
          %parallel_loop3A_215 = tpu.bitcast %parallel_loop3A_214 : vector<16xi32> -> vector<16xf32>
          %parallel_loop3A_216 = tpu.bitcast %parallel_loop3A_211 : vector<16xi32> -> vector<16xf32>
          %parallel_loop3A_217 = arith.addf %parallel_loop3A_204, %parallel_loop3A_215 : vector<16xf32>
          %parallel_loop3A_218 = arith.addf %parallel_loop3A_205, %parallel_loop3A_216 : vector<16xf32>
          %parallel_loop3A_219 = arith.constant 64 : i32
          %parallel_loop3A_220 = arith.addi %parallel_loop3A_219, %parallel_loop3A_194 : i32
          %parallel_loop3A_221 = arith.index_cast %parallel_loop3A_190 : i32 to index
          %parallel_loop3A_222 = arith.index_cast %parallel_loop3A_220 : i32 to index
          %parallel_loop3A_223 = tpu.vector_load %arg11[%parallel_loop3A_221, %parallel_loop3A_222] {strides = array<i32>} : memref<16x384xi32, #tpu.memory_space<vmem>>, vector<1x16xi32>,
          %parallel_loop3A_224 = vector.shape_cast %parallel_loop3A_223 : vector<1x16xi32> to vector<16xi32>
          %parallel_loop3A_225 = arith.constant 16 : i32
          %parallel_loop3A_226 = vector.broadcast %parallel_loop3A_225 : i32 to vector<16xi32>
          %parallel_loop3A_227 = arith.shli %parallel_loop3A_224, %parallel_loop3A_226 : vector<16xi32>
          %parallel_loop3A_228 = tpu.bitcast %parallel_loop3A_227 : vector<16xi32> -> vector<16xf32>
          %parallel_loop3A_229 = tpu.bitcast %parallel_loop3A_224 : vector<16xi32> -> vector<16xf32>
          %parallel_loop3A_230 = arith.constant 64 : i32
          %parallel_loop3A_231 = arith.addi %parallel_loop3A_230, %parallel_loop3A_194 : i32
          %parallel_loop3A_232 = arith.index_cast %parallel_loop3A_190 : i32 to index
          %parallel_loop3A_233 = arith.index_cast %parallel_loop3A_231 : i32 to index
          %parallel_loop3A_234 = tpu.vector_load %arg13[%parallel_loop3A_232, %parallel_loop3A_233] {strides = array<i32>} : memref<16x384xi32, #tpu.memory_space<vmem>>, vector<1x16xi32>,
          %parallel_loop3A_235 = vector.shape_cast %parallel_loop3A_234 : vector<1x16xi32> to vector<16xi32>
          %parallel_loop3A_236 = arith.constant 16 : i32
          %parallel_loop3A_237 = vector.broadcast %parallel_loop3A_236 : i32 to vector<16xi32>
          %parallel_loop3A_238 = arith.shli %parallel_loop3A_235, %parallel_loop3A_237 : vector<16xi32>
          %parallel_loop3A_239 = tpu.bitcast %parallel_loop3A_238 : vector<16xi32> -> vector<16xf32>
          %parallel_loop3A_240 = tpu.bitcast %parallel_loop3A_235 : vector<16xi32> -> vector<16xf32>
          %parallel_loop3A_241 = arith.addf %parallel_loop3A_228, %parallel_loop3A_239 : vector<16xf32>
          %parallel_loop3A_242 = arith.addf %parallel_loop3A_229, %parallel_loop3A_240 : vector<16xf32>
          %parallel_loop3A_243 = arith.constant 128 : i32
          %parallel_loop3A_244 = arith.addi %parallel_loop3A_243, %parallel_loop3A_194 : i32
          %parallel_loop3A_245 = arith.index_cast %parallel_loop3A_190 : i32 to index
          %parallel_loop3A_246 = arith.index_cast %parallel_loop3A_244 : i32 to index
          %parallel_loop3A_247 = tpu.vector_load %arg11[%parallel_loop3A_245, %parallel_loop3A_246] {strides = array<i32>} : memref<16x384xi32, #tpu.memory_space<vmem>>, vector<1x16xi32>,
          %parallel_loop3A_248 = vector.shape_cast %parallel_loop3A_247 : vector<1x16xi32> to vector<16xi32>
          %parallel_loop3A_249 = arith.constant 16 : i32
          %parallel_loop3A_250 = vector.broadcast %parallel_loop3A_249 : i32 to vector<16xi32>
          %parallel_loop3A_251 = arith.shli %parallel_loop3A_248, %parallel_loop3A_250 : vector<16xi32>
          %parallel_loop3A_252 = tpu.bitcast %parallel_loop3A_251 : vector<16xi32> -> vector<16xf32>
          %parallel_loop3A_253 = tpu.bitcast %parallel_loop3A_248 : vector<16xi32> -> vector<16xf32>
          %parallel_loop3A_254 = arith.constant 128 : i32
          %parallel_loop3A_255 = arith.addi %parallel_loop3A_254, %parallel_loop3A_194 : i32
          %parallel_loop3A_256 = arith.index_cast %parallel_loop3A_190 : i32 to index
          %parallel_loop3A_257 = arith.index_cast %parallel_loop3A_255 : i32 to index
          %parallel_loop3A_258 = tpu.vector_load %arg13[%parallel_loop3A_256, %parallel_loop3A_257] {strides = array<i32>} : memref<16x384xi32, #tpu.memory_space<vmem>>, vector<1x16xi32>,
          %parallel_loop3A_259 = vector.shape_cast %parallel_loop3A_258 : vector<1x16xi32> to vector<16xi32>
          %parallel_loop3A_260 = arith.constant 16 : i32
          %parallel_loop3A_261 = vector.broadcast %parallel_loop3A_260 : i32 to vector<16xi32>
          %parallel_loop3A_262 = arith.shli %parallel_loop3A_259, %parallel_loop3A_261 : vector<16xi32>
          %parallel_loop3A_263 = tpu.bitcast %parallel_loop3A_262 : vector<16xi32> -> vector<16xf32>
          %parallel_loop3A_264 = tpu.bitcast %parallel_loop3A_259 : vector<16xi32> -> vector<16xf32>
          %parallel_loop3A_265 = arith.addf %parallel_loop3A_252, %parallel_loop3A_263 : vector<16xf32>
          %parallel_loop3A_266 = arith.addf %parallel_loop3A_253, %parallel_loop3A_264 : vector<16xf32>
          %parallel_loop3A_267 = arith.constant 192 : i32
          %parallel_loop3A_268 = arith.addi %parallel_loop3A_267, %parallel_loop3A_194 : i32
          %parallel_loop3A_269 = arith.index_cast %parallel_loop3A_190 : i32 to index
          %parallel_loop3A_270 = arith.index_cast %parallel_loop3A_268 : i32 to index
          %parallel_loop3A_271 = tpu.vector_load %arg11[%parallel_loop3A_269, %parallel_loop3A_270] {strides = array<i32>} : memref<16x384xi32, #tpu.memory_space<vmem>>, vector<1x16xi32>,
          %parallel_loop3A_272 = vector.shape_cast %parallel_loop3A_271 : vector<1x16xi32> to vector<16xi32>
          %parallel_loop3A_273 = arith.constant 16 : i32
          %parallel_loop3A_274 = vector.broadcast %parallel_loop3A_273 : i32 to vector<16xi32>
          %parallel_loop3A_275 = arith.shli %parallel_loop3A_272, %parallel_loop3A_274 : vector<16xi32>
          %parallel_loop3A_276 = tpu.bitcast %parallel_loop3A_275 : vector<16xi32> -> vector<16xf32>
          %parallel_loop3A_277 = tpu.bitcast %parallel_loop3A_272 : vector<16xi32> -> vector<16xf32>
          %parallel_loop3A_278 = arith.constant 192 : i32
          %parallel_loop3A_279 = arith.addi %parallel_loop3A_278, %parallel_loop3A_194 : i32
          %parallel_loop3A_280 = arith.index_cast %parallel_loop3A_190 : i32 to index
          %parallel_loop3A_281 = arith.index_cast %parallel_loop3A_279 : i32 to index
          %parallel_loop3A_282 = tpu.vector_load %arg13[%parallel_loop3A_280, %parallel_loop3A_281] {strides = array<i32>} : memref<16x384xi32, #tpu.memory_space<vmem>>, vector<1x16xi32>,
          %parallel_loop3A_283 = vector.shape_cast %parallel_loop3A_282 : vector<1x16xi32> to vector<16xi32>
          %parallel_loop3A_284 = arith.constant 16 : i32
          %parallel_loop3A_285 = vector.broadcast %parallel_loop3A_284 : i32 to vector<16xi32>
          %parallel_loop3A_286 = arith.shli %parallel_loop3A_283, %parallel_loop3A_285 : vector<16xi32>
          %parallel_loop3A_287 = tpu.bitcast %parallel_loop3A_286 : vector<16xi32> -> vector<16xf32>
          %parallel_loop3A_288 = tpu.bitcast %parallel_loop3A_283 : vector<16xi32> -> vector<16xf32>
          %parallel_loop3A_289 = arith.addf %parallel_loop3A_276, %parallel_loop3A_287 : vector<16xf32>
          %parallel_loop3A_290 = arith.addf %parallel_loop3A_277, %parallel_loop3A_288 : vector<16xf32>
          %parallel_loop3A_291 = arith.constant 256 : i32
          %parallel_loop3A_292 = arith.addi %parallel_loop3A_291, %parallel_loop3A_194 : i32
          %parallel_loop3A_293 = arith.index_cast %parallel_loop3A_190 : i32 to index
          %parallel_loop3A_294 = arith.index_cast %parallel_loop3A_292 : i32 to index
          %parallel_loop3A_295 = tpu.vector_load %arg11[%parallel_loop3A_293, %parallel_loop3A_294] {strides = array<i32>} : memref<16x384xi32, #tpu.memory_space<vmem>>, vector<1x16xi32>,
          %parallel_loop3A_296 = vector.shape_cast %parallel_loop3A_295 : vector<1x16xi32> to vector<16xi32>
          %parallel_loop3A_297 = arith.constant 16 : i32
          %parallel_loop3A_298 = vector.broadcast %parallel_loop3A_297 : i32 to vector<16xi32>
          %parallel_loop3A_299 = arith.shli %parallel_loop3A_296, %parallel_loop3A_298 : vector<16xi32>
          %parallel_loop3A_300 = tpu.bitcast %parallel_loop3A_299 : vector<16xi32> -> vector<16xf32>
          %parallel_loop3A_301 = tpu.bitcast %parallel_loop3A_296 : vector<16xi32> -> vector<16xf32>
          %parallel_loop3A_302 = arith.constant 256 : i32
          %parallel_loop3A_303 = arith.addi %parallel_loop3A_302, %parallel_loop3A_194 : i32
          %parallel_loop3A_304 = arith.index_cast %parallel_loop3A_190 : i32 to index
          %parallel_loop3A_305 = arith.index_cast %parallel_loop3A_303 : i32 to index
          %parallel_loop3A_306 = tpu.vector_load %arg13[%parallel_loop3A_304, %parallel_loop3A_305] {strides = array<i32>} : memref<16x384xi32, #tpu.memory_space<vmem>>, vector<1x16xi32>,
          %parallel_loop3A_307 = vector.shape_cast %parallel_loop3A_306 : vector<1x16xi32> to vector<16xi32>
          %parallel_loop3A_308 = arith.constant 16 : i32
          %parallel_loop3A_309 = vector.broadcast %parallel_loop3A_308 : i32 to vector<16xi32>
          %parallel_loop3A_310 = arith.shli %parallel_loop3A_307, %parallel_loop3A_309 : vector<16xi32>
          %parallel_loop3A_311 = tpu.bitcast %parallel_loop3A_310 : vector<16xi32> -> vector<16xf32>
          %parallel_loop3A_312 = tpu.bitcast %parallel_loop3A_307 : vector<16xi32> -> vector<16xf32>
          %parallel_loop3A_313 = arith.addf %parallel_loop3A_300, %parallel_loop3A_311 : vector<16xf32>
          %parallel_loop3A_314 = arith.addf %parallel_loop3A_301, %parallel_loop3A_312 : vector<16xf32>
          %parallel_loop3A_315 = arith.constant 320 : i32
          %parallel_loop3A_316 = arith.addi %parallel_loop3A_315, %parallel_loop3A_194 : i32
          %parallel_loop3A_317 = arith.index_cast %parallel_loop3A_190 : i32 to index
          %parallel_loop3A_318 = arith.index_cast %parallel_loop3A_316 : i32 to index
          %parallel_loop3A_319 = tpu.vector_load %arg11[%parallel_loop3A_317, %parallel_loop3A_318] {strides = array<i32>} : memref<16x384xi32, #tpu.memory_space<vmem>>, vector<1x16xi32>,
          %parallel_loop3A_320 = vector.shape_cast %parallel_loop3A_319 : vector<1x16xi32> to vector<16xi32>
          %parallel_loop3A_321 = arith.constant 16 : i32
          %parallel_loop3A_322 = vector.broadcast %parallel_loop3A_321 : i32 to vector<16xi32>
          %parallel_loop3A_323 = arith.shli %parallel_loop3A_320, %parallel_loop3A_322 : vector<16xi32>
          %parallel_loop3A_324 = tpu.bitcast %parallel_loop3A_323 : vector<16xi32> -> vector<16xf32>
          %parallel_loop3A_325 = tpu.bitcast %parallel_loop3A_320 : vector<16xi32> -> vector<16xf32>
          %parallel_loop3A_326 = arith.constant 320 : i32
          %parallel_loop3A_327 = arith.addi %parallel_loop3A_326, %parallel_loop3A_194 : i32
          %parallel_loop3A_328 = arith.index_cast %parallel_loop3A_190 : i32 to index
          %parallel_loop3A_329 = arith.index_cast %parallel_loop3A_327 : i32 to index
          %parallel_loop3A_330 = tpu.vector_load %arg13[%parallel_loop3A_328, %parallel_loop3A_329] {strides = array<i32>} : memref<16x384xi32, #tpu.memory_space<vmem>>, vector<1x16xi32>,
          %parallel_loop3A_331 = vector.shape_cast %parallel_loop3A_330 : vector<1x16xi32> to vector<16xi32>
          %parallel_loop3A_332 = arith.constant 16 : i32
          %parallel_loop3A_333 = vector.broadcast %parallel_loop3A_332 : i32 to vector<16xi32>
          %parallel_loop3A_334 = arith.shli %parallel_loop3A_331, %parallel_loop3A_333 : vector<16xi32>
          %parallel_loop3A_335 = tpu.bitcast %parallel_loop3A_334 : vector<16xi32> -> vector<16xf32>
          %parallel_loop3A_336 = tpu.bitcast %parallel_loop3A_331 : vector<16xi32> -> vector<16xf32>
          %parallel_loop3A_337 = arith.constant 16 : i32
          %parallel_loop3A_338 = arith.muli %parallel_loop3A_192, %parallel_loop3A_337 : i32
          %parallel_loop3A_339 = arith.constant 0 : i32
          %parallel_loop3A_340 = arith.addi %parallel_loop3A_338, %parallel_loop3A_339 : i32
          %parallel_loop3A_341 = math.exp %parallel_loop3A_217 : vector<16xf32>
          %parallel_loop3A_342 = arith.constant 1.000000e+00 : f32
          %parallel_loop3A_343 = vector.broadcast %parallel_loop3A_342 : f32 to vector<16xf32>
          %parallel_loop3A_344 = arith.addf %parallel_loop3A_343, %parallel_loop3A_341 : vector<16xf32>
          %parallel_loop3A_345 = arith.constant 1.000000e+00 : f32
          %parallel_loop3A_346 = vector.broadcast %parallel_loop3A_345 : f32 to vector<16xf32>
          %parallel_loop3A_347 = arith.divf %parallel_loop3A_346, %parallel_loop3A_344 : vector<16xf32>
          %parallel_loop3A_348 = math.exp %parallel_loop3A_241 : vector<16xf32>
          %parallel_loop3A_349 = arith.constant 1.000000e+00 : f32
          %parallel_loop3A_350 = vector.broadcast %parallel_loop3A_349 : f32 to vector<16xf32>
          %parallel_loop3A_351 = arith.addf %parallel_loop3A_350, %parallel_loop3A_348 : vector<16xf32>
          %parallel_loop3A_352 = arith.constant 1.000000e+00 : f32
          %parallel_loop3A_353 = vector.broadcast %parallel_loop3A_352 : f32 to vector<16xf32>
          %parallel_loop3A_354 = arith.divf %parallel_loop3A_353, %parallel_loop3A_351 : vector<16xf32>
          %parallel_loop3A_355 = math.exp %parallel_loop3A_265 : vector<16xf32>
          %parallel_loop3A_356 = arith.constant 1.000000e+00 : f32
          %parallel_loop3A_357 = vector.broadcast %parallel_loop3A_356 : f32 to vector<16xf32>
          %parallel_loop3A_358 = arith.addf %parallel_loop3A_357, %parallel_loop3A_355 : vector<16xf32>
          %parallel_loop3A_359 = arith.constant 4.000000e+00 : f32
          %parallel_loop3A_360 = vector.broadcast %parallel_loop3A_359 : f32 to vector<16xf32>
          %parallel_loop3A_361 = arith.divf %parallel_loop3A_360, %parallel_loop3A_358 : vector<16xf32>
          %parallel_loop3A_362 = arith.constant 2.000000e+00 : f32
          %parallel_loop3A_363 = vector.broadcast %parallel_loop3A_362 : f32 to vector<16xf32>
          %parallel_loop3A_364 = arith.subf %parallel_loop3A_363, %parallel_loop3A_361 : vector<16xf32>
          %parallel_loop3A_365 = math.exp %parallel_loop3A_289 : vector<16xf32>
          %parallel_loop3A_366 = arith.constant 1.000000e+00 : f32
          %parallel_loop3A_367 = vector.broadcast %parallel_loop3A_366 : f32 to vector<16xf32>
          %parallel_loop3A_368 = arith.addf %parallel_loop3A_367, %parallel_loop3A_365 : vector<16xf32>
          %parallel_loop3A_369 = arith.constant 1.000000e+00 : f32
          %parallel_loop3A_370 = vector.broadcast %parallel_loop3A_369 : f32 to vector<16xf32>
          %parallel_loop3A_371 = arith.divf %parallel_loop3A_370, %parallel_loop3A_368 : vector<16xf32>
          %parallel_loop3A_372 = math.exp %parallel_loop3A_313 : vector<16xf32>
          %parallel_loop3A_373 = arith.constant 1.000000e+00 : f32
          %parallel_loop3A_374 = vector.broadcast %parallel_loop3A_373 : f32 to vector<16xf32>
          %parallel_loop3A_375 = arith.addf %parallel_loop3A_374, %parallel_loop3A_372 : vector<16xf32>
          %parallel_loop3A_376 = arith.constant 1.000000e+00 : f32
          %parallel_loop3A_377 = vector.broadcast %parallel_loop3A_376 : f32 to vector<16xf32>
          %parallel_loop3A_378 = arith.divf %parallel_loop3A_377, %parallel_loop3A_375 : vector<16xf32>
          %parallel_loop3A_379 = arith.mulf %parallel_loop3A_347, %parallel_loop3A_364 : vector<16xf32>
          %parallel_loop3A_380 = arith.mulf %parallel_loop3A_371, %parallel_loop3A_324 : vector<16xf32>
          %parallel_loop3A_381 = arith.addf %parallel_loop3A_379, %parallel_loop3A_380 : vector<16xf32>
          %parallel_loop3A_382 = arith.mulf %parallel_loop3A_378, %parallel_loop3A_335 : vector<16xf32>
          %parallel_loop3A_383 = arith.addf %parallel_loop3A_381, %parallel_loop3A_382 : vector<16xf32>
          %parallel_loop3A_384 = math.exp %parallel_loop3A_383 : vector<16xf32>
          %parallel_loop3A_385 = arith.constant 1.000000e+00 : f32
          %parallel_loop3A_386 = vector.broadcast %parallel_loop3A_385 : f32 to vector<16xf32>
          %parallel_loop3A_387 = arith.addf %parallel_loop3A_386, %parallel_loop3A_384 : vector<16xf32>
          %parallel_loop3A_388 = arith.constant 2.000000e+00 : f32
          %parallel_loop3A_389 = vector.broadcast %parallel_loop3A_388 : f32 to vector<16xf32>
          %parallel_loop3A_390 = arith.divf %parallel_loop3A_389, %parallel_loop3A_387 : vector<16xf32>
          %parallel_loop3A_391 = arith.constant 1.000000e+00 : f32
          %parallel_loop3A_392 = vector.broadcast %parallel_loop3A_391 : f32 to vector<16xf32>
          %parallel_loop3A_393 = arith.subf %parallel_loop3A_390, %parallel_loop3A_392 : vector<16xf32>
          %parallel_loop3A_394 = arith.mulf %parallel_loop3A_354, %parallel_loop3A_393 : vector<16xf32>
          %parallel_loop3A_395 = arith.constant 16 : i32
          %parallel_loop3A_396 = arith.muli %add3A_178, %parallel_loop3A_395 : i32
          %parallel_loop3A_397 = arith.addi %parallel_loop3A_396, %parallel_loop3A_190 : i32
          %parallel_loop3A_398 = arith.index_cast %parallel_loop3A_397 : i32 to index
          %parallel_loop3A_399 = arith.index_cast %parallel_loop3A_340 : i32 to index
          %parallel_loop3A_400 = tpu.vector_load %arg14[%parallel_loop3A_398, %parallel_loop3A_399] {strides = array<i32>} : memref<128x128xf32, #tpu.memory_space<vmem>>, vector<1x16xf32>,
          %parallel_loop3A_401 = vector.shape_cast %parallel_loop3A_400 : vector<1x16xf32> to vector<16xf32>
          %parallel_loop3A_402 = vector.shape_cast %parallel_loop3A_394 : vector<16xf32> to vector<1x16xf32>
          tpu.vector_store %arg14[%parallel_loop3A_398, %parallel_loop3A_399], %parallel_loop3A_402 {strides = array<i32>} : memref<128x128xf32, #tpu.memory_space<vmem>>, vector<1x16xf32>,
          %parallel_loop3A_403 = arith.constant 16 : i32
          %parallel_loop3A_404 = arith.muli %parallel_loop3A_192, %parallel_loop3A_403 : i32
          %parallel_loop3A_405 = arith.constant 64 : i32
          %parallel_loop3A_406 = arith.addi %parallel_loop3A_404, %parallel_loop3A_405 : i32
          %parallel_loop3A_407 = math.exp %parallel_loop3A_218 : vector<16xf32>
          %parallel_loop3A_408 = arith.constant 1.000000e+00 : f32
          %parallel_loop3A_409 = vector.broadcast %parallel_loop3A_408 : f32 to vector<16xf32>
          %parallel_loop3A_410 = arith.addf %parallel_loop3A_409, %parallel_loop3A_407 : vector<16xf32>
          %parallel_loop3A_411 = arith.constant 1.000000e+00 : f32
          %parallel_loop3A_412 = vector.broadcast %parallel_loop3A_411 : f32 to vector<16xf32>
          %parallel_loop3A_413 = arith.divf %parallel_loop3A_412, %parallel_loop3A_410 : vector<16xf32>
          %parallel_loop3A_414 = math.exp %parallel_loop3A_242 : vector<16xf32>
          %parallel_loop3A_415 = arith.constant 1.000000e+00 : f32
          %parallel_loop3A_416 = vector.broadcast %parallel_loop3A_415 : f32 to vector<16xf32>
          %parallel_loop3A_417 = arith.addf %parallel_loop3A_416, %parallel_loop3A_414 : vector<16xf32>
          %parallel_loop3A_418 = arith.constant 1.000000e+00 : f32
          %parallel_loop3A_419 = vector.broadcast %parallel_loop3A_418 : f32 to vector<16xf32>
          %parallel_loop3A_420 = arith.divf %parallel_loop3A_419, %parallel_loop3A_417 : vector<16xf32>
          %parallel_loop3A_421 = math.exp %parallel_loop3A_266 : vector<16xf32>
          %parallel_loop3A_422 = arith.constant 1.000000e+00 : f32
          %parallel_loop3A_423 = vector.broadcast %parallel_loop3A_422 : f32 to vector<16xf32>
          %parallel_loop3A_424 = arith.addf %parallel_loop3A_423, %parallel_loop3A_421 : vector<16xf32>
          %parallel_loop3A_425 = arith.constant 4.000000e+00 : f32
          %parallel_loop3A_426 = vector.broadcast %parallel_loop3A_425 : f32 to vector<16xf32>
          %parallel_loop3A_427 = arith.divf %parallel_loop3A_426, %parallel_loop3A_424 : vector<16xf32>
          %parallel_loop3A_428 = arith.constant 2.000000e+00 : f32
          %parallel_loop3A_429 = vector.broadcast %parallel_loop3A_428 : f32 to vector<16xf32>
          %parallel_loop3A_430 = arith.subf %parallel_loop3A_429, %parallel_loop3A_427 : vector<16xf32>
          %parallel_loop3A_431 = math.exp %parallel_loop3A_290 : vector<16xf32>
          %parallel_loop3A_432 = arith.constant 1.000000e+00 : f32
          %parallel_loop3A_433 = vector.broadcast %parallel_loop3A_432 : f32 to vector<16xf32>
          %parallel_loop3A_434 = arith.addf %parallel_loop3A_433, %parallel_loop3A_431 : vector<16xf32>
          %parallel_loop3A_435 = arith.constant 1.000000e+00 : f32
          %parallel_loop3A_436 = vector.broadcast %parallel_loop3A_435 : f32 to vector<16xf32>
          %parallel_loop3A_437 = arith.divf %parallel_loop3A_436, %parallel_loop3A_434 : vector<16xf32>
          %parallel_loop3A_438 = math.exp %parallel_loop3A_314 : vector<16xf32>
          %parallel_loop3A_439 = arith.constant 1.000000e+00 : f32
          %parallel_loop3A_440 = vector.broadcast %parallel_loop3A_439 : f32 to vector<16xf32>
          %parallel_loop3A_441 = arith.addf %parallel_loop3A_440, %parallel_loop3A_438 : vector<16xf32>
          %parallel_loop3A_442 = arith.constant 1.000000e+00 : f32
          %parallel_loop3A_443 = vector.broadcast %parallel_loop3A_442 : f32 to vector<16xf32>
          %parallel_loop3A_444 = arith.divf %parallel_loop3A_443, %parallel_loop3A_441 : vector<16xf32>
          %parallel_loop3A_445 = arith.mulf %parallel_loop3A_413, %parallel_loop3A_430 : vector<16xf32>
          %parallel_loop3A_446 = arith.mulf %parallel_loop3A_437, %parallel_loop3A_325 : vector<16xf32>
          %parallel_loop3A_447 = arith.addf %parallel_loop3A_445, %parallel_loop3A_446 : vector<16xf32>
          %parallel_loop3A_448 = arith.mulf %parallel_loop3A_444, %parallel_loop3A_336 : vector<16xf32>
          %parallel_loop3A_449 = arith.addf %parallel_loop3A_447, %parallel_loop3A_448 : vector<16xf32>
          %parallel_loop3A_450 = math.exp %parallel_loop3A_449 : vector<16xf32>
          %parallel_loop3A_451 = arith.constant 1.000000e+00 : f32
          %parallel_loop3A_452 = vector.broadcast %parallel_loop3A_451 : f32 to vector<16xf32>
          %parallel_loop3A_453 = arith.addf %parallel_loop3A_452, %parallel_loop3A_450 : vector<16xf32>
          %parallel_loop3A_454 = arith.constant 2.000000e+00 : f32
          %parallel_loop3A_455 = vector.broadcast %parallel_loop3A_454 : f32 to vector<16xf32>
          %parallel_loop3A_456 = arith.divf %parallel_loop3A_455, %parallel_loop3A_453 : vector<16xf32>
          %parallel_loop3A_457 = arith.constant 1.000000e+00 : f32
          %parallel_loop3A_458 = vector.broadcast %parallel_loop3A_457 : f32 to vector<16xf32>
          %parallel_loop3A_459 = arith.subf %parallel_loop3A_456, %parallel_loop3A_458 : vector<16xf32>
          %parallel_loop3A_460 = arith.mulf %parallel_loop3A_420, %parallel_loop3A_459 : vector<16xf32>
          %parallel_loop3A_461 = arith.constant 16 : i32
          %parallel_loop3A_462 = arith.muli %add3A_178, %parallel_loop3A_461 : i32
          %parallel_loop3A_463 = arith.addi %parallel_loop3A_462, %parallel_loop3A_190 : i32
          %parallel_loop3A_464 = arith.index_cast %parallel_loop3A_463 : i32 to index
          %parallel_loop3A_465 = arith.index_cast %parallel_loop3A_406 : i32 to index
          %parallel_loop3A_466 = tpu.vector_load %arg14[%parallel_loop3A_464, %parallel_loop3A_465] {strides = array<i32>} : memref<128x128xf32, #tpu.memory_space<vmem>>, vector<1x16xf32>,
          %parallel_loop3A_467 = vector.shape_cast %parallel_loop3A_466 : vector<1x16xf32> to vector<16xf32>
          %parallel_loop3A_468 = vector.shape_cast %parallel_loop3A_460 : vector<16xf32> to vector<1x16xf32>
          tpu.vector_store %arg14[%parallel_loop3A_464, %parallel_loop3A_465], %parallel_loop3A_468 {strides = array<i32>} : memref<128x128xf32, #tpu.memory_space<vmem>>, vector<1x16xf32>,
        } {sc.loop_unroll_factor = 2 : i64, sc.parallel_access}
        %eq3A_182 = arith.constant 1 : i32
        %eq3A_183 = arith.cmpi eq, %scan3A_105, %eq3A_182 : i32
        %convert_element_type3A_184 = arith.extui %eq3A_183 : i1 to i32
        %cond3A_185 = arith.constant 0 : i32
        %cond3A_186 = arith.cmpi ne, %convert_element_type3A_184, %cond3A_185 : i32
        scf.if %cond3A_186 {
          %dma_start3A_188 = arith.constant 0 : i32
          %dma_start3A_189 = arith.constant 0 : i32
          %dma_start3A_190 = tpu.memref_slice %arg14[%dma_start3A_188, %dma_start3A_189] : memref<128x128xf32, #tpu.memory_space<vmem>> -> memref<64x128xf32, #tpu.memory_space<vmem>>
          %dma_start3A_191 = arith.constant 0 : i32
          %dma_start3A_192 = tpu.memref_slice %arg8[%and3A_81, %dma_start3A_191] : memref<2x64xi32, #tpu.memory_space<vmem>> -> memref<1x64xi32, #tpu.memory_space<vmem>>
          %dma_start3A_193 = tpu.memref_squeeze %dma_start3A_192 : memref<1x64xi32, #tpu.memory_space<vmem>> -> memref<64xi32, #tpu.memory_space<vmem>>
          %dma_start3A_194 = arith.constant 0 : i32
          %dma_start3A_195 = arith.constant 0 : i32
          %dma_start3A_196 = tpu.memref_slice %arg15[%dma_start3A_194, %dma_start3A_195] : memref<10000x128xf32, #tpu.memory_space<vmem_shared>> -> memref<10000x128xf32, #tpu.memory_space<vmem_shared>>
          tpu.enqueue_indirect_dma source(%dma_start3A_190 : memref<64x128xf32, #tpu.memory_space<vmem>>) target(%dma_start3A_196 : memref<10000x128xf32, #tpu.memory_space<vmem_shared>>) offsets(%dma_start3A_193 : memref<64xi32, #tpu.memory_space<vmem>>) semaphore(%arg20 : memref<!tpu.dma_semaphore, #tpu.memory_space<semaphore_mem>>) {add = true}
        } else {
        }
        %scan3A_187 = arith.constant 0 : i32
        scf.yield %scan3A_187 : i32
      }
      %scan3A_88 = arith.constant 4 : i32
      %add3A_89 = arith.constant 1 : i32
      %add3A_90 = arith.addi %while3A_79, %add3A_89 : i32
      %lt3A_91 = arith.cmpi slt, %add3A_90, %select_n3A : i32
      %convert_element_type3A_92 = arith.extui %lt3A_91 : i1 to i32
      %cond3A_93 = arith.constant 0 : i32
      %cond3A_94 = arith.cmpi ne, %convert_element_type3A_92, %cond3A_93 : i32
      scf.if %cond3A_94 {
        %sub3A = arith.constant 1 : i32
        %sub3A_105 = arith.subi %sub3A, %and3A_81 : i32
        %add3A_106 = arith.constant 1 : i32
        %add3A_107 = arith.addi %while3A_79, %add3A_106 : i32
        %mul3A_108 = arith.constant 32 : i32
        %mul3A_109 = arith.muli %add3A_107, %mul3A_108 : i32
        %add3A_110 = arith.addi %add3A, %mul3A_109 : i32
        %mul3A_111 = arith.constant 128 : i32
        %mul3A_112 = arith.muli %add3A_110, %mul3A_111 : i32
        "tpu.region"() ({
          %run_scoped3A_129 = tpu.sem_alloc : memref<!tpu.dma_semaphore, #tpu.memory_space<semaphore_mem>>
          %dma_start3A_130 = arith.constant 0 : i32
          %dma_start3A_131 = tpu.memref_slice %arg7[%sub3A_105, %dma_start3A_130] : memref<2x128xi32, #tpu.memory_space<vmem>> -> memref<1x128xi32, #tpu.memory_space<vmem>>
          %dma_start3A_132 = tpu.memref_squeeze %dma_start3A_131 : memref<1x128xi32, #tpu.memory_space<vmem>> -> memref<128xi32, #tpu.memory_space<vmem>>
          %dma_start3A_133 = tpu.memref_slice %arg4[%mul3A_112] : memref<160000xi32, #tpu.memory_space<hbm>> -> memref<128xi32, #tpu.memory_space<hbm>>
          %dma_start3A_134 = arith.constant 0 : i32
          %dma_start3A_135 = tpu.memref_slice %arg7[%sub3A_105, %dma_start3A_134] : memref<2x128xi32, #tpu.memory_space<vmem>> -> memref<1x128xi32, #tpu.memory_space<vmem>>
          %dma_start3A_136 = tpu.memref_squeeze %dma_start3A_135 : memref<1x128xi32, #tpu.memory_space<vmem>> -> memref<128xi32, #tpu.memory_space<vmem>>
          %dma_start3A_137 = tpu.memref_slice %arg4[%mul3A_112] : memref<160000xi32, #tpu.memory_space<hbm>> -> memref<128xi32, #tpu.memory_space<hbm>>
          tpu.enqueue_dma source(%dma_start3A_137 : memref<128xi32, #tpu.memory_space<hbm>>) target(%dma_start3A_136 : memref<128xi32, #tpu.memory_space<vmem>>) target_semaphore(%run_scoped3A_129 : memref<!tpu.dma_semaphore, #tpu.memory_space<semaphore_mem>>)
          %dma_wait3A_138 = arith.constant 0 : i32
          %dma_wait3A_139 = tpu.memref_slice %arg7[%sub3A_105, %dma_wait3A_138] : memref<2x128xi32, #tpu.memory_space<vmem>> -> memref<1x128xi32, #tpu.memory_space<vmem>>
          %dma_wait3A_140 = tpu.memref_squeeze %dma_wait3A_139 : memref<1x128xi32, #tpu.memory_space<vmem>> -> memref<128xi32, #tpu.memory_space<vmem>>
          %dma_wait3A_141 = tpu.memref_slice %arg4[%mul3A_112] : memref<160000xi32, #tpu.memory_space<hbm>> -> memref<128xi32, #tpu.memory_space<hbm>>
          %dma_wait3A_142 = arith.constant 0 : i32
          %dma_wait3A_143 = tpu.memref_slice %arg7[%sub3A_105, %dma_wait3A_142] : memref<2x128xi32, #tpu.memory_space<vmem>> -> memref<1x128xi32, #tpu.memory_space<vmem>>
          %dma_wait3A_144 = tpu.memref_squeeze %dma_wait3A_143 : memref<1x128xi32, #tpu.memory_space<vmem>> -> memref<128xi32, #tpu.memory_space<vmem>>
          %dma_wait3A_145 = tpu.memref_slice %arg4[%mul3A_112] : memref<160000xi32, #tpu.memory_space<hbm>> -> memref<128xi32, #tpu.memory_space<hbm>>
          tpu.wait_dma2 semaphore(%run_scoped3A_129 : memref<!tpu.dma_semaphore, #tpu.memory_space<semaphore_mem>>) src(%dma_wait3A_145 : memref<128xi32, #tpu.memory_space<hbm>>) dst(%dma_wait3A_144 : memref<128xi32, #tpu.memory_space<vmem>>)
          tpu.yield
        }) : () -> ()
        "tpu.region"() ({
          %run_scoped3A_129 = tpu.sem_alloc : memref<!tpu.dma_semaphore, #tpu.memory_space<semaphore_mem>>
          %dma_start3A_130 = arith.constant 0 : i32
          %dma_start3A_131 = tpu.memref_slice %arg8[%sub3A_105, %dma_start3A_130] : memref<2x64xi32, #tpu.memory_space<vmem>> -> memref<1x64xi32, #tpu.memory_space<vmem>>
          %dma_start3A_132 = tpu.memref_squeeze %dma_start3A_131 : memref<1x64xi32, #tpu.memory_space<vmem>> -> memref<64xi32, #tpu.memory_space<vmem>>
          %dma_start3A_133 = tpu.memref_slice %arg5[%mul3A_112] : memref<160000xi32, #tpu.memory_space<hbm>> -> memref<64xi32, #tpu.memory_space<hbm>>
          %dma_start3A_134 = arith.constant 0 : i32
          %dma_start3A_135 = tpu.memref_slice %arg8[%sub3A_105, %dma_start3A_134] : memref<2x64xi32, #tpu.memory_space<vmem>> -> memref<1x64xi32, #tpu.memory_space<vmem>>
          %dma_start3A_136 = tpu.memref_squeeze %dma_start3A_135 : memref<1x64xi32, #tpu.memory_space<vmem>> -> memref<64xi32, #tpu.memory_space<vmem>>
          %dma_start3A_137 = tpu.memref_slice %arg5[%mul3A_112] : memref<160000xi32, #tpu.memory_space<hbm>> -> memref<64xi32, #tpu.memory_space<hbm>>
          tpu.enqueue_dma source(%dma_start3A_137 : memref<64xi32, #tpu.memory_space<hbm>>) target(%dma_start3A_136 : memref<64xi32, #tpu.memory_space<vmem>>) target_semaphore(%run_scoped3A_129 : memref<!tpu.dma_semaphore, #tpu.memory_space<semaphore_mem>>)
          %dma_wait3A_138 = arith.constant 0 : i32
          %dma_wait3A_139 = tpu.memref_slice %arg8[%sub3A_105, %dma_wait3A_138] : memref<2x64xi32, #tpu.memory_space<vmem>> -> memref<1x64xi32, #tpu.memory_space<vmem>>
          %dma_wait3A_140 = tpu.memref_squeeze %dma_wait3A_139 : memref<1x64xi32, #tpu.memory_space<vmem>> -> memref<64xi32, #tpu.memory_space<vmem>>
          %dma_wait3A_141 = tpu.memref_slice %arg5[%mul3A_112] : memref<160000xi32, #tpu.memory_space<hbm>> -> memref<64xi32, #tpu.memory_space<hbm>>
          %dma_wait3A_142 = arith.constant 0 : i32
          %dma_wait3A_143 = tpu.memref_slice %arg8[%sub3A_105, %dma_wait3A_142] : memref<2x64xi32, #tpu.memory_space<vmem>> -> memref<1x64xi32, #tpu.memory_space<vmem>>
          %dma_wait3A_144 = tpu.memref_squeeze %dma_wait3A_143 : memref<1x64xi32, #tpu.memory_space<vmem>> -> memref<64xi32, #tpu.memory_space<vmem>>
          %dma_wait3A_145 = tpu.memref_slice %arg5[%mul3A_112] : memref<160000xi32, #tpu.memory_space<hbm>> -> memref<64xi32, #tpu.memory_space<hbm>>
          tpu.wait_dma2 semaphore(%run_scoped3A_129 : memref<!tpu.dma_semaphore, #tpu.memory_space<semaphore_mem>>) src(%dma_wait3A_145 : memref<64xi32, #tpu.memory_space<hbm>>) dst(%dma_wait3A_144 : memref<64xi32, #tpu.memory_space<vmem>>)
          tpu.yield
        }) : () -> ()
        %add3A_113 = arith.constant 64 : i32
        %add3A_114 = arith.addi %mul3A_112, %add3A_113 : i32
        "tpu.region"() ({
          %run_scoped3A_129 = tpu.sem_alloc : memref<!tpu.dma_semaphore, #tpu.memory_space<semaphore_mem>>
          %dma_start3A_130 = arith.constant 0 : i32
          %dma_start3A_131 = tpu.memref_slice %arg9[%sub3A_105, %dma_start3A_130] : memref<2x64xi32, #tpu.memory_space<vmem>> -> memref<1x64xi32, #tpu.memory_space<vmem>>
          %dma_start3A_132 = tpu.memref_squeeze %dma_start3A_131 : memref<1x64xi32, #tpu.memory_space<vmem>> -> memref<64xi32, #tpu.memory_space<vmem>>
          %dma_start3A_133 = tpu.memref_slice %arg5[%add3A_114] : memref<160000xi32, #tpu.memory_space<hbm>> -> memref<64xi32, #tpu.memory_space<hbm>>
          %dma_start3A_134 = arith.constant 0 : i32
          %dma_start3A_135 = tpu.memref_slice %arg9[%sub3A_105, %dma_start3A_134] : memref<2x64xi32, #tpu.memory_space<vmem>> -> memref<1x64xi32, #tpu.memory_space<vmem>>
          %dma_start3A_136 = tpu.memref_squeeze %dma_start3A_135 : memref<1x64xi32, #tpu.memory_space<vmem>> -> memref<64xi32, #tpu.memory_space<vmem>>
          %dma_start3A_137 = tpu.memref_slice %arg5[%add3A_114] : memref<160000xi32, #tpu.memory_space<hbm>> -> memref<64xi32, #tpu.memory_space<hbm>>
          tpu.enqueue_dma source(%dma_start3A_137 : memref<64xi32, #tpu.memory_space<hbm>>) target(%dma_start3A_136 : memref<64xi32, #tpu.memory_space<vmem>>) target_semaphore(%run_scoped3A_129 : memref<!tpu.dma_semaphore, #tpu.memory_space<semaphore_mem>>)
          %dma_wait3A_138 = arith.constant 0 : i32
          %dma_wait3A_139 = tpu.memref_slice %arg9[%sub3A_105, %dma_wait3A_138] : memref<2x64xi32, #tpu.memory_space<vmem>> -> memref<1x64xi32, #tpu.memory_space<vmem>>
          %dma_wait3A_140 = tpu.memref_squeeze %dma_wait3A_139 : memref<1x64xi32, #tpu.memory_space<vmem>> -> memref<64xi32, #tpu.memory_space<vmem>>
          %dma_wait3A_141 = tpu.memref_slice %arg5[%add3A_114] : memref<160000xi32, #tpu.memory_space<hbm>> -> memref<64xi32, #tpu.memory_space<hbm>>
          %dma_wait3A_142 = arith.constant 0 : i32
          %dma_wait3A_143 = tpu.memref_slice %arg9[%sub3A_105, %dma_wait3A_142] : memref<2x64xi32, #tpu.memory_space<vmem>> -> memref<1x64xi32, #tpu.memory_space<vmem>>
          %dma_wait3A_144 = tpu.memref_squeeze %dma_wait3A_143 : memref<1x64xi32, #tpu.memory_space<vmem>> -> memref<64xi32, #tpu.memory_space<vmem>>
          %dma_wait3A_145 = tpu.memref_slice %arg5[%add3A_114] : memref<160000xi32, #tpu.memory_space<hbm>> -> memref<64xi32, #tpu.memory_space<hbm>>
          tpu.wait_dma2 semaphore(%run_scoped3A_129 : memref<!tpu.dma_semaphore, #tpu.memory_space<semaphore_mem>>) src(%dma_wait3A_145 : memref<64xi32, #tpu.memory_space<hbm>>) dst(%dma_wait3A_144 : memref<64xi32, #tpu.memory_space<vmem>>)
          tpu.yield
        }) : () -> ()
        %sub3A_115 = arith.constant 1 : i32
        %sub3A_116 = arith.subi %sub3A_115, %and3A_81 : i32
        %dma_start3A_117 = arith.constant 0 : i32
        %dma_start3A_118 = tpu.memref_slice %arg7[%sub3A_116, %dma_start3A_117] : memref<2x128xi32, #tpu.memory_space<vmem>> -> memref<1x16xi32, #tpu.memory_space<vmem>>
        %dma_start3A_119 = tpu.memref_squeeze %dma_start3A_118 : memref<1x16xi32, #tpu.memory_space<vmem>> -> memref<16xi32, #tpu.memory_space<vmem>>
        %dma_start3A_120 = arith.constant 0 : i32
        %dma_start3A_121 = arith.constant 0 : i32
        %dma_start3A_122 = tpu.memref_slice %arg2[%dma_start3A_120, %dma_start3A_121] : memref<10000x384xi32, #tpu.memory_space<hbm>> -> memref<10000x384xi32, #tpu.memory_space<hbm>>
        tpu.enqueue_indirect_dma source(%dma_start3A_122 : memref<10000x384xi32, #tpu.memory_space<hbm>>) target(%arg10 : memref<16x384xi32, #tpu.memory_space<vmem>>) offsets(%dma_start3A_119 : memref<16xi32, #tpu.memory_space<vmem>>) semaphore(%arg16 : memref<!tpu.dma_semaphore, #tpu.memory_space<semaphore_mem>>)
        %dma_start3A_123 = arith.constant 0 : i32
        %dma_start3A_124 = tpu.memref_slice %arg8[%sub3A_116, %dma_start3A_123] : memref<2x64xi32, #tpu.memory_space<vmem>> -> memref<1x16xi32, #tpu.memory_space<vmem>>
        %dma_start3A_125 = tpu.memref_squeeze %dma_start3A_124 : memref<1x16xi32, #tpu.memory_space<vmem>> -> memref<16xi32, #tpu.memory_space<vmem>>
        %dma_start3A_126 = arith.constant 0 : i32
        %dma_start3A_127 = arith.constant 0 : i32
        %dma_start3A_128 = tpu.memref_slice %arg3[%dma_start3A_126, %dma_start3A_127] : memref<10000x384xi32, #tpu.memory_space<hbm>> -> memref<10000x384xi32, #tpu.memory_space<hbm>>
        tpu.enqueue_indirect_dma source(%dma_start3A_128 : memref<10000x384xi32, #tpu.memory_space<hbm>>) target(%arg12 : memref<16x384xi32, #tpu.memory_space<vmem>>) offsets(%dma_start3A_125 : memref<16xi32, #tpu.memory_space<vmem>>) semaphore(%arg18 : memref<!tpu.dma_semaphore, #tpu.memory_space<semaphore_mem>>)
      } else {
      }
      %dma_start3A_95 = arith.constant 64 : i32
      %dma_start3A_96 = arith.constant 0 : i32
      %dma_start3A_97 = tpu.memref_slice %arg14[%dma_start3A_95, %dma_start3A_96] : memref<128x128xf32, #tpu.memory_space<vmem>> -> memref<64x128xf32, #tpu.memory_space<vmem>>
      %dma_start3A_98 = arith.constant 0 : i32
      %dma_start3A_99 = tpu.memref_slice %arg9[%and3A_81, %dma_start3A_98] : memref<2x64xi32, #tpu.memory_space<vmem>> -> memref<1x64xi32, #tpu.memory_space<vmem>>
      %dma_start3A_100 = tpu.memref_squeeze %dma_start3A_99 : memref<1x64xi32, #tpu.memory_space<vmem>> -> memref<64xi32, #tpu.memory_space<vmem>>
      %dma_start3A_101 = arith.constant 0 : i32
      %dma_start3A_102 = arith.constant 0 : i32
      %dma_start3A_103 = tpu.memref_slice %arg15[%dma_start3A_101, %dma_start3A_102] : memref<10000x128xf32, #tpu.memory_space<vmem_shared>> -> memref<10000x128xf32, #tpu.memory_space<vmem_shared>>
      tpu.enqueue_indirect_dma source(%dma_start3A_97 : memref<64x128xf32, #tpu.memory_space<vmem>>) target(%dma_start3A_103 : memref<10000x128xf32, #tpu.memory_space<vmem_shared>>) offsets(%dma_start3A_100 : memref<64xi32, #tpu.memory_space<vmem>>) semaphore(%arg21 : memref<!tpu.dma_semaphore, #tpu.memory_space<semaphore_mem>>) {add = true}
      %while3A_104 = arith.constant 0 : i32
      scf.yield %while3A_104 : i32
    }
    %dma_wait3A = arith.constant 0 : i32
    %dma_wait3A_50 = arith.constant 0 : i32
    %dma_wait3A_51 = arith.constant 0 : i32
    %dma_wait3A_52 = tpu.memref_slice %arg14[%dma_wait3A_50, %dma_wait3A_51] : memref<128x128xf32, #tpu.memory_space<vmem>> -> memref<64x128xf32, #tpu.memory_space<vmem>>
    %dma_wait3A_53 = arith.constant 0 : i32
    %dma_wait3A_54 = tpu.memref_slice %arg8[%dma_wait3A, %dma_wait3A_53] : memref<2x64xi32, #tpu.memory_space<vmem>> -> memref<1x64xi32, #tpu.memory_space<vmem>>
    %dma_wait3A_55 = tpu.memref_squeeze %dma_wait3A_54 : memref<1x64xi32, #tpu.memory_space<vmem>> -> memref<64xi32, #tpu.memory_space<vmem>>
    %dma_wait3A_56 = arith.constant 0 : i32
    %dma_wait3A_57 = arith.constant 0 : i32
    %dma_wait3A_58 = tpu.memref_slice %arg15[%dma_wait3A_56, %dma_wait3A_57] : memref<10000x128xf32, #tpu.memory_space<vmem_shared>> -> memref<10000x128xf32, #tpu.memory_space<vmem_shared>>
    tpu.wait_indirect_dma semaphore(%arg20 : memref<!tpu.dma_semaphore, #tpu.memory_space<semaphore_mem>>) src(%dma_wait3A_52 : memref<64x128xf32, #tpu.memory_space<vmem>>) dst(%dma_wait3A_58 : memref<10000x128xf32, #tpu.memory_space<vmem_shared>>)
    %dma_wait3A_59 = arith.constant 0 : i32
    %dma_wait3A_60 = arith.constant 64 : i32
    %dma_wait3A_61 = arith.constant 0 : i32
    %dma_wait3A_62 = tpu.memref_slice %arg14[%dma_wait3A_60, %dma_wait3A_61] : memref<128x128xf32, #tpu.memory_space<vmem>> -> memref<64x128xf32, #tpu.memory_space<vmem>>
    %dma_wait3A_63 = arith.constant 0 : i32
    %dma_wait3A_64 = tpu.memref_slice %arg9[%dma_wait3A_59, %dma_wait3A_63] : memref<2x64xi32, #tpu.memory_space<vmem>> -> memref<1x64xi32, #tpu.memory_space<vmem>>
    %dma_wait3A_65 = tpu.memref_squeeze %dma_wait3A_64 : memref<1x64xi32, #tpu.memory_space<vmem>> -> memref<64xi32, #tpu.memory_space<vmem>>
    %dma_wait3A_66 = arith.constant 0 : i32
    %dma_wait3A_67 = arith.constant 0 : i32
    %dma_wait3A_68 = tpu.memref_slice %arg15[%dma_wait3A_66, %dma_wait3A_67] : memref<10000x128xf32, #tpu.memory_space<vmem_shared>> -> memref<10000x128xf32, #tpu.memory_space<vmem_shared>>
    tpu.wait_indirect_dma semaphore(%arg21 : memref<!tpu.dma_semaphore, #tpu.memory_space<semaphore_mem>>) src(%dma_wait3A_62 : memref<64x128xf32, #tpu.memory_space<vmem>>) dst(%dma_wait3A_68 : memref<10000x128xf32, #tpu.memory_space<vmem_shared>>)
    %barrier3A_69 = arith.constant 0 : index
    tpu.barrier barrier_id(%barrier3A_69)
    %mul3A_70 = arith.constant 624 : i32
    %mul3A_71 = arith.muli %arg1, %mul3A_70 : i32
    %mul3A_72 = arith.constant 624 : i32
    %mul3A_73 = arith.muli %arg1, %mul3A_72 : i32
    "tpu.region"() ({
      %run_scoped3A_79 = tpu.sem_alloc : memref<!tpu.dma_semaphore, #tpu.memory_space<semaphore_mem>>
      %dma_start3A_80 = arith.constant 0 : i32
      %dma_start3A_81 = tpu.memref_slice %arg6[%arg0, %mul3A_73, %dma_start3A_80] : memref<2x10000x128xf32, #tpu.memory_space<hbm>> -> memref<1x624x128xf32, #tpu.memory_space<hbm>>
      %dma_start3A_82 = tpu.memref_squeeze %dma_start3A_81 : memref<1x624x128xf32, #tpu.memory_space<hbm>> -> memref<624x128xf32, #tpu.memory_space<hbm>>
      %dma_start3A_83 = arith.constant 0 : i32
      %dma_start3A_84 = tpu.memref_slice %arg15[%mul3A_71, %dma_start3A_83] : memref<10000x128xf32, #tpu.memory_space<vmem_shared>> -> memref<624x128xf32, #tpu.memory_space<vmem_shared>>
      tpu.enqueue_dma source(%dma_start3A_84 : memref<624x128xf32, #tpu.memory_space<vmem_shared>>) target(%dma_start3A_82 : memref<624x128xf32, #tpu.memory_space<hbm>>) target_semaphore(%run_scoped3A_79 : memref<!tpu.dma_semaphore, #tpu.memory_space<semaphore_mem>>)
      %dma_wait3A_85 = arith.constant 0 : i32
      %dma_wait3A_86 = tpu.memref_slice %arg6[%arg0, %mul3A_73, %dma_wait3A_85] : memref<2x10000x128xf32, #tpu.memory_space<hbm>> -> memref<1x624x128xf32, #tpu.memory_space<hbm>>
      %dma_wait3A_87 = tpu.memref_squeeze %dma_wait3A_86 : memref<1x624x128xf32, #tpu.memory_space<hbm>> -> memref<624x128xf32, #tpu.memory_space<hbm>>
      %dma_wait3A_88 = arith.constant 0 : i32
      %dma_wait3A_89 = tpu.memref_slice %arg15[%mul3A_71, %dma_wait3A_88] : memref<10000x128xf32, #tpu.memory_space<vmem_shared>> -> memref<624x128xf32, #tpu.memory_space<vmem_shared>>
      tpu.wait_dma2 semaphore(%run_scoped3A_79 : memref<!tpu.dma_semaphore, #tpu.memory_space<semaphore_mem>>) src(%dma_wait3A_89 : memref<624x128xf32, #tpu.memory_space<vmem_shared>>) dst(%dma_wait3A_87 : memref<624x128xf32, #tpu.memory_space<hbm>>)
      tpu.yield
    }) : () -> ()
    %eq3A_74 = arith.constant 0 : i32
    %eq3A_75 = arith.cmpi eq, %arg1, %eq3A_74 : i32
    %convert_element_type3A_76 = arith.extui %eq3A_75 : i1 to i32
    %cond3A_77 = arith.constant 0 : i32
    %cond3A_78 = arith.cmpi ne, %convert_element_type3A_76, %cond3A_77 : i32
    scf.if %cond3A_78 {
      "tpu.region"() ({
        %run_scoped3A_79 = tpu.sem_alloc : memref<!tpu.dma_semaphore, #tpu.memory_space<semaphore_mem>>
        %dma_start3A_80 = arith.constant 9984 : i32
        %dma_start3A_81 = arith.constant 0 : i32
        %dma_start3A_82 = tpu.memref_slice %arg6[%arg0, %dma_start3A_80, %dma_start3A_81] : memref<2x10000x128xf32, #tpu.memory_space<hbm>> -> memref<1x16x128xf32, #tpu.memory_space<hbm>>
        %dma_start3A_83 = tpu.memref_squeeze %dma_start3A_82 : memref<1x16x128xf32, #tpu.memory_space<hbm>> -> memref<16x128xf32, #tpu.memory_space<hbm>>
        %dma_start3A_84 = arith.constant 9984 : i32
        %dma_start3A_85 = arith.constant 0 : i32
        %dma_start3A_86 = tpu.memref_slice %arg15[%dma_start3A_84, %dma_start3A_85] : memref<10000x128xf32, #tpu.memory_space<vmem_shared>> -> memref<16x128xf32, #tpu.memory_space<vmem_shared>>
        tpu.enqueue_dma source(%dma_start3A_86 : memref<16x128xf32, #tpu.memory_space<vmem_shared>>) target(%dma_start3A_83 : memref<16x128xf32, #tpu.memory_space<hbm>>) target_semaphore(%run_scoped3A_79 : memref<!tpu.dma_semaphore, #tpu.memory_space<semaphore_mem>>)
        %dma_wait3A_87 = arith.constant 9984 : i32
        %dma_wait3A_88 = arith.constant 0 : i32
        %dma_wait3A_89 = tpu.memref_slice %arg6[%arg0, %dma_wait3A_87, %dma_wait3A_88] : memref<2x10000x128xf32, #tpu.memory_space<hbm>> -> memref<1x16x128xf32, #tpu.memory_space<hbm>>
        %dma_wait3A_90 = tpu.memref_squeeze %dma_wait3A_89 : memref<1x16x128xf32, #tpu.memory_space<hbm>> -> memref<16x128xf32, #tpu.memory_space<hbm>>
        %dma_wait3A_91 = arith.constant 9984 : i32
        %dma_wait3A_92 = arith.constant 0 : i32
        %dma_wait3A_93 = tpu.memref_slice %arg15[%dma_wait3A_91, %dma_wait3A_92] : memref<10000x128xf32, #tpu.memory_space<vmem_shared>> -> memref<16x128xf32, #tpu.memory_space<vmem_shared>>
        tpu.wait_dma2 semaphore(%run_scoped3A_79 : memref<!tpu.dma_semaphore, #tpu.memory_space<semaphore_mem>>) src(%dma_wait3A_93 : memref<16x128xf32, #tpu.memory_space<vmem_shared>>) dst(%dma_wait3A_90 : memref<16x128xf32, #tpu.memory_space<hbm>>)
        tpu.yield
      }) : () -> ()
    } else {
    }
    return
  }
}

module attributes {stable_mosaic.version = 14 : i64} {
  func.func @_proj_body(%arg0: i32, %arg1: memref<1000x128xf32, #tpu.memory_space<vmem>>, %arg2: memref<1000x64xi32, #tpu.memory_space<vmem>>, %arg3: memref<128x320xf32, #tpu.memory_space<vmem>>, %arg4: memref<128x320xf32, #tpu.memory_space<vmem>>, %arg5: memref<128x320xf32, #tpu.memory_space<vmem>>, %arg6: memref<128x320xf32, #tpu.memory_space<vmem>>, %arg7: memref<1x320xf32, #tpu.memory_space<vmem>>, %arg8: memref<1x320xf32, #tpu.memory_space<vmem>>, %arg9: memref<1x320xf32, #tpu.memory_space<vmem>>, %arg10: memref<1000x384xi32, #tpu.memory_space<vmem>>, %arg11: memref<1000x384xi32, #tpu.memory_space<vmem>>) attributes {dimension_semantics = [#tpu.dimension_semantics<arbitrary>], iteration_bounds = array<i64: 10>, scalar_prefetch = 0 : i64, scratch_operands = 0 : i64, tpu.core_type = #tpu.core_type<tc>, window_params = [{transform_indices = @transform_0, window_bounds = array<i64: 1000, 128>}, {transform_indices = @transform_1, window_bounds = array<i64: 1000, 64>}, {pipeline_mode = #tpu.pipeline_mode<synchronous>, transform_indices = @transform_2, window_bounds = array<i64: 128, 320>}, {pipeline_mode = #tpu.pipeline_mode<synchronous>, transform_indices = @transform_3, window_bounds = array<i64: 128, 320>}, {pipeline_mode = #tpu.pipeline_mode<synchronous>, transform_indices = @transform_4, window_bounds = array<i64: 128, 320>}, {pipeline_mode = #tpu.pipeline_mode<synchronous>, transform_indices = @transform_5, window_bounds = array<i64: 128, 320>}, {pipeline_mode = #tpu.pipeline_mode<synchronous>, transform_indices = @transform_6, window_bounds = array<i64: 1, 320>}, {pipeline_mode = #tpu.pipeline_mode<synchronous>, transform_indices = @transform_7, window_bounds = array<i64: 1, 320>}, {pipeline_mode = #tpu.pipeline_mode<synchronous>, transform_indices = @transform_8, window_bounds = array<i64: 1, 320>}, {transform_indices = @transform_9, window_bounds = array<i64: 1000, 384>}, {transform_indices = @transform_10, window_bounds = array<i64: 1000, 384>}]} {
    %get3A = arith.constant 0 : index
    %get3A_0 = arith.constant 0 : index
    %get3A_1 = vector.load %arg1[%get3A, %get3A_0] : memref<1000x128xf32, #tpu.memory_space<vmem>>, vector<1000x128xf32>
    %get3A_2 = arith.constant 0 : index
    %get3A_3 = arith.constant 0 : index
    %get3A_4 = vector.load %arg9[%get3A_2, %get3A_3] : memref<1x320xf32, #tpu.memory_space<vmem>>, vector<1x320xf32>
    %get3A_5 = arith.constant 0 : index
    %get3A_6 = arith.constant 0 : index
    %get3A_7 = vector.load %arg2[%get3A_5, %get3A_6] : memref<1000x64xi32, #tpu.memory_space<vmem>>, vector<1000x64xi32>
    %get3A_8 = arith.constant 0 : index
    %get3A_9 = arith.constant 0 : index
    %get3A_10 = vector.load %arg3[%get3A_8, %get3A_9] : memref<128x320xf32, #tpu.memory_space<vmem>>, vector<128x320xf32>
    %dot_general3A = arith.constant dense<0.000000e+00> : vector<1000x320xf32>
    %dot_general3A_11 = tpu.matmul %get3A_1, %get3A_10, %dot_general3A {dimension_numbers = #tpu.dot_dimension_numbers<[1], [0], [0], [1], [0, 0, 1, 1], [], []>, transpose_lhs_hint = false} : vector<1000x128xf32>, vector<128x320xf32>, vector<1000x320xf32> -> vector<1000x320xf32>
    %get3A_12 = arith.constant 0 : index
    %get3A_13 = arith.constant 0 : index
    %get3A_14 = vector.load %arg7[%get3A_12, %get3A_13] : memref<1x320xf32, #tpu.memory_space<vmem>>, vector<1x320xf32>
    %add3A = vector.broadcast %get3A_14 : vector<1x320xf32> to vector<1000x320xf32>
    %add3A_15 = arith.addf %dot_general3A_11, %add3A : vector<1000x320xf32>
    %mul3A = vector.broadcast %get3A_4 : vector<1x320xf32> to vector<1000x320xf32>
    %mul3A_16 = arith.mulf %add3A_15, %mul3A : vector<1000x320xf32>
    %get3A_17 = arith.constant 0 : index
    %get3A_18 = arith.constant 0 : index
    %get3A_19 = vector.load %arg4[%get3A_17, %get3A_18] : memref<128x320xf32, #tpu.memory_space<vmem>>, vector<128x320xf32>
    %dot_general3A_20 = arith.constant dense<0.000000e+00> : vector<1000x320xf32>
    %dot_general3A_21 = tpu.matmul %get3A_1, %get3A_19, %dot_general3A_20 {dimension_numbers = #tpu.dot_dimension_numbers<[1], [0], [0], [1], [0, 0, 1, 1], [], []>, transpose_lhs_hint = false} : vector<1000x128xf32>, vector<128x320xf32>, vector<1000x320xf32> -> vector<1000x320xf32>
    %get3A_22 = arith.constant 0 : index
    %get3A_23 = arith.constant 0 : index
    %get3A_24 = vector.load %arg8[%get3A_22, %get3A_23] : memref<1x320xf32, #tpu.memory_space<vmem>>, vector<1x320xf32>
    %add3A_25 = vector.broadcast %get3A_24 : vector<1x320xf32> to vector<1000x320xf32>
    %add3A_26 = arith.addf %dot_general3A_21, %add3A_25 : vector<1000x320xf32>
    %mul3A_27 = vector.broadcast %get3A_4 : vector<1x320xf32> to vector<1000x320xf32>
    %mul3A_28 = arith.mulf %add3A_26, %mul3A_27 : vector<1000x320xf32>
    %convert_element_type3A = arith.truncf %mul3A_16 : vector<1000x320xf32> to vector<1000x320xbf16>
    %bitcast_convert_type3A = tpu.bitcast %convert_element_type3A : vector<1000x320xbf16> -> vector<1000x320xi16>
    %convert_element_type3A_29 = arith.extui %bitcast_convert_type3A : vector<1000x320xi16> to vector<1000x320xi32>
    %convert_element_type3A_30 = arith.truncf %mul3A_28 : vector<1000x320xf32> to vector<1000x320xbf16>
    %bitcast_convert_type3A_31 = tpu.bitcast %convert_element_type3A_30 : vector<1000x320xbf16> -> vector<1000x320xi16>
    %convert_element_type3A_32 = arith.extui %bitcast_convert_type3A_31 : vector<1000x320xi16> to vector<1000x320xi32>
    %shift_left3A = arith.constant 16 : i32
    %shift_left3A_33 = vector.broadcast %shift_left3A : i32 to vector<1000x320xi32>
    %shift_left3A_34 = arith.shli %convert_element_type3A_32, %shift_left3A_33 : vector<1000x320xi32>
    %or3A = arith.ori %convert_element_type3A_29, %shift_left3A_34 : vector<1000x320xi32>
    %concatenate3A = tpu.concatenate %or3A, %get3A_7 in 1 : vector<1000x320xi32>, vector<1000x64xi32> -> vector<1000x384xi32>
    %swap3A = arith.constant 0 : index
    %swap3A_35 = arith.constant 0 : index
    %swap3A_36 = vector.load %arg10[%swap3A, %swap3A_35] : memref<1000x384xi32, #tpu.memory_space<vmem>>, vector<1000x384xi32>
    tpu.vector_store %arg10[%swap3A, %swap3A_35], %concatenate3A {strides = array<i32>} : memref<1000x384xi32, #tpu.memory_space<vmem>>, vector<1000x384xi32>,
    %get3A_37 = arith.constant 0 : index
    %get3A_38 = arith.constant 0 : index
    %get3A_39 = vector.load %arg5[%get3A_37, %get3A_38] : memref<128x320xf32, #tpu.memory_space<vmem>>, vector<128x320xf32>
    %dot_general3A_40 = arith.constant dense<0.000000e+00> : vector<1000x320xf32>
    %dot_general3A_41 = tpu.matmul %get3A_1, %get3A_39, %dot_general3A_40 {dimension_numbers = #tpu.dot_dimension_numbers<[1], [0], [0], [1], [0, 0, 1, 1], [], []>, transpose_lhs_hint = false} : vector<1000x128xf32>, vector<128x320xf32>, vector<1000x320xf32> -> vector<1000x320xf32>
    %mul3A_42 = vector.broadcast %get3A_4 : vector<1x320xf32> to vector<1000x320xf32>
    %mul3A_43 = arith.mulf %dot_general3A_41, %mul3A_42 : vector<1000x320xf32>
    %get3A_44 = arith.constant 0 : index
    %get3A_45 = arith.constant 0 : index
    %get3A_46 = vector.load %arg6[%get3A_44, %get3A_45] : memref<128x320xf32, #tpu.memory_space<vmem>>, vector<128x320xf32>
    %dot_general3A_47 = arith.constant dense<0.000000e+00> : vector<1000x320xf32>
    %dot_general3A_48 = tpu.matmul %get3A_1, %get3A_46, %dot_general3A_47 {dimension_numbers = #tpu.dot_dimension_numbers<[1], [0], [0], [1], [0, 0, 1, 1], [], []>, transpose_lhs_hint = false} : vector<1000x128xf32>, vector<128x320xf32>, vector<1000x320xf32> -> vector<1000x320xf32>
    %mul3A_49 = vector.broadcast %get3A_4 : vector<1x320xf32> to vector<1000x320xf32>
    %mul3A_50 = arith.mulf %dot_general3A_48, %mul3A_49 : vector<1000x320xf32>
    %convert_element_type3A_51 = arith.truncf %mul3A_43 : vector<1000x320xf32> to vector<1000x320xbf16>
    %bitcast_convert_type3A_52 = tpu.bitcast %convert_element_type3A_51 : vector<1000x320xbf16> -> vector<1000x320xi16>
    %convert_element_type3A_53 = arith.extui %bitcast_convert_type3A_52 : vector<1000x320xi16> to vector<1000x320xi32>
    %convert_element_type3A_54 = arith.truncf %mul3A_50 : vector<1000x320xf32> to vector<1000x320xbf16>
    %bitcast_convert_type3A_55 = tpu.bitcast %convert_element_type3A_54 : vector<1000x320xbf16> -> vector<1000x320xi16>
    %convert_element_type3A_56 = arith.extui %bitcast_convert_type3A_55 : vector<1000x320xi16> to vector<1000x320xi32>
    %shift_left3A_57 = arith.constant 16 : i32
    %shift_left3A_58 = vector.broadcast %shift_left3A_57 : i32 to vector<1000x320xi32>
    %shift_left3A_59 = arith.shli %convert_element_type3A_56, %shift_left3A_58 : vector<1000x320xi32>
    %or3A_60 = arith.ori %convert_element_type3A_53, %shift_left3A_59 : vector<1000x320xi32>
    %concatenate3A_61 = tpu.concatenate %or3A_60, %get3A_7 in 1 : vector<1000x320xi32>, vector<1000x64xi32> -> vector<1000x384xi32>
    %swap3A_62 = arith.constant 0 : index
    %swap3A_63 = arith.constant 0 : index
    %swap3A_64 = vector.load %arg11[%swap3A_62, %swap3A_63] : memref<1000x384xi32, #tpu.memory_space<vmem>>, vector<1000x384xi32>
    tpu.vector_store %arg11[%swap3A_62, %swap3A_63], %concatenate3A_61 {strides = array<i32>} : memref<1000x384xi32, #tpu.memory_space<vmem>>, vector<1000x384xi32>,
    return
  }
  func.func @transform_0(%arg0: i32) -> (i32, i32) {
    %c0_i32 = arith.constant 0 : i32
    %c0_i32_0 = arith.constant 0 : i32
    return %arg0, %c0_i32 : i32, i32
  }
  func.func @transform_1(%arg0: i32) -> (i32, i32) {
    %c0_i32 = arith.constant 0 : i32
    %c0_i32_0 = arith.constant 0 : i32
    return %arg0, %c0_i32 : i32, i32
  }
  func.func @transform_2(%arg0: i32) -> (i32, i32) {
    %c0_i32 = arith.constant 0 : i32
    %c0_i32_0 = arith.constant 0 : i32
    %c0_i32_1 = arith.constant 0 : i32
    return %c0_i32, %c0_i32_0 : i32, i32
  }
  func.func @transform_3(%arg0: i32) -> (i32, i32) {
    %c0_i32 = arith.constant 0 : i32
    %c0_i32_0 = arith.constant 0 : i32
    %c0_i32_1 = arith.constant 0 : i32
    return %c0_i32, %c0_i32_0 : i32, i32
  }
  func.func @transform_4(%arg0: i32) -> (i32, i32) {
    %c0_i32 = arith.constant 0 : i32
    %c0_i32_0 = arith.constant 0 : i32
    %c0_i32_1 = arith.constant 0 : i32
    return %c0_i32, %c0_i32_0 : i32, i32
  }
  func.func @transform_5(%arg0: i32) -> (i32, i32) {
    %c0_i32 = arith.constant 0 : i32
    %c0_i32_0 = arith.constant 0 : i32
    %c0_i32_1 = arith.constant 0 : i32
    return %c0_i32, %c0_i32_0 : i32, i32
  }
  func.func @transform_6(%arg0: i32) -> (i32, i32) {
    %c0_i32 = arith.constant 0 : i32
    %c0_i32_0 = arith.constant 0 : i32
    %c0_i32_1 = arith.constant 0 : i32
    return %c0_i32, %c0_i32_0 : i32, i32
  }
  func.func @transform_7(%arg0: i32) -> (i32, i32) {
    %c0_i32 = arith.constant 0 : i32
    %c0_i32_0 = arith.constant 0 : i32
    %c0_i32_1 = arith.constant 0 : i32
    return %c0_i32, %c0_i32_0 : i32, i32
  }
  func.func @transform_8(%arg0: i32) -> (i32, i32) {
    %c0_i32 = arith.constant 0 : i32
    %c0_i32_0 = arith.constant 0 : i32
    %c0_i32_1 = arith.constant 0 : i32
    return %c0_i32, %c0_i32_0 : i32, i32
  }
  func.func @transform_9(%arg0: i32) -> (i32, i32) {
    %c0_i32 = arith.constant 0 : i32
    %c0_i32_0 = arith.constant 0 : i32
    return %arg0, %c0_i32 : i32, i32
  }
  func.func @transform_10(%arg0: i32) -> (i32, i32) {
    %c0_i32 = arith.constant 0 : i32
    %c0_i32_0 = arith.constant 0 : i32
    return %arg0, %c0_i32 : i32, i32
  }
}

module attributes {stable_mosaic.version = 14 : i64} {
  func.func @_add_body(%arg0: i32, %arg1: memref<2000x128xf32, #tpu.memory_space<vmem>>, %arg2: memref<2000x128xf32, #tpu.memory_space<vmem>>, %arg3: memref<2000x128xf32, #tpu.memory_space<vmem>>) attributes {dimension_semantics = [#tpu.dimension_semantics<arbitrary>], iteration_bounds = array<i64: 5>, scalar_prefetch = 0 : i64, scratch_operands = 0 : i64, tpu.core_type = #tpu.core_type<tc>, window_params = [{transform_indices = @transform_0, window_bounds = array<i64: 2000, 128>}, {transform_indices = @transform_1, window_bounds = array<i64: 2000, 128>}, {transform_indices = @transform_2, window_bounds = array<i64: 2000, 128>}]} {
    %get3A = arith.constant 0 : index
    %get3A_0 = arith.constant 0 : index
    %get3A_1 = vector.load %arg1[%get3A, %get3A_0] : memref<2000x128xf32, #tpu.memory_space<vmem>>, vector<2000x128xf32>
    %get3A_2 = arith.constant 0 : index
    %get3A_3 = arith.constant 0 : index
    %get3A_4 = vector.load %arg2[%get3A_2, %get3A_3] : memref<2000x128xf32, #tpu.memory_space<vmem>>, vector<2000x128xf32>
    %add3A = arith.addf %get3A_1, %get3A_4 : vector<2000x128xf32>
    %swap3A = arith.constant 0 : index
    %swap3A_5 = arith.constant 0 : index
    %swap3A_6 = vector.load %arg3[%swap3A, %swap3A_5] : memref<2000x128xf32, #tpu.memory_space<vmem>>, vector<2000x128xf32>
    tpu.vector_store %arg3[%swap3A, %swap3A_5], %add3A {strides = array<i32>} : memref<2000x128xf32, #tpu.memory_space<vmem>>, vector<2000x128xf32>,
    return
  }
  func.func @transform_0(%arg0: i32) -> (i32, i32) {
    %c0_i32 = arith.constant 0 : i32
    %c0_i32_0 = arith.constant 0 : i32
    return %arg0, %c0_i32 : i32, i32
  }
  func.func @transform_1(%arg0: i32) -> (i32, i32) {
    %c0_i32 = arith.constant 0 : i32
    %c0_i32_0 = arith.constant 0 : i32
    return %arg0, %c0_i32 : i32, i32
  }
  func.func @transform_2(%arg0: i32) -> (i32, i32) {
    %c0_i32 = arith.constant 0 : i32
    %c0_i32_0 = arith.constant 0 : i32
    return %arg0, %c0_i32 : i32, i32
  }
}

</mosaic_0001>

<sc_bundles>
// kernel: kernel.5.cloned.1.call-start
scs
__scs_entry_jumppad:
0x0: {  	(pc) =	sbr.rel $0x88, $3  }
0x1: {  	(tag) =	ssettag $0x0;
	lr =	simm.s32 $0x1  }
0x2: {  	[smem:$0x3F95] =	sst lr;
	_ =	strace $0xD0000000  }
0x3: {  	_ = 	snop  }
0x4: {  	_ = 	snop  }
0x5: {  	_ = 	snop  }
0x6: {  	_ = 	snop  }
0x7: {  	_ = 	snop  }
__scs_overlays_trampoline_lowered:
0x8: {  	[smem:$0x3FA4] =	sst s0  }
0x9: {  	[smem:$0x3FA5] =	sst s1  }
0xa: {  	[smem:$0x3FA6] =	sst s2  }
0xb: {  	[smem:$0x3FA7] =	sst s3  }
0xc: {  	[smem:$0x3FA8] =	sst s4  }
0xd: {  	[smem:$0x3FA9] =	sst s5  }
0xe: {  	[smem:$0x3FAA] =	sst s6  }
0xf: {  	[smem:$0x3FAB] =	sst s7  }
0x10: {  	[smem:$0x3FAC] =	sst s8  }
0x11: {  	[smem:$0x3FAD] =	sst s9;
	s0 =	simm.s32 @!p0 $0x0  }
0x12: {  	s1 =	sld [smem:$0x3F93];
	s0 =	simm.s32 @p0 $0x1  }
0x13: {  	[smem:$0x3FAE] =	sst s0;
	s0 =	simm.s32 @!p1 $0x0  }
0x14: {  	s2 =	sld [smem:$0x3F92];
	s0 =	simm.s32 @p1 $0x1  }
0x15: {  	[smem:$0x3FAF] =	sst s0;
	s0 =	simm.s32 @!p2 $0x0  }
0x16: {  	s3 =	sld [smem:$0x3FDB];
	s0 =	simm.s32 @p2 $0x1  }
0x17: {  	s4 =	simm.s32 $0x1BF5;
	[smem:$0x3FB1] =	sst s0  }
0x18: {  	s0 =	sld [smem:$0x3F94];
	_ =	swait.ge [sflag:s4], $0x0  }
0x19: {  	s7 =	sld [smem:$0x3F95]  }
0x1a: {  	s8 =	sadd.s32 $0xFFFFE003, lr  }
0x1b: {  	s9 =	sadd.s32 $0xFFFFFEF7, lr;
	s5 =	simm.s32 $0xFFFFFFFF;
	p2 =	slt.u32 s8, $0xFFFFF086  }
0x1c: {  	p1 =	slt.u32 s9, $0xF7A;
	s5 =	simm.s32 @!p2 $0x0  }
0x1d: {  	s5 =	simm.s32 @p1 $0x1;
	p0 =	seq.s32 s7, s2  }
0x1e: {  	s7 =	smul.u32 @!p0 $0xF7A, s2;
	p2 =	seq.s32 @!p0 s5, $0x0  }
0x1f: {  	s9 =	smul.u32 $0xF7A, s1;
	s8 =	simm.s32 @!p0 $0x1BF5;
	p2 =	por !p2, p0  }
0x20: {  	[sflag:s8] =	ssyncset.s32 @!p0 $0xFFFFF086;
	s6 =	sadd.s32 @!p0 s3, s7;
	s7 =	simm.s32 @!p0 $0x108  }
0x21: {  	s3 =	sadd.s32 s3, s9;
	s6 =	sadd.s32 @!p0 $0x88, s6;
	s7 =	simm.s32 @p2 $0x1082  }
0x22: {  	[simem:s7], [sflag:s8] =	dma.local @!p0 [hbm:s6], $0xF7A  }
0x23: {  	s9 =	sor.u32 $0xD0000000, s2;
	s6 =	simm.s32 $0x108;
	_ =	swait.ge @!p0 [sflag:s8], $0x0  }
0x24: {  	s3 =	sadd.s32 $0x88, s3;
	s6 =	simm.s32 @!p1 $0x1082;
	[sflag:s4] =	ssyncset.s32 $0xFFFFF086  }
0x25: {  	[simem:s6], [sflag:s4] =	dma.local [hbm:s3], $0xF7A  }
0x26: {  	[smem:$0x3F95] =	sst s1;
	(tag) =	ssettag s2;
	_ =	strace s9  }
0x27: {  	s1 =	sld [smem:$0x3FA5]  }
0x28: {  	s2 =	sld [smem:$0x3FA6]  }
0x29: {  	s4 =	sld [smem:$0x3FA8]  }
0x2a: {  	p0 =	seq.s32 s5, $0x0;
	s5 =	sld [smem:$0x3FA9]  }
0x2b: {  	s6 =	sld [smem:$0x3FAA]  }
0x2c: {  	s7 =	sld [smem:$0x3FAB]  }
0x2d: {  	s3 =	simm.s32 $0x108;
	s8 =	sld [smem:$0x3FAC]  }
0x2e: {  	s3 =	simm.s32 @!p0 $0x1082;
	s9 =	sld [smem:$0x3FAD]  }
0x2f: {  	lr =	sadd.s32 s0, s3;
	s0 =	sld [smem:$0x3FA4]  }
0x30: {  	s3 =	sld [smem:$0x3FA7]  }
0x31: {  	[smem:$0x3FB0] =	sst s10  }
0x32: {  	s10 =	sld [smem:$0x3FAE];
	_ =	sdelay $0x3  }
0x33: {  	p0 =	seq.s32 s10, $0x1;
	s10 =	sld [smem:$0x3FB0];
	_ =	sdelay $0x3  }
0x34: {  	[smem:$0x3FB0] =	sst s10  }
0x35: {  	s10 =	sld [smem:$0x3FAF];
	_ =	sdelay $0x3  }
0x36: {  	p1 =	seq.s32 s10, $0x1;
	s10 =	sld [smem:$0x3FB0];
	_ =	sdelay $0x3  }
0x37: {  	[smem:$0x3FB0] =	sst s10  }
0x38: {  	s10 =	sld [smem:$0x3FB1]  }
0x39: {  	_ = 	snop;
	(pc) =	sbr.ind lr, $3  }
0x3a: {  	_ = 	snop  }
0x3b: {  	_ = 	snop  }
0x3c: {  	p2 =	seq.s32 s10, $0x1;
	s10 =	sld [smem:$0x3FB0]  }
0x3d: {  	_ =	shalt  }
0x3e: {  	_ =	shalt  }
0x3f: {  	_ =	shalt  }
0x40: {  	_ =	shalt  }
0x41: {  	_ =	shalt  }
0x42: {  	_ =	shalt  }
0x43: {  	_ =	shalt  }
0x44: {  	_ =	shalt  }
0x45: {  	_ =	shalt  }
0x46: {  	_ =	shalt  }
0x47: {  	_ =	shalt  }
0x48: {  	_ =	shalt  }
0x49: {  	_ =	shalt  }
0x4a: {  	_ =	shalt  }
0x4b: {  	_ =	shalt  }
0x4c: {  	_ =	shalt  }
0x4d: {  	_ =	shalt  }
0x4e: {  	_ =	shalt  }
0x4f: {  	_ =	shalt  }
0x50: {  	_ =	shalt  }
0x51: {  	_ =	shalt  }
0x52: {  	_ =	shalt  }
0x53: {  	_ =	shalt  }
0x54: {  	_ =	shalt  }
0x55: {  	_ =	shalt  }
0x56: {  	_ =	shalt  }
0x57: {  	_ =	shalt  }
0x58: {  	_ =	shalt  }
0x59: {  	_ =	shalt  }
0x5a: {  	_ =	shalt  }
0x5b: {  	_ =	shalt  }
0x5c: {  	_ =	shalt  }
0x5d: {  	_ =	shalt  }
0x5e: {  	_ =	shalt  }
0x5f: {  	_ =	shalt  }
0x60: {  	_ =	shalt  }
0x61: {  	_ =	shalt  }
0x62: {  	_ =	shalt  }
0x63: {  	_ =	shalt  }
0x64: {  	_ =	shalt  }
0x65: {  	_ =	shalt  }
0x66: {  	_ =	shalt  }
0x67: {  	_ =	shalt  }
0x68: {  	_ =	shalt  }
0x69: {  	_ =	shalt  }
0x6a: {  	_ =	shalt  }
0x6b: {  	_ =	shalt  }
0x6c: {  	_ =	shalt  }
0x6d: {  	_ =	shalt  }
0x6e: {  	_ =	shalt  }
0x6f: {  	_ =	shalt  }
0x70: {  	_ =	shalt  }
0x71: {  	_ =	shalt  }
0x72: {  	_ =	shalt  }
0x73: {  	_ =	shalt  }
0x74: {  	_ =	shalt  }
0x75: {  	_ =	shalt  }
0x76: {  	_ =	shalt  }
0x77: {  	_ =	shalt  }
0x78: {  	_ =	shalt  }
0x79: {  	_ =	shalt  }
0x7a: {  	_ =	shalt  }
0x7b: {  	_ =	shalt  }
0x7c: {  	_ =	shalt  }
0x7d: {  	_ =	shalt  }
0x7e: {  	_ =	shalt  }
0x7f: {  	_ =	shalt  }
0x80: {  	_ =	shalt  }
0x81: {  	_ =	shalt  }
0x82: {  	_ =	shalt  }
0x83: {  	_ =	shalt  }
0x84: {  	_ =	shalt  }
0x85: {  	_ =	shalt  }
0x86: {  	_ =	shalt  }
0x87: {  	_ =	shalt  }
.Lfunc_end0:
.L_simem_size_0:
called_computation_lowered:
.L_overlay_start_0:
0x88: {  	s2 =	sld [smem:$0x3FD9]  }
0x89: {  	s3 =	sld [smem:$0x3FFE];
	_ =	sdelay $0x1  }
0x8a: {  	s1 =	srdreg.scid  }
0x8b: {  	s0 =	sand.u32 $0x1, s1  }
0x8c: {  	s17 =	sshll.u32 s0, $0xA;
	s2 =	sadd.s32 s3, s2  }
0x8d: {  	s2 =	sadd.s32 s2, s17  }
0x8e: {  	[smem:$0x3FBC] =	sst s2  }
0x8f: {  	_ = 	snop  }
0x90: {  	s2 =	sld [smem:$0x3FD0];
	(tm) =	ssettm $0x1  }
0x91: {  	s18 =	sld [smem:$0x3FFB];
	_ =	sdelay $0x3  }
0x92: {  	_ =	strace s18  }
0x93: {  	s3 =	sld [smem:$0x3FFC];
	_ =	sdelay $0x3  }
0x94: {  	_ =	strace s3  }
0x95: {  	s3 =	sld [smem:$0x3FFD];
	_ =	sdelay $0x3  }
0x96: {  	_ =	strace s3  }
0x97: {  	_ =	strace $0x8FFFFFFF  }
0x98: {  	s19 =	sld [smem:$0x3FDB];
	_ =	sdelay $0x1  }
0x99: {  	s4 =	simm.s32 $_scs_section_size  }
0x9a: {  	s5 =	simm.s32 $_size__tile_overlayer_lowered;
	s6 =	simm.s32 $_tile_overlayer_lowered  }
0x9b: {  	s22 =	simm.s32 $0x1BFF;
	s21 =	sshll.u32 s6, $0x1;
	s3 =	sadd.s32 s4, s19  }
0x9c: {  	s7 =	simm.s32 $0x0;
	s20 =	sshll.u32 s5, $0x1;
	s5 =	sadd.s32 s21, s3  }
0x9d: {  	[timem:s7], [sflag:s22] =	dma.local [hbm:s5], s20  }
0x9e: {  	_ =	swait.ge [sflag:s22], s20  }
0x9f: {  	s4 =	ssub.s32 $0x0, s20;
	[sflag:s22] =	ssyncset.done $0x0  }
0xa0: {  	[sflag:s22] =	ssyncadd.s32 s4;
	_ =	sdelay $0x1  }
0xa1: {  	s23 =	simm.s32 $0x1B8B  }
0xa2: {  	_ =	swait.ge [sflag:s23], $0x1  }
0xa3: {  	[sflag:s23] =	ssyncset.done $0x0  }
0xa4: {  	s25 =	simm.s32 $0x1B8E;
	s24 =	sld [smem:$0x3FFE];
	[sflag:s23] =	ssyncadd.s32 $0xFFFFFFFF  }
0xa5: {  	s26 =	simm.s32 $execute0_lowered;
	[smem:$0x3FD2] =	sst s25  }
0xa6: {  	s5 =	sshll.u32 s26, $0x1;
	_ =	strace $0x80000046;
	[dreg:$0x1] =	wrdreg $0xFFFFFFFF  }
0xa7: {  	s28 =	simm.s32 $_size_execute0_lowered;
	s3 =	sadd.s32 s3, s5;
	[dreg:$0x0] =	wrdreg $0x0  }
0xa8: {  	s5 =	sshll.u32 s28, $0x1;
	[dreg:$0x2] =	wrdreg s3  }
0xa9: {  	[dreg:$0x3] =	wrdreg s5  }
0xaa: {  	[dreg:$0x4] =	wrdreg $0xC0  }
0xab: {  	_ =	task [dreg:s7], $0x5FFFF  }
0xac: {  	[dreg:$0x1] =	wrdreg $0xFFFFFFFF  }
0xad: {  	[dreg:$0x0] =	wrdreg $0x60  }
0xae: {  	[dreg:$0x2] =	wrdreg s24  }
0xaf: {  	[dreg:$0x3] =	wrdreg s2  }
0xb0: {  	[dreg:$0x4] =	wrdreg $0xA3000  }
0xb1: {  	[dreg:$0x5] =	wrdreg $0x9  }
0xb2: {  	_ =	task.clear_ibuf [dreg:s7], $0x6FFFF;
	_ =	strace $0x90000046  }
0xb3: {  	s29 =	simm.s32 $0x9;
	_ =	strace $0x80000048  }
0xb4: {  	_ =	swait.ge [sflag:s29], $0x1  }
0xb5: {  	[sflag:s29] =	ssyncadd.s32 $0xFFFFFFFF  }
0xb6: {  	_ =	strace $0x90000048  }
0xb7: {  	_ =	sfence  }
0xb8: {  	s30 =	sld [smem:$0x0];
	_ =	sdelay $0x2  }
0xb9: {  	s31 =	sshll.u32 s1, $0xD;
	s1 =	sshrl.u32 s1, $0x2  }
0xba: {  	s3 =	sand.u32 $0x4000, s31;
	s1 =	sadd.s32 s1, s30  }
0xbb: {  	s0 =	sor.u32 s3, s0;
	s1 =	sshll.u32 s1, $0x11  }
0xbc: {  	s0 =	sor.u32 s1, s0  }
0xbd: {  	s0 =	sadd.s32 $0x8F2B, s0  }
0xbe: {  	[sflag:s0] =	ssyncadd.remote.s32 $0x1  }
0xbf: {  	_ =	sfence.sel $0xFFFF  }
0xc0: {  	[dreg:$0x0] =	wrdreg $0xFFFFFFFF;
	(pc) =	sbr.abs _section_cstart, $3  }
0xc1: {  	[dreg:$0x1] =	wrdreg $0xFFFFFFFF  }
0xc2: {  	_ =	task.clear_ibuf [dreg:s7], $0x2FFFF;
	_ =	strace $0x9FFFFFFF  }
0xc3: {  	(tm) =	ssettm $0x7FFFFFFF  }
tec
execute0_lowered:
.L_overlay_start_1:
0x0: {  	(tag) =	ssettag $0x1  }
0x1: {  	s0 =	rddreg [dreg:$0x0]  }
0x2: {  	s9 =	rddreg [dreg:$0x1]  }
0x3: {  	s10 =	rddreg [dreg:$0x2];
	s1 =	simm.s32 $0x0;
	s21 =	srdreg.scid  }
0x4: {  	s11 =	stileid.u32;
	[smem:$0x7FF] =	sst s1  }
0x5: {  	s20 =	sadd.s32 $0x6A00, s0;
	s6 =	sadd.s32 $0x7BE00, s0;
	s1 =	sand.u32 $0x1, s21  }
0x6: {  	s2 =	smul.u32 $0x4E000, s11;
	s12 =	sadd.s32 $0x1A00, s0;
	s3 =	sadd.s32 $0xF1200, s0  }
0x7: {  	s8 =	sshll.u32 s11, $0x1;
	s25 =	sadd.s32 $0x8, s9;
	s26 =	smul.u32 $0x13800, s11  }
0x8: {  	s14 =	sadd.s32 $0x6B00, s0;
	s15 =	sadd.s32 $0x7BF00, s0;
	p0 =	sne.s32 s11, $0x0  }
0x9: {  	_ =	strace $0x80000047;
	[dreg:$0x12] =	wrdreg s20;
	s5 =	ssub.s32 $0x2, s1  }
0xa: {  	s22 =	sor.u32 s1, s8;
	s1 =	smul.u32 $0x138800, s1;
	[dreg:$0x4] =	wrdreg s12  }
0xb: {  	[dreg:$0x8] =	wrdreg s25;
	s23 =	sshll.u32 s22, $0x4;
	s29 =	sshll.u32 s22, $0x7  }
0xc: {  	s7 =	sshrl.u32 s5, $0x1;
	s24 =	sadd.s32 s12, s23;
	[dreg:$0xb] =	wrdreg s29  }
0xd: {  	s2 =	sshrl.u32 s2, $0x2;
	s9 =	sadd.s32 s9, s23;
	[dreg:$0x7] =	wrdreg s24  }
0xe: {  	s13 =	sadd.s32 s2, s10;
	s2 =	sadd.s32 s23, s25;
	[dreg:$0x9] =	wrdreg s9  }
0xf: {  	s5 =	ssub.s32 s5, s7;
	s10 =	sadd.s32 $0x138000, s10;
	[dreg:$0xa] =	wrdreg s2  }
0x10: {  	s28 =	sadd.s32 s26, s1;
	s1 =	sshrl.u32 s1, $0x3;
	[dreg:$0x5] =	wrdreg s13  }
0x11: {  	s0 =	sshrl.u32 s28, $0x3;
	s31 =	smax.u32 s5, $0x1;
	[dreg:$0x6] =	wrdreg s10  }
0x12: {  	v3 =	vlaneseq.u32;
	v0 =	vimm.f32 $0.0e+00;
	s1 =	sadd.s32 s3, s1;
	s0 =	sadd.s32 s3, s0;
	[dreg:$0xe] =	wrdreg s31  }
0x13: {  	vm0 =	vmmov $0xffff;
	vm1 =	vmmov $0xff;
	v2 =	vshrl.u32 v3, $0x3;
	s2 =	simm.s32 $0x6300;
	s30 =	sadd.s32 $0x27000, s1;
	[dreg:$0xc] =	wrdreg s0  }
0x14: {  	v1 =	vand.u32 $0x7, v3;
	v3 =	vor.u32 $0x8, v3;
	v2 =	vmul.u32 $0x8, v2;
	s5 =	simm.s32 $0x0;
	s3 =	simm.s32 $0x7;
	[dreg:$0xd] =	wrdreg s30  }
.LBB2_1:
0x15: {  	s0 =	simm.s32 $0x0;
	s1 =	simm.s32 $0x200  }
.LBB2_2:
0x16: {  	p1 =	sne.s32 s1, $0x1E00;
	[tilespmem:s0+$0x6370] =	vst v0  }
0x17: {  	[tilespmem:s0+$0x6300] =	vst v0  }
0x18: {  	[tilespmem:s0+$0x6310] =	vst v0  }
.Ltmp0:
0x19: {  	[tilespmem:s0+$0x6320] =	vst v0;
	(pc) =	sbr.rel @p1 .LBB2_2-.Ltmp0, $4  }
0x1a: {  	[tilespmem:s0+$0x6330] =	vst v0  }
0x1b: {  	[tilespmem:s0+$0x6340] =	vst v0  }
0x1c: {  	[tilespmem:s0+$0x6350] =	vst v0  }
0x1d: {  	[tilespmem:s0+$0x6360] =	vst v0;
	s0 =	sshra.s32 s1, $0x2;
	s1 =	sadd.s32 $0x200, s1  }
0x1e: {  	[tilespmem:s0+$0x6370] =	vst v0  }
0x1f: {  	[tilespmem:s0+$0x6300] =	vst v0  }
0x20: {  	[tilespmem:s0+$0x6310] =	vst v0  }
0x21: {  	[tilespmem:s0+$0x6320] =	vst v0  }
0x22: {  	[tilespmem:s0+$0x6330] =	vst v0  }
0x23: {  	[tilespmem:s0+$0x6340] =	vst v0  }
0x24: {  	[tilespmem:s0+$0x6350] =	vst v0  }
0x25: {  	[dreg:$0xf] =	wrdreg s5;
	[tilespmem:s0+$0x6360] =	vst v0;
	s31 =	sadd.s32 $0x0, s13  }
0x26: {  	[spmem:s31] =	stream.linear.scatter [tilespmem:s2], [sflag:$0x7], $0x800, $0x38;
	[tilespmem:$0x1DB80] =	vst v63  }
0x27: {  	s0 =	simm.s32 $0x2000;
	_ =	swait.ge [sflag:s3], $0x800  }
.LBB2_4:
0x28: {  	s1 =	sshra.s32 s0, $0x2;
	[sflag:s3] =	ssyncset.done $0x0;
	p1 =	sne.s32 s0, $0x4C000  }
.Ltmp1:
0x29: {  	s1 =	sadd.s32 s1, s13;
	[sflag:s3] =	ssyncadd.s32 $0xFFFFF800;
	(pc) =	sbr.rel @p1 .LBB2_4-.Ltmp1, $3  }
0x2a: {  	[spmem:s1] =	stream.linear.scatter [tilespmem:s2], [sflag:$0x7], $0x800, $0x38;
	[tilespmem:$0x1DB80] =	vst v63  }
0x2b: {  	s0 =	sadd.s32 $0x2000, s0;
	_ =	sdelay $0x1  }
0x2c: {  	_ =	swait.ge [sflag:s3], $0x800  }
0x2d: {  	[sflag:s3] =	ssyncset.done $0x0  }
0x2e: {  	s0 =	simm.s32 @!p0 $0x6300;
	[sflag:s3] =	ssyncadd.s32 $0xFFFFF800  }
0x2f: {  	[spmem:s10] =	stream.linear.scatter @!p0 [tilespmem:s0], [sflag:$0x7], $0x800, $0x38;
	[tilespmem:$0x1DB80] =	vst v63  }
0x30: {  	s0 =	simm.s32 @!p0 $0x7  }
0x31: {  	_ =	swait.ge @!p0 [sflag:s0], $0x800  }
0x32: {  	[sflag:s0] =	ssyncset.done @!p0 $0x0  }
0x33: {  	[sflag:s0] =	ssyncadd.s32 @!p0 $0xFFFFF800  }
0x34: {  	[bflag:$0x0] =	sbarrier.arrive $0xFFFF  }
0x35: {  	s8 =	simm.s32 $0x0;
	s18 =	rddreg [dreg:$0x7]  }
0x36: {  	[tilespmem:s8], [sflag:$0x7] =	stream.linear.gather [hbm4b:s18+s8], $0x80, $0x38;
	[tilespmem:$0x1DB80] =	vst v63  }
0x37: {  	_ =	swait.ge [sflag:s3], $0x80  }
0x38: {  	[sflag:s3] =	ssyncset.done $0x0  }
0x39: {  	s1 =	simm.s32 $0x100;
	s19 =	rddreg [dreg:$0x9];
	[sflag:s3] =	ssyncadd.s32 $0xFFFFFF80  }
0x3a: {  	[tilespmem:s1], [sflag:$0x7] =	stream.linear.gather [hbm4b:s19+s8], $0x40, $0x38;
	[tilespmem:$0x1DB80] =	vst v63  }
0x3b: {  	_ =	swait.ge [sflag:s3], $0x40  }
0x3c: {  	[sflag:s3] =	ssyncset.done $0x0  }
0x3d: {  	s21 =	simm.s32 $0x200;
	s20 =	rddreg [dreg:$0xa];
	[sflag:s3] =	ssyncadd.s32 $0xFFFFFFC0  }
0x3e: {  	[tilespmem:s21], [sflag:$0x7] =	stream.linear.gather [hbm4b:s20+s8], $0x40, $0x38;
	[tilespmem:$0x1DB80] =	vst v63  }
0x3f: {  	_ =	swait.ge [sflag:s3], $0x40  }
0x40: {  	[sflag:s3] =	ssyncset.done $0x0  }
0x41: {  	[sflag:s3] =	ssyncadd.s32 $0xFFFFFFC0  }
0x42: {  	v4 =	vld [tilespmem:$0x0];
	_ =	sdelay $0x4  }
0x43: {  	v5 =	vshrl.u32 v4, $0x3  }
0x44: {  	v5 =	vmul.u32 $0x18, v5  }
0x45: {  	v4 =	vand.u32 $0x7, v4  }
0x46: {  	v4 =	vor.u32 v4, v5  }
0x47: {  	v5 =	vperm.xlane v4, v1;
	_ =	sdelay $0x1  }
0x48: {  	v5 =	vadd.s32 v2, v5;
	_ =	sdelay $0x1  }
0x49: {  	v4 =	vperm.xlane v4, v3;
	_ =	sdelay $0x1  }
0x4a: {  	s22 =	simm.s32 $0x300;
	s23 =	rddreg [dreg:$0x12];
	v4 =	vadd.s32 v2, v4  }
0x4b: {  	[tilespmem:s22], [sflag:$0x1] =	stream.indirect_vreg.gather [hbm4b:s23+s8], $0x80, v5, vm0, $0xb8;
	[tilespmem:$0x1DB80] =	vst v63  }
0x4c: {  	s24 =	simm.s32 $0xB00  }
0x4d: {  	[tilespmem:s24], [sflag:$0x1] =	stream.indirect_vreg.gather [hbm4b:s14+s8], $0x80, v5, vm1, $0xb8;
	[tilespmem:$0x1DB80] =	vst v63  }
0x4e: {  	s25 =	simm.s32 $0xF00  }
0x4f: {  	[tilespmem:s25], [sflag:$0x1] =	stream.indirect_vreg.gather [hbm4b:s23+s8], $0x80, v4, vm0, $0xb8;
	[tilespmem:$0x1DB80] =	vst v63  }
0x50: {  	s26 =	simm.s32 $0x1700  }
0x51: {  	[tilespmem:s26], [sflag:$0x1] =	stream.indirect_vreg.gather [hbm4b:s14+s8], $0x80, v4, vm1, $0xb8;
	[tilespmem:$0x1DB80] =	vst v63  }
0x52: {  	v4 =	vld [tilespmem:$0x100];
	_ =	sdelay $0x4  }
0x53: {  	v5 =	vshrl.u32 v4, $0x3  }
0x54: {  	v5 =	vmul.u32 $0x18, v5  }
0x55: {  	v4 =	vand.u32 $0x7, v4  }
0x56: {  	v4 =	vor.u32 v4, v5  }
0x57: {  	v5 =	vperm.xlane v4, v1;
	_ =	sdelay $0x1  }
0x58: {  	v5 =	vadd.s32 v2, v5;
	_ =	sdelay $0x1  }
0x59: {  	v4 =	vperm.xlane v4, v3;
	_ =	sdelay $0x1  }
0x5a: {  	s28 =	simm.s32 $0x3300;
	v4 =	vadd.s32 v2, v4  }
0x5b: {  	[tilespmem:s28], [sflag:$0x3] =	stream.indirect_vreg.gather [hbm4b:s6+s8], $0x80, v5, vm0, $0xb8;
	[tilespmem:$0x1DB80] =	vst v63  }
0x5c: {  	s29 =	simm.s32 $0x3B00;
	s0 =	simm.s32 @!p0 $0x28  }
0x5d: {  	[tilespmem:s29], [sflag:$0x3] =	stream.indirect_vreg.gather [hbm4b:s15+s8], $0x80, v5, vm1, $0xb8;
	[tilespmem:$0x1DB80] =	vst v63  }
0x5e: {  	s30 =	simm.s32 $0x3F00;
	s0 =	simm.s32 @p0 $0x27  }
0x5f: {  	[tilespmem:s30], [sflag:$0x3] =	stream.indirect_vreg.gather [hbm4b:s6+s8], $0x80, v4, vm0, $0xb8;
	[tilespmem:$0x1DB80] =	vst v63  }
0x60: {  	s31 =	simm.s32 $0x4700;
	[dreg:$0x11] =	wrdreg s0  }
0x61: {  	[tilespmem:s31], [sflag:$0x3] =	stream.indirect_vreg.gather [hbm4b:s15+s8], $0x80, v4, vm1, $0xb8;
	[tilespmem:$0x1DB80] =	vst v63  }
.LBB2_6:
0x62: {  	s0 =	sand.u32 $0x1, s8  }
0x63: {  	[dreg:$0x10] =	wrdreg s8;
	s0 =	sshll.u32 s0, $0x7  }
0x64: {  	s31 =	sor.u32 $0x200, s0;
	[dreg:$0x13] =	wrdreg s0;
	s0 =	sor.u32 $0x100, s0  }
0x65: {  	p1 =	seq.s32 s8, $0x0;
	s13 =	simm.s32 $0x0;
	[dreg:$0x14] =	wrdreg s0  }
.LBB2_7:
0x66: {  	p2 =	seq.s32 @!p1 s13, $0x0  }
0x67: {  	p2 =	por p1, !p2  }
0x68: {  	p3 =	seq.s32 @p2 s8, $0x0  }
0x69: {  	p4 =	por p3, !p2  }
0x6a: {  	p4 =	sne.s32 @!p4 s13, $0x2  }
0x6b: {  	p3 =	por @p2 p3, p4  }
0x6c: {  	p3 =	por !p2, !p3  }
.Ltmp2:
0x6d: {  	_ = 	snop;
	(pc) =	sbr.rel @!p3 .LBB2_9-.Ltmp2, $1  }
0x6e: {  	_ =	sdelay $0x3  }
0x6f: {  	s0 =	simm.s32 $0x5  }
0x70: {  	s0 =	simm.s32 @p2 $0x6  }
0x71: {  	_ =	swait.ge [sflag:s0], $0x2000  }
0x72: {  	[sflag:s0] =	ssyncset.done $0x0  }
0x73: {  	[sflag:s0] =	ssyncadd.s32 $0xFFFFE000  }
.LBB2_9:
0x74: {  	s7 =	sshll.u32 s13, $0x5  }
0x75: {  	s0 =	rddreg [dreg:$0x13];
	s17 =	sor.u32 $0x10, s7  }
0x76: {  	s0 =	sor.u32 s0, s17  }
0x77: {  	v4 =	vld [tilespmem:s0+$0x0];
	_ =	sdelay $0x4  }
0x78: {  	v5 =	vshrl.u32 v4, $0x3  }
0x79: {  	v5 =	vmul.u32 $0x18, v5  }
0x7a: {  	v4 =	vand.u32 $0x7, v4  }
0x7b: {  	v4 =	vor.u32 v4, v5  }
0x7c: {  	v5 =	vperm.xlane v4, v1;
	_ =	sdelay $0x1  }
0x7d: {  	v5 =	vadd.s32 v2, v5;
	_ =	sdelay $0x1  }
0x7e: {  	v4 =	vperm.xlane v4, v3;
	_ =	sdelay $0x1  }
0x7f: {  	s1 =	simm.s32 $0x0;
	s2 =	simm.s32 $0x1B00;
	s3 =	rddreg [dreg:$0x12];
	v4 =	vadd.s32 v2, v4  }
0x80: {  	[tilespmem:s2], [sflag:$0x2] =	stream.indirect_vreg.gather [hbm4b:s3+s1], $0x80, v5, vm0, $0xb8;
	[tilespmem:$0x1DB80] =	vst v63  }
0x81: {  	s20 =	simm.s32 $0x2300  }
0x82: {  	[tilespmem:s20], [sflag:$0x2] =	stream.indirect_vreg.gather [hbm4b:s14+s1], $0x80, v5, vm1, $0xb8;
	[tilespmem:$0x1DB80] =	vst v63  }
0x83: {  	s21 =	simm.s32 $0x2700  }
0x84: {  	[tilespmem:s21], [sflag:$0x2] =	stream.indirect_vreg.gather [hbm4b:s3+s1], $0x80, v4, vm0, $0xb8;
	[tilespmem:$0x1DB80] =	vst v63  }
0x85: {  	s22 =	simm.s32 $0x2F00;
	p2 =	sgt.u32 s13, $0x1  }
0x86: {  	[tilespmem:s22], [sflag:$0x2] =	stream.indirect_vreg.gather [hbm4b:s14+s1], $0x80, v4, vm1, $0xb8;
	[tilespmem:$0x1DB80] =	vst v63  }
0x87: {  	s1 =	sadd.s32 @p2 $0xFFFFFFD0, s7  }
0x88: {  	s2 =	sand.u32 @p2 $0xFFFFFF80, s1  }
0x89: {  	s1 =	sand.u32 @p2 $0x70, s1;
	s2 =	sadd.s32 @p2 s2, s31  }
0x8a: {  	s0 =	sadd.s32 @!p2 $0x100, s0;
	s1 =	sadd.s32 @p2 s1, s2  }
0x8b: {  	s0 =	smov.u32 @p2 s1  }
0x8c: {  	v4 =	vld [tilespmem:s0+$0x0];
	_ =	sdelay $0x4  }
0x8d: {  	v5 =	vshrl.u32 v4, $0x3  }
0x8e: {  	v5 =	vmul.u32 $0x18, v5  }
0x8f: {  	v4 =	vand.u32 $0x7, v4  }
0x90: {  	v4 =	vor.u32 v4, v5  }
0x91: {  	v5 =	vperm.xlane v4, v1;
	_ =	sdelay $0x1  }
0x92: {  	v5 =	vadd.s32 v2, v5;
	_ =	sdelay $0x1  }
0x93: {  	v4 =	vperm.xlane v4, v3;
	_ =	sdelay $0x1  }
0x94: {  	s23 =	simm.s32 $0x0;
	s24 =	simm.s32 $0x4B00;
	v4 =	vadd.s32 v2, v4  }
0x95: {  	[tilespmem:s24], [sflag:$0x4] =	stream.indirect_vreg.gather [hbm4b:s6+s23], $0x80, v5, vm0, $0xb8;
	[tilespmem:$0x1DB80] =	vst v63  }
0x96: {  	s25 =	simm.s32 $0x5300  }
0x97: {  	[tilespmem:s25], [sflag:$0x4] =	stream.indirect_vreg.gather [hbm4b:s15+s23], $0x80, v5, vm1, $0xb8;
	[tilespmem:$0x1DB80] =	vst v63  }
0x98: {  	s26 =	simm.s32 $0x5700  }
0x99: {  	[tilespmem:s26], [sflag:$0x4] =	stream.indirect_vreg.gather [hbm4b:s6+s23], $0x80, v4, vm0, $0xb8;
	[tilespmem:$0x1DB80] =	vst v63  }
0x9a: {  	s4 =	smov.u32 s31;
	s30 =	simm.s32 $0x5F00;
	s31 =	simm.s32 $0x1  }
0x9b: {  	[tilespmem:s30], [sflag:$0x4] =	stream.indirect_vreg.gather [hbm4b:s15+s23], $0x80, v4, vm1, $0xb8;
	[tilespmem:$0x1DB80] =	vst v63  }
0x9c: {  	s2 =	simm.s32 $0x0;
	_ =	swait.ge [sflag:s31], $0x1800  }
0x9d: {  	s5 =	simm.s32 $0x0;
	s1 =	smul.u32 $0xC00, s2;
	[sflag:s31] =	ssyncset.done $0x0  }
0x9e: {  	s8 =	simm.s32 $0x3;
	s2 =	sand.u32 $0x380, s5;
	[sflag:s31] =	ssyncadd.s32 $0xFFFFE800  }
0x9f: {  	s16 =	sand.u32 $0x20, s23;
	s2 =	sor.u32 s1, s2;
	_ =	swait.ge [sflag:s8], $0x1800  }
0xa0: {  	s11 =	sor.u32 $0x10, s16;
	s9 =	sadd.s32 $0x400, s2;
	[sflag:s8] =	ssyncset.done $0x0  }
0xa1: {  	s10 =	sor.u32 s11, s9;
	[sflag:s8] =	ssyncadd.s32 $0xFFFFE800  }
0xa2: {  	v4 =	vld [tilespmem:s10+$0x300]  }
0xa3: {  	s12 =	sor.u32 s11, s2;
	v5 =	vld [tilespmem:s10+$0x3300]  }
0xa4: {  	s20 =	sor.u32 $0x50, s16;
	v6 =	vld [tilespmem:s12+$0x300]  }
0xa5: {  	s18 =	sor.u32 s20, s9;
	v7 =	vld [tilespmem:s12+$0x3300]  }
0xa6: {  	s19 =	sadd.s32 $0x800, s2;
	v8 =	vld [tilespmem:s18+$0x300]  }
0xa7: {  	s21 =	sor.u32 s11, s19;
	v9 =	vld [tilespmem:s18+$0x3300]  }
0xa8: {  	s22 =	sor.u32 s16, s9;
	v12 =	vld [tilespmem:s21+$0x300]  }
0xa9: {  	v15 =	vld [tilespmem:s22+$0x300];
	v10 =	vshll.u32 v4, $0x10;
	v11 =	vshll.u32 v5, $0x10  }
0xaa: {  	v13 =	vshll.u32 v6, $0x10;
	v14 =	vshll.u32 v7, $0x10;
	v10 =	vadd.f32 v11, v10;
	v11 =	vld [tilespmem:s21+$0x3300]  }
0xab: {  	v17 =	vld [tilespmem:s22+$0x3300];
	v13 =	vadd.f32 v14, v13  }
0xac: {  	v10 =	vmul.f32 $1.442695020e+00, v10  }
0xad: {  	s25 =	sor.u32 $0x40, s16;
	v16 =	vshll.u32 v9, $0x10;
	v14 =	vshll.u32 v8, $0x10;
	v13 =	vmul.f32 $1.442695020e+00, v13  }
0xae: {  	s0 =	sor.u32 s25, s9;
	v14 =	vadd.f32 v16, v14;
	(erf) = vpow2.f32 v10  }
0xaf: {  	v10 =	vshll.u32 v12, $0x10;
	v16 =	vshll.u32 v11, $0x10;
	(erf) = vpow2.f32 v13;
	v13 =	vld [tilespmem:s0+$0x3300]  }
0xb0: {  	s23 =	sor.u32 s16, s2;
	v18 =	vshll.u32 v15, $0x10;
	v15 =	vadd.f32 v17, v15;
	v10 =	vadd.f32 v16, v10;
	v16 =	vld [tilespmem:s0+$0x300]  }
0xb1: {  	v4 =	vadd.f32 v5, v4;
	v5 =	vld [tilespmem:s23+$0x3300];
	v14 =	vmul.f32 $1.442695020e+00, v14  }
0xb2: {  	v6 =	vadd.f32 v7, v6;
	v7 =	vmul.f32 $1.442695020e+00, v15  }
0xb3: {  	v19 =	vshll.u32 v17, $0x10;
	(erf) = vpow2.f32 v14;
	v14 =	vld [tilespmem:s23+$0x300];
	v10 =	vmul.f32 $1.442695020e+00, v10  }
0xb4: {  	v17 =	vadd.f32 v19, v18;
	v8 =	vadd.f32 v9, v8  }
0xb5: {  	(erf) = vpow2.f32 v10;
	v15 =	vshll.u32 v13, $0x10;
	v10 =	vshll.u32 v16, $0x10  }
0xb6: {  	v9 =	vmul.f32 $1.442695020e+00, v17;
	v10 =	vadd.f32 v15, v10;
	v15 =	vshll.u32 v5, $0x10  }
0xb7: {  	v4 =	vmul.f32 $1.442695020e+00, v4;
	(erf) = vpow2.f32 v7;
	v7 =	vpop (erf)  }
0xb8: {  	s24 =	sor.u32 s16, s19;
	(erf) = vpow2.f32 v9;
	v9 =	vshll.u32 v14, $0x10;
	v7 =	vadd.f32 $1.000000000e+00, v7  }
0xb9: {  	v17 =	vld [tilespmem:s24+$0x300];
	(erf) = vpow2.f32 v4;
	v9 =	vadd.f32 v15, v9;
	v15 =	vpop (erf)  }
0xba: {  	v4 =	vld [tilespmem:s24+$0x3300];
	(erf) = vrcp.f32 v7;
	v7 =	vadd.f32 v13, v16;
	v13 =	vadd.f32 $1.000000000e+00, v15  }
0xbb: {  	v10 =	vmul.f32 $1.442695020e+00, v10  }
0xbc: {  	v15 =	vpop (erf)  }
0xbd: {  	v5 =	vadd.f32 v5, v14;
	v14 =	vadd.f32 $1.000000000e+00, v15;
	(erf) = vpow2.f32 v10  }
0xbe: {  	v9 =	vmul.f32 $1.442695020e+00, v9;
	v10 =	vshll.u32 v17, $0x10;
	(erf) = vrcp.f32 v13;
	v13 =	vpop (erf)  }
0xbf: {  	(erf) = vrcp.f32 v14;
	v14 =	vshll.u32 v4, $0x10;
	v13 =	vadd.f32 $1.000000000e+00, v13  }
0xc0: {  	(erf) = vpow2.f32 v9;
	v9 =	vadd.f32 v14, v10  }
0xc1: {  	v5 =	vmul.f32 $1.442695020e+00, v5;
	v7 =	vmul.f32 $1.442695020e+00, v7  }
0xc2: {  	v8 =	vmul.f32 $1.442695020e+00, v8;
	v10 =	vpop (erf);
	(erf) = vrcp.f32 v13  }
0xc3: {  	v6 =	vmul.f32 $1.442695020e+00, v6;
	v4 =	vadd.f32 v4, v17;
	(erf) = vpow2.f32 v7;
	v13 =	vpop (erf)  }
0xc4: {  	s26 =	sor.u32 s20, s19;
	v7 =	vmul.f32 $1.442695020e+00, v9;
	(erf) = vpow2.f32 v8;
	v8 =	vadd.f32 v11, v12;
	v9 =	vpop (erf)  }
0xc5: {  	v14 =	vld [tilespmem:s26+$0x300];
	v4 =	vmul.f32 $1.442695020e+00, v4;
	(erf) = vpow2.f32 v5;
	v5 =	vpop (erf)  }
0xc6: {  	(erf) = vpow2.f32 v6;
	v5 =	vmul.f32 $4.000000000e+00, v5  }
0xc7: {  	v11 =	vld [tilespmem:s26+$0x3300];
	(erf) = vpow2.f32 v7;
	v7 =	vadd.f32 $1.000000000e+00, v10  }
0xc8: {  	v6 =	vmul.f32 $1.442695020e+00, v8;
	v10 =	vadd.f32 $1.000000000e+00, v13;
	v8 =	vpop (erf);
	v5 =	vsub.f32 $2.000000000e+00, v5  }
0xc9: {  	(erf) = vpow2.f32 v4;
	v4 =	vpop (erf)  }
0xca: {  	s30 =	sor.u32 s20, s2;
	v12 =	vshll.u32 v14, $0x10;
	v13 =	vpop (erf);
	(erf) = vpow2.f32 v6;
	v4 =	vmul.f32 v5, v4  }
0xcb: {  	v15 =	vld [tilespmem:s30+$0x3300];
	v6 =	vadd.f32 $1.000000000e+00, v9;
	v5 =	vmul.f32 v12, v13;
	v9 =	vpop (erf);
	(erf) = vrcp.f32 v10  }
0xcc: {  	v8 =	vadd.f32 $1.000000000e+00, v8;
	v12 =	vld [tilespmem:s30+$0x300];
	v13 =	vshll.u32 v11, $0x10;
	v10 =	vpop (erf);
	(erf) = vrcp.f32 v7  }
0xcd: {  	v7 =	vadd.f32 $1.000000000e+00, v9;
	v4 =	vadd.f32 v5, v4;
	v5 =	vmul.f32 v13, v10;
	v9 =	vpop (erf)  }
0xce: {  	s31 =	sor.u32 s25, s2;
	(erf) = vrcp.f32 v6;
	v6 =	vadd.f32 $1.000000000e+00, v9  }
0xcf: {  	v9 =	vpop (erf);
	(erf) = vrcp.f32 v8;
	v4 =	vadd.f32 v5, v4;
	v5 =	vld [tilespmem:s31+$0x300]  }
0xd0: {  	v16 =	vshll.u32 v15, $0x10;
	v8 =	vadd.f32 $1.000000000e+00, v9;
	v9 =	vpop (erf);
	(erf) = vrcp.f32 v7;
	v7 =	vld [tilespmem:s31+$0x3300]  }
0xd1: {  	v10 =	vpop (erf);
	(erf) = vrcp.f32 v6;
	v13 =	vshll.u32 v12, $0x10;
	v4 =	vmul.f32 $1.442695020e+00, v4  }
0xd2: {  	v9 =	vadd.f32 $1.000000000e+00, v9;
	v13 =	vadd.f32 v16, v13;
	v6 =	vpop (erf);
	(erf) = vrcp.f32 v8  }
0xd3: {  	v8 =	vadd.f32 $1.000000000e+00, v10;
	v10 =	vpop (erf);
	(erf) = vpow2.f32 v4;
	v4 =	vadd.f32 $1.000000000e+00, v6  }
0xd4: {  	v13 =	vmul.f32 $1.442695020e+00, v13;
	v6 =	vpop (erf);
	(erf) = vrcp.f32 v9  }
0xd5: {  	v16 =	vshll.u32 v5, $0x10;
	v17 =	vpop (erf);
	(erf) = vrcp.f32 v8;
	v8 =	vshll.u32 v7, $0x10  }
0xd6: {  	v8 =	vadd.f32 v8, v16  }
0xd7: {  	v10 =	vadd.f32 $1.000000000e+00, v10;
	(erf) = vrcp.f32 v4;
	v4 =	vpop (erf)  }
0xd8: {  	s2 =	sor.u32 s25, s19;
	v5 =	vadd.f32 v7, v5;
	(erf) = vpow2.f32 v13;
	v13 =	vpop (erf);
	v7 =	vmul.f32 $1.442695020e+00, v8  }
0xd9: {  	v9 =	vld [tilespmem:s2+$0x300];
	v6 =	vadd.f32 $1.000000000e+00, v6;
	v18 =	vpop (erf);
	(erf) = vrcp.f32 v10;
	v10 =	vmul.f32 $4.000000000e+00, v17  }
0xda: {  	v16 =	vld [tilespmem:s2+$0x3300];
	v5 =	vmul.f32 $1.442695020e+00, v5;
	v8 =	vpop (erf)  }
0xdb: {  	v12 =	vadd.f32 v15, v12;
	(erf) = vrcp.f32 v6;
	v17 =	vpop (erf);
	v10 =	vsub.f32 $2.000000000e+00, v10  }
0xdc: {  	v4 =	vmul.f32 $4.000000000e+00, v4;
	(erf) = vpow2.f32 v7;
	v7 =	vpop (erf)  }
0xdd: {  	v13 =	vmul.f32 $4.000000000e+00, v13;
	v15 =	vpop (erf);
	v8 =	vmul.f32 v10, v8  }
0xde: {  	s3 =	simm.s32 $0x0;
	v6 =	vshll.u32 v9, $0x10;
	v4 =	vsub.f32 $2.000000000e+00, v4;
	(erf) = vpow2.f32 v5;
	v5 =	vpop (erf)  }
0xdf: {  	s5 =	simm.s32 $0x40;
	s0 =	smul.u32 $0xC00, s3;
	v19 =	vshll.u32 v16, $0x10;
	v6 =	vmul.f32 v6, v18;
	v10 =	vmul.f32 $1.442695020e+00, v12;
	v12 =	vpop (erf)  }
0xe0: {  	s1 =	sand.u32 $0x380, s5;
	s8 =	simm.s32 $0x20;
	v13 =	vsub.f32 $2.000000000e+00, v13;
	v9 =	vmul.f32 v9, v17;
	v7 =	vmul.f32 v14, v7;
	v14 =	vpop (erf)  }
0xe1: {  	s29 =	sand.u32 $0x20, s8;
	s1 =	sor.u32 s0, s1;
	v6 =	vadd.f32 v6, v8;
	v4 =	vmul.f32 v4, v5;
	v5 =	vmul.f32 v19, v14;
	v8 =	vpop (erf)  }
0xe2: {  	s0 =	sadd.s32 $0x400, s1;
	s31 =	sor.u32 $0x50, s29;
	(erf) = vpow2.f32 v10;
	v10 =	vmul.f32 v13, v12;
	v12 =	vpop (erf)  }
0xe3: {  	s30 =	sor.u32 $0x10, s29;
	s12 =	sor.u32 s31, s0;
	v5 =	vadd.f32 v5, v6;
	v6 =	vmul.f32 v16, v12  }
0xe4: {  	s9 =	sor.u32 s30, s0;
	v13 =	vld [tilespmem:s12+$0x3300];
	v14 =	vadd.f32 $1.000000000e+00, v15;
	v4 =	vadd.f32 v9, v4  }
0xe5: {  	v8 =	vadd.f32 $1.000000000e+00, v8;
	v7 =	vadd.f32 v7, v10;
	v10 =	vld [tilespmem:s9+$0x3300];
	v9 =	vpop (erf)  }
0xe6: {  	s10 =	sor.u32 s30, s1;
	v12 =	vld [tilespmem:s9+$0x300];
	v9 =	vmul.f32 v11, v9  }
0xe7: {  	(erf) = vrcp.f32 v14;
	v11 =	vld [tilespmem:s10+$0x300];
	v5 =	vmul.f32 $1.442695020e+00, v5;
	v4 =	vadd.f32 v6, v4;
	v6 =	vpop (erf)  }
0xe8: {  	s8 =	sadd.s32 $0x800, s1;
	(erf) = vrcp.f32 v8;
	v7 =	vadd.f32 v9, v7;
	v9 =	vld [tilespmem:s10+$0x3300];
	v6 =	vadd.f32 $1.000000000e+00, v6  }
0xe9: {  	s18 =	sor.u32 s30, s8;
	v4 =	vmul.f32 $1.442695020e+00, v4;
	(erf) = vpow2.f32 v5;
	v5 =	vld [tilespmem:s12+$0x300];
	v8 =	vpop (erf)  }
0xea: {  	v15 =	vld [tilespmem:s18+$0x3300];
	v7 =	vmul.f32 $1.442695020e+00, v7;
	v8 =	vadd.f32 $1.000000000e+00, v8;
	(erf) = vrcp.f32 v6  }
0xeb: {  	v14 =	vld [tilespmem:s18+$0x300];
	v6 =	vshll.u32 v10, $0x10;
	(erf) = vpow2.f32 v4;
	v4 =	vshll.u32 v12, $0x10  }
0xec: {  	s19 =	sor.u32 s29, s0;
	v16 =	vshll.u32 v13, $0x10;
	(erf) = vpow2.f32 v7;
	v4 =	vadd.f32 v6, v4  }
0xed: {  	v17 =	vld [tilespmem:s19+$0x3300];
	v6 =	vshll.u32 v11, $0x10;
	v7 =	vshll.u32 v9, $0x10;
	(erf) = vrcp.f32 v8  }
0xee: {  	v8 =	vld [tilespmem:s19+$0x300];
	v6 =	vadd.f32 v7, v6;
	v7 =	vshll.u32 v5, $0x10;
	v4 =	vmul.f32 $1.442695020e+00, v4  }
0xef: {  	s2 =	sor.u32 $0x40, s29;
	v18 =	vshll.u32 v15, $0x10;
	v7 =	vadd.f32 v16, v7  }
0xf0: {  	s0 =	sor.u32 s2, s0;
	v6 =	vmul.f32 $1.442695020e+00, v6;
	(erf) = vpow2.f32 v4;
	v4 =	vshll.u32 v14, $0x10  }
0xf1: {  	v22 =	vld [tilespmem:s0+$0x3300];
	v16 =	vpop (erf);
	v4 =	vadd.f32 v18, v4  }
0xf2: {  	s21 =	sor.u32 s29, s1;
	v21 =	vld [tilespmem:s0+$0x300];
	v24 =	vshll.u32 v17, $0x10;
	v19 =	vpop (erf);
	v18 =	vmul.f32 $1.442695020e+00, v7;
	(erf) = vpow2.f32 v6  }
0xf3: {  	v10 =	vadd.f32 v10, v12;
	v12 =	vld [tilespmem:s21+$0x3300];
	v20 =	vpop (erf);
	v17 =	vadd.f32 v17, v8;
	v6 =	vmul.f32 $1.442695020e+00, v4  }
0xf4: {  	v7 =	vpop (erf);
	v23 =	vshll.u32 v8, $0x10;
	(erf) = vpow2.f32 v18  }
0xf5: {  	v9 =	vadd.f32 v9, v11;
	v18 =	vld [tilespmem:s21+$0x300];
	v23 =	vadd.f32 v24, v23;
	v11 =	vmul.f32 $1.442695020e+00, v17;
	v4 =	vpop (erf)  }
0xf6: {  	v24 =	vshll.u32 v22, $0x10;
	v8 =	vpop (erf)  }
0xf7: {  	(erf) = vpow2.f32 v6;
	v17 =	vmul.f32 $1.442695020e+00, v23;
	v23 =	vshll.u32 v21, $0x10;
	v6 =	vpop (erf)  }
0xf8: {  	v13 =	vadd.f32 v13, v5;
	v23 =	vadd.f32 v24, v23;
	v24 =	vshll.u32 v12, $0x10;
	v5 =	vpop (erf)  }
0xf9: {  	s22 =	sor.u32 s29, s8;
	v10 =	vmul.f32 $1.442695020e+00, v10;
	(erf) = vpow2.f32 v11;
	v11 =	vpop (erf)  }
0xfa: {  	v25 =	vld [tilespmem:s22+$0x300];
	(erf) = vpow2.f32 v17;
	v17 =	vshll.u32 v18, $0x10;
	v11 =	vadd.f32 $1.000000000e+00, v11  }
0xfb: {  	(erf) = vpow2.f32 v10;
	v10 =	vld [tilespmem:s22+$0x3300];
	v23 =	vmul.f32 $1.442695020e+00, v23;
	v17 =	vadd.f32 v24, v17;
	v24 =	vpop (erf)  }
0xfc: {  	(erf) = vrcp.f32 v11;
	v11 =	vadd.f32 v22, v21;
	v21 =	vadd.f32 $1.000000000e+00, v24  }
0xfd: {  	v22 =	vpop (erf)  }
0xfe: {  	v12 =	vadd.f32 v12, v18;
	v18 =	vadd.f32 $1.000000000e+00, v22;
	(erf) = vpow2.f32 v23  }
0xff: {  	v17 =	vmul.f32 $1.442695020e+00, v17;
	(erf) = vrcp.f32 v21  }
0x100: {  	v22 =	vshll.u32 v25, $0x10;
	(erf) = vrcp.f32 v18;
	v18 =	vshll.u32 v10, $0x10;
	v21 =	vpop (erf)  }
0x101: {  	(erf) = vpow2.f32 v17;
	v17 =	vadd.f32 v18, v22;
	v21 =	vadd.f32 $1.000000000e+00, v21  }
0x102: {  	s23 =	sor.u32 s31, s8;
	v12 =	vmul.f32 $1.442695020e+00, v12;
	v11 =	vmul.f32 $1.442695020e+00, v11  }
0x103: {  	v13 =	vmul.f32 $1.442695020e+00, v13;
	v23 =	vld [tilespmem:s23+$0x300];
	v18 =	vpop (erf);
	(erf) = vrcp.f32 v21  }
0x104: {  	v10 =	vadd.f32 v10, v25;
	v21 =	vmul.f32 $1.442695020e+00, v9;
	v22 =	vpop (erf);
	(erf) = vpow2.f32 v11  }
0x105: {  	v9 =	vadd.f32 $1.000000000e+00, v16;
	v11 =	vmul.f32 $1.442695020e+00, v17;
	v17 =	vpop (erf);
	(erf) = vpow2.f32 v13  }
0x106: {  	v13 =	vadd.f32 v15, v14;
	v14 =	vmul.f32 $1.442695020e+00, v10;
	(erf) = vpow2.f32 v12;
	v12 =	vpop (erf)  }
0x107: {  	v10 =	vld [tilespmem:s23+$0x3300];
	v15 =	vadd.f32 v19, v19;
	v12 =	vmul.f32 $4.000000000e+00, v12;
	(erf) = vpow2.f32 v21  }
0x108: {  	v19 =	vshll.u32 v23, $0x10;
	v16 =	vpop (erf);
	(erf) = vpow2.f32 v11;
	v11 =	vadd.f32 $1.000000000e+00, v18  }
0x109: {  	v13 =	vmul.f32 $1.442695020e+00, v13;
	v18 =	vadd.f32 $1.000000000e+00, v22;
	v12 =	vsub.f32 $2.000000000e+00, v12  }
0x10a: {  	v17 =	vadd.f32 $1.000000000e+00, v17;
	(erf) = vpow2.f32 v14;
	v14 =	vpop (erf)  }
0x10b: {  	v16 =	vadd.f32 $1.000000000e+00, v16;
	v21 =	vpop (erf);
	(erf) = vpow2.f32 v13;
	v12 =	vmul.f32 v12, v14  }
0x10c: {  	s26 =	sor.u32 s31, s1;
	v22 =	vshll.u32 v10, $0x10;
	v14 =	vmul.f32 v19, v21;
	v19 =	vpop (erf);
	(erf) = vrcp.f32 v18  }
0x10d: {  	v24 =	vld [tilespmem:s26+$0x300];
	v18 =	vpop (erf);
	(erf) = vrcp.f32 v11;
	v11 =	vadd.f32 $-1.000000000e+00, v15;
	v15 =	vadd.f32 $1.000000000e+00, v19  }
0x10e: {  	s1 =	sor.u32 s2, s1;
	v12 =	vadd.f32 v14, v12;
	v14 =	vmul.f32 v22, v18;
	v18 =	vld [tilespmem:s26+$0x3300];
	v19 =	vpop (erf);
	(erf) = vrcp.f32 v17  }
0x10f: {  	v17 =	vld [tilespmem:s1+$0x300];
	v19 =	vadd.f32 $1.000000000e+00, v19;
	v22 =	vpop (erf);
	(erf) = vrcp.f32 v16;
	v11 =	vmul.f32 v11, v20  }
0x110: {  	v12 =	vadd.f32 v14, v12;
	v14 =	vld [tilespmem:s1+$0x3300];
	v16 =	vadd.f32 $1.000000000e+00, v22;
	v20 =	vpop (erf);
	(erf) = vrcp.f32 v15  }
0x111: {  	v22 =	vpop (erf);
	(erf) = vrcp.f32 v19  }
0x112: {  	v20 =	vadd.f32 $1.000000000e+00, v20;
	v12 =	vmul.f32 $1.442695020e+00, v12;
	v25 =	vpop (erf);
	(erf) = vrcp.f32 v16  }
0x113: {  	v16 =	vshll.u32 v24, $0x10;
	v22 =	vadd.f32 $1.000000000e+00, v22;
	v26 =	vshll.u32 v18, $0x10  }
0x114: {  	v25 =	vadd.f32 $1.000000000e+00, v25;
	v16 =	vadd.f32 v26, v16  }
0x115: {  	v27 =	vpop (erf);
	(erf) = vpow2.f32 v12;
	v12 =	vshll.u32 v17, $0x10;
	v28 =	vshll.u32 v14, $0x10  }
0x116: {  	v14 =	vadd.f32 v14, v17;
	v26 =	vpop (erf);
	(erf) = vrcp.f32 v20;
	v16 =	vmul.f32 $1.442695020e+00, v16  }
0x117: {  	v17 =	vadd.f32 $1.000000000e+00, v27;
	v12 =	vadd.f32 v28, v12;
	v20 =	vpop (erf);
	(erf) = vrcp.f32 v22  }
0x118: {  	s24 =	sor.u32 s2, s8;
	v22 =	vpop (erf);
	(erf) = vrcp.f32 v25  }
0x119: {  	v13 =	vld [tilespmem:s24+$0x300];
	v18 =	vadd.f32 v18, v24;
	v12 =	vmul.f32 $1.442695020e+00, v12;
	v25 =	vpop (erf)  }
0x11a: {  	v26 =	vadd.f32 $1.000000000e+00, v26;
	v14 =	vmul.f32 $1.442695020e+00, v14;
	(erf) = vpow2.f32 v16;
	v16 =	vpop (erf)  }
0x11b: {  	v21 =	vld [tilespmem:s24+$0x3300];
	v18 =	vmul.f32 $1.442695020e+00, v18;
	(erf) = vrcp.f32 v17;
	v17 =	vpop (erf)  }
0x11c: {  	v7 =	vadd.f32 $1.000000000e+00, v7;
	v20 =	vmul.f32 $4.000000000e+00, v20;
	(erf) = vrcp.f32 v26;
	v24 =	vpop (erf)  }
0x11d: {  	v8 =	vadd.f32 $1.000000000e+00, v8;
	v22 =	vmul.f32 $4.000000000e+00, v22;
	(erf) = vpow2.f32 v12;
	v12 =	vpop (erf)  }
0x11e: {  	v15 =	vshll.u32 v13, $0x10;
	v20 =	vsub.f32 $2.000000000e+00, v20;
	(erf) = vpow2.f32 v14;
	v14 =	vpop (erf)  }
0x11f: {  	v15 =	vmul.f32 v15, v16;
	v16 =	vsub.f32 $2.000000000e+00, v22;
	(erf) = vpow2.f32 v18;
	v18 =	vpop (erf)  }
0x120: {  	v19 =	vshll.u32 v21, $0x10;
	(erf) = vrcp.f32 v7;
	v7 =	vmul.f32 v20, v17;
	v17 =	vpop (erf)  }
0x121: {  	v25 =	vmul.f32 $4.000000000e+00, v25;
	v14 =	vadd.f32 $1.000000000e+00, v14;
	v16 =	vmul.f32 v16, v18;
	v18 =	vpop (erf)  }
0x122: {  	s3 =	simm.s32 $0x0;
	v7 =	vadd.f32 v15, v7;
	v15 =	vmul.f32 v19, v18  }
0x123: {  	s5 =	simm.s32 $0x80;
	s0 =	smul.u32 $0xC00, s3;
	(erf) = vrcp.f32 v14;
	v14 =	vsub.f32 $2.000000000e+00, v25  }
0x124: {  	s28 =	simm.s32 $0x40;
	v6 =	vadd.f32 $1.000000000e+00, v6;
	s1 =	sand.u32 $0x380, s5;
	v13 =	vmul.f32 v13, v24;
	v12 =	vmul.f32 v23, v12;
	v18 =	vpop (erf)  }
0x125: {  	s18 =	sand.u32 $0x20, s28;
	s1 =	sor.u32 s0, s1;
	(erf) = vrcp.f32 v8;
	v14 =	vmul.f32 v14, v17;
	v8 =	vpop (erf)  }
0x126: {  	s24 =	sor.u32 $0x10, s18;
	s0 =	sadd.s32 $0x400, s1;
	v13 =	vadd.f32 v13, v16;
	(erf) = vrcp.f32 v6;
	v7 =	vadd.f32 v15, v7;
	v15 =	vpop (erf)  }
0x127: {  	s8 =	sor.u32 s24, s0;
	v8 =	vmul.f32 v21, v8;
	v6 =	vmul.f32 v10, v15  }
0x128: {  	v16 =	vadd.f32 $1.000000000e+00, v18;
	(erf) = vrcp.f32 v9;
	v9 =	vld [tilespmem:s8+$0x3300]  }
0x129: {  	s5 =	sor.u32 s24, s1;
	v12 =	vadd.f32 v12, v14;
	v7 =	vmul.f32 $1.442695020e+00, v7;
	v8 =	vadd.f32 v8, v13;
	v10 =	vld [tilespmem:s8+$0x300];
	v14 =	vpop (erf)  }
0x12a: {  	s23 =	sor.u32 $0x50, s18;
	(erf) = vrcp.f32 v16;
	v15 =	vld [tilespmem:s5+$0x300];
	v13 =	vpop (erf);
	v14 =	vadd.f32 $1.000000000e+00, v14  }
0x12b: {  	s9 =	sor.u32 s23, s0;
	v8 =	vmul.f32 $1.442695020e+00, v8;
	(erf) = vpow2.f32 v7;
	v7 =	vld [tilespmem:s5+$0x3300];
	v12 =	vadd.f32 v6, v12;
	v6 =	vpop (erf)  }
0x12c: {  	s10 =	sadd.s32 $0x800, s1;
	v13 =	vadd.f32 $1.000000000e+00, v13;
	(erf) = vrcp.f32 v14;
	v14 =	vld [tilespmem:s9+$0x300];
	v16 =	vpop (erf)  }
0x12d: {  	s12 =	sor.u32 s24, s10;
	v19 =	vshll.u32 v9, $0x10;
	v12 =	vmul.f32 $1.442695020e+00, v12;
	(erf) = vpow2.f32 v8;
	v8 =	vld [tilespmem:s9+$0x3300];
	v18 =	vpop (erf)  }
0x12e: {  	v22 =	vld [tilespmem:s12+$0x300];
	v17 =	vadd.f32 v16, v16;
	v16 =	vadd.f32 v18, v18;
	v18 =	vshll.u32 v10, $0x10  }
0x12f: {  	v9 =	vadd.f32 v9, v10;
	(erf) = vpow2.f32 v12;
	v12 =	vld [tilespmem:s12+$0x3300];
	v10 =	vadd.f32 v19, v18  }
0x130: {  	v18 =	vshll.u32 v15, $0x10;
	v15 =	vadd.f32 v7, v15;
	v7 =	vshll.u32 v7, $0x10  }
0x131: {  	s19 =	sor.u32 s18, s0;
	(erf) = vrcp.f32 v13;
	v23 =	vmul.f32 $1.442695020e+00, v9;
	v7 =	vadd.f32 v7, v18  }
0x132: {  	v13 =	vld [tilespmem:s19+$0x300];
	v18 =	vshll.u32 v14, $0x10;
	v20 =	vshll.u32 v8, $0x10;
	v9 =	vmul.f32 $1.442695020e+00, v10  }
0x133: {  	v19 =	vld [tilespmem:s19+$0x3300];
	v14 =	vadd.f32 v8, v14;
	v8 =	vshll.u32 v22, $0x10;
	v18 =	vadd.f32 v20, v18  }
0x134: {  	v24 =	vpop (erf);
	v20 =	vmul.f32 $1.442695020e+00, v7;
	(erf) = vpow2.f32 v9;
	v9 =	vshll.u32 v12, $0x10  }
0x135: {  	s26 =	sor.u32 $0x40, s18;
	s21 =	sor.u32 s18, s1;
	v25 =	vpop (erf);
	v8 =	vadd.f32 v9, v8;
	v9 =	vmul.f32 $1.442695020e+00, v18  }
0x136: {  	s0 =	sor.u32 s26, s0;
	v26 =	vld [tilespmem:s21+$0x300];
	v7 =	vpop (erf);
	(erf) = vpow2.f32 v20  }
0x137: {  	v21 =	vld [tilespmem:s0+$0x3300];
	v61 =	vshll.u32 v13, $0x10;
	v18 =	vpop (erf)  }
0x138: {  	v27 =	vld [tilespmem:s21+$0x3300];
	v29 =	vshll.u32 v19, $0x10;
	v13 =	vadd.f32 v19, v13;
	v19 =	vpop (erf);
	v8 =	vmul.f32 $1.442695020e+00, v8  }
0x139: {  	v10 =	vld [tilespmem:s0+$0x300];
	v20 =	vadd.f32 v29, v61;
	(erf) = vpow2.f32 v9;
	v9 =	vpop (erf)  }
0x13a: {  	v13 =	vmul.f32 $1.442695020e+00, v13;
	v32 =	vpop (erf)  }
0x13b: {  	s22 =	sor.u32 s18, s10;
	v16 =	vadd.f32 $-1.000000000e+00, v16;
	v34 =	vmul.f32 $1.442695020e+00, v20;
	(erf) = vpow2.f32 v8;
	v35 =	vpop (erf)  }
0x13c: {  	v30 =	vld [tilespmem:s22+$0x300];
	v33 =	vshll.u32 v26, $0x10;
	v31 =	vshll.u32 v21, $0x10;
	v8 =	vpop (erf)  }
0x13d: {  	v62 =	vld [tilespmem:s22+$0x3300];
	v20 =	vmul.f32 v16, v18;
	v16 =	vadd.f32 v27, v26;
	(erf) = vpow2.f32 v13;
	v26 =	vpop (erf)  }
0x13e: {  	v63 =	vshll.u32 v10, $0x10;
	(erf) = vpow2.f32 v34;
	v26 =	vadd.f32 $1.000000000e+00, v26  }
0x13f: {  	v36 =	vshll.u32 v27, $0x10;
	v29 =	vadd.f32 v31, v63;
	(erf) = vpow2.f32 v23;
	v34 =	vpop (erf)  }
0x140: {  	(erf) = vrcp.f32 v26;
	v26 =	vadd.f32 $1.000000000e+00, v34  }
0x141: {  	s5 =	sor.u32 s26, s1;
	v13 =	vadd.f32 v36, v33;
	v27 =	vmul.f32 $1.442695020e+00, v29  }
0x142: {  	v28 =	vadd.f32 v62, v30;
	v37 =	vld [tilespmem:s5+$0x300];
	v36 =	vpop (erf)  }
0x143: {  	v13 =	vmul.f32 $1.442695020e+00, v13;
	v29 =	vadd.f32 $1.000000000e+00, v36;
	(erf) = vpow2.f32 v27  }
0x144: {  	v10 =	vadd.f32 v21, v10;
	v18 =	vshll.u32 v30, $0x10;
	(erf) = vrcp.f32 v26;
	v26 =	vpop (erf)  }
0x145: {  	v23 =	vshll.u32 v62, $0x10;
	(erf) = vrcp.f32 v29;
	v26 =	vadd.f32 $1.000000000e+00, v26  }
0x146: {  	v18 =	vadd.f32 v23, v18;
	v23 =	vmul.f32 $1.442695020e+00, v10;
	v27 =	vld [tilespmem:s5+$0x3300];
	v38 =	vpop (erf);
	(erf) = vpow2.f32 v13  }
0x147: {  	v41 =	vshll.u32 v37, $0x10;
	v14 =	vmul.f32 $1.442695020e+00, v14;
	v13 =	vpop (erf);
	(erf) = vrcp.f32 v26  }
0x148: {  	v16 =	vmul.f32 $1.442695020e+00, v16;
	v26 =	vadd.f32 $1.000000000e+00, v13;
	v13 =	vpop (erf);
	(erf) = vpow2.f32 v23  }
0x149: {  	s9 =	sor.u32 s23, s10;
	v15 =	vmul.f32 $1.442695020e+00, v15;
	v12 =	vadd.f32 v12, v22;
	(erf) = vpow2.f32 v14;
	v43 =	vpop (erf)  }
0x14a: {  	v42 =	vld [tilespmem:s9+$0x300];
	(erf) = vpow2.f32 v16;
	v16 =	vadd.f32 $1.000000000e+00, v19;
	v19 =	vmul.f32 $4.000000000e+00, v43  }
0x14b: {  	v18 =	vmul.f32 $1.442695020e+00, v18;
	v23 =	vadd.f32 $1.000000000e+00, v13;
	v13 =	vshll.u32 v27, $0x10  }
0x14c: {  	v28 =	vmul.f32 $1.442695020e+00, v28;
	v14 =	vadd.f32 v13, v41;
	v13 =	vld [tilespmem:s9+$0x3300];
	(erf) = vpow2.f32 v15  }
0x14d: {  	v40 =	vmul.f32 $1.442695020e+00, v12;
	v45 =	vpop (erf);
	(erf) = vpow2.f32 v18  }
0x14e: {  	v18 =	vsub.f32 $2.000000000e+00, v19;
	(erf) = vpow2.f32 v28;
	v19 =	vpop (erf)  }
0x14f: {  	v46 =	vshll.u32 v42, $0x10;
	(erf) = vpow2.f32 v40;
	v47 =	vpop (erf)  }
0x150: {  	s3 =	sor.u32 s26, s10;
	s10 =	sor.u32 s23, s1;
	v6 =	vadd.f32 $1.000000000e+00, v6;
	v18 =	vmul.f32 v18, v19;
	v19 =	vmul.f32 v46, v47;
	v49 =	vpop (erf)  }
0x151: {  	v50 =	vld [tilespmem:s10+$0x300];
	v39 =	vadd.f32 $1.000000000e+00, v38;
	v51 =	vshll.u32 v13, $0x10;
	(erf) = vrcp.f32 v26;
	v26 =	vpop (erf)  }
0x152: {  	v52 =	vld [tilespmem:s10+$0x3300];
	v24 =	vadd.f32 v24, v24;
	v18 =	vadd.f32 v19, v18;
	v19 =	vmul.f32 v51, v26  }
0x153: {  	v17 =	vadd.f32 $-1.000000000e+00, v17;
	v48 =	vadd.f32 $1.000000000e+00, v45;
	(erf) = vrcp.f32 v39  }
0x154: {  	v25 =	vadd.f32 v25, v25;
	v21 =	vld [tilespmem:s3+$0x300];
	v28 =	vadd.f32 $1.000000000e+00, v49;
	(erf) = vrcp.f32 v23;
	v26 =	vpop (erf)  }
0x155: {  	(erf) = vrcp.f32 v48;
	v26 =	vadd.f32 $1.000000000e+00, v26;
	v23 =	vpop (erf);
	v18 =	vadd.f32 v19, v18  }
0x156: {  	v54 =	vshll.u32 v50, $0x10;
	v10 =	vld [tilespmem:s3+$0x3300];
	v23 =	vadd.f32 $1.000000000e+00, v23;
	v19 =	vpop (erf);
	(erf) = vrcp.f32 v28  }
0x157: {  	v55 =	vshll.u32 v52, $0x10;
	v18 =	vmul.f32 $1.442695020e+00, v18;
	v53 =	vpop (erf);
	(erf) = vrcp.f32 v26  }
0x158: {  	v29 =	vadd.f32 v55, v54;
	v19 =	vadd.f32 $1.000000000e+00, v19;
	(erf) = vrcp.f32 v23  }
0x159: {  	v22 =	vshll.u32 v21, $0x10;
	v27 =	vadd.f32 v27, v37;
	v26 =	vpop (erf);
	(erf) = vpow2.f32 v18  }
0x15a: {  	v23 =	vadd.f32 $1.000000000e+00, v53;
	v56 =	vpop (erf);
	(erf) = vrcp.f32 v19;
	v19 =	vmul.f32 $1.442695020e+00, v29  }
0x15b: {  	v12 =	vshll.u32 v10, $0x10;
	v27 =	vmul.f32 $1.442695020e+00, v27;
	v18 =	vadd.f32 $1.000000000e+00, v26;
	v26 =	vpop (erf)  }
0x15c: {  	v15 =	vadd.f32 $1.000000000e+00, v32;
	v28 =	vadd.f32 $1.000000000e+00, v56;
	v57 =	vpop (erf);
	(erf) = vrcp.f32 v23  }
0x15d: {  	v26 =	vadd.f32 $1.000000000e+00, v26;
	v29 =	vmul.f32 $4.000000000e+00, v57;
	(erf) = vrcp.f32 v18;
	v58 =	vpop (erf)  }
0x15e: {  	s12 =	sadd.s32 $0x0, s7;
	s19 =	sadd.s32 $0x0, s7;
	v23 =	vadd.f32 v52, v50;
	v18 =	vadd.f32 $-1.000000000e+00, v24;
	(erf) = vpow2.f32 v19;
	v19 =	vpop (erf)  }
0x15f: {  	s1 =	sshll.u32 s19, $0x7;
	s0 =	sshll.u32 s12, $0x7;
	v24 =	vmul.f32 $4.000000000e+00, v58;
	v29 =	vsub.f32 $2.000000000e+00, v29;
	(erf) = vrcp.f32 v28;
	v60 =	vpop (erf)  }
0x160: {  	s1 =	sand.u32 $0x3FFFFF80, s1;
	s0 =	sand.u32 $0x3FFFFF80, s0;
	v59 =	vmul.f32 $4.000000000e+00, v19;
	v19 =	vadd.f32 $-1.000000000e+00, v25;
	v25 =	vmul.f32 v22, v60  }
0x161: {  	s22 =	sadd.s32 $0x6300, s1;
	s1 =	simm.s32 $0x4;
	s0 =	sadd.s32 $0x6300, s0;
	v44 =	vmul.f32 $1.442695020e+00, v14;
	v14 =	vadd.f32 $1.000000000e+00, v35;
	(erf) = vrcp.f32 v26;
	v61 =	vpop (erf)  }
0x162: {  	s29 =	sor.u32 s29, s22;
	s30 =	sor.u32 s30, s22;
	s21 =	sor.u32 s11, s0;
	v22 =	vsub.f32 $2.000000000e+00, v24;
	v24 =	vmul.f32 $1.442695020e+00, v23;
	v26 =	vmul.f32 v29, v61;
	v62 =	vpop (erf)  }
0x163: {  	s8 =	sor.u32 s16, s0;
	s16 =	sor.u32 s25, s0;
	s11 =	sor.u32 s20, s0;
	[tilespmem:s21+$0x0] =	vst v11;
	(erf) = vpow2.f32 v44;
	v23 =	vsub.f32 $2.000000000e+00, v59;
	v21 =	vmul.f32 v21, v62;
	v63 =	vpop (erf)  }
0x164: {  	s25 =	sor.u32 s2, s22;
	s20 =	sor.u32 s31, s22;
	s2 =	simm.s32 $0x4;
	[tilespmem:s30+$0x0] =	vst v20;
	(erf) = vpow2.f32 v27;
	v11 =	vadd.f32 v25, v26;
	v20 =	vmul.f32 v42, v63;
	v25 =	vpop (erf)  }
.LBB2_10:
0x165: {  	s1 =	sadd.s32 $0x2, s1;
	v25 =	vadd.f32 $1.000000000e+00, v25;
	v26 =	vpop (erf);
	(erf) = vpow2.f32 v24;
	v27 =	vmul.f32 v17, v4  }
0x166: {  	v4 =	vmov v9;
	s0 =	sshrl.u32 s1, $0x5;
	p2 =	slt.u32 s1, $0x3E;
	v22 =	vmul.f32 v22, v26;
	v24 =	vpop (erf);
	(erf) = vrcp.f32 v16  }
0x167: {  	s3 =	sshll.u32 s1, $0x5;
	s0 =	smul.u32 $0xC00, s0;
	v9 =	vmul.f32 v23, v24;
	v16 =	vpop (erf);
	(erf) = vrcp.f32 v25;
	[tilespmem:s8+$0x0] =	vst v27;
	s8 =	smov.u32 s29  }
0x168: {  	s28 =	sadd.s32 $0x20, s28;
	s3 =	sand.u32 $0x380, s3;
	v23 =	vmul.f32 v12, v16;
	v16 =	vadd.f32 v21, v22;
	v17 =	vpop (erf);
	(erf) = vrcp.f32 v15  }
0x169: {  	s21 =	sand.u32 $0x20, s28;
	s30 =	sor.u32 s0, s3;
	v15 =	vadd.f32 $1.000000000e+00, v17;
	v9 =	vadd.f32 v20, v9;
	v17 =	vpop (erf);
	(erf) = vrcp.f32 v14  }
0x16a: {  	s5 =	sor.u32 $0x40, s21;
	s0 =	sor.u32 $0x10, s21;
	s9 =	sadd.s32 $0x400, s30;
	v11 =	vadd.f32 v23, v11;
	v10 =	vmul.f32 v10, v17;
	v12 =	vpop (erf);
	(erf) = vrcp.f32 v6  }
0x16b: {  	s29 =	sor.u32 s21, s9;
	s12 =	sor.u32 s5, s9;
	s3 =	sor.u32 s0, s9;
	v17 =	vmul.f32 v13, v12;
	(erf) = vrcp.f32 v15  }
0x16c: {  	v18 =	vmul.f32 v18, v5;
	s10 =	sor.u32 s21, s30;
	s22 =	sor.u32 s5, s30;
	v12 =	vld [tilespmem:s3+$0x300];
	v11 =	vmul.f32 $1.442695020e+00, v11;
	v10 =	vadd.f32 v10, v16;
	v13 =	vpop (erf)  }
0x16d: {  	s19 =	sor.u32 s0, s30;
	v14 =	vld [tilespmem:s3+$0x3300];
	v13 =	vadd.f32 $1.000000000e+00, v13;
	v9 =	vadd.f32 v17, v9;
	v6 =	vpop (erf);
	v17 =	vmul.f32 v19, v7  }
0x16e: {  	s3 =	sor.u32 $0x50, s21;
	v15 =	vld [tilespmem:s19+$0x300];
	v16 =	vadd.f32 $1.000000000e+00, v6;
	v10 =	vmul.f32 $1.442695020e+00, v10;
	(erf) = vpow2.f32 v11;
	v6 =	vpop (erf);
	[tilespmem:s16+$0x0] =	vst v18;
	s16 =	smov.u32 s25  }
0x16f: {  	s9 =	sor.u32 s3, s9;
	v19 =	vld [tilespmem:s19+$0x3300];
	v6 =	vadd.f32 $1.000000000e+00, v6;
	v9 =	vmul.f32 $1.442695020e+00, v9;
	(erf) = vrcp.f32 v13;
	v5 =	vpop (erf);
	[tilespmem:s11+$0x0] =	vst v17;
	s11 =	smov.u32 s20  }
0x170: {  	s31 =	sadd.s32 $0x800, s30;
	v13 =	vld [tilespmem:s9+$0x300];
	(erf) = vpow2.f32 v10;
	v7 =	vpop (erf);
	v11 =	vadd.f32 v5, v5;
	v5 =	vmov v8  }
0x171: {  	s2 =	sshrl.u32 s2, $0x2;
	s19 =	sor.u32 s21, s31;
	s20 =	sor.u32 s0, s31;
	v8 =	vld [tilespmem:s9+$0x3300];
	v20 =	vadd.f32 v7, v7;
	(erf) = vpow2.f32 v9;
	v18 =	vpop (erf)  }
0x172: {  	s25 =	sadd.s32 s7, s2;
	s2 =	smov.u32 s1;
	s9 =	sor.u32 s5, s31;
	v9 =	vshll.u32 v12, $0x10;
	v10 =	vshll.u32 v14, $0x10;
	v12 =	vadd.f32 v14, v12;
	v14 =	vld [tilespmem:s20+$0x300];
	v17 =	vpop (erf)  }
0x173: {  	v9 =	vadd.f32 v10, v9;
	v21 =	vld [tilespmem:s20+$0x3300];
	s20 =	sshll.u32 s25, $0x7;
	v10 =	vadd.f32 $-1.000000000e+00, v20;
	(erf) = vrcp.f32 v16;
	v7 =	vpop (erf)  }
0x174: {  	v20 =	vshll.u32 v15, $0x10;
	v16 =	vld [tilespmem:s29+$0x300];
	v15 =	vadd.f32 v19, v15;
	v12 =	vmul.f32 $1.442695020e+00, v12;
	s20 =	sand.u32 $0x3FFFFF80, s20;
	v22 =	vpop (erf)  }
0x175: {  	v19 =	vshll.u32 v19, $0x10;
	v23 =	vld [tilespmem:s29+$0x3300];
	v27 =	vmul.f32 $1.442695020e+00, v9;
	s20 =	sadd.s32 $0x6300, s20;
	v10 =	vmul.f32 v10, v22  }
0x176: {  	v19 =	vadd.f32 v19, v20;
	v20 =	vshll.u32 v13, $0x10;
	v22 =	vld [tilespmem:s12+$0x300];
	v26 =	vshll.u32 v8, $0x10;
	s29 =	sor.u32 s18, s20;
	s25 =	sor.u32 s26, s20;
	s18 =	sor.u32 s24, s20  }
0x177: {  	v13 =	vadd.f32 v8, v13;
	s20 =	sor.u32 s23, s20;
	s26 =	smov.u32 s5;
	v25 =	vld [tilespmem:s12+$0x3300];
	v20 =	vadd.f32 v26, v20;
	(erf) = vpow2.f32 v27;
	[tilespmem:s18+$0x0] =	vst v10;
	v24 =	vpop (erf);
	s18 =	smov.u32 s21  }
0x178: {  	s24 =	smov.u32 s0;
	s23 =	smov.u32 s3;
	v8 =	vshll.u32 v14, $0x10;
	v30 =	vmul.f32 $1.442695020e+00, v19;
	v26 =	vld [tilespmem:s10+$0x300];
	v10 =	vshll.u32 v21, $0x10;
	v9 =	vpop (erf)  }
0x179: {  	v27 =	vld [tilespmem:s10+$0x3300];
	v28 =	vshll.u32 v16, $0x10;
	v34 =	vadd.f32 v10, v8;
	v10 =	vmul.f32 $1.442695020e+00, v20;
	v29 =	vpop (erf)  }
0x17a: {  	v20 =	vshll.u32 v23, $0x10;
	v16 =	vadd.f32 v23, v16;
	v23 =	vld [tilespmem:s19+$0x300];
	(erf) = vpow2.f32 v30;
	v19 =	vpop (erf)  }
0x17b: {  	v28 =	vadd.f32 v20, v28;
	v30 =	vld [tilespmem:s19+$0x3300];
	v31 =	vmul.f32 $1.442695020e+00, v34;
	(erf) = vpow2.f32 v10  }
0x17c: {  	v32 =	vshll.u32 v22, $0x10;
	v33 =	vshll.u32 v25, $0x10;
	v20 =	vld [tilespmem:s9+$0x300];
	v16 =	vmul.f32 $1.442695020e+00, v16;
	v8 =	vpop (erf)  }
0x17d: {  	v34 =	vshll.u32 v26, $0x10;
	v10 =	vld [tilespmem:s9+$0x3300];
	v28 =	vmul.f32 $1.442695020e+00, v28;
	(erf) = vpow2.f32 v31  }
0x17e: {  	v32 =	vadd.f32 v33, v32;
	v31 =	vshll.u32 v27, $0x10;
	v35 =	vld [tilespmem:s22+$0x300];
	(erf) = vpow2.f32 v16  }
0x17f: {  	v22 =	vadd.f32 v25, v22;
	v16 =	vadd.f32 v31, v34;
	v31 =	vld [tilespmem:s22+$0x3300];
	(erf) = vpow2.f32 v28  }
0x180: {  	v25 =	vadd.f32 v27, v26;
	v26 =	vshll.u32 v23, $0x10;
	v27 =	vpop (erf);
	(erf) = vpow2.f32 v12  }
0x181: {  	v28 =	vmul.f32 $1.442695020e+00, v32;
	v12 =	vshll.u32 v30, $0x10;
	v32 =	vadd.f32 $1.000000000e+00, v27  }
0x182: {  	v22 =	vmul.f32 $1.442695020e+00, v22;
	v12 =	vadd.f32 v12, v26;
	v16 =	vmul.f32 $1.442695020e+00, v16  }
0x183: {  	v13 =	vmul.f32 $1.442695020e+00, v13;
	v23 =	vadd.f32 v30, v23;
	v26 =	vpop (erf);
	(erf) = vrcp.f32 v32  }
0x184: {  	v15 =	vmul.f32 $1.442695020e+00, v15;
	v25 =	vmul.f32 $1.442695020e+00, v25;
	v26 =	vadd.f32 $1.000000000e+00, v26;
	v27 =	vpop (erf)  }
0x185: {  	v32 =	vadd.f32 v21, v14;
	v21 =	vadd.f32 $1.000000000e+00, v27;
	(erf) = vpow2.f32 v28  }
0x186: {  	v27 =	vshll.u32 v20, $0x10;
	v28 =	vmul.f32 $1.442695020e+00, v12;
	(erf) = vrcp.f32 v26;
	v12 =	vpop (erf)  }
0x187: {  	v23 =	vmul.f32 $1.442695020e+00, v23;
	v26 =	vadd.f32 $1.000000000e+00, v12;
	v12 =	vpop (erf);
	(erf) = vrcp.f32 v21  }
0x188: {  	v30 =	vmul.f32 $1.442695020e+00, v32;
	v21 =	vadd.f32 $1.000000000e+00, v12;
	(erf) = vpow2.f32 v16;
	v14 =	vpop (erf)  }
0x189: {  	v12 =	vshll.u32 v10, $0x10;
	v32 =	vadd.f32 $1.000000000e+00, v14;
	(erf) = vrcp.f32 v26;
	v14 =	vpop (erf)  }
0x18a: {  	s0 =	sor.u32 s23, s31;
	v16 =	vshll.u32 v35, $0x10;
	v26 =	vadd.f32 $1.000000000e+00, v14;
	(erf) = vpow2.f32 v22  }
0x18b: {  	v14 =	vshll.u32 v31, $0x10;
	v22 =	vadd.f32 v31, v35;
	v31 =	vld [tilespmem:s0+$0x300];
	(erf) = vpow2.f32 v13  }
0x18c: {  	v14 =	vadd.f32 v14, v16;
	v16 =	vadd.f32 $1.000000000e+00, v24;
	(erf) = vpow2.f32 v25;
	v25 =	vpop (erf)  }
0x18d: {  	v13 =	vld [tilespmem:s0+$0x3300];
	v24 =	vmul.f32 $4.000000000e+00, v25;
	(erf) = vpow2.f32 v15;
	v15 =	vadd.f32 $1.000000000e+00, v29  }
0x18e: {  	v25 =	vmul.f32 $1.442695020e+00, v14;
	v14 =	vadd.f32 $1.000000000e+00, v19;
	v29 =	vpop (erf);
	(erf) = vpow2.f32 v28  }
0x18f: {  	v19 =	vadd.f32 $1.000000000e+00, v29;
	v33 =	vsub.f32 $2.000000000e+00, v24;
	(erf) = vpow2.f32 v23;
	v23 =	vpop (erf)  }
0x190: {  	v28 =	vmul.f32 $1.442695020e+00, v22;
	v22 =	vshll.u32 v31, $0x10;
	v29 =	vpop (erf);
	(erf) = vpow2.f32 v30  }
0x191: {  	v18 =	vadd.f32 v18, v18;
	s0 =	sor.u32 s23, s30;
	v23 =	vmul.f32 v33, v23;
	v22 =	vmul.f32 v22, v29;
	v24 =	vpop (erf)  }
0x192: {  	v24 =	vadd.f32 $1.000000000e+00, v24;
	v29 =	vld [tilespmem:s0+$0x300];
	v30 =	vshll.u32 v13, $0x10;
	(erf) = vrcp.f32 v32;
	v32 =	vpop (erf)  }
0x193: {  	v33 =	vld [tilespmem:s0+$0x3300];
	v22 =	vadd.f32 v22, v23;
	v23 =	vmul.f32 v30, v32;
	(erf) = vrcp.f32 v21;
	v21 =	vpop (erf)  }
0x194: {  	v30 =	vadd.f32 v17, v17;
	v21 =	vadd.f32 $1.000000000e+00, v21;
	(erf) = vrcp.f32 v26;
	v26 =	vpop (erf)  }
0x195: {  	v22 =	vadd.f32 v23, v22;
	v23 =	vadd.f32 $1.000000000e+00, v26;
	(erf) = vrcp.f32 v19;
	v17 =	vpop (erf)  }
0x196: {  	v19 =	vadd.f32 $1.000000000e+00, v17;
	(erf) = vrcp.f32 v24;
	v24 =	vpop (erf);
	v17 =	vadd.f32 $-1.000000000e+00, v11  }
0x197: {  	v34 =	vmul.f32 $1.442695020e+00, v22;
	v22 =	vadd.f32 $1.000000000e+00, v24;
	v24 =	vpop (erf);
	(erf) = vrcp.f32 v21  }
0x198: {  	v21 =	vshll.u32 v29, $0x10;
	v26 =	vshll.u32 v33, $0x10;
	v32 =	vpop (erf);
	(erf) = vrcp.f32 v23  }
0x199: {  	v23 =	vadd.f32 $1.000000000e+00, v24;
	v35 =	vadd.f32 v26, v21;
	(erf) = vpow2.f32 v34;
	v11 =	vpop (erf)  }
0x19a: {  	v24 =	vadd.f32 $1.000000000e+00, v32;
	v11 =	vadd.f32 $1.000000000e+00, v11;
	(erf) = vrcp.f32 v19  }
0x19b: {  	v26 =	vadd.f32 v33, v29;
	v19 =	vmul.f32 $1.442695020e+00, v35;
	v21 =	vpop (erf);
	(erf) = vrcp.f32 v22  }
0x19c: {  	v18 =	vadd.f32 $-1.000000000e+00, v18;
	v21 =	vmul.f32 $4.000000000e+00, v21;
	(erf) = vrcp.f32 v23;
	v22 =	vpop (erf)  }
0x19d: {  	v22 =	vmul.f32 $4.000000000e+00, v22;
	(erf) = vpow2.f32 v19;
	v23 =	vpop (erf);
	v19 =	vadd.f32 $-1.000000000e+00, v30  }
.Ltmp3:
0x19e: {  	v30 =	vsub.f32 $2.000000000e+00, v21;
	v23 =	vmul.f32 $4.000000000e+00, v23;
	v29 =	vpop (erf);
	(erf) = vrcp.f32 v24;
	(pc) =	sbr.rel @p2 .LBB2_10-.Ltmp3, $4  }
0x19f: {  	v27 =	vmul.f32 v27, v29;
	v22 =	vsub.f32 $2.000000000e+00, v22;
	v24 =	vpop (erf);
	(erf) = vrcp.f32 v11  }
0x1a0: {  	v11 =	vmul.f32 v30, v24;
	v24 =	vmul.f32 $1.442695020e+00, v26;
	v23 =	vsub.f32 $2.000000000e+00, v23;
	v21 =	vpop (erf)  }
0x1a1: {  	v21 =	vmul.f32 v20, v21;
	(erf) = vpow2.f32 v25;
	v20 =	vpop (erf)  }
0x1a2: {  	v11 =	vadd.f32 v27, v11;
	v20 =	vmul.f32 v31, v20;
	(erf) = vpow2.f32 v28;
	v25 =	vpop (erf)  }
0x1a3: {  	v26 =	vpop (erf)  }
0x1a4: {  	(erf) = vpow2.f32 v24;
	v24 =	vpop (erf)  }
0x1a5: {  	(erf) = vrcp.f32 v16;
	v16 =	vpop (erf)  }
0x1a6: {  	v25 =	vadd.f32 $1.000000000e+00, v25;
	v12 =	vmul.f32 v12, v16;
	_ =	sdelay $0x1  }
0x1a7: {  	v22 =	vmul.f32 v22, v26;
	(erf) = vrcp.f32 v25;
	v16 =	vpop (erf);
	v11 =	vadd.f32 v12, v11  }
0x1a8: {  	v23 =	vmul.f32 v23, v24;
	(erf) = vrcp.f32 v15;
	v15 =	vpop (erf)  }
0x1a9: {  	v21 =	vadd.f32 v21, v22;
	v16 =	vadd.f32 $1.000000000e+00, v16;
	v10 =	vmul.f32 v10, v15;
	v12 =	vpop (erf)  }
0x1aa: {  	v15 =	vadd.f32 v20, v23;
	(erf) = vrcp.f32 v14;
	v12 =	vmul.f32 v13, v12  }
0x1ab: {  	v10 =	vadd.f32 v10, v21;
	(erf) = vrcp.f32 v6;
	v6 =	vmul.f32 $1.442695020e+00, v11;
	v11 =	vpop (erf)  }
0x1ac: {  	v11 =	vadd.f32 $1.000000000e+00, v11;
	v12 =	vadd.f32 v12, v15  }
0x1ad: {  	(erf) = vrcp.f32 v16;
	v10 =	vmul.f32 $1.442695020e+00, v10  }
0x1ae: {  	(erf) = vpow2.f32 v6;
	v12 =	vmul.f32 $1.442695020e+00, v12  }
0x1af: {  	v6 =	vpop (erf);
	(erf) = vrcp.f32 v11  }
0x1b0: {  	v11 =	vpop (erf);
	(erf) = vpow2.f32 v10  }
0x1b1: {  	v10 =	vpop (erf);
	(erf) = vpow2.f32 v12  }
0x1b2: {  	v12 =	vpop (erf)  }
0x1b3: {  	v13 =	vpop (erf)  }
0x1b4: {  	v14 =	vpop (erf)  }
0x1b5: {  	v15 =	vpop (erf)  }
0x1b6: {  	v6 =	vadd.f32 $1.000000000e+00, v6;
	v16 =	vpop (erf)  }
0x1b7: {  	v20 =	vpop (erf)  }
0x1b8: {  	v21 =	vpop (erf)  }
0x1b9: {  	v20 =	vadd.f32 $1.000000000e+00, v20;
	v22 =	vpop (erf)  }
0x1ba: {  	(erf) = vrcp.f32 v6;
	v6 =	vpop (erf);
	v22 =	vadd.f32 $1.000000000e+00, v22  }
0x1bb: {  	(erf) = vrcp.f32 v20;
	v6 =	vadd.f32 $1.000000000e+00, v6  }
0x1bc: {  	(erf) = vrcp.f32 v22  }
0x1bd: {  	(erf) = vrcp.f32 v6;
	_ =	sdelay $0x1  }
0x1be: {  	v4 =	vmul.f32 v17, v4;
	v6 =	vadd.f32 $1.000000000e+00, v11;
	v11 =	vadd.f32 v12, v12;
	_ =	sdelay $0x1  }
0x1bf: {  	s0 =	sshrl.u32 s2, $0x2;
	[tilespmem:s8+$0x0] =	vst v4;
	v4 =	vmul.f32 v19, v7  }
0x1c0: {  	s0 =	sadd.s32 s7, s0;
	v7 =	vadd.f32 v14, v14;
	(erf) = vrcp.f32 v6;
	v6 =	vadd.f32 v10, v10  }
0x1c1: {  	v5 =	vmul.f32 v18, v5;
	s0 =	sshll.u32 s0, $0x7;
	v12 =	vadd.f32 v13, v13;
	v10 =	vadd.f32 $-1.000000000e+00, v11;
	v11 =	vpop (erf)  }
0x1c2: {  	s0 =	sand.u32 $0x3FFFFF80, s0;
	v6 =	vadd.f32 $-1.000000000e+00, v6;
	v13 =	vpop (erf)  }
0x1c3: {  	[tilespmem:s16+$0x0] =	vst v5;
	s0 =	sadd.s32 $0x6300, s0;
	v5 =	vmul.f32 v10, v16;
	v10 =	vadd.f32 $-1.000000000e+00, v12;
	v12 =	vadd.f32 v13, v13;
	v13 =	vpop (erf)  }
0x1c4: {  	[tilespmem:s11+$0x0] =	vst v4;
	s1 =	sor.u32 s24, s0;
	v4 =	vadd.f32 $-1.000000000e+00, v7;
	v6 =	vmul.f32 v6, v9;
	v7 =	vpop (erf);
	v9 =	vadd.f32 v13, v13  }
0x1c5: {  	[tilespmem:s1+$0x0] =	vst v5;
	v5 =	vmul.f32 v10, v8;
	v8 =	vadd.f32 $-1.000000000e+00, v12;
	v7 =	vadd.f32 v7, v7  }
0x1c6: {  	v4 =	vmul.f32 v4, v15;
	[tilespmem:s29+$0x0] =	vst v6;
	v6 =	vadd.f32 $-1.000000000e+00, v9  }
0x1c7: {  	[tilespmem:s25+$0x0] =	vst v5;
	v5 =	vadd.f32 $-1.000000000e+00, v7;
	v7 =	vmul.f32 v8, v21  }
0x1c8: {  	s9 =	sor.u32 s18, s0;
	[tilespmem:s20+$0x0] =	vst v4;
	v6 =	vmul.f32 v6, v11  }
0x1c9: {  	p2 =	seq.s32 s13, $0x3;
	s3 =	sor.u32 s26, s0;
	[tilespmem:s9+$0x0] =	vst v7  }
0x1ca: {  	s2 =	sadd.s32 @!p2 $0x20, s7;
	v4 =	vpop (erf);
	[tilespmem:s3+$0x0] =	vst v6  }
0x1cb: {  	s1 =	sand.u32 @!p2 $0x80, s2;
	v4 =	vmul.f32 v5, v4;
	s3 =	rddreg [dreg:$0x13]  }
0x1cc: {  	s0 =	sor.u32 s23, s0;
	s2 =	sand.u32 @!p2 $0x60, s2;
	s1 =	sadd.s32 @!p2 s3, s1  }
0x1cd: {  	[tilespmem:s0+$0x0] =	vst v4;
	s0 =	sor.u32 @!p2 s2, s1  }
0x1ce: {  	v4 =	vld @!p2 [tilespmem:s0+$0x0];
	_ =	sdelay $0x4  }
0x1cf: {  	v5 =	vshrl.u32 @!p2 v4, $0x3  }
0x1d0: {  	v5 =	vmul.u32 @!p2 $0x18, v5  }
0x1d1: {  	v6 =	vlaneseq.u32 @!p2;
	v4 =	vand.u32 @!p2 $0x7, v4  }
0x1d2: {  	v7 =	vshrl.u32 @!p2 v6, $0x3;
	v4 =	vor.u32 @!p2 v4, v5;
	v5 =	vand.u32 @!p2 $0x7, v6  }
0x1d3: {  	v7 =	vmul.u32 @!p2 $0x8, v7;
	v8 =	vperm.xlane @!p2 v4, v5;
	_ =	sdelay $0x1  }
0x1d4: {  	v8 =	vadd.s32 @!p2 v7, v8  }
0x1d5: {  	v6 =	vor.u32 @!p2 $0x8, v6  }
0x1d6: {  	v4 =	vperm.xlane @!p2 v4, v6;
	_ =	sdelay $0x1  }
0x1d7: {  	vm2 =	vmmov @!p2 $0xffff;
	s3 =	rddreg [dreg:$0x12];
	s1 =	simm.s32 @!p2 $0x0;
	s2 =	simm.s32 @!p2 $0x300;
	v4 =	vadd.s32 @!p2 v7, v4  }
0x1d8: {  	[tilespmem:s2], [sflag:$0x1] =	stream.indirect_vreg.gather @!p2 [hbm4b:s3+s1], $0x80, v8, vm2, $0xb8;
	[tilespmem:$0x1DB80] =	vst v63  }
0x1d9: {  	vm3 =	vmmov @!p2 $0xff;
	s2 =	simm.s32 @!p2 $0xB00  }
0x1da: {  	[tilespmem:s2], [sflag:$0x1] =	stream.indirect_vreg.gather @!p2 [hbm4b:s14+s1], $0x80, v8, vm3, $0xb8;
	[tilespmem:$0x1DB80] =	vst v63  }
0x1db: {  	p3 =	sne.s32 @!p2 s13, $0x0;
	s2 =	simm.s32 @!p2 $0xF00  }
0x1dc: {  	[tilespmem:s2], [sflag:$0x1] =	stream.indirect_vreg.gather @!p2 [hbm4b:s3+s1], $0x80, v4, vm2, $0xb8;
	[tilespmem:$0x1DB80] =	vst v63  }
0x1dd: {  	p4 =	por !p3, p2;
	s2 =	simm.s32 @!p2 $0x1700  }
0x1de: {  	[tilespmem:s2], [sflag:$0x1] =	stream.indirect_vreg.gather @!p2 [hbm4b:s14+s1], $0x80, v4, vm3, $0xb8;
	[tilespmem:$0x1DB80] =	vst v63  }
0x1df: {  	s2 =	sadd.s32 @!p4 $0xFFFFFFE0, s7  }
0x1e0: {  	s3 =	sand.u32 @!p4 $0xFFFFFF80, s2  }
0x1e1: {  	p3 =	por p3, p2;
	s2 =	sand.u32 @!p4 $0x60, s2;
	s3 =	sadd.s32 @!p4 s3, s4  }
0x1e2: {  	s0 =	sadd.s32 @!p3 $0x100, s0;
	s2 =	sadd.s32 @!p4 s2, s3  }
0x1e3: {  	s2 =	smov.u32 @p4 s0  }
0x1e4: {  	v4 =	vld @!p2 [tilespmem:s2+$0x0];
	_ =	sdelay $0x4  }
0x1e5: {  	v8 =	vshrl.u32 @!p2 v4, $0x3  }
0x1e6: {  	v8 =	vmul.u32 @!p2 $0x18, v8  }
0x1e7: {  	v4 =	vand.u32 @!p2 $0x7, v4  }
0x1e8: {  	v4 =	vor.u32 @!p2 v4, v8  }
0x1e9: {  	v5 =	vperm.xlane @!p2 v4, v5;
	_ =	sdelay $0x1  }
0x1ea: {  	v5 =	vadd.s32 @!p2 v7, v5;
	_ =	sdelay $0x1  }
0x1eb: {  	v4 =	vperm.xlane @!p2 v4, v6;
	_ =	sdelay $0x1  }
0x1ec: {  	s0 =	simm.s32 @!p2 $0x3300;
	v4 =	vadd.s32 @!p2 v7, v4  }
0x1ed: {  	[tilespmem:s0], [sflag:$0x3] =	stream.indirect_vreg.gather @!p2 [hbm4b:s6+s1], $0x80, v5, vm2, $0xb8;
	[tilespmem:$0x1DB80] =	vst v63  }
0x1ee: {  	s0 =	simm.s32 @!p2 $0x3B00  }
0x1ef: {  	[tilespmem:s0], [sflag:$0x3] =	stream.indirect_vreg.gather @!p2 [hbm4b:s15+s1], $0x80, v5, vm3, $0xb8;
	[tilespmem:$0x1DB80] =	vst v63  }
0x1f0: {  	s0 =	simm.s32 @!p2 $0x3F00  }
0x1f1: {  	[tilespmem:s0], [sflag:$0x3] =	stream.indirect_vreg.gather @!p2 [hbm4b:s6+s1], $0x80, v4, vm2, $0xb8;
	[tilespmem:$0x1DB80] =	vst v63  }
0x1f2: {  	s10 =	simm.s32 $0x2;
	s0 =	simm.s32 @!p2 $0x4700  }
0x1f3: {  	[tilespmem:s0], [sflag:$0x3] =	stream.indirect_vreg.gather @!p2 [hbm4b:s15+s1], $0x80, v4, vm3, $0xb8;
	[tilespmem:$0x1DB80] =	vst v63  }
0x1f4: {  	s12 =	simm.s32 $0x0;
	s11 =	simm.s32 $0x0;
	_ =	swait.ge [sflag:s10], $0x1800  }
0x1f5: {  	s16 =	simm.s32 $0x0;
	s0 =	smul.u32 $0xC00, s11;
	[sflag:s10] =	ssyncset.done $0x0  }
0x1f6: {  	s18 =	simm.s32 $0x4;
	s1 =	sand.u32 $0x380, s12;
	[sflag:s10] =	ssyncadd.s32 $0xFFFFE800  }
0x1f7: {  	s11 =	sand.u32 $0x20, s16;
	s19 =	sor.u32 s0, s1;
	_ =	swait.ge [sflag:s18], $0x1800  }
0x1f8: {  	s7 =	sor.u32 $0x10, s11;
	s0 =	sadd.s32 $0x400, s19;
	[sflag:s18] =	ssyncset.done $0x0  }
0x1f9: {  	s20 =	sor.u32 s7, s0;
	[sflag:s18] =	ssyncadd.s32 $0xFFFFE800  }
0x1fa: {  	v4 =	vld [tilespmem:s20+$0x1B00]  }
0x1fb: {  	s21 =	sor.u32 s7, s19;
	v5 =	vld [tilespmem:s20+$0x4B00]  }
0x1fc: {  	s23 =	sadd.s32 $0x800, s19;
	v6 =	vld [tilespmem:s21+$0x1B00]  }
0x1fd: {  	s24 =	sor.u32 s7, s23;
	s18 =	sor.u32 $0x50, s11;
	v7 =	vld [tilespmem:s21+$0x4B00]  }
0x1fe: {  	s22 =	sor.u32 s18, s0;
	v12 =	vld [tilespmem:s24+$0x1B00]  }
0x1ff: {  	v8 =	vld [tilespmem:s22+$0x1B00]  }
0x200: {  	s25 =	sor.u32 s11, s0;
	v9 =	vld [tilespmem:s22+$0x4B00]  }
0x201: {  	v15 =	vld [tilespmem:s25+$0x1B00];
	v10 =	vshll.u32 v4, $0x10;
	v11 =	vshll.u32 v5, $0x10  }
0x202: {  	v13 =	vshll.u32 v6, $0x10;
	v14 =	vshll.u32 v7, $0x10;
	v10 =	vadd.f32 v11, v10;
	v11 =	vld [tilespmem:s24+$0x4B00]  }
0x203: {  	v17 =	vld [tilespmem:s25+$0x4B00];
	v13 =	vadd.f32 v14, v13  }
0x204: {  	v10 =	vmul.f32 $1.442695020e+00, v10  }
0x205: {  	v14 =	vshll.u32 v8, $0x10;
	v16 =	vshll.u32 v9, $0x10;
	s24 =	sor.u32 $0x40, s11;
	v13 =	vmul.f32 $1.442695020e+00, v13  }
0x206: {  	v14 =	vadd.f32 v16, v14;
	s0 =	sor.u32 s24, s0;
	(erf) = vpow2.f32 v10  }
0x207: {  	v10 =	vshll.u32 v12, $0x10;
	v16 =	vshll.u32 v11, $0x10;
	(erf) = vpow2.f32 v13;
	v13 =	vld [tilespmem:s0+$0x4B00]  }
0x208: {  	s26 =	sor.u32 s11, s19;
	v18 =	vshll.u32 v15, $0x10;
	v15 =	vadd.f32 v17, v15;
	v10 =	vadd.f32 v16, v10;
	v16 =	vld [tilespmem:s0+$0x1B00]  }
0x209: {  	v4 =	vadd.f32 v5, v4;
	v5 =	vld [tilespmem:s26+$0x4B00];
	v14 =	vmul.f32 $1.442695020e+00, v14  }
0x20a: {  	v6 =	vadd.f32 v7, v6;
	v7 =	vmul.f32 $1.442695020e+00, v15  }
0x20b: {  	v19 =	vshll.u32 v17, $0x10;
	(erf) = vpow2.f32 v14;
	v14 =	vld [tilespmem:s26+$0x1B00];
	v10 =	vmul.f32 $1.442695020e+00, v10  }
0x20c: {  	v17 =	vadd.f32 v19, v18;
	v8 =	vadd.f32 v9, v8  }
0x20d: {  	(erf) = vpow2.f32 v10;
	v15 =	vshll.u32 v13, $0x10;
	v10 =	vshll.u32 v16, $0x10  }
0x20e: {  	v9 =	vmul.f32 $1.442695020e+00, v17;
	v10 =	vadd.f32 v15, v10;
	v15 =	vshll.u32 v5, $0x10  }
0x20f: {  	v4 =	vmul.f32 $1.442695020e+00, v4;
	(erf) = vpow2.f32 v7;
	v7 =	vpop (erf)  }
0x210: {  	s29 =	sor.u32 s11, s23;
	(erf) = vpow2.f32 v9;
	v9 =	vshll.u32 v14, $0x10;
	v7 =	vadd.f32 $1.000000000e+00, v7  }
0x211: {  	v17 =	vld [tilespmem:s29+$0x1B00];
	(erf) = vpow2.f32 v4;
	v9 =	vadd.f32 v15, v9;
	v15 =	vpop (erf)  }
0x212: {  	v4 =	vld [tilespmem:s29+$0x4B00];
	(erf) = vrcp.f32 v7;
	v7 =	vadd.f32 v13, v16;
	v13 =	vadd.f32 $1.000000000e+00, v15  }
0x213: {  	v10 =	vmul.f32 $1.442695020e+00, v10  }
0x214: {  	v15 =	vpop (erf)  }
0x215: {  	v5 =	vadd.f32 v5, v14;
	v14 =	vadd.f32 $1.000000000e+00, v15;
	(erf) = vpow2.f32 v10  }
0x216: {  	v9 =	vmul.f32 $1.442695020e+00, v9;
	v10 =	vshll.u32 v17, $0x10;
	(erf) = vrcp.f32 v13;
	v13 =	vpop (erf)  }
0x217: {  	(erf) = vrcp.f32 v14;
	v14 =	vshll.u32 v4, $0x10;
	v13 =	vadd.f32 $1.000000000e+00, v13  }
0x218: {  	(erf) = vpow2.f32 v9;
	v9 =	vadd.f32 v14, v10  }
0x219: {  	v5 =	vmul.f32 $1.442695020e+00, v5;
	v7 =	vmul.f32 $1.442695020e+00, v7  }
0x21a: {  	v8 =	vmul.f32 $1.442695020e+00, v8;
	v10 =	vpop (erf);
	(erf) = vrcp.f32 v13  }
0x21b: {  	v6 =	vmul.f32 $1.442695020e+00, v6;
	v4 =	vadd.f32 v4, v17;
	(erf) = vpow2.f32 v7;
	v13 =	vpop (erf)  }
0x21c: {  	s30 =	sor.u32 s18, s23;
	v7 =	vmul.f32 $1.442695020e+00, v9;
	(erf) = vpow2.f32 v8;
	v8 =	vadd.f32 v11, v12;
	v9 =	vpop (erf)  }
0x21d: {  	v14 =	vld [tilespmem:s30+$0x1B00];
	v4 =	vmul.f32 $1.442695020e+00, v4;
	(erf) = vpow2.f32 v5;
	v5 =	vpop (erf)  }
0x21e: {  	(erf) = vpow2.f32 v6;
	v5 =	vmul.f32 $4.000000000e+00, v5  }
0x21f: {  	v11 =	vld [tilespmem:s30+$0x4B00];
	(erf) = vpow2.f32 v7;
	v7 =	vadd.f32 $1.000000000e+00, v10  }
0x220: {  	v6 =	vmul.f32 $1.442695020e+00, v8;
	v10 =	vadd.f32 $1.000000000e+00, v13;
	v8 =	vpop (erf);
	v5 =	vsub.f32 $2.000000000e+00, v5  }
0x221: {  	(erf) = vpow2.f32 v4;
	v4 =	vpop (erf)  }
0x222: {  	s3 =	sor.u32 s18, s19;
	v12 =	vshll.u32 v14, $0x10;
	v13 =	vpop (erf);
	(erf) = vpow2.f32 v6;
	v4 =	vmul.f32 v5, v4  }
0x223: {  	v15 =	vld [tilespmem:s3+$0x4B00];
	v6 =	vadd.f32 $1.000000000e+00, v9;
	v5 =	vmul.f32 v12, v13;
	v9 =	vpop (erf);
	(erf) = vrcp.f32 v10  }
0x224: {  	v8 =	vadd.f32 $1.000000000e+00, v8;
	v12 =	vld [tilespmem:s3+$0x1B00];
	v13 =	vshll.u32 v11, $0x10;
	v10 =	vpop (erf);
	(erf) = vrcp.f32 v7  }
0x225: {  	v7 =	vadd.f32 $1.000000000e+00, v9;
	v4 =	vadd.f32 v5, v4;
	v5 =	vmul.f32 v13, v10;
	v9 =	vpop (erf)  }
0x226: {  	s31 =	smov.u32 s4;
	s4 =	sor.u32 s24, s19;
	(erf) = vrcp.f32 v6;
	v6 =	vadd.f32 $1.000000000e+00, v9  }
0x227: {  	v9 =	vpop (erf);
	(erf) = vrcp.f32 v8;
	v4 =	vadd.f32 v5, v4;
	v5 =	vld [tilespmem:s4+$0x1B00]  }
0x228: {  	v16 =	vshll.u32 v15, $0x10;
	v8 =	vadd.f32 $1.000000000e+00, v9;
	v9 =	vpop (erf);
	(erf) = vrcp.f32 v7;
	v7 =	vld [tilespmem:s4+$0x4B00]  }
0x229: {  	v10 =	vpop (erf);
	(erf) = vrcp.f32 v6;
	v13 =	vshll.u32 v12, $0x10;
	v4 =	vmul.f32 $1.442695020e+00, v4  }
0x22a: {  	v9 =	vadd.f32 $1.000000000e+00, v9;
	v13 =	vadd.f32 v16, v13;
	v6 =	vpop (erf);
	(erf) = vrcp.f32 v8  }
0x22b: {  	v8 =	vadd.f32 $1.000000000e+00, v10;
	v10 =	vpop (erf);
	(erf) = vpow2.f32 v4;
	v4 =	vadd.f32 $1.000000000e+00, v6  }
0x22c: {  	v13 =	vmul.f32 $1.442695020e+00, v13;
	v6 =	vpop (erf);
	(erf) = vrcp.f32 v9  }
0x22d: {  	v16 =	vshll.u32 v5, $0x10;
	v17 =	vpop (erf);
	(erf) = vrcp.f32 v8;
	v8 =	vshll.u32 v7, $0x10  }
0x22e: {  	v8 =	vadd.f32 v8, v16  }
0x22f: {  	v10 =	vadd.f32 $1.000000000e+00, v10;
	(erf) = vrcp.f32 v4;
	v4 =	vpop (erf)  }
0x230: {  	s5 =	sor.u32 s24, s23;
	v5 =	vadd.f32 v7, v5;
	(erf) = vpow2.f32 v13;
	v13 =	vpop (erf);
	v7 =	vmul.f32 $1.442695020e+00, v8  }
0x231: {  	v9 =	vld [tilespmem:s5+$0x1B00];
	v6 =	vadd.f32 $1.000000000e+00, v6;
	v18 =	vpop (erf);
	(erf) = vrcp.f32 v10;
	v10 =	vmul.f32 $4.000000000e+00, v17  }
0x232: {  	v16 =	vld [tilespmem:s5+$0x4B00];
	v5 =	vmul.f32 $1.442695020e+00, v5;
	v8 =	vpop (erf)  }
0x233: {  	v12 =	vadd.f32 v15, v12;
	(erf) = vrcp.f32 v6;
	v17 =	vpop (erf);
	v10 =	vsub.f32 $2.000000000e+00, v10  }
0x234: {  	v4 =	vmul.f32 $4.000000000e+00, v4;
	(erf) = vpow2.f32 v7;
	v7 =	vpop (erf)  }
0x235: {  	v13 =	vmul.f32 $4.000000000e+00, v13;
	v15 =	vpop (erf);
	v8 =	vmul.f32 v10, v8  }
0x236: {  	s8 =	simm.s32 $0x0;
	v6 =	vshll.u32 v9, $0x10;
	v4 =	vsub.f32 $2.000000000e+00, v4;
	(erf) = vpow2.f32 v5;
	v5 =	vpop (erf)  }
0x237: {  	s9 =	simm.s32 $0x40;
	s0 =	smul.u32 $0xC00, s8;
	v19 =	vshll.u32 v16, $0x10;
	v6 =	vmul.f32 v6, v18;
	v10 =	vmul.f32 $1.442695020e+00, v12;
	v12 =	vpop (erf)  }
0x238: {  	s1 =	sand.u32 $0x380, s9;
	s10 =	simm.s32 $0x20;
	v13 =	vsub.f32 $2.000000000e+00, v13;
	v9 =	vmul.f32 v9, v17;
	v7 =	vmul.f32 v14, v7;
	v14 =	vpop (erf)  }
0x239: {  	s28 =	sand.u32 $0x20, s10;
	s1 =	sor.u32 s0, s1;
	v6 =	vadd.f32 v6, v8;
	v4 =	vmul.f32 v4, v5;
	v5 =	vmul.f32 v19, v14;
	v8 =	vpop (erf)  }
0x23a: {  	s0 =	sadd.s32 $0x400, s1;
	s30 =	sor.u32 $0x50, s28;
	(erf) = vpow2.f32 v10;
	v10 =	vmul.f32 v13, v12;
	v12 =	vpop (erf)  }
0x23b: {  	s29 =	sor.u32 $0x10, s28;
	s19 =	sor.u32 s30, s0;
	v5 =	vadd.f32 v5, v6;
	v6 =	vmul.f32 v16, v12  }
0x23c: {  	s12 =	sor.u32 s29, s0;
	v13 =	vld [tilespmem:s19+$0x4B00];
	v14 =	vadd.f32 $1.000000000e+00, v15;
	v4 =	vadd.f32 v9, v4  }
0x23d: {  	v8 =	vadd.f32 $1.000000000e+00, v8;
	v7 =	vadd.f32 v7, v10;
	v10 =	vld [tilespmem:s12+$0x4B00];
	v9 =	vpop (erf)  }
0x23e: {  	s16 =	sor.u32 s29, s1;
	v12 =	vld [tilespmem:s12+$0x1B00];
	v9 =	vmul.f32 v11, v9  }
0x23f: {  	(erf) = vrcp.f32 v14;
	v11 =	vld [tilespmem:s16+$0x1B00];
	v5 =	vmul.f32 $1.442695020e+00, v5;
	v4 =	vadd.f32 v6, v4;
	v6 =	vpop (erf)  }
0x240: {  	s20 =	sadd.s32 $0x800, s1;
	(erf) = vrcp.f32 v8;
	v7 =	vadd.f32 v9, v7;
	v9 =	vld [tilespmem:s16+$0x4B00];
	v6 =	vadd.f32 $1.000000000e+00, v6  }
0x241: {  	s21 =	sor.u32 s29, s20;
	v4 =	vmul.f32 $1.442695020e+00, v4;
	(erf) = vpow2.f32 v5;
	v5 =	vld [tilespmem:s19+$0x1B00];
	v8 =	vpop (erf)  }
0x242: {  	v15 =	vld [tilespmem:s21+$0x4B00];
	v7 =	vmul.f32 $1.442695020e+00, v7;
	v8 =	vadd.f32 $1.000000000e+00, v8;
	(erf) = vrcp.f32 v6  }
0x243: {  	v14 =	vld [tilespmem:s21+$0x1B00];
	v6 =	vshll.u32 v10, $0x10;
	(erf) = vpow2.f32 v4;
	v4 =	vshll.u32 v12, $0x10  }
0x244: {  	s22 =	sor.u32 s28, s0;
	v16 =	vshll.u32 v13, $0x10;
	(erf) = vpow2.f32 v7;
	v4 =	vadd.f32 v6, v4  }
0x245: {  	v17 =	vld [tilespmem:s22+$0x4B00];
	v6 =	vshll.u32 v11, $0x10;
	v7 =	vshll.u32 v9, $0x10;
	(erf) = vrcp.f32 v8  }
0x246: {  	v8 =	vld [tilespmem:s22+$0x1B00];
	v6 =	vadd.f32 v7, v6;
	v7 =	vshll.u32 v5, $0x10;
	v4 =	vmul.f32 $1.442695020e+00, v4  }
0x247: {  	s2 =	sor.u32 $0x40, s28;
	v18 =	vshll.u32 v15, $0x10;
	v7 =	vadd.f32 v16, v7  }
0x248: {  	s0 =	sor.u32 s2, s0;
	v6 =	vmul.f32 $1.442695020e+00, v6;
	(erf) = vpow2.f32 v4;
	v4 =	vshll.u32 v14, $0x10  }
0x249: {  	v22 =	vld [tilespmem:s0+$0x4B00];
	v16 =	vpop (erf);
	v4 =	vadd.f32 v18, v4  }
0x24a: {  	s23 =	sor.u32 s28, s1;
	v21 =	vld [tilespmem:s0+$0x1B00];
	v24 =	vshll.u32 v17, $0x10;
	v19 =	vpop (erf);
	v18 =	vmul.f32 $1.442695020e+00, v7;
	(erf) = vpow2.f32 v6  }
0x24b: {  	v10 =	vadd.f32 v10, v12;
	v12 =	vld [tilespmem:s23+$0x4B00];
	v20 =	vpop (erf);
	v17 =	vadd.f32 v17, v8;
	v6 =	vmul.f32 $1.442695020e+00, v4  }
0x24c: {  	v7 =	vpop (erf);
	v23 =	vshll.u32 v8, $0x10;
	(erf) = vpow2.f32 v18  }
0x24d: {  	v9 =	vadd.f32 v9, v11;
	v18 =	vld [tilespmem:s23+$0x1B00];
	v23 =	vadd.f32 v24, v23;
	v11 =	vmul.f32 $1.442695020e+00, v17;
	v4 =	vpop (erf)  }
0x24e: {  	v24 =	vshll.u32 v22, $0x10;
	v8 =	vpop (erf)  }
0x24f: {  	(erf) = vpow2.f32 v6;
	v17 =	vmul.f32 $1.442695020e+00, v23;
	v23 =	vshll.u32 v21, $0x10;
	v6 =	vpop (erf)  }
0x250: {  	v13 =	vadd.f32 v13, v5;
	v23 =	vadd.f32 v24, v23;
	v24 =	vshll.u32 v12, $0x10;
	v5 =	vpop (erf)  }
0x251: {  	s25 =	sor.u32 s28, s20;
	v10 =	vmul.f32 $1.442695020e+00, v10;
	(erf) = vpow2.f32 v11;
	v11 =	vpop (erf)  }
0x252: {  	v25 =	vld [tilespmem:s25+$0x1B00];
	(erf) = vpow2.f32 v17;
	v17 =	vshll.u32 v18, $0x10;
	v11 =	vadd.f32 $1.000000000e+00, v11  }
0x253: {  	(erf) = vpow2.f32 v10;
	v10 =	vld [tilespmem:s25+$0x4B00];
	v23 =	vmul.f32 $1.442695020e+00, v23;
	v17 =	vadd.f32 v24, v17;
	v24 =	vpop (erf)  }
0x254: {  	(erf) = vrcp.f32 v11;
	v11 =	vadd.f32 v22, v21;
	v21 =	vadd.f32 $1.000000000e+00, v24  }
0x255: {  	v22 =	vpop (erf)  }
0x256: {  	v12 =	vadd.f32 v12, v18;
	v18 =	vadd.f32 $1.000000000e+00, v22;
	(erf) = vpow2.f32 v23  }
0x257: {  	v17 =	vmul.f32 $1.442695020e+00, v17;
	(erf) = vrcp.f32 v21  }
0x258: {  	v22 =	vshll.u32 v25, $0x10;
	(erf) = vrcp.f32 v18;
	v18 =	vshll.u32 v10, $0x10;
	v21 =	vpop (erf)  }
0x259: {  	(erf) = vpow2.f32 v17;
	v17 =	vadd.f32 v18, v22;
	v21 =	vadd.f32 $1.000000000e+00, v21  }
0x25a: {  	s26 =	sor.u32 s30, s20;
	v12 =	vmul.f32 $1.442695020e+00, v12;
	v11 =	vmul.f32 $1.442695020e+00, v11  }
0x25b: {  	v13 =	vmul.f32 $1.442695020e+00, v13;
	v23 =	vld [tilespmem:s26+$0x1B00];
	v18 =	vpop (erf);
	(erf) = vrcp.f32 v21  }
0x25c: {  	v10 =	vadd.f32 v10, v25;
	v21 =	vmul.f32 $1.442695020e+00, v9;
	v22 =	vpop (erf);
	(erf) = vpow2.f32 v11  }
0x25d: {  	v9 =	vadd.f32 $1.000000000e+00, v16;
	v11 =	vmul.f32 $1.442695020e+00, v17;
	v17 =	vpop (erf);
	(erf) = vpow2.f32 v13  }
0x25e: {  	v13 =	vadd.f32 v15, v14;
	v14 =	vmul.f32 $1.442695020e+00, v10;
	(erf) = vpow2.f32 v12;
	v12 =	vpop (erf)  }
0x25f: {  	v10 =	vld [tilespmem:s26+$0x4B00];
	v15 =	vadd.f32 v19, v19;
	v12 =	vmul.f32 $4.000000000e+00, v12;
	(erf) = vpow2.f32 v21  }
0x260: {  	v19 =	vshll.u32 v23, $0x10;
	v16 =	vpop (erf);
	(erf) = vpow2.f32 v11;
	v11 =	vadd.f32 $1.000000000e+00, v18  }
0x261: {  	v13 =	vmul.f32 $1.442695020e+00, v13;
	v18 =	vadd.f32 $1.000000000e+00, v22;
	v12 =	vsub.f32 $2.000000000e+00, v12  }
0x262: {  	v17 =	vadd.f32 $1.000000000e+00, v17;
	(erf) = vpow2.f32 v14;
	v14 =	vpop (erf)  }
0x263: {  	v16 =	vadd.f32 $1.000000000e+00, v16;
	v21 =	vpop (erf);
	(erf) = vpow2.f32 v13;
	v12 =	vmul.f32 v12, v14  }
0x264: {  	s4 =	sor.u32 s30, s1;
	v22 =	vshll.u32 v10, $0x10;
	v14 =	vmul.f32 v19, v21;
	v19 =	vpop (erf);
	(erf) = vrcp.f32 v18  }
0x265: {  	v24 =	vld [tilespmem:s4+$0x1B00];
	v18 =	vpop (erf);
	(erf) = vrcp.f32 v11;
	v11 =	vadd.f32 $-1.000000000e+00, v15;
	v15 =	vadd.f32 $1.000000000e+00, v19  }
0x266: {  	s1 =	sor.u32 s2, s1;
	v12 =	vadd.f32 v14, v12;
	v14 =	vmul.f32 v22, v18;
	v18 =	vld [tilespmem:s4+$0x4B00];
	v19 =	vpop (erf);
	(erf) = vrcp.f32 v17  }
0x267: {  	v17 =	vld [tilespmem:s1+$0x1B00];
	v19 =	vadd.f32 $1.000000000e+00, v19;
	v22 =	vpop (erf);
	(erf) = vrcp.f32 v16;
	v11 =	vmul.f32 v11, v20  }
0x268: {  	v12 =	vadd.f32 v14, v12;
	v14 =	vld [tilespmem:s1+$0x4B00];
	v16 =	vadd.f32 $1.000000000e+00, v22;
	v20 =	vpop (erf);
	(erf) = vrcp.f32 v15  }
0x269: {  	v22 =	vpop (erf);
	(erf) = vrcp.f32 v19  }
0x26a: {  	v20 =	vadd.f32 $1.000000000e+00, v20;
	v12 =	vmul.f32 $1.442695020e+00, v12;
	v25 =	vpop (erf);
	(erf) = vrcp.f32 v16  }
0x26b: {  	v16 =	vshll.u32 v24, $0x10;
	v22 =	vadd.f32 $1.000000000e+00, v22;
	v26 =	vshll.u32 v18, $0x10  }
0x26c: {  	v25 =	vadd.f32 $1.000000000e+00, v25;
	v16 =	vadd.f32 v26, v16  }
0x26d: {  	v27 =	vpop (erf);
	(erf) = vpow2.f32 v12;
	v12 =	vshll.u32 v17, $0x10;
	v28 =	vshll.u32 v14, $0x10  }
0x26e: {  	v14 =	vadd.f32 v14, v17;
	v26 =	vpop (erf);
	(erf) = vrcp.f32 v20;
	v16 =	vmul.f32 $1.442695020e+00, v16  }
0x26f: {  	v17 =	vadd.f32 $1.000000000e+00, v27;
	v12 =	vadd.f32 v28, v12;
	v20 =	vpop (erf);
	(erf) = vrcp.f32 v22  }
0x270: {  	s3 =	sor.u32 s2, s20;
	v22 =	vpop (erf);
	(erf) = vrcp.f32 v25  }
0x271: {  	v13 =	vld [tilespmem:s3+$0x1B00];
	v18 =	vadd.f32 v18, v24;
	v12 =	vmul.f32 $1.442695020e+00, v12;
	v25 =	vpop (erf)  }
0x272: {  	v26 =	vadd.f32 $1.000000000e+00, v26;
	v14 =	vmul.f32 $1.442695020e+00, v14;
	(erf) = vpow2.f32 v16;
	v16 =	vpop (erf)  }
0x273: {  	v21 =	vld [tilespmem:s3+$0x4B00];
	v18 =	vmul.f32 $1.442695020e+00, v18;
	(erf) = vrcp.f32 v17;
	v17 =	vpop (erf)  }
0x274: {  	v7 =	vadd.f32 $1.000000000e+00, v7;
	v20 =	vmul.f32 $4.000000000e+00, v20;
	(erf) = vrcp.f32 v26;
	v24 =	vpop (erf)  }
0x275: {  	v8 =	vadd.f32 $1.000000000e+00, v8;
	v22 =	vmul.f32 $4.000000000e+00, v22;
	(erf) = vpow2.f32 v12;
	v12 =	vpop (erf)  }
0x276: {  	v15 =	vshll.u32 v13, $0x10;
	v20 =	vsub.f32 $2.000000000e+00, v20;
	(erf) = vpow2.f32 v14;
	v14 =	vpop (erf)  }
0x277: {  	v15 =	vmul.f32 v15, v16;
	v16 =	vsub.f32 $2.000000000e+00, v22;
	(erf) = vpow2.f32 v18;
	v18 =	vpop (erf)  }
0x278: {  	v19 =	vshll.u32 v21, $0x10;
	(erf) = vrcp.f32 v7;
	v7 =	vmul.f32 v20, v17;
	v17 =	vpop (erf)  }
0x279: {  	v25 =	vmul.f32 $4.000000000e+00, v25;
	v14 =	vadd.f32 $1.000000000e+00, v14;
	v16 =	vmul.f32 v16, v18;
	v18 =	vpop (erf)  }
0x27a: {  	s5 =	simm.s32 $0x0;
	v7 =	vadd.f32 v15, v7;
	v15 =	vmul.f32 v19, v18  }
0x27b: {  	s8 =	simm.s32 $0x80;
	s0 =	smul.u32 $0xC00, s5;
	(erf) = vrcp.f32 v14;
	v14 =	vsub.f32 $2.000000000e+00, v25  }
0x27c: {  	v6 =	vadd.f32 $1.000000000e+00, v6;
	s26 =	simm.s32 $0x40;
	s1 =	sand.u32 $0x380, s8;
	v13 =	vmul.f32 v13, v24;
	v12 =	vmul.f32 v23, v12;
	v18 =	vpop (erf)  }
0x27d: {  	s16 =	sand.u32 $0x20, s26;
	s1 =	sor.u32 s0, s1;
	(erf) = vrcp.f32 v8;
	v14 =	vmul.f32 v14, v17;
	v8 =	vpop (erf)  }
0x27e: {  	s23 =	sor.u32 $0x10, s16;
	s0 =	sadd.s32 $0x400, s1;
	v13 =	vadd.f32 v13, v16;
	(erf) = vrcp.f32 v6;
	v7 =	vadd.f32 v15, v7;
	v15 =	vpop (erf)  }
0x27f: {  	s9 =	sor.u32 s23, s0;
	v8 =	vmul.f32 v21, v8;
	v6 =	vmul.f32 v10, v15  }
0x280: {  	v16 =	vadd.f32 $1.000000000e+00, v18;
	(erf) = vrcp.f32 v9;
	v9 =	vld [tilespmem:s9+$0x4B00]  }
0x281: {  	s5 =	sor.u32 s23, s1;
	v12 =	vadd.f32 v12, v14;
	v7 =	vmul.f32 $1.442695020e+00, v7;
	v8 =	vadd.f32 v8, v13;
	v10 =	vld [tilespmem:s9+$0x1B00];
	v14 =	vpop (erf)  }
0x282: {  	s20 =	sor.u32 $0x50, s16;
	(erf) = vrcp.f32 v16;
	v15 =	vld [tilespmem:s5+$0x1B00];
	v13 =	vpop (erf);
	v14 =	vadd.f32 $1.000000000e+00, v14  }
0x283: {  	s10 =	sor.u32 s20, s0;
	v8 =	vmul.f32 $1.442695020e+00, v8;
	(erf) = vpow2.f32 v7;
	v7 =	vld [tilespmem:s5+$0x4B00];
	v12 =	vadd.f32 v6, v12;
	v6 =	vpop (erf)  }
0x284: {  	s12 =	sadd.s32 $0x800, s1;
	v13 =	vadd.f32 $1.000000000e+00, v13;
	(erf) = vrcp.f32 v14;
	v14 =	vld [tilespmem:s10+$0x1B00];
	v16 =	vpop (erf)  }
0x285: {  	s19 =	sor.u32 s23, s12;
	v19 =	vshll.u32 v9, $0x10;
	v12 =	vmul.f32 $1.442695020e+00, v12;
	(erf) = vpow2.f32 v8;
	v8 =	vld [tilespmem:s10+$0x4B00];
	v18 =	vpop (erf)  }
0x286: {  	v22 =	vld [tilespmem:s19+$0x1B00];
	v17 =	vadd.f32 v16, v16;
	v16 =	vadd.f32 v18, v18;
	v18 =	vshll.u32 v10, $0x10  }
0x287: {  	v9 =	vadd.f32 v9, v10;
	(erf) = vpow2.f32 v12;
	v12 =	vld [tilespmem:s19+$0x4B00];
	v10 =	vadd.f32 v19, v18  }
0x288: {  	v18 =	vshll.u32 v15, $0x10;
	v15 =	vadd.f32 v7, v15;
	v7 =	vshll.u32 v7, $0x10  }
0x289: {  	s21 =	sor.u32 s16, s0;
	(erf) = vrcp.f32 v13;
	v23 =	vmul.f32 $1.442695020e+00, v9;
	v7 =	vadd.f32 v7, v18  }
0x28a: {  	v13 =	vld [tilespmem:s21+$0x1B00];
	v18 =	vshll.u32 v14, $0x10;
	v20 =	vshll.u32 v8, $0x10;
	v9 =	vmul.f32 $1.442695020e+00, v10  }
0x28b: {  	v19 =	vld [tilespmem:s21+$0x4B00];
	v14 =	vadd.f32 v8, v14;
	v8 =	vshll.u32 v22, $0x10;
	v18 =	vadd.f32 v20, v18  }
0x28c: {  	v24 =	vpop (erf);
	v20 =	vmul.f32 $1.442695020e+00, v7;
	(erf) = vpow2.f32 v9;
	v9 =	vshll.u32 v12, $0x10  }
0x28d: {  	s25 =	sor.u32 $0x40, s16;
	s22 =	sor.u32 s16, s1;
	v25 =	vpop (erf);
	v8 =	vadd.f32 v9, v8;
	v9 =	vmul.f32 $1.442695020e+00, v18  }
0x28e: {  	s0 =	sor.u32 s25, s0;
	v26 =	vld [tilespmem:s22+$0x1B00];
	v7 =	vpop (erf);
	(erf) = vpow2.f32 v20  }
0x28f: {  	v21 =	vld [tilespmem:s0+$0x4B00];
	v61 =	vshll.u32 v13, $0x10;
	v18 =	vpop (erf)  }
0x290: {  	v27 =	vld [tilespmem:s22+$0x4B00];
	v29 =	vshll.u32 v19, $0x10;
	v13 =	vadd.f32 v19, v13;
	v19 =	vpop (erf);
	v8 =	vmul.f32 $1.442695020e+00, v8  }
0x291: {  	v10 =	vld [tilespmem:s0+$0x1B00];
	v20 =	vadd.f32 v29, v61;
	(erf) = vpow2.f32 v9;
	v9 =	vpop (erf)  }
0x292: {  	v13 =	vmul.f32 $1.442695020e+00, v13;
	v32 =	vpop (erf)  }
0x293: {  	s3 =	sor.u32 s16, s12;
	v16 =	vadd.f32 $-1.000000000e+00, v16;
	v34 =	vmul.f32 $1.442695020e+00, v20;
	(erf) = vpow2.f32 v8;
	v35 =	vpop (erf)  }
0x294: {  	v30 =	vld [tilespmem:s3+$0x1B00];
	v33 =	vshll.u32 v26, $0x10;
	v31 =	vshll.u32 v21, $0x10;
	v8 =	vpop (erf)  }
0x295: {  	v62 =	vld [tilespmem:s3+$0x4B00];
	v20 =	vmul.f32 v16, v18;
	v16 =	vadd.f32 v27, v26;
	(erf) = vpow2.f32 v13;
	v26 =	vpop (erf)  }
0x296: {  	v63 =	vshll.u32 v10, $0x10;
	(erf) = vpow2.f32 v34;
	v26 =	vadd.f32 $1.000000000e+00, v26  }
0x297: {  	v36 =	vshll.u32 v27, $0x10;
	v29 =	vadd.f32 v31, v63;
	(erf) = vpow2.f32 v23;
	v34 =	vpop (erf)  }
0x298: {  	(erf) = vrcp.f32 v26;
	v26 =	vadd.f32 $1.000000000e+00, v34  }
0x299: {  	s5 =	sor.u32 s25, s1;
	v13 =	vadd.f32 v36, v33;
	v27 =	vmul.f32 $1.442695020e+00, v29  }
0x29a: {  	v28 =	vadd.f32 v62, v30;
	v37 =	vld [tilespmem:s5+$0x1B00];
	v36 =	vpop (erf)  }
0x29b: {  	v13 =	vmul.f32 $1.442695020e+00, v13;
	v29 =	vadd.f32 $1.000000000e+00, v36;
	(erf) = vpow2.f32 v27  }
0x29c: {  	v10 =	vadd.f32 v21, v10;
	v18 =	vshll.u32 v30, $0x10;
	(erf) = vrcp.f32 v26;
	v26 =	vpop (erf)  }
0x29d: {  	v23 =	vshll.u32 v62, $0x10;
	(erf) = vrcp.f32 v29;
	v26 =	vadd.f32 $1.000000000e+00, v26  }
0x29e: {  	v18 =	vadd.f32 v23, v18;
	v23 =	vmul.f32 $1.442695020e+00, v10;
	v27 =	vld [tilespmem:s5+$0x4B00];
	v38 =	vpop (erf);
	(erf) = vpow2.f32 v13  }
0x29f: {  	v41 =	vshll.u32 v37, $0x10;
	v14 =	vmul.f32 $1.442695020e+00, v14;
	v13 =	vpop (erf);
	(erf) = vrcp.f32 v26  }
0x2a0: {  	v16 =	vmul.f32 $1.442695020e+00, v16;
	v26 =	vadd.f32 $1.000000000e+00, v13;
	v13 =	vpop (erf);
	(erf) = vpow2.f32 v23  }
0x2a1: {  	s9 =	sor.u32 s20, s12;
	v15 =	vmul.f32 $1.442695020e+00, v15;
	v12 =	vadd.f32 v12, v22;
	(erf) = vpow2.f32 v14;
	v43 =	vpop (erf)  }
0x2a2: {  	v42 =	vld [tilespmem:s9+$0x1B00];
	(erf) = vpow2.f32 v16;
	v16 =	vadd.f32 $1.000000000e+00, v19;
	v19 =	vmul.f32 $4.000000000e+00, v43  }
0x2a3: {  	v18 =	vmul.f32 $1.442695020e+00, v18;
	v23 =	vadd.f32 $1.000000000e+00, v13;
	v13 =	vshll.u32 v27, $0x10  }
0x2a4: {  	v28 =	vmul.f32 $1.442695020e+00, v28;
	v14 =	vadd.f32 v13, v41;
	v13 =	vld [tilespmem:s9+$0x4B00];
	(erf) = vpow2.f32 v15  }
0x2a5: {  	v40 =	vmul.f32 $1.442695020e+00, v12;
	v45 =	vpop (erf);
	(erf) = vpow2.f32 v18  }
0x2a6: {  	v18 =	vsub.f32 $2.000000000e+00, v19;
	(erf) = vpow2.f32 v28;
	v19 =	vpop (erf)  }
0x2a7: {  	v46 =	vshll.u32 v42, $0x10;
	(erf) = vpow2.f32 v40;
	v47 =	vpop (erf)  }
0x2a8: {  	s10 =	sor.u32 s20, s1;
	v6 =	vadd.f32 $1.000000000e+00, v6;
	v18 =	vmul.f32 v18, v19;
	v19 =	vmul.f32 v46, v47;
	v49 =	vpop (erf)  }
0x2a9: {  	v50 =	vld [tilespmem:s10+$0x1B00];
	v39 =	vadd.f32 $1.000000000e+00, v38;
	v51 =	vshll.u32 v13, $0x10;
	(erf) = vrcp.f32 v26;
	v26 =	vpop (erf)  }
0x2aa: {  	v52 =	vld [tilespmem:s10+$0x4B00];
	v24 =	vadd.f32 v24, v24;
	v18 =	vadd.f32 v19, v18;
	v19 =	vmul.f32 v51, v26  }
0x2ab: {  	s4 =	sor.u32 s25, s12;
	v17 =	vadd.f32 $-1.000000000e+00, v17;
	v48 =	vadd.f32 $1.000000000e+00, v45;
	(erf) = vrcp.f32 v39  }
0x2ac: {  	v25 =	vadd.f32 v25, v25;
	v21 =	vld [tilespmem:s4+$0x1B00];
	v28 =	vadd.f32 $1.000000000e+00, v49;
	(erf) = vrcp.f32 v23;
	v26 =	vpop (erf)  }
0x2ad: {  	(erf) = vrcp.f32 v48;
	v26 =	vadd.f32 $1.000000000e+00, v26;
	v23 =	vpop (erf);
	v18 =	vadd.f32 v19, v18  }
0x2ae: {  	v54 =	vshll.u32 v50, $0x10;
	v10 =	vld [tilespmem:s4+$0x4B00];
	v23 =	vadd.f32 $1.000000000e+00, v23;
	v19 =	vpop (erf);
	(erf) = vrcp.f32 v28  }
0x2af: {  	v55 =	vshll.u32 v52, $0x10;
	v18 =	vmul.f32 $1.442695020e+00, v18;
	v53 =	vpop (erf);
	(erf) = vrcp.f32 v26  }
0x2b0: {  	v29 =	vadd.f32 v55, v54;
	v19 =	vadd.f32 $1.000000000e+00, v19;
	(erf) = vrcp.f32 v23  }
0x2b1: {  	v22 =	vshll.u32 v21, $0x10;
	v27 =	vadd.f32 v27, v37;
	v26 =	vpop (erf);
	(erf) = vpow2.f32 v18  }
0x2b2: {  	v23 =	vadd.f32 $1.000000000e+00, v53;
	v56 =	vpop (erf);
	(erf) = vrcp.f32 v19;
	v19 =	vmul.f32 $1.442695020e+00, v29  }
0x2b3: {  	v12 =	vshll.u32 v10, $0x10;
	v27 =	vmul.f32 $1.442695020e+00, v27;
	v18 =	vadd.f32 $1.000000000e+00, v26;
	v26 =	vpop (erf)  }
0x2b4: {  	v15 =	vadd.f32 $1.000000000e+00, v32;
	v28 =	vadd.f32 $1.000000000e+00, v56;
	v57 =	vpop (erf);
	(erf) = vrcp.f32 v23  }
0x2b5: {  	v26 =	vadd.f32 $1.000000000e+00, v26;
	v29 =	vmul.f32 $4.000000000e+00, v57;
	(erf) = vrcp.f32 v18;
	v58 =	vpop (erf)  }
0x2b6: {  	s12 =	sadd.s32 $0x0, s17;
	s19 =	sadd.s32 $0x0, s17;
	v23 =	vadd.f32 v52, v50;
	v18 =	vadd.f32 $-1.000000000e+00, v24;
	(erf) = vpow2.f32 v19;
	v19 =	vpop (erf)  }
0x2b7: {  	s1 =	sshll.u32 s19, $0x7;
	s0 =	sshll.u32 s12, $0x7;
	v24 =	vmul.f32 $4.000000000e+00, v58;
	v29 =	vsub.f32 $2.000000000e+00, v29;
	(erf) = vrcp.f32 v28;
	v60 =	vpop (erf)  }
0x2b8: {  	s1 =	sand.u32 $0x3FFFFF80, s1;
	s0 =	sand.u32 $0x3FFFFF80, s0;
	v59 =	vmul.f32 $4.000000000e+00, v19;
	v19 =	vadd.f32 $-1.000000000e+00, v25;
	v25 =	vmul.f32 v22, v60  }
0x2b9: {  	s22 =	sadd.s32 $0x6300, s1;
	s1 =	simm.s32 $0x4;
	s0 =	sadd.s32 $0x6300, s0;
	v44 =	vmul.f32 $1.442695020e+00, v14;
	v14 =	vadd.f32 $1.000000000e+00, v35;
	(erf) = vrcp.f32 v26;
	v61 =	vpop (erf)  }
0x2ba: {  	s28 =	sor.u32 s28, s22;
	s29 =	sor.u32 s29, s22;
	s21 =	sor.u32 s7, s0;
	v22 =	vsub.f32 $2.000000000e+00, v24;
	v24 =	vmul.f32 $1.442695020e+00, v23;
	v26 =	vmul.f32 v29, v61;
	v62 =	vpop (erf)  }
0x2bb: {  	s8 =	sor.u32 s11, s0;
	s11 =	sor.u32 s24, s0;
	s7 =	sor.u32 s18, s0;
	[tilespmem:s21+$0x0] =	vst v11;
	(erf) = vpow2.f32 v44;
	v23 =	vsub.f32 $2.000000000e+00, v59;
	v21 =	vmul.f32 v21, v62;
	v63 =	vpop (erf)  }
0x2bc: {  	s24 =	sor.u32 s2, s22;
	s18 =	sor.u32 s30, s22;
	s2 =	simm.s32 $0x4;
	[tilespmem:s29+$0x0] =	vst v20;
	(erf) = vpow2.f32 v27;
	v11 =	vadd.f32 v25, v26;
	v20 =	vmul.f32 v42, v63;
	v25 =	vpop (erf)  }
.LBB2_12:
0x2bd: {  	s1 =	sadd.s32 $0x2, s1;
	v25 =	vadd.f32 $1.000000000e+00, v25;
	v26 =	vpop (erf);
	(erf) = vpow2.f32 v24;
	v27 =	vmul.f32 v17, v4  }
0x2be: {  	v4 =	vmov v9;
	s0 =	sshrl.u32 s1, $0x5;
	p2 =	slt.u32 s1, $0x3E;
	v22 =	vmul.f32 v22, v26;
	v24 =	vpop (erf);
	(erf) = vrcp.f32 v16  }
0x2bf: {  	s3 =	sshll.u32 s1, $0x5;
	s0 =	smul.u32 $0xC00, s0;
	v9 =	vmul.f32 v23, v24;
	v16 =	vpop (erf);
	(erf) = vrcp.f32 v25;
	[tilespmem:s8+$0x0] =	vst v27;
	s8 =	smov.u32 s28  }
0x2c0: {  	s26 =	sadd.s32 $0x20, s26;
	s3 =	sand.u32 $0x380, s3;
	v23 =	vmul.f32 v12, v16;
	v16 =	vadd.f32 v21, v22;
	v17 =	vpop (erf);
	(erf) = vrcp.f32 v15  }
0x2c1: {  	s21 =	sand.u32 $0x20, s26;
	s29 =	sor.u32 s0, s3;
	v15 =	vadd.f32 $1.000000000e+00, v17;
	v9 =	vadd.f32 v20, v9;
	v17 =	vpop (erf);
	(erf) = vrcp.f32 v14  }
0x2c2: {  	s5 =	sor.u32 $0x40, s21;
	s0 =	sor.u32 $0x10, s21;
	s9 =	sadd.s32 $0x400, s29;
	v11 =	vadd.f32 v23, v11;
	v10 =	vmul.f32 v10, v17;
	v12 =	vpop (erf);
	(erf) = vrcp.f32 v6  }
0x2c3: {  	s28 =	sor.u32 s21, s9;
	s12 =	sor.u32 s5, s9;
	s3 =	sor.u32 s0, s9;
	v17 =	vmul.f32 v13, v12;
	(erf) = vrcp.f32 v15  }
0x2c4: {  	v18 =	vmul.f32 v18, v5;
	s10 =	sor.u32 s21, s29;
	s22 =	sor.u32 s5, s29;
	v12 =	vld [tilespmem:s3+$0x1B00];
	v11 =	vmul.f32 $1.442695020e+00, v11;
	v10 =	vadd.f32 v10, v16;
	v13 =	vpop (erf)  }
0x2c5: {  	s19 =	sor.u32 s0, s29;
	v14 =	vld [tilespmem:s3+$0x4B00];
	v13 =	vadd.f32 $1.000000000e+00, v13;
	v9 =	vadd.f32 v17, v9;
	v6 =	vpop (erf);
	v17 =	vmul.f32 v19, v7  }
0x2c6: {  	s3 =	sor.u32 $0x50, s21;
	v15 =	vld [tilespmem:s19+$0x1B00];
	v16 =	vadd.f32 $1.000000000e+00, v6;
	v10 =	vmul.f32 $1.442695020e+00, v10;
	(erf) = vpow2.f32 v11;
	v6 =	vpop (erf);
	[tilespmem:s11+$0x0] =	vst v18;
	s11 =	smov.u32 s24  }
0x2c7: {  	s9 =	sor.u32 s3, s9;
	v19 =	vld [tilespmem:s19+$0x4B00];
	v6 =	vadd.f32 $1.000000000e+00, v6;
	v9 =	vmul.f32 $1.442695020e+00, v9;
	(erf) = vrcp.f32 v13;
	v5 =	vpop (erf);
	[tilespmem:s7+$0x0] =	vst v17;
	s7 =	smov.u32 s18  }
0x2c8: {  	s30 =	sadd.s32 $0x800, s29;
	v13 =	vld [tilespmem:s9+$0x1B00];
	(erf) = vpow2.f32 v10;
	v7 =	vpop (erf);
	v11 =	vadd.f32 v5, v5;
	v5 =	vmov v8  }
0x2c9: {  	s2 =	sshrl.u32 s2, $0x2;
	s19 =	sor.u32 s21, s30;
	s18 =	sor.u32 s0, s30;
	v8 =	vld [tilespmem:s9+$0x4B00];
	v20 =	vadd.f32 v7, v7;
	(erf) = vpow2.f32 v9;
	v18 =	vpop (erf)  }
0x2ca: {  	s24 =	sadd.s32 s17, s2;
	s2 =	smov.u32 s1;
	s9 =	sor.u32 s5, s30;
	v9 =	vshll.u32 v12, $0x10;
	v10 =	vshll.u32 v14, $0x10;
	v12 =	vadd.f32 v14, v12;
	v14 =	vld [tilespmem:s18+$0x1B00];
	v17 =	vpop (erf)  }
0x2cb: {  	v9 =	vadd.f32 v10, v9;
	v21 =	vld [tilespmem:s18+$0x4B00];
	s18 =	sshll.u32 s24, $0x7;
	v10 =	vadd.f32 $-1.000000000e+00, v20;
	(erf) = vrcp.f32 v16;
	v7 =	vpop (erf)  }
0x2cc: {  	v20 =	vshll.u32 v15, $0x10;
	v16 =	vld [tilespmem:s28+$0x1B00];
	v15 =	vadd.f32 v19, v15;
	v12 =	vmul.f32 $1.442695020e+00, v12;
	s18 =	sand.u32 $0x3FFFFF80, s18;
	v22 =	vpop (erf)  }
0x2cd: {  	v19 =	vshll.u32 v19, $0x10;
	v23 =	vld [tilespmem:s28+$0x4B00];
	v27 =	vmul.f32 $1.442695020e+00, v9;
	s18 =	sadd.s32 $0x6300, s18;
	v10 =	vmul.f32 v10, v22  }
0x2ce: {  	v19 =	vadd.f32 v19, v20;
	v20 =	vshll.u32 v13, $0x10;
	v22 =	vld [tilespmem:s12+$0x1B00];
	v26 =	vshll.u32 v8, $0x10;
	s28 =	sor.u32 s16, s18;
	s24 =	sor.u32 s25, s18;
	s16 =	sor.u32 s23, s18  }
0x2cf: {  	v13 =	vadd.f32 v8, v13;
	s18 =	sor.u32 s20, s18;
	s25 =	smov.u32 s5;
	v25 =	vld [tilespmem:s12+$0x4B00];
	v20 =	vadd.f32 v26, v20;
	(erf) = vpow2.f32 v27;
	[tilespmem:s16+$0x0] =	vst v10;
	v24 =	vpop (erf);
	s16 =	smov.u32 s21  }
0x2d0: {  	s23 =	smov.u32 s0;
	s20 =	smov.u32 s3;
	v8 =	vshll.u32 v14, $0x10;
	v30 =	vmul.f32 $1.442695020e+00, v19;
	v26 =	vld [tilespmem:s10+$0x1B00];
	v10 =	vshll.u32 v21, $0x10;
	v9 =	vpop (erf)  }
0x2d1: {  	v27 =	vld [tilespmem:s10+$0x4B00];
	v28 =	vshll.u32 v16, $0x10;
	v34 =	vadd.f32 v10, v8;
	v10 =	vmul.f32 $1.442695020e+00, v20;
	v29 =	vpop (erf)  }
0x2d2: {  	v20 =	vshll.u32 v23, $0x10;
	v16 =	vadd.f32 v23, v16;
	v23 =	vld [tilespmem:s19+$0x1B00];
	(erf) = vpow2.f32 v30;
	v19 =	vpop (erf)  }
0x2d3: {  	v28 =	vadd.f32 v20, v28;
	v30 =	vld [tilespmem:s19+$0x4B00];
	v31 =	vmul.f32 $1.442695020e+00, v34;
	(erf) = vpow2.f32 v10  }
0x2d4: {  	v32 =	vshll.u32 v22, $0x10;
	v33 =	vshll.u32 v25, $0x10;
	v20 =	vld [tilespmem:s9+$0x1B00];
	v16 =	vmul.f32 $1.442695020e+00, v16;
	v8 =	vpop (erf)  }
0x2d5: {  	v34 =	vshll.u32 v26, $0x10;
	v10 =	vld [tilespmem:s9+$0x4B00];
	v28 =	vmul.f32 $1.442695020e+00, v28;
	(erf) = vpow2.f32 v31  }
0x2d6: {  	v32 =	vadd.f32 v33, v32;
	v31 =	vshll.u32 v27, $0x10;
	v35 =	vld [tilespmem:s22+$0x1B00];
	(erf) = vpow2.f32 v16  }
0x2d7: {  	v22 =	vadd.f32 v25, v22;
	v16 =	vadd.f32 v31, v34;
	v31 =	vld [tilespmem:s22+$0x4B00];
	(erf) = vpow2.f32 v28  }
0x2d8: {  	v25 =	vadd.f32 v27, v26;
	v26 =	vshll.u32 v23, $0x10;
	v27 =	vpop (erf);
	(erf) = vpow2.f32 v12  }
0x2d9: {  	v28 =	vmul.f32 $1.442695020e+00, v32;
	v12 =	vshll.u32 v30, $0x10;
	v32 =	vadd.f32 $1.000000000e+00, v27  }
0x2da: {  	v22 =	vmul.f32 $1.442695020e+00, v22;
	v12 =	vadd.f32 v12, v26;
	v16 =	vmul.f32 $1.442695020e+00, v16  }
0x2db: {  	v13 =	vmul.f32 $1.442695020e+00, v13;
	v23 =	vadd.f32 v30, v23;
	v26 =	vpop (erf);
	(erf) = vrcp.f32 v32  }
0x2dc: {  	v15 =	vmul.f32 $1.442695020e+00, v15;
	v25 =	vmul.f32 $1.442695020e+00, v25;
	v26 =	vadd.f32 $1.000000000e+00, v26;
	v27 =	vpop (erf)  }
0x2dd: {  	v32 =	vadd.f32 v21, v14;
	v21 =	vadd.f32 $1.000000000e+00, v27;
	(erf) = vpow2.f32 v28  }
0x2de: {  	v27 =	vshll.u32 v20, $0x10;
	v28 =	vmul.f32 $1.442695020e+00, v12;
	(erf) = vrcp.f32 v26;
	v12 =	vpop (erf)  }
0x2df: {  	v23 =	vmul.f32 $1.442695020e+00, v23;
	v26 =	vadd.f32 $1.000000000e+00, v12;
	v12 =	vpop (erf);
	(erf) = vrcp.f32 v21  }
0x2e0: {  	v30 =	vmul.f32 $1.442695020e+00, v32;
	v21 =	vadd.f32 $1.000000000e+00, v12;
	(erf) = vpow2.f32 v16;
	v14 =	vpop (erf)  }
0x2e1: {  	v12 =	vshll.u32 v10, $0x10;
	v32 =	vadd.f32 $1.000000000e+00, v14;
	(erf) = vrcp.f32 v26;
	v14 =	vpop (erf)  }
0x2e2: {  	s0 =	sor.u32 s20, s30;
	v16 =	vshll.u32 v35, $0x10;
	v26 =	vadd.f32 $1.000000000e+00, v14;
	(erf) = vpow2.f32 v22  }
0x2e3: {  	v14 =	vshll.u32 v31, $0x10;
	v22 =	vadd.f32 v31, v35;
	v31 =	vld [tilespmem:s0+$0x1B00];
	(erf) = vpow2.f32 v13  }
0x2e4: {  	v14 =	vadd.f32 v14, v16;
	v16 =	vadd.f32 $1.000000000e+00, v24;
	(erf) = vpow2.f32 v25;
	v25 =	vpop (erf)  }
0x2e5: {  	v13 =	vld [tilespmem:s0+$0x4B00];
	v24 =	vmul.f32 $4.000000000e+00, v25;
	(erf) = vpow2.f32 v15;
	v15 =	vadd.f32 $1.000000000e+00, v29  }
0x2e6: {  	v25 =	vmul.f32 $1.442695020e+00, v14;
	v14 =	vadd.f32 $1.000000000e+00, v19;
	v29 =	vpop (erf);
	(erf) = vpow2.f32 v28  }
0x2e7: {  	v19 =	vadd.f32 $1.000000000e+00, v29;
	v33 =	vsub.f32 $2.000000000e+00, v24;
	(erf) = vpow2.f32 v23;
	v23 =	vpop (erf)  }
0x2e8: {  	v28 =	vmul.f32 $1.442695020e+00, v22;
	v22 =	vshll.u32 v31, $0x10;
	v29 =	vpop (erf);
	(erf) = vpow2.f32 v30  }
0x2e9: {  	v18 =	vadd.f32 v18, v18;
	s0 =	sor.u32 s20, s29;
	v23 =	vmul.f32 v33, v23;
	v22 =	vmul.f32 v22, v29;
	v24 =	vpop (erf)  }
0x2ea: {  	v24 =	vadd.f32 $1.000000000e+00, v24;
	v29 =	vld [tilespmem:s0+$0x1B00];
	v30 =	vshll.u32 v13, $0x10;
	(erf) = vrcp.f32 v32;
	v32 =	vpop (erf)  }
0x2eb: {  	v33 =	vld [tilespmem:s0+$0x4B00];
	v22 =	vadd.f32 v22, v23;
	v23 =	vmul.f32 v30, v32;
	(erf) = vrcp.f32 v21;
	v21 =	vpop (erf)  }
0x2ec: {  	v30 =	vadd.f32 v17, v17;
	v21 =	vadd.f32 $1.000000000e+00, v21;
	(erf) = vrcp.f32 v26;
	v26 =	vpop (erf)  }
0x2ed: {  	v22 =	vadd.f32 v23, v22;
	v23 =	vadd.f32 $1.000000000e+00, v26;
	(erf) = vrcp.f32 v19;
	v17 =	vpop (erf)  }
0x2ee: {  	v19 =	vadd.f32 $1.000000000e+00, v17;
	(erf) = vrcp.f32 v24;
	v24 =	vpop (erf);
	v17 =	vadd.f32 $-1.000000000e+00, v11  }
0x2ef: {  	v34 =	vmul.f32 $1.442695020e+00, v22;
	v22 =	vadd.f32 $1.000000000e+00, v24;
	v24 =	vpop (erf);
	(erf) = vrcp.f32 v21  }
0x2f0: {  	v21 =	vshll.u32 v29, $0x10;
	v26 =	vshll.u32 v33, $0x10;
	v32 =	vpop (erf);
	(erf) = vrcp.f32 v23  }
0x2f1: {  	v23 =	vadd.f32 $1.000000000e+00, v24;
	v35 =	vadd.f32 v26, v21;
	(erf) = vpow2.f32 v34;
	v11 =	vpop (erf)  }
0x2f2: {  	v24 =	vadd.f32 $1.000000000e+00, v32;
	v11 =	vadd.f32 $1.000000000e+00, v11;
	(erf) = vrcp.f32 v19  }
0x2f3: {  	v26 =	vadd.f32 v33, v29;
	v19 =	vmul.f32 $1.442695020e+00, v35;
	v21 =	vpop (erf);
	(erf) = vrcp.f32 v22  }
0x2f4: {  	v18 =	vadd.f32 $-1.000000000e+00, v18;
	v21 =	vmul.f32 $4.000000000e+00, v21;
	(erf) = vrcp.f32 v23;
	v22 =	vpop (erf)  }
0x2f5: {  	v22 =	vmul.f32 $4.000000000e+00, v22;
	(erf) = vpow2.f32 v19;
	v23 =	vpop (erf);
	v19 =	vadd.f32 $-1.000000000e+00, v30  }
.Ltmp4:
0x2f6: {  	v30 =	vsub.f32 $2.000000000e+00, v21;
	v23 =	vmul.f32 $4.000000000e+00, v23;
	v29 =	vpop (erf);
	(erf) = vrcp.f32 v24;
	(pc) =	sbr.rel @p2 .LBB2_12-.Ltmp4, $4  }
0x2f7: {  	v27 =	vmul.f32 v27, v29;
	v22 =	vsub.f32 $2.000000000e+00, v22;
	v24 =	vpop (erf);
	(erf) = vrcp.f32 v11  }
0x2f8: {  	v11 =	vmul.f32 v30, v24;
	v24 =	vmul.f32 $1.442695020e+00, v26;
	v23 =	vsub.f32 $2.000000000e+00, v23;
	v21 =	vpop (erf)  }
0x2f9: {  	v21 =	vmul.f32 v20, v21;
	(erf) = vpow2.f32 v25;
	v20 =	vpop (erf)  }
0x2fa: {  	v11 =	vadd.f32 v27, v11;
	v20 =	vmul.f32 v31, v20;
	(erf) = vpow2.f32 v28;
	v25 =	vpop (erf)  }
0x2fb: {  	v26 =	vpop (erf)  }
0x2fc: {  	v25 =	vadd.f32 $1.000000000e+00, v25;
	(erf) = vpow2.f32 v24;
	v30 =	vpop (erf)  }
0x2fd: {  	v22 =	vmul.f32 v22, v26;
	(erf) = vrcp.f32 v16;
	v31 =	vpop (erf)  }
0x2fe: {  	(erf) = vrcp.f32 v25;
	v12 =	vmul.f32 v12, v31;
	v32 =	vpop (erf)  }
0x2ff: {  	v23 =	vmul.f32 v23, v30;
	v21 =	vadd.f32 v21, v22;
	(erf) = vrcp.f32 v15;
	v33 =	vpop (erf)  }
0x300: {  	v16 =	vadd.f32 $1.000000000e+00, v32;
	v11 =	vadd.f32 v12, v11;
	v10 =	vmul.f32 v10, v33;
	v34 =	vpop (erf)  }
0x301: {  	v35 =	vadd.f32 v20, v23;
	(erf) = vrcp.f32 v14;
	v12 =	vmul.f32 v13, v34  }
0x302: {  	(erf) = vrcp.f32 v6;
	v36 =	vmul.f32 $1.442695020e+00, v11;
	v10 =	vadd.f32 v10, v21;
	v37 =	vpop (erf)  }
0x303: {  	(erf) = vrcp.f32 v16;
	v11 =	vadd.f32 $1.000000000e+00, v37;
	v12 =	vadd.f32 v12, v35  }
0x304: {  	v10 =	vmul.f32 $1.442695020e+00, v10;
	(erf) = vpow2.f32 v36  }
0x305: {  	v38 =	vpop (erf);
	v12 =	vmul.f32 $1.442695020e+00, v12;
	(erf) = vrcp.f32 v11  }
0x306: {  	v39 =	vpop (erf);
	(erf) = vpow2.f32 v10  }
0x307: {  	v40 =	vpop (erf);
	(erf) = vpow2.f32 v12  }
0x308: {  	v41 =	vpop (erf)  }
0x309: {  	v42 =	vpop (erf)  }
0x30a: {  	v14 =	vpop (erf)  }
0x30b: {  	v43 =	vpop (erf)  }
0x30c: {  	v16 =	vpop (erf)  }
0x30d: {  	v44 =	vpop (erf)  }
0x30e: {  	v6 =	vadd.f32 $1.000000000e+00, v38;
	v45 =	vpop (erf)  }
0x30f: {  	v20 =	vadd.f32 $1.000000000e+00, v44;
	v46 =	vpop (erf)  }
0x310: {  	(erf) = vrcp.f32 v6;
	v47 =	vpop (erf);
	v22 =	vadd.f32 $1.000000000e+00, v46  }
0x311: {  	(erf) = vrcp.f32 v20;
	v6 =	vadd.f32 $1.000000000e+00, v47  }
0x312: {  	(erf) = vrcp.f32 v22  }
0x313: {  	(erf) = vrcp.f32 v6;
	_ =	sdelay $0x1  }
0x314: {  	v48 =	vadd.f32 $1.000000000e+00, v39  }
0x315: {  	v4 =	vmul.f32 v17, v4  }
0x316: {  	s0 =	sshrl.u32 s2, $0x2;
	v49 =	vadd.f32 v41, v41;
	(erf) = vrcp.f32 v48  }
0x317: {  	s0 =	sadd.s32 s17, s0;
	[tilespmem:s8+$0x0] =	vst v4;
	v4 =	vmul.f32 v19, v7;
	v50 =	vadd.f32 v40, v40;
	v54 =	vadd.f32 v14, v14  }
0x318: {  	v5 =	vmul.f32 v18, v5;
	s0 =	sshll.u32 s0, $0x7;
	v53 =	vadd.f32 v42, v42;
	v51 =	vadd.f32 $-1.000000000e+00, v49;
	v52 =	vpop (erf)  }
0x319: {  	s0 =	sand.u32 $0x3FFFFF80, s0;
	[tilespmem:s7+$0x0] =	vst v4;
	v4 =	vadd.f32 $-1.000000000e+00, v54;
	v6 =	vadd.f32 $-1.000000000e+00, v50;
	v55 =	vpop (erf)  }
0x31a: {  	[tilespmem:s11+$0x0] =	vst v5;
	s0 =	sadd.s32 $0x6300, s0;
	v56 =	vadd.f32 $-1.000000000e+00, v53;
	v5 =	vmul.f32 v51, v16;
	v57 =	vadd.f32 v55, v55;
	v58 =	vpop (erf)  }
0x31b: {  	s1 =	sor.u32 s23, s0;
	v4 =	vmul.f32 v4, v43;
	v6 =	vmul.f32 v6, v9;
	v59 =	vpop (erf);
	v60 =	vadd.f32 v58, v58  }
0x31c: {  	[tilespmem:s1+$0x0] =	vst v5;
	v5 =	vmul.f32 v56, v8;
	v61 =	vadd.f32 $-1.000000000e+00, v57;
	v7 =	vadd.f32 v59, v59  }
0x31d: {  	[tilespmem:s28+$0x0] =	vst v6;
	v62 =	vadd.f32 $-1.000000000e+00, v60  }
0x31e: {  	[tilespmem:s24+$0x0] =	vst v5;
	v63 =	vmul.f32 v61, v45;
	v5 =	vadd.f32 $-1.000000000e+00, v7  }
0x31f: {  	s29 =	sor.u32 s16, s0;
	[tilespmem:s18+$0x0] =	vst v4;
	v4 =	vpop (erf);
	v6 =	vmul.f32 v62, v52  }
0x320: {  	s30 =	sor.u32 s25, s0;
	[tilespmem:s29+$0x0] =	vst v63;
	v4 =	vmul.f32 v5, v4  }
0x321: {  	s0 =	sor.u32 s20, s0;
	[tilespmem:s30+$0x0] =	vst v6  }
0x322: {  	p2 =	sne.s32 s13, $0x1;
	s2 =	rddreg [dreg:$0x2];
	s13 =	sadd.s32 $0x1, s13;
	[tilespmem:s0+$0x0] =	vst v4  }
0x323: {  	s1 =	simm.s32 @!p2 $0x6300;
	s0 =	simm.s32 @!p2 $0x40;
	s3 =	rddreg [dreg:$0x14]  }
0x324: {  	[spmem:s2] =	stream.indirect.scatter.add.f32 @!p2 [tilespmem:s1], [sflag:$0x5], $0x80, s3, s0, $0xb8;
	[tilespmem:$0x1DB80] =	vst v63  }
0x325: {  	p2 =	sne.s32 s13, $0x4  }
.Ltmp5:
0x326: {  	_ = 	snop;
	(pc) =	sbr.rel @p2 .LBB2_7-.Ltmp5, $2  }
0x327: {  	_ =	sdelay $0x2  }
0x328: {  	s8 =	rddreg [dreg:$0x10]  }
0x329: {  	s8 =	sadd.s32 $0x1, s8;
	s9 =	rddreg [dreg:$0x11]  }
0x32a: {  	p1 =	sge.u32 s8, s9  }
0x32b: {  	s1 =	rddreg [dreg:$0xb];
	s0 =	sshll.u32 @!p1 s8, $0xC  }
0x32c: {  	s2 =	rddreg [dreg:$0x4];
	s0 =	sor.u32 @!p1 s1, s0  }
0x32d: {  	s1 =	rddreg [dreg:$0x13];
	s0 =	sshrl.u32 @!p1 s0, $0x3  }
0x32e: {  	s3 =	simm.s32 @!p1 $0x0;
	s1 =	sxor.u32 @!p1 $0x80, s1;
	s2 =	sadd.s32 @!p1 s2, s0  }
0x32f: {  	[tilespmem:s1], [sflag:$0x7] =	stream.linear.gather @!p1 [hbm4b:s2+s3], $0x80, $0x38;
	[tilespmem:$0x1DB80] =	vst v63  }
0x330: {  	s2 =	simm.s32 @!p1 $0x7  }
0x331: {  	_ =	swait.ge @!p1 [sflag:s2], $0x80  }
0x332: {  	[sflag:s2] =	ssyncset.done @!p1 $0x0  }
0x333: {  	[sflag:s2] =	ssyncadd.s32 @!p1 $0xFFFFFF80  }
0x334: {  	s7 =	rddreg [dreg:$0x1]  }
0x335: {  	s5 =	sor.u32 @!p1 $0x100, s1;
	s7 =	sadd.s32 @!p1 s7, s0  }
0x336: {  	[tilespmem:s5], [sflag:$0x7] =	stream.linear.gather @!p1 [hbm4b:s7+s3], $0x40, $0x38;
	[tilespmem:$0x1DB80] =	vst v63  }
0x337: {  	_ =	swait.ge @!p1 [sflag:s2], $0x40  }
0x338: {  	[sflag:s2] =	ssyncset.done @!p1 $0x0;
	s7 =	rddreg [dreg:$0x8]  }
0x339: {  	s5 =	sor.u32 @!p1 $0x200, s1;
	[sflag:s2] =	ssyncadd.s32 @!p1 $0xFFFFFFC0;
	s0 =	sadd.s32 @!p1 s0, s7  }
0x33a: {  	[tilespmem:s5], [sflag:$0x7] =	stream.linear.gather @!p1 [hbm4b:s0+s3], $0x40, $0x38;
	[tilespmem:$0x1DB80] =	vst v63  }
0x33b: {  	_ =	swait.ge @!p1 [sflag:s2], $0x40  }
0x33c: {  	[sflag:s2] =	ssyncset.done @!p1 $0x0  }
0x33d: {  	[sflag:s2] =	ssyncadd.s32 @!p1 $0xFFFFFFC0  }
0x33e: {  	v4 =	vld @!p1 [tilespmem:s1+$0x0];
	_ =	sdelay $0x4  }
0x33f: {  	v5 =	vshrl.u32 @!p1 v4, $0x3  }
0x340: {  	v5 =	vmul.u32 @!p1 $0x18, v5  }
0x341: {  	v6 =	vlaneseq.u32 @!p1;
	v4 =	vand.u32 @!p1 $0x7, v4  }
0x342: {  	v7 =	vshrl.u32 @!p1 v6, $0x3;
	v4 =	vor.u32 @!p1 v4, v5;
	v5 =	vand.u32 @!p1 $0x7, v6  }
0x343: {  	v7 =	vmul.u32 @!p1 $0x8, v7;
	v8 =	vperm.xlane @!p1 v4, v5;
	_ =	sdelay $0x1  }
0x344: {  	v8 =	vadd.s32 @!p1 v7, v8  }
0x345: {  	v6 =	vor.u32 @!p1 $0x8, v6  }
0x346: {  	v4 =	vperm.xlane @!p1 v4, v6;
	_ =	sdelay $0x1  }
0x347: {  	vm2 =	vmmov @!p1 $0xffff;
	s0 =	simm.s32 @!p1 $0x300;
	s2 =	rddreg [dreg:$0x12];
	v4 =	vadd.s32 @!p1 v7, v4  }
0x348: {  	[tilespmem:s0], [sflag:$0x1] =	stream.indirect_vreg.gather @!p1 [hbm4b:s2+s3], $0x80, v8, vm2, $0xb8;
	[tilespmem:$0x1DB80] =	vst v63  }
0x349: {  	vm3 =	vmmov @!p1 $0xff;
	s0 =	simm.s32 @!p1 $0xB00  }
0x34a: {  	[tilespmem:s0], [sflag:$0x1] =	stream.indirect_vreg.gather @!p1 [hbm4b:s14+s3], $0x80, v8, vm3, $0xb8;
	[tilespmem:$0x1DB80] =	vst v63  }
0x34b: {  	s0 =	simm.s32 @!p1 $0xF00  }
0x34c: {  	[tilespmem:s0], [sflag:$0x1] =	stream.indirect_vreg.gather @!p1 [hbm4b:s2+s3], $0x80, v4, vm2, $0xb8;
	[tilespmem:$0x1DB80] =	vst v63  }
0x34d: {  	s0 =	simm.s32 @!p1 $0x1700  }
0x34e: {  	[tilespmem:s0], [sflag:$0x1] =	stream.indirect_vreg.gather @!p1 [hbm4b:s14+s3], $0x80, v4, vm3, $0xb8;
	[tilespmem:$0x1DB80] =	vst v63  }
0x34f: {  	v4 =	vld @!p1 [tilespmem:s1+$0x100];
	_ =	sdelay $0x4  }
0x350: {  	v8 =	vshrl.u32 @!p1 v4, $0x3  }
0x351: {  	v8 =	vmul.u32 @!p1 $0x18, v8  }
0x352: {  	v4 =	vand.u32 @!p1 $0x7, v4  }
0x353: {  	v4 =	vor.u32 @!p1 v4, v8  }
0x354: {  	v5 =	vperm.xlane @!p1 v4, v5;
	_ =	sdelay $0x1  }
0x355: {  	v5 =	vadd.s32 @!p1 v7, v5;
	_ =	sdelay $0x1  }
0x356: {  	v4 =	vperm.xlane @!p1 v4, v6;
	_ =	sdelay $0x1  }
0x357: {  	s0 =	simm.s32 @!p1 $0x3300;
	v4 =	vadd.s32 @!p1 v7, v4  }
0x358: {  	[tilespmem:s0], [sflag:$0x3] =	stream.indirect_vreg.gather @!p1 [hbm4b:s6+s3], $0x80, v5, vm2, $0xb8;
	[tilespmem:$0x1DB80] =	vst v63  }
0x359: {  	s0 =	simm.s32 @!p1 $0x3B00  }
0x35a: {  	[tilespmem:s0], [sflag:$0x3] =	stream.indirect_vreg.gather @!p1 [hbm4b:s15+s3], $0x80, v5, vm3, $0xb8;
	[tilespmem:$0x1DB80] =	vst v63  }
0x35b: {  	s0 =	simm.s32 @!p1 $0x3F00  }
0x35c: {  	[tilespmem:s0], [sflag:$0x3] =	stream.indirect_vreg.gather @!p1 [hbm4b:s6+s3], $0x80, v4, vm2, $0xb8;
	[tilespmem:$0x1DB80] =	vst v63  }
0x35d: {  	s0 =	simm.s32 @!p1 $0x4700  }
0x35e: {  	[tilespmem:s0], [sflag:$0x3] =	stream.indirect_vreg.gather @!p1 [hbm4b:s15+s3], $0x80, v4, vm3, $0xb8;
	[tilespmem:$0x1DB80] =	vst v63  }
0x35f: {  	p1 =	sne.s32 s8, s9  }
.Ltmp6:
0x360: {  	_ = 	snop;
	(pc) =	sbr.rel @p1 .LBB2_6-.Ltmp6, $3  }
0x361: {  	_ =	sdelay $0x1  }
0x362: {  	s29 =	simm.s32 $0x40;
	s30 =	simm.s32 $0x8300;
	s28 =	rddreg [dreg:$0x2]  }
0x363: {  	[spmem:s28] =	stream.indirect.scatter.add.f32 [tilespmem:s30], [sflag:$0x6], $0x80, s31, s29, $0xb8;
	[tilespmem:$0x1DB80] =	vst v63  }
0x364: {  	s0 =	simm.s32 $0x5  }
0x365: {  	_ =	swait.ge [sflag:s0], $0x2000  }
0x366: {  	[sflag:s0] =	ssyncset.done $0x0  }
0x367: {  	s29 =	simm.s32 $0x6;
	[sflag:s0] =	ssyncadd.s32 $0xFFFFE000  }
0x368: {  	_ =	swait.ge [sflag:s29], $0x2000  }
0x369: {  	[sflag:s29] =	ssyncset.done $0x0  }
0x36a: {  	[sflag:s29] =	ssyncadd.s32 $0xFFFFE000  }
0x36b: {  	s30 =	stileid.u32;
	[bflag:$0x0] =	sbarrier.arrive $0xFFFF  }
0x36c: {  	s3 =	simm.s32 $0x7;
	s0 =	sshll.u32 s30, $0x6;
	s13 =	rddreg [dreg:$0x5]  }
0x36d: {  	s0 =	sor.u32 $0x1C07, s0;
	s2 =	rddreg [dreg:$0xc];
	s1 =	sshrl.u32 s13, $0x3  }
0x36e: {  	[hbm:s2], [sflag:s0] =	dma.local [spmem:s1], $0x2700  }
0x36f: {  	_ =	swait.ge [sflag:s3], $0x2700  }
0x370: {  	[sflag:s3] =	ssyncset.done $0x0;
	s10 =	rddreg [dreg:$0x6]  }
0x371: {  	s2 =	rddreg [dreg:$0xd];
	[sflag:s3] =	ssyncadd.s32 $0xFFFFD900;
	s1 =	sshrl.u32 @!p0 s10, $0x3  }
0x372: {  	[hbm:s2], [sflag:s0] =	dma.local @!p0 [spmem:s1], $0x100  }
0x373: {  	s0 =	simm.s32 @!p0 $0x7  }
0x374: {  	_ =	swait.ge @!p0 [sflag:s0], $0x100  }
0x375: {  	s5 =	rddreg [dreg:$0xf]  }
0x376: {  	s31 =	rddreg [dreg:$0xe];
	s5 =	sadd.s32 $0x1, s5  }
0x377: {  	p1 =	sne.s32 s5, s31  }
.Ltmp7:
0x378: {  	_ = 	snop;
	(pc) =	sbr.rel @p1 .LBB2_1-.Ltmp7, $3  }
0x379: {  	_ =	sdelay $0x1  }
0x37a: {  	[sflag:s0] =	ssyncset.done @!p0 $0x0  }
0x37b: {  	s2 =	simm.s32 $0x6300;
	[sflag:s0] =	ssyncadd.s32 @!p0 $0xFFFFFF00  }
0x37c: {  	_ =	sfence.sel $0x180000  }
0x37d: {  	[bflag:$0x0] =	sbarrier.arrive $0xFFFF  }
0x37e: {  	_ =	strace $0x90000047  }
0x37f: {  	[bflag:$0x2] =	sbarrier.arrive $0xFFFF  }
0x380: {  	s0 =	rddreg [dreg:$0x3]  }
0x381: {  	s0 =	sadd.s32 @!p0 $0x100000, s0  }
0x382: {  	[sflag:s0] =	ssyncadd.tile.s32 @!p0 $0x1;
	_ =	shalt  }
.Lfunc_end2:
_tile_overlayer_lowered:
.L_overlay_start_2:
0x383: {  	(tag) =	ssettag $0x2  }
0x384: {  	s0 =	rddreg [dreg:$0x0];
	s2 =	stileid.u32  }
0x385: {  	s1 =	rddreg [dreg:$0x1];
	p0 =	sne.s32 s2, $0x0  }
0x386: {  	s3 =	rddreg [dreg:$0x2];
	[bflag:$0x3] =	sbarrier.arrive $0xFFFF;
	s2 =	simm.s32 @!p0 $0x1C07  }
0x387: {  	[timem:s3], [sflag:s2] =	dma.local @!p0 [hbm:s0], s1  }
0x388: {  	s0 =	simm.s32 @!p0 $0x7  }
0x389: {  	_ =	swait.ge @!p0 [sflag:s0], s1  }
0x38a: {  	s1 =	ssub.s32 @!p0 $0x0, s1;
	[sflag:s0] =	ssyncset.done @!p0 $0x0  }
0x38b: {  	[sflag:s0] =	ssyncadd.s32 @!p0 s1  }
0x38c: {  	[bflag:$0x3] =	sbarrier.arrive $0xFFFF  }
0x38d: {  	_ =	shalt  }

</sc_bundles>
